<compile_context>
chip_gen: v7x
topology: tpu7x:2x2x1
jax: 0.10.2.dev20260603
libtpu: 0.0.44.dev20260713+nightly
codegen_flags: <defaults>
</compile_context>

<pallas_src>
import functools

import jax
import jax.numpy as jnp
from jax import lax
from jax.experimental import pallas as pl
from jax.experimental.pallas import tpu as pltpu
from jax.experimental.pallas import tpu_sc as plsc

B = 16384
CONT = 13
NF = 26
V = 100000
D = 16

NC = 2
NS = 16
NW = NC * NS
ROWS_W = B // NW
RP = B // 128
WP = ROWS_W // 128
CB = 128
NCHUNK = ROWS_W // CB
FD = NF * D
OUT_W = CONT + FD


def _sc_kernel(cate_hbm, cont_hbm, table_hbm, out_hbm,
               fcate_v, gbuf_v, gsem, wsem, csem):
    wid = lax.axis_index("s") * NC + lax.axis_index("c")
    base = wid * ROWS_W

    for k in range(CONT):
        pltpu.async_copy(cont_hbm.at[k, pl.ds(base, ROWS_W)],
                         out_hbm.at[k, pl.ds(base, ROWS_W)], csem)

    idescs = []
    for f in range(NF):
        idescs.append(pltpu.async_copy(
            cate_hbm.at[pl.ds(f * RP + wid * WP, WP)], fcate_v.at[f], wsem))
    for dsc in idescs:
        dsc.wait()

    def fire(c, buf):
        def g_body(f, carry):
            for d in range(D):
                pltpu.async_copy(
                    table_hbm.at[f * D + d].at[fcate_v.at[f, c]],
                    gbuf_v.at[buf, f * D + d], gsem)
            return carry
        lax.fori_loop(0, NF, g_body, 0)

    def drain(c, buf):
        def g_body(f, carry):
            for d in range(D):
                pltpu.make_async_copy(
                    table_hbm.at[f * D + d].at[fcate_v.at[f, c]],
                    gbuf_v.at[buf, f * D + d], gsem).wait()
            return carry
        lax.fori_loop(0, NF, g_body, 0)

    fire(0, 0)

    def chunk_body(c, carry):
        buf = lax.rem(c, 2)
        drain(c, buf)

        @pl.when(c + 1 < NCHUNK)
        def _():
            fire(c + 1, lax.rem(c + 1, 2))

        def w_body(f, carry2):
            for d in range(D):
                pltpu.async_copy(
                    gbuf_v.at[buf, f * D + d],
                    out_hbm.at[CONT + f * D + d, pl.ds(base + c * CB, CB)],
                    wsem)
            return carry2

        lax.fori_loop(0, NF, w_body, 0)

        def wd_body(f, carry2):
            for d in range(D):
                pltpu.make_async_copy(
                    gbuf_v.at[buf, f * D + d],
                    out_hbm.at[CONT + f * D + d, pl.ds(base + c * CB, CB)],
                    wsem).wait()
            return carry2

        lax.fori_loop(0, NF, wd_body, 0)
        return carry

    lax.fori_loop(0, NCHUNK, chunk_body, 0)

    for k in range(CONT):
        pltpu.make_async_copy(cont_hbm.at[k, pl.ds(base, ROWS_W)],
                              out_hbm.at[k, pl.ds(base, ROWS_W)], csem).wait()


@jax.jit
def kernel(x_cont, x_cate, tables):
    cate_t = x_cate.T.reshape(NF * RP, 128)
    cont_t = x_cont.T
    table_t = tables.transpose(0, 2, 1).reshape(NF * D, V)
    mesh = plsc.VectorSubcoreMesh(core_axis_name="c", subcore_axis_name="s")
    run = functools.partial(
        pl.kernel,
        mesh=mesh,
        compiler_params=pltpu.CompilerParams(use_tc_tiling_on_sc=False),
        out_type=jax.ShapeDtypeStruct((OUT_W, B), jnp.float32),
        scratch_types=[
            pltpu.VMEM((NF, WP, 128), jnp.int32),
            pltpu.VMEM((2, FD, CB), jnp.float32),
            pltpu.SemaphoreType.DMA,
            pltpu.SemaphoreType.DMA,
            pltpu.SemaphoreType.DMA,
        ],
    )(_sc_kernel)
    yt = run(cate_t, cont_t, table_t)
    return yt.T

# --- scband reference (transcript-rebuilt; emitter-appended) ---
"""Pipeline reference for scband-low-feature-2044404433208 (READ-ONLY COPY).

The authoritative reference and input builder live on the scoring server;
editing this copy changes nothing except your own understanding.
"""

import jax, jax.numpy as jnp
import numpy as np

B = 16384
CONT = 13
NF = 26
V = 100000
D = 16


def setup_inputs(seed: int = 0) -> dict:
    key = jax.random.key(seed)
    k1, k2, k3 = jax.random.split(key, 3)
    x_cont = jax.random.normal(k1, (B, CONT), dtype=jnp.float32)
    x_cate = jax.random.randint(k2, (B, NF), 0, V, dtype=jnp.int32)
    # stacked embedding tables: one [V, D] table per categorical field
    tables = jax.random.normal(k3, (NF, V, D), dtype=jnp.float32) * 0.01
    return {"x_cont": x_cont, "x_cate": x_cate, "tables": tables}


def reference(x_cont, x_cate, tables):
    # per-field embedding lookup: em[i](x_cate[:, i]) -> [B, D]
    ems = [jnp.take(tables[i], x_cate[:, i], axis=0) for i in range(NF)]
    # concat all embedding vectors of categorical variables
    em_cate = jnp.concatenate(ems, axis=1)
    # concat continuous features with categorical embeddings
    y = jnp.concatenate([x_cont.astype(jnp.float32), em_cate], axis=1)
    return y

if __name__ == "__main__":
    import jax
    _d = setup_inputs()
    print(jax.jit(kernel)(*tuple(_d.values())))

</pallas_src>

<mosaic_0001>
#map = affine_map<(d0, d1) -> (0, 0)>
module attributes {stable_mosaic.version = 14 : i64} {
  func.func @_sc_kernel(%arg0: i32, %arg1: i32, %arg2: memref<3328x128xi32, #tpu.memory_space<hbm>>, %arg3: memref<13x16384xf32, #tpu.memory_space<hbm>>, %arg4: memref<416x100000xf32, #tpu.memory_space<hbm>>, %arg5: memref<429x16384xf32, #tpu.memory_space<hbm>>, %arg6: memref<26x4x128xi32, #tpu.memory_space<vmem>>, %arg7: memref<2x416x128xf32, #tpu.memory_space<vmem>>, %arg8: memref<!tpu.dma_semaphore, #tpu.memory_space<semaphore_mem>>, %arg9: memref<!tpu.dma_semaphore, #tpu.memory_space<semaphore_mem>>, %arg10: memref<!tpu.dma_semaphore, #tpu.memory_space<semaphore_mem>>) attributes {dimension_semantics = [#tpu.dimension_semantics<core_parallel>, #tpu.dimension_semantics<subcore_parallel>], iteration_bounds = array<i64: 2, 16>, scalar_prefetch = 0 : i64, scratch_operands = 5 : i64, tpu.core_type = #tpu.core_type<sc_vector_subcore>, window_params = [{transform_indices = #map}, {transform_indices = #map}, {transform_indices = #map}, {transform_indices = #map}]} {
    %mul3A = arith.constant 2 : i32
    %mul3A_0 = arith.muli %arg1, %mul3A : i32
    %add3A = arith.addi %mul3A_0, %arg0 : i32
    %mul3A_1 = arith.constant 512 : i32
    %mul3A_2 = arith.muli %add3A, %mul3A_1 : i32
    %dma_start3A = arith.constant 0 : i32
    %dma_start3A_3 = arith.constant 0 : i32
    %dma_start3A_4 = tpu.memref_slice %arg5[%dma_start3A_3, %mul3A_2] : memref<429x16384xf32, #tpu.memory_space<hbm>> -> memref<1x512xf32, #tpu.memory_space<hbm>>
    %dma_start3A_5 = tpu.memref_squeeze %dma_start3A_4 : memref<1x512xf32, #tpu.memory_space<hbm>> -> memref<512xf32, #tpu.memory_space<hbm>>
    %dma_start3A_6 = tpu.memref_slice %arg3[%dma_start3A, %mul3A_2] : memref<13x16384xf32, #tpu.memory_space<hbm>> -> memref<1x512xf32, #tpu.memory_space<hbm>>
    %dma_start3A_7 = tpu.memref_squeeze %dma_start3A_6 : memref<1x512xf32, #tpu.memory_space<hbm>> -> memref<512xf32, #tpu.memory_space<hbm>>
    tpu.enqueue_dma source(%dma_start3A_7 : memref<512xf32, #tpu.memory_space<hbm>>) target(%dma_start3A_5 : memref<512xf32, #tpu.memory_space<hbm>>) target_semaphore(%arg10 : memref<!tpu.dma_semaphore, #tpu.memory_space<semaphore_mem>>)
    %dma_start3A_8 = arith.constant 1 : i32
    %dma_start3A_9 = arith.constant 1 : i32
    %dma_start3A_10 = tpu.memref_slice %arg5[%dma_start3A_9, %mul3A_2] : memref<429x16384xf32, #tpu.memory_space<hbm>> -> memref<1x512xf32, #tpu.memory_space<hbm>>
    %dma_start3A_11 = tpu.memref_squeeze %dma_start3A_10 : memref<1x512xf32, #tpu.memory_space<hbm>> -> memref<512xf32, #tpu.memory_space<hbm>>
    %dma_start3A_12 = tpu.memref_slice %arg3[%dma_start3A_8, %mul3A_2] : memref<13x16384xf32, #tpu.memory_space<hbm>> -> memref<1x512xf32, #tpu.memory_space<hbm>>
    %dma_start3A_13 = tpu.memref_squeeze %dma_start3A_12 : memref<1x512xf32, #tpu.memory_space<hbm>> -> memref<512xf32, #tpu.memory_space<hbm>>
    tpu.enqueue_dma source(%dma_start3A_13 : memref<512xf32, #tpu.memory_space<hbm>>) target(%dma_start3A_11 : memref<512xf32, #tpu.memory_space<hbm>>) target_semaphore(%arg10 : memref<!tpu.dma_semaphore, #tpu.memory_space<semaphore_mem>>)
    %dma_start3A_14 = arith.constant 2 : i32
    %dma_start3A_15 = arith.constant 2 : i32
    %dma_start3A_16 = tpu.memref_slice %arg5[%dma_start3A_15, %mul3A_2] : memref<429x16384xf32, #tpu.memory_space<hbm>> -> memref<1x512xf32, #tpu.memory_space<hbm>>
    %dma_start3A_17 = tpu.memref_squeeze %dma_start3A_16 : memref<1x512xf32, #tpu.memory_space<hbm>> -> memref<512xf32, #tpu.memory_space<hbm>>
    %dma_start3A_18 = tpu.memref_slice %arg3[%dma_start3A_14, %mul3A_2] : memref<13x16384xf32, #tpu.memory_space<hbm>> -> memref<1x512xf32, #tpu.memory_space<hbm>>
    %dma_start3A_19 = tpu.memref_squeeze %dma_start3A_18 : memref<1x512xf32, #tpu.memory_space<hbm>> -> memref<512xf32, #tpu.memory_space<hbm>>
    tpu.enqueue_dma source(%dma_start3A_19 : memref<512xf32, #tpu.memory_space<hbm>>) target(%dma_start3A_17 : memref<512xf32, #tpu.memory_space<hbm>>) target_semaphore(%arg10 : memref<!tpu.dma_semaphore, #tpu.memory_space<semaphore_mem>>)
    %dma_start3A_20 = arith.constant 3 : i32
    %dma_start3A_21 = arith.constant 3 : i32
    %dma_start3A_22 = tpu.memref_slice %arg5[%dma_start3A_21, %mul3A_2] : memref<429x16384xf32, #tpu.memory_space<hbm>> -> memref<1x512xf32, #tpu.memory_space<hbm>>
    %dma_start3A_23 = tpu.memref_squeeze %dma_start3A_22 : memref<1x512xf32, #tpu.memory_space<hbm>> -> memref<512xf32, #tpu.memory_space<hbm>>
    %dma_start3A_24 = tpu.memref_slice %arg3[%dma_start3A_20, %mul3A_2] : memref<13x16384xf32, #tpu.memory_space<hbm>> -> memref<1x512xf32, #tpu.memory_space<hbm>>
    %dma_start3A_25 = tpu.memref_squeeze %dma_start3A_24 : memref<1x512xf32, #tpu.memory_space<hbm>> -> memref<512xf32, #tpu.memory_space<hbm>>
    tpu.enqueue_dma source(%dma_start3A_25 : memref<512xf32, #tpu.memory_space<hbm>>) target(%dma_start3A_23 : memref<512xf32, #tpu.memory_space<hbm>>) target_semaphore(%arg10 : memref<!tpu.dma_semaphore, #tpu.memory_space<semaphore_mem>>)
    %dma_start3A_26 = arith.constant 4 : i32
    %dma_start3A_27 = arith.constant 4 : i32
    %dma_start3A_28 = tpu.memref_slice %arg5[%dma_start3A_27, %mul3A_2] : memref<429x16384xf32, #tpu.memory_space<hbm>> -> memref<1x512xf32, #tpu.memory_space<hbm>>
    %dma_start3A_29 = tpu.memref_squeeze %dma_start3A_28 : memref<1x512xf32, #tpu.memory_space<hbm>> -> memref<512xf32, #tpu.memory_space<hbm>>
    %dma_start3A_30 = tpu.memref_slice %arg3[%dma_start3A_26, %mul3A_2] : memref<13x16384xf32, #tpu.memory_space<hbm>> -> memref<1x512xf32, #tpu.memory_space<hbm>>
    %dma_start3A_31 = tpu.memref_squeeze %dma_start3A_30 : memref<1x512xf32, #tpu.memory_space<hbm>> -> memref<512xf32, #tpu.memory_space<hbm>>
    tpu.enqueue_dma source(%dma_start3A_31 : memref<512xf32, #tpu.memory_space<hbm>>) target(%dma_start3A_29 : memref<512xf32, #tpu.memory_space<hbm>>) target_semaphore(%arg10 : memref<!tpu.dma_semaphore, #tpu.memory_space<semaphore_mem>>)
    %dma_start3A_32 = arith.constant 5 : i32
    %dma_start3A_33 = arith.constant 5 : i32
    %dma_start3A_34 = tpu.memref_slice %arg5[%dma_start3A_33, %mul3A_2] : memref<429x16384xf32, #tpu.memory_space<hbm>> -> memref<1x512xf32, #tpu.memory_space<hbm>>
    %dma_start3A_35 = tpu.memref_squeeze %dma_start3A_34 : memref<1x512xf32, #tpu.memory_space<hbm>> -> memref<512xf32, #tpu.memory_space<hbm>>
    %dma_start3A_36 = tpu.memref_slice %arg3[%dma_start3A_32, %mul3A_2] : memref<13x16384xf32, #tpu.memory_space<hbm>> -> memref<1x512xf32, #tpu.memory_space<hbm>>
    %dma_start3A_37 = tpu.memref_squeeze %dma_start3A_36 : memref<1x512xf32, #tpu.memory_space<hbm>> -> memref<512xf32, #tpu.memory_space<hbm>>
    tpu.enqueue_dma source(%dma_start3A_37 : memref<512xf32, #tpu.memory_space<hbm>>) target(%dma_start3A_35 : memref<512xf32, #tpu.memory_space<hbm>>) target_semaphore(%arg10 : memref<!tpu.dma_semaphore, #tpu.memory_space<semaphore_mem>>)
    %dma_start3A_38 = arith.constant 6 : i32
    %dma_start3A_39 = arith.constant 6 : i32
    %dma_start3A_40 = tpu.memref_slice %arg5[%dma_start3A_39, %mul3A_2] : memref<429x16384xf32, #tpu.memory_space<hbm>> -> memref<1x512xf32, #tpu.memory_space<hbm>>
    %dma_start3A_41 = tpu.memref_squeeze %dma_start3A_40 : memref<1x512xf32, #tpu.memory_space<hbm>> -> memref<512xf32, #tpu.memory_space<hbm>>
    %dma_start3A_42 = tpu.memref_slice %arg3[%dma_start3A_38, %mul3A_2] : memref<13x16384xf32, #tpu.memory_space<hbm>> -> memref<1x512xf32, #tpu.memory_space<hbm>>
    %dma_start3A_43 = tpu.memref_squeeze %dma_start3A_42 : memref<1x512xf32, #tpu.memory_space<hbm>> -> memref<512xf32, #tpu.memory_space<hbm>>
    tpu.enqueue_dma source(%dma_start3A_43 : memref<512xf32, #tpu.memory_space<hbm>>) target(%dma_start3A_41 : memref<512xf32, #tpu.memory_space<hbm>>) target_semaphore(%arg10 : memref<!tpu.dma_semaphore, #tpu.memory_space<semaphore_mem>>)
    %dma_start3A_44 = arith.constant 7 : i32
    %dma_start3A_45 = arith.constant 7 : i32
    %dma_start3A_46 = tpu.memref_slice %arg5[%dma_start3A_45, %mul3A_2] : memref<429x16384xf32, #tpu.memory_space<hbm>> -> memref<1x512xf32, #tpu.memory_space<hbm>>
    %dma_start3A_47 = tpu.memref_squeeze %dma_start3A_46 : memref<1x512xf32, #tpu.memory_space<hbm>> -> memref<512xf32, #tpu.memory_space<hbm>>
    %dma_start3A_48 = tpu.memref_slice %arg3[%dma_start3A_44, %mul3A_2] : memref<13x16384xf32, #tpu.memory_space<hbm>> -> memref<1x512xf32, #tpu.memory_space<hbm>>
    %dma_start3A_49 = tpu.memref_squeeze %dma_start3A_48 : memref<1x512xf32, #tpu.memory_space<hbm>> -> memref<512xf32, #tpu.memory_space<hbm>>
    tpu.enqueue_dma source(%dma_start3A_49 : memref<512xf32, #tpu.memory_space<hbm>>) target(%dma_start3A_47 : memref<512xf32, #tpu.memory_space<hbm>>) target_semaphore(%arg10 : memref<!tpu.dma_semaphore, #tpu.memory_space<semaphore_mem>>)
    %dma_start3A_50 = arith.constant 8 : i32
    %dma_start3A_51 = arith.constant 8 : i32
    %dma_start3A_52 = tpu.memref_slice %arg5[%dma_start3A_51, %mul3A_2] : memref<429x16384xf32, #tpu.memory_space<hbm>> -> memref<1x512xf32, #tpu.memory_space<hbm>>
    %dma_start3A_53 = tpu.memref_squeeze %dma_start3A_52 : memref<1x512xf32, #tpu.memory_space<hbm>> -> memref<512xf32, #tpu.memory_space<hbm>>
    %dma_start3A_54 = tpu.memref_slice %arg3[%dma_start3A_50, %mul3A_2] : memref<13x16384xf32, #tpu.memory_space<hbm>> -> memref<1x512xf32, #tpu.memory_space<hbm>>
    %dma_start3A_55 = tpu.memref_squeeze %dma_start3A_54 : memref<1x512xf32, #tpu.memory_space<hbm>> -> memref<512xf32, #tpu.memory_space<hbm>>
    tpu.enqueue_dma source(%dma_start3A_55 : memref<512xf32, #tpu.memory_space<hbm>>) target(%dma_start3A_53 : memref<512xf32, #tpu.memory_space<hbm>>) target_semaphore(%arg10 : memref<!tpu.dma_semaphore, #tpu.memory_space<semaphore_mem>>)
    %dma_start3A_56 = arith.constant 9 : i32
    %dma_start3A_57 = arith.constant 9 : i32
    %dma_start3A_58 = tpu.memref_slice %arg5[%dma_start3A_57, %mul3A_2] : memref<429x16384xf32, #tpu.memory_space<hbm>> -> memref<1x512xf32, #tpu.memory_space<hbm>>
    %dma_start3A_59 = tpu.memref_squeeze %dma_start3A_58 : memref<1x512xf32, #tpu.memory_space<hbm>> -> memref<512xf32, #tpu.memory_space<hbm>>
    %dma_start3A_60 = tpu.memref_slice %arg3[%dma_start3A_56, %mul3A_2] : memref<13x16384xf32, #tpu.memory_space<hbm>> -> memref<1x512xf32, #tpu.memory_space<hbm>>
    %dma_start3A_61 = tpu.memref_squeeze %dma_start3A_60 : memref<1x512xf32, #tpu.memory_space<hbm>> -> memref<512xf32, #tpu.memory_space<hbm>>
    tpu.enqueue_dma source(%dma_start3A_61 : memref<512xf32, #tpu.memory_space<hbm>>) target(%dma_start3A_59 : memref<512xf32, #tpu.memory_space<hbm>>) target_semaphore(%arg10 : memref<!tpu.dma_semaphore, #tpu.memory_space<semaphore_mem>>)
    %dma_start3A_62 = arith.constant 10 : i32
    %dma_start3A_63 = arith.constant 10 : i32
    %dma_start3A_64 = tpu.memref_slice %arg5[%dma_start3A_63, %mul3A_2] : memref<429x16384xf32, #tpu.memory_space<hbm>> -> memref<1x512xf32, #tpu.memory_space<hbm>>
    %dma_start3A_65 = tpu.memref_squeeze %dma_start3A_64 : memref<1x512xf32, #tpu.memory_space<hbm>> -> memref<512xf32, #tpu.memory_space<hbm>>
    %dma_start3A_66 = tpu.memref_slice %arg3[%dma_start3A_62, %mul3A_2] : memref<13x16384xf32, #tpu.memory_space<hbm>> -> memref<1x512xf32, #tpu.memory_space<hbm>>
    %dma_start3A_67 = tpu.memref_squeeze %dma_start3A_66 : memref<1x512xf32, #tpu.memory_space<hbm>> -> memref<512xf32, #tpu.memory_space<hbm>>
    tpu.enqueue_dma source(%dma_start3A_67 : memref<512xf32, #tpu.memory_space<hbm>>) target(%dma_start3A_65 : memref<512xf32, #tpu.memory_space<hbm>>) target_semaphore(%arg10 : memref<!tpu.dma_semaphore, #tpu.memory_space<semaphore_mem>>)
    %dma_start3A_68 = arith.constant 11 : i32
    %dma_start3A_69 = arith.constant 11 : i32
    %dma_start3A_70 = tpu.memref_slice %arg5[%dma_start3A_69, %mul3A_2] : memref<429x16384xf32, #tpu.memory_space<hbm>> -> memref<1x512xf32, #tpu.memory_space<hbm>>
    %dma_start3A_71 = tpu.memref_squeeze %dma_start3A_70 : memref<1x512xf32, #tpu.memory_space<hbm>> -> memref<512xf32, #tpu.memory_space<hbm>>
    %dma_start3A_72 = tpu.memref_slice %arg3[%dma_start3A_68, %mul3A_2] : memref<13x16384xf32, #tpu.memory_space<hbm>> -> memref<1x512xf32, #tpu.memory_space<hbm>>
    %dma_start3A_73 = tpu.memref_squeeze %dma_start3A_72 : memref<1x512xf32, #tpu.memory_space<hbm>> -> memref<512xf32, #tpu.memory_space<hbm>>
    tpu.enqueue_dma source(%dma_start3A_73 : memref<512xf32, #tpu.memory_space<hbm>>) target(%dma_start3A_71 : memref<512xf32, #tpu.memory_space<hbm>>) target_semaphore(%arg10 : memref<!tpu.dma_semaphore, #tpu.memory_space<semaphore_mem>>)
    %dma_start3A_74 = arith.constant 12 : i32
    %dma_start3A_75 = arith.constant 12 : i32
    %dma_start3A_76 = tpu.memref_slice %arg5[%dma_start3A_75, %mul3A_2] : memref<429x16384xf32, #tpu.memory_space<hbm>> -> memref<1x512xf32, #tpu.memory_space<hbm>>
    %dma_start3A_77 = tpu.memref_squeeze %dma_start3A_76 : memref<1x512xf32, #tpu.memory_space<hbm>> -> memref<512xf32, #tpu.memory_space<hbm>>
    %dma_start3A_78 = tpu.memref_slice %arg3[%dma_start3A_74, %mul3A_2] : memref<13x16384xf32, #tpu.memory_space<hbm>> -> memref<1x512xf32, #tpu.memory_space<hbm>>
    %dma_start3A_79 = tpu.memref_squeeze %dma_start3A_78 : memref<1x512xf32, #tpu.memory_space<hbm>> -> memref<512xf32, #tpu.memory_space<hbm>>
    tpu.enqueue_dma source(%dma_start3A_79 : memref<512xf32, #tpu.memory_space<hbm>>) target(%dma_start3A_77 : memref<512xf32, #tpu.memory_space<hbm>>) target_semaphore(%arg10 : memref<!tpu.dma_semaphore, #tpu.memory_space<semaphore_mem>>)
    %mul3A_80 = arith.constant 4 : i32
    %mul3A_81 = arith.muli %add3A, %mul3A_80 : i32
    %add3A_82 = arith.constant 0 : i32
    %add3A_83 = arith.addi %add3A_82, %mul3A_81 : i32
    %dma_start3A_84 = arith.constant 0 : i32
    %dma_start3A_85 = arith.constant 0 : i32
    %dma_start3A_86 = arith.constant 0 : i32
    %dma_start3A_87 = tpu.memref_slice %arg6[%dma_start3A_84, %dma_start3A_85, %dma_start3A_86] : memref<26x4x128xi32, #tpu.memory_space<vmem>> -> memref<1x4x128xi32, #tpu.memory_space<vmem>>
    %dma_start3A_88 = tpu.memref_squeeze %dma_start3A_87 : memref<1x4x128xi32, #tpu.memory_space<vmem>> -> memref<4x128xi32, #tpu.memory_space<vmem>>
    %dma_start3A_89 = arith.constant 0 : i32
    %dma_start3A_90 = tpu.memref_slice %arg2[%add3A_83, %dma_start3A_89] : memref<3328x128xi32, #tpu.memory_space<hbm>> -> memref<4x128xi32, #tpu.memory_space<hbm>>
    %dma_start3A_91 = arith.constant 0 : i32
    %dma_start3A_92 = arith.constant 0 : i32
    %dma_start3A_93 = tpu.memref_slice %arg6[%dma_start3A_84, %dma_start3A_91, %dma_start3A_92] : memref<26x4x128xi32, #tpu.memory_space<vmem>> -> memref<1x4x128xi32, #tpu.memory_space<vmem>>
    %dma_start3A_94 = tpu.memref_squeeze %dma_start3A_93 : memref<1x4x128xi32, #tpu.memory_space<vmem>> -> memref<4x128xi32, #tpu.memory_space<vmem>>
    %dma_start3A_95 = arith.constant 0 : i32
    %dma_start3A_96 = tpu.memref_slice %arg2[%add3A_83, %dma_start3A_95] : memref<3328x128xi32, #tpu.memory_space<hbm>> -> memref<4x128xi32, #tpu.memory_space<hbm>>
    tpu.enqueue_dma source(%dma_start3A_96 : memref<4x128xi32, #tpu.memory_space<hbm>>) target(%dma_start3A_94 : memref<4x128xi32, #tpu.memory_space<vmem>>) target_semaphore(%arg9 : memref<!tpu.dma_semaphore, #tpu.memory_space<semaphore_mem>>)
    %mul3A_97 = arith.constant 4 : i32
    %mul3A_98 = arith.muli %add3A, %mul3A_97 : i32
    %add3A_99 = arith.constant 128 : i32
    %add3A_100 = arith.addi %add3A_99, %mul3A_98 : i32
    %dma_start3A_101 = arith.constant 1 : i32
    %dma_start3A_102 = arith.constant 0 : i32
    %dma_start3A_103 = arith.constant 0 : i32
    %dma_start3A_104 = tpu.memref_slice %arg6[%dma_start3A_101, %dma_start3A_102, %dma_start3A_103] : memref<26x4x128xi32, #tpu.memory_space<vmem>> -> memref<1x4x128xi32, #tpu.memory_space<vmem>>
    %dma_start3A_105 = tpu.memref_squeeze %dma_start3A_104 : memref<1x4x128xi32, #tpu.memory_space<vmem>> -> memref<4x128xi32, #tpu.memory_space<vmem>>
    %dma_start3A_106 = arith.constant 0 : i32
    %dma_start3A_107 = tpu.memref_slice %arg2[%add3A_100, %dma_start3A_106] : memref<3328x128xi32, #tpu.memory_space<hbm>> -> memref<4x128xi32, #tpu.memory_space<hbm>>
    %dma_start3A_108 = arith.constant 0 : i32
    %dma_start3A_109 = arith.constant 0 : i32
    %dma_start3A_110 = tpu.memref_slice %arg6[%dma_start3A_101, %dma_start3A_108, %dma_start3A_109] : memref<26x4x128xi32, #tpu.memory_space<vmem>> -> memref<1x4x128xi32, #tpu.memory_space<vmem>>
    %dma_start3A_111 = tpu.memref_squeeze %dma_start3A_110 : memref<1x4x128xi32, #tpu.memory_space<vmem>> -> memref<4x128xi32, #tpu.memory_space<vmem>>
    %dma_start3A_112 = arith.constant 0 : i32
    %dma_start3A_113 = tpu.memref_slice %arg2[%add3A_100, %dma_start3A_112] : memref<3328x128xi32, #tpu.memory_space<hbm>> -> memref<4x128xi32, #tpu.memory_space<hbm>>
    tpu.enqueue_dma source(%dma_start3A_113 : memref<4x128xi32, #tpu.memory_space<hbm>>) target(%dma_start3A_111 : memref<4x128xi32, #tpu.memory_space<vmem>>) target_semaphore(%arg9 : memref<!tpu.dma_semaphore, #tpu.memory_space<semaphore_mem>>)
    %mul3A_114 = arith.constant 4 : i32
    %mul3A_115 = arith.muli %add3A, %mul3A_114 : i32
    %add3A_116 = arith.constant 256 : i32
    %add3A_117 = arith.addi %add3A_116, %mul3A_115 : i32
    %dma_start3A_118 = arith.constant 2 : i32
    %dma_start3A_119 = arith.constant 0 : i32
    %dma_start3A_120 = arith.constant 0 : i32
    %dma_start3A_121 = tpu.memref_slice %arg6[%dma_start3A_118, %dma_start3A_119, %dma_start3A_120] : memref<26x4x128xi32, #tpu.memory_space<vmem>> -> memref<1x4x128xi32, #tpu.memory_space<vmem>>
    %dma_start3A_122 = tpu.memref_squeeze %dma_start3A_121 : memref<1x4x128xi32, #tpu.memory_space<vmem>> -> memref<4x128xi32, #tpu.memory_space<vmem>>
    %dma_start3A_123 = arith.constant 0 : i32
    %dma_start3A_124 = tpu.memref_slice %arg2[%add3A_117, %dma_start3A_123] : memref<3328x128xi32, #tpu.memory_space<hbm>> -> memref<4x128xi32, #tpu.memory_space<hbm>>
    %dma_start3A_125 = arith.constant 0 : i32
    %dma_start3A_126 = arith.constant 0 : i32
    %dma_start3A_127 = tpu.memref_slice %arg6[%dma_start3A_118, %dma_start3A_125, %dma_start3A_126] : memref<26x4x128xi32, #tpu.memory_space<vmem>> -> memref<1x4x128xi32, #tpu.memory_space<vmem>>
    %dma_start3A_128 = tpu.memref_squeeze %dma_start3A_127 : memref<1x4x128xi32, #tpu.memory_space<vmem>> -> memref<4x128xi32, #tpu.memory_space<vmem>>
    %dma_start3A_129 = arith.constant 0 : i32
    %dma_start3A_130 = tpu.memref_slice %arg2[%add3A_117, %dma_start3A_129] : memref<3328x128xi32, #tpu.memory_space<hbm>> -> memref<4x128xi32, #tpu.memory_space<hbm>>
    tpu.enqueue_dma source(%dma_start3A_130 : memref<4x128xi32, #tpu.memory_space<hbm>>) target(%dma_start3A_128 : memref<4x128xi32, #tpu.memory_space<vmem>>) target_semaphore(%arg9 : memref<!tpu.dma_semaphore, #tpu.memory_space<semaphore_mem>>)
    %mul3A_131 = arith.constant 4 : i32
    %mul3A_132 = arith.muli %add3A, %mul3A_131 : i32
    %add3A_133 = arith.constant 384 : i32
    %add3A_134 = arith.addi %add3A_133, %mul3A_132 : i32
    %dma_start3A_135 = arith.constant 3 : i32
    %dma_start3A_136 = arith.constant 0 : i32
    %dma_start3A_137 = arith.constant 0 : i32
    %dma_start3A_138 = tpu.memref_slice %arg6[%dma_start3A_135, %dma_start3A_136, %dma_start3A_137] : memref<26x4x128xi32, #tpu.memory_space<vmem>> -> memref<1x4x128xi32, #tpu.memory_space<vmem>>
    %dma_start3A_139 = tpu.memref_squeeze %dma_start3A_138 : memref<1x4x128xi32, #tpu.memory_space<vmem>> -> memref<4x128xi32, #tpu.memory_space<vmem>>
    %dma_start3A_140 = arith.constant 0 : i32
    %dma_start3A_141 = tpu.memref_slice %arg2[%add3A_134, %dma_start3A_140] : memref<3328x128xi32, #tpu.memory_space<hbm>> -> memref<4x128xi32, #tpu.memory_space<hbm>>
    %dma_start3A_142 = arith.constant 0 : i32
    %dma_start3A_143 = arith.constant 0 : i32
    %dma_start3A_144 = tpu.memref_slice %arg6[%dma_start3A_135, %dma_start3A_142, %dma_start3A_143] : memref<26x4x128xi32, #tpu.memory_space<vmem>> -> memref<1x4x128xi32, #tpu.memory_space<vmem>>
    %dma_start3A_145 = tpu.memref_squeeze %dma_start3A_144 : memref<1x4x128xi32, #tpu.memory_space<vmem>> -> memref<4x128xi32, #tpu.memory_space<vmem>>
    %dma_start3A_146 = arith.constant 0 : i32
    %dma_start3A_147 = tpu.memref_slice %arg2[%add3A_134, %dma_start3A_146] : memref<3328x128xi32, #tpu.memory_space<hbm>> -> memref<4x128xi32, #tpu.memory_space<hbm>>
    tpu.enqueue_dma source(%dma_start3A_147 : memref<4x128xi32, #tpu.memory_space<hbm>>) target(%dma_start3A_145 : memref<4x128xi32, #tpu.memory_space<vmem>>) target_semaphore(%arg9 : memref<!tpu.dma_semaphore, #tpu.memory_space<semaphore_mem>>)
    %mul3A_148 = arith.constant 4 : i32
    %mul3A_149 = arith.muli %add3A, %mul3A_148 : i32
    %add3A_150 = arith.constant 512 : i32
    %add3A_151 = arith.addi %add3A_150, %mul3A_149 : i32
    %dma_start3A_152 = arith.constant 4 : i32
    %dma_start3A_153 = arith.constant 0 : i32
    %dma_start3A_154 = arith.constant 0 : i32
    %dma_start3A_155 = tpu.memref_slice %arg6[%dma_start3A_152, %dma_start3A_153, %dma_start3A_154] : memref<26x4x128xi32, #tpu.memory_space<vmem>> -> memref<1x4x128xi32, #tpu.memory_space<vmem>>
    %dma_start3A_156 = tpu.memref_squeeze %dma_start3A_155 : memref<1x4x128xi32, #tpu.memory_space<vmem>> -> memref<4x128xi32, #tpu.memory_space<vmem>>
    %dma_start3A_157 = arith.constant 0 : i32
    %dma_start3A_158 = tpu.memref_slice %arg2[%add3A_151, %dma_start3A_157] : memref<3328x128xi32, #tpu.memory_space<hbm>> -> memref<4x128xi32, #tpu.memory_space<hbm>>
    %dma_start3A_159 = arith.constant 0 : i32
    %dma_start3A_160 = arith.constant 0 : i32
    %dma_start3A_161 = tpu.memref_slice %arg6[%dma_start3A_152, %dma_start3A_159, %dma_start3A_160] : memref<26x4x128xi32, #tpu.memory_space<vmem>> -> memref<1x4x128xi32, #tpu.memory_space<vmem>>
    %dma_start3A_162 = tpu.memref_squeeze %dma_start3A_161 : memref<1x4x128xi32, #tpu.memory_space<vmem>> -> memref<4x128xi32, #tpu.memory_space<vmem>>
    %dma_start3A_163 = arith.constant 0 : i32
    %dma_start3A_164 = tpu.memref_slice %arg2[%add3A_151, %dma_start3A_163] : memref<3328x128xi32, #tpu.memory_space<hbm>> -> memref<4x128xi32, #tpu.memory_space<hbm>>
    tpu.enqueue_dma source(%dma_start3A_164 : memref<4x128xi32, #tpu.memory_space<hbm>>) target(%dma_start3A_162 : memref<4x128xi32, #tpu.memory_space<vmem>>) target_semaphore(%arg9 : memref<!tpu.dma_semaphore, #tpu.memory_space<semaphore_mem>>)
    %mul3A_165 = arith.constant 4 : i32
    %mul3A_166 = arith.muli %add3A, %mul3A_165 : i32
    %add3A_167 = arith.constant 640 : i32
    %add3A_168 = arith.addi %add3A_167, %mul3A_166 : i32
    %dma_start3A_169 = arith.constant 5 : i32
    %dma_start3A_170 = arith.constant 0 : i32
    %dma_start3A_171 = arith.constant 0 : i32
    %dma_start3A_172 = tpu.memref_slice %arg6[%dma_start3A_169, %dma_start3A_170, %dma_start3A_171] : memref<26x4x128xi32, #tpu.memory_space<vmem>> -> memref<1x4x128xi32, #tpu.memory_space<vmem>>
    %dma_start3A_173 = tpu.memref_squeeze %dma_start3A_172 : memref<1x4x128xi32, #tpu.memory_space<vmem>> -> memref<4x128xi32, #tpu.memory_space<vmem>>
    %dma_start3A_174 = arith.constant 0 : i32
    %dma_start3A_175 = tpu.memref_slice %arg2[%add3A_168, %dma_start3A_174] : memref<3328x128xi32, #tpu.memory_space<hbm>> -> memref<4x128xi32, #tpu.memory_space<hbm>>
    %dma_start3A_176 = arith.constant 0 : i32
    %dma_start3A_177 = arith.constant 0 : i32
    %dma_start3A_178 = tpu.memref_slice %arg6[%dma_start3A_169, %dma_start3A_176, %dma_start3A_177] : memref<26x4x128xi32, #tpu.memory_space<vmem>> -> memref<1x4x128xi32, #tpu.memory_space<vmem>>
    %dma_start3A_179 = tpu.memref_squeeze %dma_start3A_178 : memref<1x4x128xi32, #tpu.memory_space<vmem>> -> memref<4x128xi32, #tpu.memory_space<vmem>>
    %dma_start3A_180 = arith.constant 0 : i32
    %dma_start3A_181 = tpu.memref_slice %arg2[%add3A_168, %dma_start3A_180] : memref<3328x128xi32, #tpu.memory_space<hbm>> -> memref<4x128xi32, #tpu.memory_space<hbm>>
    tpu.enqueue_dma source(%dma_start3A_181 : memref<4x128xi32, #tpu.memory_space<hbm>>) target(%dma_start3A_179 : memref<4x128xi32, #tpu.memory_space<vmem>>) target_semaphore(%arg9 : memref<!tpu.dma_semaphore, #tpu.memory_space<semaphore_mem>>)
    %mul3A_182 = arith.constant 4 : i32
    %mul3A_183 = arith.muli %add3A, %mul3A_182 : i32
    %add3A_184 = arith.constant 768 : i32
    %add3A_185 = arith.addi %add3A_184, %mul3A_183 : i32
    %dma_start3A_186 = arith.constant 6 : i32
    %dma_start3A_187 = arith.constant 0 : i32
    %dma_start3A_188 = arith.constant 0 : i32
    %dma_start3A_189 = tpu.memref_slice %arg6[%dma_start3A_186, %dma_start3A_187, %dma_start3A_188] : memref<26x4x128xi32, #tpu.memory_space<vmem>> -> memref<1x4x128xi32, #tpu.memory_space<vmem>>
    %dma_start3A_190 = tpu.memref_squeeze %dma_start3A_189 : memref<1x4x128xi32, #tpu.memory_space<vmem>> -> memref<4x128xi32, #tpu.memory_space<vmem>>
    %dma_start3A_191 = arith.constant 0 : i32
    %dma_start3A_192 = tpu.memref_slice %arg2[%add3A_185, %dma_start3A_191] : memref<3328x128xi32, #tpu.memory_space<hbm>> -> memref<4x128xi32, #tpu.memory_space<hbm>>
    %dma_start3A_193 = arith.constant 0 : i32
    %dma_start3A_194 = arith.constant 0 : i32
    %dma_start3A_195 = tpu.memref_slice %arg6[%dma_start3A_186, %dma_start3A_193, %dma_start3A_194] : memref<26x4x128xi32, #tpu.memory_space<vmem>> -> memref<1x4x128xi32, #tpu.memory_space<vmem>>
    %dma_start3A_196 = tpu.memref_squeeze %dma_start3A_195 : memref<1x4x128xi32, #tpu.memory_space<vmem>> -> memref<4x128xi32, #tpu.memory_space<vmem>>
    %dma_start3A_197 = arith.constant 0 : i32
    %dma_start3A_198 = tpu.memref_slice %arg2[%add3A_185, %dma_start3A_197] : memref<3328x128xi32, #tpu.memory_space<hbm>> -> memref<4x128xi32, #tpu.memory_space<hbm>>
    tpu.enqueue_dma source(%dma_start3A_198 : memref<4x128xi32, #tpu.memory_space<hbm>>) target(%dma_start3A_196 : memref<4x128xi32, #tpu.memory_space<vmem>>) target_semaphore(%arg9 : memref<!tpu.dma_semaphore, #tpu.memory_space<semaphore_mem>>)
    %mul3A_199 = arith.constant 4 : i32
    %mul3A_200 = arith.muli %add3A, %mul3A_199 : i32
    %add3A_201 = arith.constant 896 : i32
    %add3A_202 = arith.addi %add3A_201, %mul3A_200 : i32
    %dma_start3A_203 = arith.constant 7 : i32
    %dma_start3A_204 = arith.constant 0 : i32
    %dma_start3A_205 = arith.constant 0 : i32
    %dma_start3A_206 = tpu.memref_slice %arg6[%dma_start3A_203, %dma_start3A_204, %dma_start3A_205] : memref<26x4x128xi32, #tpu.memory_space<vmem>> -> memref<1x4x128xi32, #tpu.memory_space<vmem>>
    %dma_start3A_207 = tpu.memref_squeeze %dma_start3A_206 : memref<1x4x128xi32, #tpu.memory_space<vmem>> -> memref<4x128xi32, #tpu.memory_space<vmem>>
    %dma_start3A_208 = arith.constant 0 : i32
    %dma_start3A_209 = tpu.memref_slice %arg2[%add3A_202, %dma_start3A_208] : memref<3328x128xi32, #tpu.memory_space<hbm>> -> memref<4x128xi32, #tpu.memory_space<hbm>>
    %dma_start3A_210 = arith.constant 0 : i32
    %dma_start3A_211 = arith.constant 0 : i32
    %dma_start3A_212 = tpu.memref_slice %arg6[%dma_start3A_203, %dma_start3A_210, %dma_start3A_211] : memref<26x4x128xi32, #tpu.memory_space<vmem>> -> memref<1x4x128xi32, #tpu.memory_space<vmem>>
    %dma_start3A_213 = tpu.memref_squeeze %dma_start3A_212 : memref<1x4x128xi32, #tpu.memory_space<vmem>> -> memref<4x128xi32, #tpu.memory_space<vmem>>
    %dma_start3A_214 = arith.constant 0 : i32
    %dma_start3A_215 = tpu.memref_slice %arg2[%add3A_202, %dma_start3A_214] : memref<3328x128xi32, #tpu.memory_space<hbm>> -> memref<4x128xi32, #tpu.memory_space<hbm>>
    tpu.enqueue_dma source(%dma_start3A_215 : memref<4x128xi32, #tpu.memory_space<hbm>>) target(%dma_start3A_213 : memref<4x128xi32, #tpu.memory_space<vmem>>) target_semaphore(%arg9 : memref<!tpu.dma_semaphore, #tpu.memory_space<semaphore_mem>>)
    %mul3A_216 = arith.constant 4 : i32
    %mul3A_217 = arith.muli %add3A, %mul3A_216 : i32
    %add3A_218 = arith.constant 1024 : i32
    %add3A_219 = arith.addi %add3A_218, %mul3A_217 : i32
    %dma_start3A_220 = arith.constant 8 : i32
    %dma_start3A_221 = arith.constant 0 : i32
    %dma_start3A_222 = arith.constant 0 : i32
    %dma_start3A_223 = tpu.memref_slice %arg6[%dma_start3A_220, %dma_start3A_221, %dma_start3A_222] : memref<26x4x128xi32, #tpu.memory_space<vmem>> -> memref<1x4x128xi32, #tpu.memory_space<vmem>>
    %dma_start3A_224 = tpu.memref_squeeze %dma_start3A_223 : memref<1x4x128xi32, #tpu.memory_space<vmem>> -> memref<4x128xi32, #tpu.memory_space<vmem>>
    %dma_start3A_225 = arith.constant 0 : i32
    %dma_start3A_226 = tpu.memref_slice %arg2[%add3A_219, %dma_start3A_225] : memref<3328x128xi32, #tpu.memory_space<hbm>> -> memref<4x128xi32, #tpu.memory_space<hbm>>
    %dma_start3A_227 = arith.constant 0 : i32
    %dma_start3A_228 = arith.constant 0 : i32
    %dma_start3A_229 = tpu.memref_slice %arg6[%dma_start3A_220, %dma_start3A_227, %dma_start3A_228] : memref<26x4x128xi32, #tpu.memory_space<vmem>> -> memref<1x4x128xi32, #tpu.memory_space<vmem>>
    %dma_start3A_230 = tpu.memref_squeeze %dma_start3A_229 : memref<1x4x128xi32, #tpu.memory_space<vmem>> -> memref<4x128xi32, #tpu.memory_space<vmem>>
    %dma_start3A_231 = arith.constant 0 : i32
    %dma_start3A_232 = tpu.memref_slice %arg2[%add3A_219, %dma_start3A_231] : memref<3328x128xi32, #tpu.memory_space<hbm>> -> memref<4x128xi32, #tpu.memory_space<hbm>>
    tpu.enqueue_dma source(%dma_start3A_232 : memref<4x128xi32, #tpu.memory_space<hbm>>) target(%dma_start3A_230 : memref<4x128xi32, #tpu.memory_space<vmem>>) target_semaphore(%arg9 : memref<!tpu.dma_semaphore, #tpu.memory_space<semaphore_mem>>)
    %mul3A_233 = arith.constant 4 : i32
    %mul3A_234 = arith.muli %add3A, %mul3A_233 : i32
    %add3A_235 = arith.constant 1152 : i32
    %add3A_236 = arith.addi %add3A_235, %mul3A_234 : i32
    %dma_start3A_237 = arith.constant 9 : i32
    %dma_start3A_238 = arith.constant 0 : i32
    %dma_start3A_239 = arith.constant 0 : i32
    %dma_start3A_240 = tpu.memref_slice %arg6[%dma_start3A_237, %dma_start3A_238, %dma_start3A_239] : memref<26x4x128xi32, #tpu.memory_space<vmem>> -> memref<1x4x128xi32, #tpu.memory_space<vmem>>
    %dma_start3A_241 = tpu.memref_squeeze %dma_start3A_240 : memref<1x4x128xi32, #tpu.memory_space<vmem>> -> memref<4x128xi32, #tpu.memory_space<vmem>>
    %dma_start3A_242 = arith.constant 0 : i32
    %dma_start3A_243 = tpu.memref_slice %arg2[%add3A_236, %dma_start3A_242] : memref<3328x128xi32, #tpu.memory_space<hbm>> -> memref<4x128xi32, #tpu.memory_space<hbm>>
    %dma_start3A_244 = arith.constant 0 : i32
    %dma_start3A_245 = arith.constant 0 : i32
    %dma_start3A_246 = tpu.memref_slice %arg6[%dma_start3A_237, %dma_start3A_244, %dma_start3A_245] : memref<26x4x128xi32, #tpu.memory_space<vmem>> -> memref<1x4x128xi32, #tpu.memory_space<vmem>>
    %dma_start3A_247 = tpu.memref_squeeze %dma_start3A_246 : memref<1x4x128xi32, #tpu.memory_space<vmem>> -> memref<4x128xi32, #tpu.memory_space<vmem>>
    %dma_start3A_248 = arith.constant 0 : i32
    %dma_start3A_249 = tpu.memref_slice %arg2[%add3A_236, %dma_start3A_248] : memref<3328x128xi32, #tpu.memory_space<hbm>> -> memref<4x128xi32, #tpu.memory_space<hbm>>
    tpu.enqueue_dma source(%dma_start3A_249 : memref<4x128xi32, #tpu.memory_space<hbm>>) target(%dma_start3A_247 : memref<4x128xi32, #tpu.memory_space<vmem>>) target_semaphore(%arg9 : memref<!tpu.dma_semaphore, #tpu.memory_space<semaphore_mem>>)
    %mul3A_250 = arith.constant 4 : i32
    %mul3A_251 = arith.muli %add3A, %mul3A_250 : i32
    %add3A_252 = arith.constant 1280 : i32
    %add3A_253 = arith.addi %add3A_252, %mul3A_251 : i32
    %dma_start3A_254 = arith.constant 10 : i32
    %dma_start3A_255 = arith.constant 0 : i32
    %dma_start3A_256 = arith.constant 0 : i32
    %dma_start3A_257 = tpu.memref_slice %arg6[%dma_start3A_254, %dma_start3A_255, %dma_start3A_256] : memref<26x4x128xi32, #tpu.memory_space<vmem>> -> memref<1x4x128xi32, #tpu.memory_space<vmem>>
    %dma_start3A_258 = tpu.memref_squeeze %dma_start3A_257 : memref<1x4x128xi32, #tpu.memory_space<vmem>> -> memref<4x128xi32, #tpu.memory_space<vmem>>
    %dma_start3A_259 = arith.constant 0 : i32
    %dma_start3A_260 = tpu.memref_slice %arg2[%add3A_253, %dma_start3A_259] : memref<3328x128xi32, #tpu.memory_space<hbm>> -> memref<4x128xi32, #tpu.memory_space<hbm>>
    %dma_start3A_261 = arith.constant 0 : i32
    %dma_start3A_262 = arith.constant 0 : i32
    %dma_start3A_263 = tpu.memref_slice %arg6[%dma_start3A_254, %dma_start3A_261, %dma_start3A_262] : memref<26x4x128xi32, #tpu.memory_space<vmem>> -> memref<1x4x128xi32, #tpu.memory_space<vmem>>
    %dma_start3A_264 = tpu.memref_squeeze %dma_start3A_263 : memref<1x4x128xi32, #tpu.memory_space<vmem>> -> memref<4x128xi32, #tpu.memory_space<vmem>>
    %dma_start3A_265 = arith.constant 0 : i32
    %dma_start3A_266 = tpu.memref_slice %arg2[%add3A_253, %dma_start3A_265] : memref<3328x128xi32, #tpu.memory_space<hbm>> -> memref<4x128xi32, #tpu.memory_space<hbm>>
    tpu.enqueue_dma source(%dma_start3A_266 : memref<4x128xi32, #tpu.memory_space<hbm>>) target(%dma_start3A_264 : memref<4x128xi32, #tpu.memory_space<vmem>>) target_semaphore(%arg9 : memref<!tpu.dma_semaphore, #tpu.memory_space<semaphore_mem>>)
    %mul3A_267 = arith.constant 4 : i32
    %mul3A_268 = arith.muli %add3A, %mul3A_267 : i32
    %add3A_269 = arith.constant 1408 : i32
    %add3A_270 = arith.addi %add3A_269, %mul3A_268 : i32
    %dma_start3A_271 = arith.constant 11 : i32
    %dma_start3A_272 = arith.constant 0 : i32
    %dma_start3A_273 = arith.constant 0 : i32
    %dma_start3A_274 = tpu.memref_slice %arg6[%dma_start3A_271, %dma_start3A_272, %dma_start3A_273] : memref<26x4x128xi32, #tpu.memory_space<vmem>> -> memref<1x4x128xi32, #tpu.memory_space<vmem>>
    %dma_start3A_275 = tpu.memref_squeeze %dma_start3A_274 : memref<1x4x128xi32, #tpu.memory_space<vmem>> -> memref<4x128xi32, #tpu.memory_space<vmem>>
    %dma_start3A_276 = arith.constant 0 : i32
    %dma_start3A_277 = tpu.memref_slice %arg2[%add3A_270, %dma_start3A_276] : memref<3328x128xi32, #tpu.memory_space<hbm>> -> memref<4x128xi32, #tpu.memory_space<hbm>>
    %dma_start3A_278 = arith.constant 0 : i32
    %dma_start3A_279 = arith.constant 0 : i32
    %dma_start3A_280 = tpu.memref_slice %arg6[%dma_start3A_271, %dma_start3A_278, %dma_start3A_279] : memref<26x4x128xi32, #tpu.memory_space<vmem>> -> memref<1x4x128xi32, #tpu.memory_space<vmem>>
    %dma_start3A_281 = tpu.memref_squeeze %dma_start3A_280 : memref<1x4x128xi32, #tpu.memory_space<vmem>> -> memref<4x128xi32, #tpu.memory_space<vmem>>
    %dma_start3A_282 = arith.constant 0 : i32
    %dma_start3A_283 = tpu.memref_slice %arg2[%add3A_270, %dma_start3A_282] : memref<3328x128xi32, #tpu.memory_space<hbm>> -> memref<4x128xi32, #tpu.memory_space<hbm>>
    tpu.enqueue_dma source(%dma_start3A_283 : memref<4x128xi32, #tpu.memory_space<hbm>>) target(%dma_start3A_281 : memref<4x128xi32, #tpu.memory_space<vmem>>) target_semaphore(%arg9 : memref<!tpu.dma_semaphore, #tpu.memory_space<semaphore_mem>>)
    %mul3A_284 = arith.constant 4 : i32
    %mul3A_285 = arith.muli %add3A, %mul3A_284 : i32
    %add3A_286 = arith.constant 1536 : i32
    %add3A_287 = arith.addi %add3A_286, %mul3A_285 : i32
    %dma_start3A_288 = arith.constant 12 : i32
    %dma_start3A_289 = arith.constant 0 : i32
    %dma_start3A_290 = arith.constant 0 : i32
    %dma_start3A_291 = tpu.memref_slice %arg6[%dma_start3A_288, %dma_start3A_289, %dma_start3A_290] : memref<26x4x128xi32, #tpu.memory_space<vmem>> -> memref<1x4x128xi32, #tpu.memory_space<vmem>>
    %dma_start3A_292 = tpu.memref_squeeze %dma_start3A_291 : memref<1x4x128xi32, #tpu.memory_space<vmem>> -> memref<4x128xi32, #tpu.memory_space<vmem>>
    %dma_start3A_293 = arith.constant 0 : i32
    %dma_start3A_294 = tpu.memref_slice %arg2[%add3A_287, %dma_start3A_293] : memref<3328x128xi32, #tpu.memory_space<hbm>> -> memref<4x128xi32, #tpu.memory_space<hbm>>
    %dma_start3A_295 = arith.constant 0 : i32
    %dma_start3A_296 = arith.constant 0 : i32
    %dma_start3A_297 = tpu.memref_slice %arg6[%dma_start3A_288, %dma_start3A_295, %dma_start3A_296] : memref<26x4x128xi32, #tpu.memory_space<vmem>> -> memref<1x4x128xi32, #tpu.memory_space<vmem>>
    %dma_start3A_298 = tpu.memref_squeeze %dma_start3A_297 : memref<1x4x128xi32, #tpu.memory_space<vmem>> -> memref<4x128xi32, #tpu.memory_space<vmem>>
    %dma_start3A_299 = arith.constant 0 : i32
    %dma_start3A_300 = tpu.memref_slice %arg2[%add3A_287, %dma_start3A_299] : memref<3328x128xi32, #tpu.memory_space<hbm>> -> memref<4x128xi32, #tpu.memory_space<hbm>>
    tpu.enqueue_dma source(%dma_start3A_300 : memref<4x128xi32, #tpu.memory_space<hbm>>) target(%dma_start3A_298 : memref<4x128xi32, #tpu.memory_space<vmem>>) target_semaphore(%arg9 : memref<!tpu.dma_semaphore, #tpu.memory_space<semaphore_mem>>)
    %mul3A_301 = arith.constant 4 : i32
    %mul3A_302 = arith.muli %add3A, %mul3A_301 : i32
    %add3A_303 = arith.constant 1664 : i32
    %add3A_304 = arith.addi %add3A_303, %mul3A_302 : i32
    %dma_start3A_305 = arith.constant 13 : i32
    %dma_start3A_306 = arith.constant 0 : i32
    %dma_start3A_307 = arith.constant 0 : i32
    %dma_start3A_308 = tpu.memref_slice %arg6[%dma_start3A_305, %dma_start3A_306, %dma_start3A_307] : memref<26x4x128xi32, #tpu.memory_space<vmem>> -> memref<1x4x128xi32, #tpu.memory_space<vmem>>
    %dma_start3A_309 = tpu.memref_squeeze %dma_start3A_308 : memref<1x4x128xi32, #tpu.memory_space<vmem>> -> memref<4x128xi32, #tpu.memory_space<vmem>>
    %dma_start3A_310 = arith.constant 0 : i32
    %dma_start3A_311 = tpu.memref_slice %arg2[%add3A_304, %dma_start3A_310] : memref<3328x128xi32, #tpu.memory_space<hbm>> -> memref<4x128xi32, #tpu.memory_space<hbm>>
    %dma_start3A_312 = arith.constant 0 : i32
    %dma_start3A_313 = arith.constant 0 : i32
    %dma_start3A_314 = tpu.memref_slice %arg6[%dma_start3A_305, %dma_start3A_312, %dma_start3A_313] : memref<26x4x128xi32, #tpu.memory_space<vmem>> -> memref<1x4x128xi32, #tpu.memory_space<vmem>>
    %dma_start3A_315 = tpu.memref_squeeze %dma_start3A_314 : memref<1x4x128xi32, #tpu.memory_space<vmem>> -> memref<4x128xi32, #tpu.memory_space<vmem>>
    %dma_start3A_316 = arith.constant 0 : i32
    %dma_start3A_317 = tpu.memref_slice %arg2[%add3A_304, %dma_start3A_316] : memref<3328x128xi32, #tpu.memory_space<hbm>> -> memref<4x128xi32, #tpu.memory_space<hbm>>
    tpu.enqueue_dma source(%dma_start3A_317 : memref<4x128xi32, #tpu.memory_space<hbm>>) target(%dma_start3A_315 : memref<4x128xi32, #tpu.memory_space<vmem>>) target_semaphore(%arg9 : memref<!tpu.dma_semaphore, #tpu.memory_space<semaphore_mem>>)
    %mul3A_318 = arith.constant 4 : i32
    %mul3A_319 = arith.muli %add3A, %mul3A_318 : i32
    %add3A_320 = arith.constant 1792 : i32
    %add3A_321 = arith.addi %add3A_320, %mul3A_319 : i32
    %dma_start3A_322 = arith.constant 14 : i32
    %dma_start3A_323 = arith.constant 0 : i32
    %dma_start3A_324 = arith.constant 0 : i32
    %dma_start3A_325 = tpu.memref_slice %arg6[%dma_start3A_322, %dma_start3A_323, %dma_start3A_324] : memref<26x4x128xi32, #tpu.memory_space<vmem>> -> memref<1x4x128xi32, #tpu.memory_space<vmem>>
    %dma_start3A_326 = tpu.memref_squeeze %dma_start3A_325 : memref<1x4x128xi32, #tpu.memory_space<vmem>> -> memref<4x128xi32, #tpu.memory_space<vmem>>
    %dma_start3A_327 = arith.constant 0 : i32
    %dma_start3A_328 = tpu.memref_slice %arg2[%add3A_321, %dma_start3A_327] : memref<3328x128xi32, #tpu.memory_space<hbm>> -> memref<4x128xi32, #tpu.memory_space<hbm>>
    %dma_start3A_329 = arith.constant 0 : i32
    %dma_start3A_330 = arith.constant 0 : i32
    %dma_start3A_331 = tpu.memref_slice %arg6[%dma_start3A_322, %dma_start3A_329, %dma_start3A_330] : memref<26x4x128xi32, #tpu.memory_space<vmem>> -> memref<1x4x128xi32, #tpu.memory_space<vmem>>
    %dma_start3A_332 = tpu.memref_squeeze %dma_start3A_331 : memref<1x4x128xi32, #tpu.memory_space<vmem>> -> memref<4x128xi32, #tpu.memory_space<vmem>>
    %dma_start3A_333 = arith.constant 0 : i32
    %dma_start3A_334 = tpu.memref_slice %arg2[%add3A_321, %dma_start3A_333] : memref<3328x128xi32, #tpu.memory_space<hbm>> -> memref<4x128xi32, #tpu.memory_space<hbm>>
    tpu.enqueue_dma source(%dma_start3A_334 : memref<4x128xi32, #tpu.memory_space<hbm>>) target(%dma_start3A_332 : memref<4x128xi32, #tpu.memory_space<vmem>>) target_semaphore(%arg9 : memref<!tpu.dma_semaphore, #tpu.memory_space<semaphore_mem>>)
    %mul3A_335 = arith.constant 4 : i32
    %mul3A_336 = arith.muli %add3A, %mul3A_335 : i32
    %add3A_337 = arith.constant 1920 : i32
    %add3A_338 = arith.addi %add3A_337, %mul3A_336 : i32
    %dma_start3A_339 = arith.constant 15 : i32
    %dma_start3A_340 = arith.constant 0 : i32
    %dma_start3A_341 = arith.constant 0 : i32
    %dma_start3A_342 = tpu.memref_slice %arg6[%dma_start3A_339, %dma_start3A_340, %dma_start3A_341] : memref<26x4x128xi32, #tpu.memory_space<vmem>> -> memref<1x4x128xi32, #tpu.memory_space<vmem>>
    %dma_start3A_343 = tpu.memref_squeeze %dma_start3A_342 : memref<1x4x128xi32, #tpu.memory_space<vmem>> -> memref<4x128xi32, #tpu.memory_space<vmem>>
    %dma_start3A_344 = arith.constant 0 : i32
    %dma_start3A_345 = tpu.memref_slice %arg2[%add3A_338, %dma_start3A_344] : memref<3328x128xi32, #tpu.memory_space<hbm>> -> memref<4x128xi32, #tpu.memory_space<hbm>>
    %dma_start3A_346 = arith.constant 0 : i32
    %dma_start3A_347 = arith.constant 0 : i32
    %dma_start3A_348 = tpu.memref_slice %arg6[%dma_start3A_339, %dma_start3A_346, %dma_start3A_347] : memref<26x4x128xi32, #tpu.memory_space<vmem>> -> memref<1x4x128xi32, #tpu.memory_space<vmem>>
    %dma_start3A_349 = tpu.memref_squeeze %dma_start3A_348 : memref<1x4x128xi32, #tpu.memory_space<vmem>> -> memref<4x128xi32, #tpu.memory_space<vmem>>
    %dma_start3A_350 = arith.constant 0 : i32
    %dma_start3A_351 = tpu.memref_slice %arg2[%add3A_338, %dma_start3A_350] : memref<3328x128xi32, #tpu.memory_space<hbm>> -> memref<4x128xi32, #tpu.memory_space<hbm>>
    tpu.enqueue_dma source(%dma_start3A_351 : memref<4x128xi32, #tpu.memory_space<hbm>>) target(%dma_start3A_349 : memref<4x128xi32, #tpu.memory_space<vmem>>) target_semaphore(%arg9 : memref<!tpu.dma_semaphore, #tpu.memory_space<semaphore_mem>>)
    %mul3A_352 = arith.constant 4 : i32
    %mul3A_353 = arith.muli %add3A, %mul3A_352 : i32
    %add3A_354 = arith.constant 2048 : i32
    %add3A_355 = arith.addi %add3A_354, %mul3A_353 : i32
    %dma_start3A_356 = arith.constant 16 : i32
    %dma_start3A_357 = arith.constant 0 : i32
    %dma_start3A_358 = arith.constant 0 : i32
    %dma_start3A_359 = tpu.memref_slice %arg6[%dma_start3A_356, %dma_start3A_357, %dma_start3A_358] : memref<26x4x128xi32, #tpu.memory_space<vmem>> -> memref<1x4x128xi32, #tpu.memory_space<vmem>>
    %dma_start3A_360 = tpu.memref_squeeze %dma_start3A_359 : memref<1x4x128xi32, #tpu.memory_space<vmem>> -> memref<4x128xi32, #tpu.memory_space<vmem>>
    %dma_start3A_361 = arith.constant 0 : i32
    %dma_start3A_362 = tpu.memref_slice %arg2[%add3A_355, %dma_start3A_361] : memref<3328x128xi32, #tpu.memory_space<hbm>> -> memref<4x128xi32, #tpu.memory_space<hbm>>
    %dma_start3A_363 = arith.constant 0 : i32
    %dma_start3A_364 = arith.constant 0 : i32
    %dma_start3A_365 = tpu.memref_slice %arg6[%dma_start3A_356, %dma_start3A_363, %dma_start3A_364] : memref<26x4x128xi32, #tpu.memory_space<vmem>> -> memref<1x4x128xi32, #tpu.memory_space<vmem>>
    %dma_start3A_366 = tpu.memref_squeeze %dma_start3A_365 : memref<1x4x128xi32, #tpu.memory_space<vmem>> -> memref<4x128xi32, #tpu.memory_space<vmem>>
    %dma_start3A_367 = arith.constant 0 : i32
    %dma_start3A_368 = tpu.memref_slice %arg2[%add3A_355, %dma_start3A_367] : memref<3328x128xi32, #tpu.memory_space<hbm>> -> memref<4x128xi32, #tpu.memory_space<hbm>>
    tpu.enqueue_dma source(%dma_start3A_368 : memref<4x128xi32, #tpu.memory_space<hbm>>) target(%dma_start3A_366 : memref<4x128xi32, #tpu.memory_space<vmem>>) target_semaphore(%arg9 : memref<!tpu.dma_semaphore, #tpu.memory_space<semaphore_mem>>)
    %mul3A_369 = arith.constant 4 : i32
    %mul3A_370 = arith.muli %add3A, %mul3A_369 : i32
    %add3A_371 = arith.constant 2176 : i32
    %add3A_372 = arith.addi %add3A_371, %mul3A_370 : i32
    %dma_start3A_373 = arith.constant 17 : i32
    %dma_start3A_374 = arith.constant 0 : i32
    %dma_start3A_375 = arith.constant 0 : i32
    %dma_start3A_376 = tpu.memref_slice %arg6[%dma_start3A_373, %dma_start3A_374, %dma_start3A_375] : memref<26x4x128xi32, #tpu.memory_space<vmem>> -> memref<1x4x128xi32, #tpu.memory_space<vmem>>
    %dma_start3A_377 = tpu.memref_squeeze %dma_start3A_376 : memref<1x4x128xi32, #tpu.memory_space<vmem>> -> memref<4x128xi32, #tpu.memory_space<vmem>>
    %dma_start3A_378 = arith.constant 0 : i32
    %dma_start3A_379 = tpu.memref_slice %arg2[%add3A_372, %dma_start3A_378] : memref<3328x128xi32, #tpu.memory_space<hbm>> -> memref<4x128xi32, #tpu.memory_space<hbm>>
    %dma_start3A_380 = arith.constant 0 : i32
    %dma_start3A_381 = arith.constant 0 : i32
    %dma_start3A_382 = tpu.memref_slice %arg6[%dma_start3A_373, %dma_start3A_380, %dma_start3A_381] : memref<26x4x128xi32, #tpu.memory_space<vmem>> -> memref<1x4x128xi32, #tpu.memory_space<vmem>>
    %dma_start3A_383 = tpu.memref_squeeze %dma_start3A_382 : memref<1x4x128xi32, #tpu.memory_space<vmem>> -> memref<4x128xi32, #tpu.memory_space<vmem>>
    %dma_start3A_384 = arith.constant 0 : i32
    %dma_start3A_385 = tpu.memref_slice %arg2[%add3A_372, %dma_start3A_384] : memref<3328x128xi32, #tpu.memory_space<hbm>> -> memref<4x128xi32, #tpu.memory_space<hbm>>
    tpu.enqueue_dma source(%dma_start3A_385 : memref<4x128xi32, #tpu.memory_space<hbm>>) target(%dma_start3A_383 : memref<4x128xi32, #tpu.memory_space<vmem>>) target_semaphore(%arg9 : memref<!tpu.dma_semaphore, #tpu.memory_space<semaphore_mem>>)
    %mul3A_386 = arith.constant 4 : i32
    %mul3A_387 = arith.muli %add3A, %mul3A_386 : i32
    %add3A_388 = arith.constant 2304 : i32
    %add3A_389 = arith.addi %add3A_388, %mul3A_387 : i32
    %dma_start3A_390 = arith.constant 18 : i32
    %dma_start3A_391 = arith.constant 0 : i32
    %dma_start3A_392 = arith.constant 0 : i32
    %dma_start3A_393 = tpu.memref_slice %arg6[%dma_start3A_390, %dma_start3A_391, %dma_start3A_392] : memref<26x4x128xi32, #tpu.memory_space<vmem>> -> memref<1x4x128xi32, #tpu.memory_space<vmem>>
    %dma_start3A_394 = tpu.memref_squeeze %dma_start3A_393 : memref<1x4x128xi32, #tpu.memory_space<vmem>> -> memref<4x128xi32, #tpu.memory_space<vmem>>
    %dma_start3A_395 = arith.constant 0 : i32
    %dma_start3A_396 = tpu.memref_slice %arg2[%add3A_389, %dma_start3A_395] : memref<3328x128xi32, #tpu.memory_space<hbm>> -> memref<4x128xi32, #tpu.memory_space<hbm>>
    %dma_start3A_397 = arith.constant 0 : i32
    %dma_start3A_398 = arith.constant 0 : i32
    %dma_start3A_399 = tpu.memref_slice %arg6[%dma_start3A_390, %dma_start3A_397, %dma_start3A_398] : memref<26x4x128xi32, #tpu.memory_space<vmem>> -> memref<1x4x128xi32, #tpu.memory_space<vmem>>
    %dma_start3A_400 = tpu.memref_squeeze %dma_start3A_399 : memref<1x4x128xi32, #tpu.memory_space<vmem>> -> memref<4x128xi32, #tpu.memory_space<vmem>>
    %dma_start3A_401 = arith.constant 0 : i32
    %dma_start3A_402 = tpu.memref_slice %arg2[%add3A_389, %dma_start3A_401] : memref<3328x128xi32, #tpu.memory_space<hbm>> -> memref<4x128xi32, #tpu.memory_space<hbm>>
    tpu.enqueue_dma source(%dma_start3A_402 : memref<4x128xi32, #tpu.memory_space<hbm>>) target(%dma_start3A_400 : memref<4x128xi32, #tpu.memory_space<vmem>>) target_semaphore(%arg9 : memref<!tpu.dma_semaphore, #tpu.memory_space<semaphore_mem>>)
    %mul3A_403 = arith.constant 4 : i32
    %mul3A_404 = arith.muli %add3A, %mul3A_403 : i32
    %add3A_405 = arith.constant 2432 : i32
    %add3A_406 = arith.addi %add3A_405, %mul3A_404 : i32
    %dma_start3A_407 = arith.constant 19 : i32
    %dma_start3A_408 = arith.constant 0 : i32
    %dma_start3A_409 = arith.constant 0 : i32
    %dma_start3A_410 = tpu.memref_slice %arg6[%dma_start3A_407, %dma_start3A_408, %dma_start3A_409] : memref<26x4x128xi32, #tpu.memory_space<vmem>> -> memref<1x4x128xi32, #tpu.memory_space<vmem>>
    %dma_start3A_411 = tpu.memref_squeeze %dma_start3A_410 : memref<1x4x128xi32, #tpu.memory_space<vmem>> -> memref<4x128xi32, #tpu.memory_space<vmem>>
    %dma_start3A_412 = arith.constant 0 : i32
    %dma_start3A_413 = tpu.memref_slice %arg2[%add3A_406, %dma_start3A_412] : memref<3328x128xi32, #tpu.memory_space<hbm>> -> memref<4x128xi32, #tpu.memory_space<hbm>>
    %dma_start3A_414 = arith.constant 0 : i32
    %dma_start3A_415 = arith.constant 0 : i32
    %dma_start3A_416 = tpu.memref_slice %arg6[%dma_start3A_407, %dma_start3A_414, %dma_start3A_415] : memref<26x4x128xi32, #tpu.memory_space<vmem>> -> memref<1x4x128xi32, #tpu.memory_space<vmem>>
    %dma_start3A_417 = tpu.memref_squeeze %dma_start3A_416 : memref<1x4x128xi32, #tpu.memory_space<vmem>> -> memref<4x128xi32, #tpu.memory_space<vmem>>
    %dma_start3A_418 = arith.constant 0 : i32
    %dma_start3A_419 = tpu.memref_slice %arg2[%add3A_406, %dma_start3A_418] : memref<3328x128xi32, #tpu.memory_space<hbm>> -> memref<4x128xi32, #tpu.memory_space<hbm>>
    tpu.enqueue_dma source(%dma_start3A_419 : memref<4x128xi32, #tpu.memory_space<hbm>>) target(%dma_start3A_417 : memref<4x128xi32, #tpu.memory_space<vmem>>) target_semaphore(%arg9 : memref<!tpu.dma_semaphore, #tpu.memory_space<semaphore_mem>>)
    %mul3A_420 = arith.constant 4 : i32
    %mul3A_421 = arith.muli %add3A, %mul3A_420 : i32
    %add3A_422 = arith.constant 2560 : i32
    %add3A_423 = arith.addi %add3A_422, %mul3A_421 : i32
    %dma_start3A_424 = arith.constant 20 : i32
    %dma_start3A_425 = arith.constant 0 : i32
    %dma_start3A_426 = arith.constant 0 : i32
    %dma_start3A_427 = tpu.memref_slice %arg6[%dma_start3A_424, %dma_start3A_425, %dma_start3A_426] : memref<26x4x128xi32, #tpu.memory_space<vmem>> -> memref<1x4x128xi32, #tpu.memory_space<vmem>>
    %dma_start3A_428 = tpu.memref_squeeze %dma_start3A_427 : memref<1x4x128xi32, #tpu.memory_space<vmem>> -> memref<4x128xi32, #tpu.memory_space<vmem>>
    %dma_start3A_429 = arith.constant 0 : i32
    %dma_start3A_430 = tpu.memref_slice %arg2[%add3A_423, %dma_start3A_429] : memref<3328x128xi32, #tpu.memory_space<hbm>> -> memref<4x128xi32, #tpu.memory_space<hbm>>
    %dma_start3A_431 = arith.constant 0 : i32
    %dma_start3A_432 = arith.constant 0 : i32
    %dma_start3A_433 = tpu.memref_slice %arg6[%dma_start3A_424, %dma_start3A_431, %dma_start3A_432] : memref<26x4x128xi32, #tpu.memory_space<vmem>> -> memref<1x4x128xi32, #tpu.memory_space<vmem>>
    %dma_start3A_434 = tpu.memref_squeeze %dma_start3A_433 : memref<1x4x128xi32, #tpu.memory_space<vmem>> -> memref<4x128xi32, #tpu.memory_space<vmem>>
    %dma_start3A_435 = arith.constant 0 : i32
    %dma_start3A_436 = tpu.memref_slice %arg2[%add3A_423, %dma_start3A_435] : memref<3328x128xi32, #tpu.memory_space<hbm>> -> memref<4x128xi32, #tpu.memory_space<hbm>>
    tpu.enqueue_dma source(%dma_start3A_436 : memref<4x128xi32, #tpu.memory_space<hbm>>) target(%dma_start3A_434 : memref<4x128xi32, #tpu.memory_space<vmem>>) target_semaphore(%arg9 : memref<!tpu.dma_semaphore, #tpu.memory_space<semaphore_mem>>)
    %mul3A_437 = arith.constant 4 : i32
    %mul3A_438 = arith.muli %add3A, %mul3A_437 : i32
    %add3A_439 = arith.constant 2688 : i32
    %add3A_440 = arith.addi %add3A_439, %mul3A_438 : i32
    %dma_start3A_441 = arith.constant 21 : i32
    %dma_start3A_442 = arith.constant 0 : i32
    %dma_start3A_443 = arith.constant 0 : i32
    %dma_start3A_444 = tpu.memref_slice %arg6[%dma_start3A_441, %dma_start3A_442, %dma_start3A_443] : memref<26x4x128xi32, #tpu.memory_space<vmem>> -> memref<1x4x128xi32, #tpu.memory_space<vmem>>
    %dma_start3A_445 = tpu.memref_squeeze %dma_start3A_444 : memref<1x4x128xi32, #tpu.memory_space<vmem>> -> memref<4x128xi32, #tpu.memory_space<vmem>>
    %dma_start3A_446 = arith.constant 0 : i32
    %dma_start3A_447 = tpu.memref_slice %arg2[%add3A_440, %dma_start3A_446] : memref<3328x128xi32, #tpu.memory_space<hbm>> -> memref<4x128xi32, #tpu.memory_space<hbm>>
    %dma_start3A_448 = arith.constant 0 : i32
    %dma_start3A_449 = arith.constant 0 : i32
    %dma_start3A_450 = tpu.memref_slice %arg6[%dma_start3A_441, %dma_start3A_448, %dma_start3A_449] : memref<26x4x128xi32, #tpu.memory_space<vmem>> -> memref<1x4x128xi32, #tpu.memory_space<vmem>>
    %dma_start3A_451 = tpu.memref_squeeze %dma_start3A_450 : memref<1x4x128xi32, #tpu.memory_space<vmem>> -> memref<4x128xi32, #tpu.memory_space<vmem>>
    %dma_start3A_452 = arith.constant 0 : i32
    %dma_start3A_453 = tpu.memref_slice %arg2[%add3A_440, %dma_start3A_452] : memref<3328x128xi32, #tpu.memory_space<hbm>> -> memref<4x128xi32, #tpu.memory_space<hbm>>
    tpu.enqueue_dma source(%dma_start3A_453 : memref<4x128xi32, #tpu.memory_space<hbm>>) target(%dma_start3A_451 : memref<4x128xi32, #tpu.memory_space<vmem>>) target_semaphore(%arg9 : memref<!tpu.dma_semaphore, #tpu.memory_space<semaphore_mem>>)
    %mul3A_454 = arith.constant 4 : i32
    %mul3A_455 = arith.muli %add3A, %mul3A_454 : i32
    %add3A_456 = arith.constant 2816 : i32
    %add3A_457 = arith.addi %add3A_456, %mul3A_455 : i32
    %dma_start3A_458 = arith.constant 22 : i32
    %dma_start3A_459 = arith.constant 0 : i32
    %dma_start3A_460 = arith.constant 0 : i32
    %dma_start3A_461 = tpu.memref_slice %arg6[%dma_start3A_458, %dma_start3A_459, %dma_start3A_460] : memref<26x4x128xi32, #tpu.memory_space<vmem>> -> memref<1x4x128xi32, #tpu.memory_space<vmem>>
    %dma_start3A_462 = tpu.memref_squeeze %dma_start3A_461 : memref<1x4x128xi32, #tpu.memory_space<vmem>> -> memref<4x128xi32, #tpu.memory_space<vmem>>
    %dma_start3A_463 = arith.constant 0 : i32
    %dma_start3A_464 = tpu.memref_slice %arg2[%add3A_457, %dma_start3A_463] : memref<3328x128xi32, #tpu.memory_space<hbm>> -> memref<4x128xi32, #tpu.memory_space<hbm>>
    %dma_start3A_465 = arith.constant 0 : i32
    %dma_start3A_466 = arith.constant 0 : i32
    %dma_start3A_467 = tpu.memref_slice %arg6[%dma_start3A_458, %dma_start3A_465, %dma_start3A_466] : memref<26x4x128xi32, #tpu.memory_space<vmem>> -> memref<1x4x128xi32, #tpu.memory_space<vmem>>
    %dma_start3A_468 = tpu.memref_squeeze %dma_start3A_467 : memref<1x4x128xi32, #tpu.memory_space<vmem>> -> memref<4x128xi32, #tpu.memory_space<vmem>>
    %dma_start3A_469 = arith.constant 0 : i32
    %dma_start3A_470 = tpu.memref_slice %arg2[%add3A_457, %dma_start3A_469] : memref<3328x128xi32, #tpu.memory_space<hbm>> -> memref<4x128xi32, #tpu.memory_space<hbm>>
    tpu.enqueue_dma source(%dma_start3A_470 : memref<4x128xi32, #tpu.memory_space<hbm>>) target(%dma_start3A_468 : memref<4x128xi32, #tpu.memory_space<vmem>>) target_semaphore(%arg9 : memref<!tpu.dma_semaphore, #tpu.memory_space<semaphore_mem>>)
    %mul3A_471 = arith.constant 4 : i32
    %mul3A_472 = arith.muli %add3A, %mul3A_471 : i32
    %add3A_473 = arith.constant 2944 : i32
    %add3A_474 = arith.addi %add3A_473, %mul3A_472 : i32
    %dma_start3A_475 = arith.constant 23 : i32
    %dma_start3A_476 = arith.constant 0 : i32
    %dma_start3A_477 = arith.constant 0 : i32
    %dma_start3A_478 = tpu.memref_slice %arg6[%dma_start3A_475, %dma_start3A_476, %dma_start3A_477] : memref<26x4x128xi32, #tpu.memory_space<vmem>> -> memref<1x4x128xi32, #tpu.memory_space<vmem>>
    %dma_start3A_479 = tpu.memref_squeeze %dma_start3A_478 : memref<1x4x128xi32, #tpu.memory_space<vmem>> -> memref<4x128xi32, #tpu.memory_space<vmem>>
    %dma_start3A_480 = arith.constant 0 : i32
    %dma_start3A_481 = tpu.memref_slice %arg2[%add3A_474, %dma_start3A_480] : memref<3328x128xi32, #tpu.memory_space<hbm>> -> memref<4x128xi32, #tpu.memory_space<hbm>>
    %dma_start3A_482 = arith.constant 0 : i32
    %dma_start3A_483 = arith.constant 0 : i32
    %dma_start3A_484 = tpu.memref_slice %arg6[%dma_start3A_475, %dma_start3A_482, %dma_start3A_483] : memref<26x4x128xi32, #tpu.memory_space<vmem>> -> memref<1x4x128xi32, #tpu.memory_space<vmem>>
    %dma_start3A_485 = tpu.memref_squeeze %dma_start3A_484 : memref<1x4x128xi32, #tpu.memory_space<vmem>> -> memref<4x128xi32, #tpu.memory_space<vmem>>
    %dma_start3A_486 = arith.constant 0 : i32
    %dma_start3A_487 = tpu.memref_slice %arg2[%add3A_474, %dma_start3A_486] : memref<3328x128xi32, #tpu.memory_space<hbm>> -> memref<4x128xi32, #tpu.memory_space<hbm>>
    tpu.enqueue_dma source(%dma_start3A_487 : memref<4x128xi32, #tpu.memory_space<hbm>>) target(%dma_start3A_485 : memref<4x128xi32, #tpu.memory_space<vmem>>) target_semaphore(%arg9 : memref<!tpu.dma_semaphore, #tpu.memory_space<semaphore_mem>>)
    %mul3A_488 = arith.constant 4 : i32
    %mul3A_489 = arith.muli %add3A, %mul3A_488 : i32
    %add3A_490 = arith.constant 3072 : i32
    %add3A_491 = arith.addi %add3A_490, %mul3A_489 : i32
    %dma_start3A_492 = arith.constant 24 : i32
    %dma_start3A_493 = arith.constant 0 : i32
    %dma_start3A_494 = arith.constant 0 : i32
    %dma_start3A_495 = tpu.memref_slice %arg6[%dma_start3A_492, %dma_start3A_493, %dma_start3A_494] : memref<26x4x128xi32, #tpu.memory_space<vmem>> -> memref<1x4x128xi32, #tpu.memory_space<vmem>>
    %dma_start3A_496 = tpu.memref_squeeze %dma_start3A_495 : memref<1x4x128xi32, #tpu.memory_space<vmem>> -> memref<4x128xi32, #tpu.memory_space<vmem>>
    %dma_start3A_497 = arith.constant 0 : i32
    %dma_start3A_498 = tpu.memref_slice %arg2[%add3A_491, %dma_start3A_497] : memref<3328x128xi32, #tpu.memory_space<hbm>> -> memref<4x128xi32, #tpu.memory_space<hbm>>
    %dma_start3A_499 = arith.constant 0 : i32
    %dma_start3A_500 = arith.constant 0 : i32
    %dma_start3A_501 = tpu.memref_slice %arg6[%dma_start3A_492, %dma_start3A_499, %dma_start3A_500] : memref<26x4x128xi32, #tpu.memory_space<vmem>> -> memref<1x4x128xi32, #tpu.memory_space<vmem>>
    %dma_start3A_502 = tpu.memref_squeeze %dma_start3A_501 : memref<1x4x128xi32, #tpu.memory_space<vmem>> -> memref<4x128xi32, #tpu.memory_space<vmem>>
    %dma_start3A_503 = arith.constant 0 : i32
    %dma_start3A_504 = tpu.memref_slice %arg2[%add3A_491, %dma_start3A_503] : memref<3328x128xi32, #tpu.memory_space<hbm>> -> memref<4x128xi32, #tpu.memory_space<hbm>>
    tpu.enqueue_dma source(%dma_start3A_504 : memref<4x128xi32, #tpu.memory_space<hbm>>) target(%dma_start3A_502 : memref<4x128xi32, #tpu.memory_space<vmem>>) target_semaphore(%arg9 : memref<!tpu.dma_semaphore, #tpu.memory_space<semaphore_mem>>)
    %mul3A_505 = arith.constant 4 : i32
    %mul3A_506 = arith.muli %add3A, %mul3A_505 : i32
    %add3A_507 = arith.constant 3200 : i32
    %add3A_508 = arith.addi %add3A_507, %mul3A_506 : i32
    %dma_start3A_509 = arith.constant 25 : i32
    %dma_start3A_510 = arith.constant 0 : i32
    %dma_start3A_511 = arith.constant 0 : i32
    %dma_start3A_512 = tpu.memref_slice %arg6[%dma_start3A_509, %dma_start3A_510, %dma_start3A_511] : memref<26x4x128xi32, #tpu.memory_space<vmem>> -> memref<1x4x128xi32, #tpu.memory_space<vmem>>
    %dma_start3A_513 = tpu.memref_squeeze %dma_start3A_512 : memref<1x4x128xi32, #tpu.memory_space<vmem>> -> memref<4x128xi32, #tpu.memory_space<vmem>>
    %dma_start3A_514 = arith.constant 0 : i32
    %dma_start3A_515 = tpu.memref_slice %arg2[%add3A_508, %dma_start3A_514] : memref<3328x128xi32, #tpu.memory_space<hbm>> -> memref<4x128xi32, #tpu.memory_space<hbm>>
    %dma_start3A_516 = arith.constant 0 : i32
    %dma_start3A_517 = arith.constant 0 : i32
    %dma_start3A_518 = tpu.memref_slice %arg6[%dma_start3A_509, %dma_start3A_516, %dma_start3A_517] : memref<26x4x128xi32, #tpu.memory_space<vmem>> -> memref<1x4x128xi32, #tpu.memory_space<vmem>>
    %dma_start3A_519 = tpu.memref_squeeze %dma_start3A_518 : memref<1x4x128xi32, #tpu.memory_space<vmem>> -> memref<4x128xi32, #tpu.memory_space<vmem>>
    %dma_start3A_520 = arith.constant 0 : i32
    %dma_start3A_521 = tpu.memref_slice %arg2[%add3A_508, %dma_start3A_520] : memref<3328x128xi32, #tpu.memory_space<hbm>> -> memref<4x128xi32, #tpu.memory_space<hbm>>
    tpu.enqueue_dma source(%dma_start3A_521 : memref<4x128xi32, #tpu.memory_space<hbm>>) target(%dma_start3A_519 : memref<4x128xi32, #tpu.memory_space<vmem>>) target_semaphore(%arg9 : memref<!tpu.dma_semaphore, #tpu.memory_space<semaphore_mem>>)
    %dma_wait3A = arith.constant 0 : i32
    %dma_wait3A_522 = arith.constant 0 : i32
    %dma_wait3A_523 = arith.constant 0 : i32
    %dma_wait3A_524 = tpu.memref_slice %arg6[%dma_wait3A, %dma_wait3A_522, %dma_wait3A_523] : memref<26x4x128xi32, #tpu.memory_space<vmem>> -> memref<1x4x128xi32, #tpu.memory_space<vmem>>
    %dma_wait3A_525 = tpu.memref_squeeze %dma_wait3A_524 : memref<1x4x128xi32, #tpu.memory_space<vmem>> -> memref<4x128xi32, #tpu.memory_space<vmem>>
    %dma_wait3A_526 = arith.constant 0 : i32
    %dma_wait3A_527 = tpu.memref_slice %arg2[%add3A_83, %dma_wait3A_526] : memref<3328x128xi32, #tpu.memory_space<hbm>> -> memref<4x128xi32, #tpu.memory_space<hbm>>
    %dma_wait3A_528 = arith.constant 0 : i32
    %dma_wait3A_529 = arith.constant 0 : i32
    %dma_wait3A_530 = tpu.memref_slice %arg6[%dma_wait3A, %dma_wait3A_528, %dma_wait3A_529] : memref<26x4x128xi32, #tpu.memory_space<vmem>> -> memref<1x4x128xi32, #tpu.memory_space<vmem>>
    %dma_wait3A_531 = tpu.memref_squeeze %dma_wait3A_530 : memref<1x4x128xi32, #tpu.memory_space<vmem>> -> memref<4x128xi32, #tpu.memory_space<vmem>>
    %dma_wait3A_532 = arith.constant 0 : i32
    %dma_wait3A_533 = tpu.memref_slice %arg2[%add3A_83, %dma_wait3A_532] : memref<3328x128xi32, #tpu.memory_space<hbm>> -> memref<4x128xi32, #tpu.memory_space<hbm>>
    tpu.wait_dma2 semaphore(%arg9 : memref<!tpu.dma_semaphore, #tpu.memory_space<semaphore_mem>>) src(%dma_wait3A_533 : memref<4x128xi32, #tpu.memory_space<hbm>>) dst(%dma_wait3A_531 : memref<4x128xi32, #tpu.memory_space<vmem>>)
    %dma_wait3A_534 = arith.constant 1 : i32
    %dma_wait3A_535 = arith.constant 0 : i32
    %dma_wait3A_536 = arith.constant 0 : i32
    %dma_wait3A_537 = tpu.memref_slice %arg6[%dma_wait3A_534, %dma_wait3A_535, %dma_wait3A_536] : memref<26x4x128xi32, #tpu.memory_space<vmem>> -> memref<1x4x128xi32, #tpu.memory_space<vmem>>
    %dma_wait3A_538 = tpu.memref_squeeze %dma_wait3A_537 : memref<1x4x128xi32, #tpu.memory_space<vmem>> -> memref<4x128xi32, #tpu.memory_space<vmem>>
    %dma_wait3A_539 = arith.constant 0 : i32
    %dma_wait3A_540 = tpu.memref_slice %arg2[%add3A_100, %dma_wait3A_539] : memref<3328x128xi32, #tpu.memory_space<hbm>> -> memref<4x128xi32, #tpu.memory_space<hbm>>
    %dma_wait3A_541 = arith.constant 0 : i32
    %dma_wait3A_542 = arith.constant 0 : i32
    %dma_wait3A_543 = tpu.memref_slice %arg6[%dma_wait3A_534, %dma_wait3A_541, %dma_wait3A_542] : memref<26x4x128xi32, #tpu.memory_space<vmem>> -> memref<1x4x128xi32, #tpu.memory_space<vmem>>
    %dma_wait3A_544 = tpu.memref_squeeze %dma_wait3A_543 : memref<1x4x128xi32, #tpu.memory_space<vmem>> -> memref<4x128xi32, #tpu.memory_space<vmem>>
    %dma_wait3A_545 = arith.constant 0 : i32
    %dma_wait3A_546 = tpu.memref_slice %arg2[%add3A_100, %dma_wait3A_545] : memref<3328x128xi32, #tpu.memory_space<hbm>> -> memref<4x128xi32, #tpu.memory_space<hbm>>
    tpu.wait_dma2 semaphore(%arg9 : memref<!tpu.dma_semaphore, #tpu.memory_space<semaphore_mem>>) src(%dma_wait3A_546 : memref<4x128xi32, #tpu.memory_space<hbm>>) dst(%dma_wait3A_544 : memref<4x128xi32, #tpu.memory_space<vmem>>)
    %dma_wait3A_547 = arith.constant 2 : i32
    %dma_wait3A_548 = arith.constant 0 : i32
    %dma_wait3A_549 = arith.constant 0 : i32
    %dma_wait3A_550 = tpu.memref_slice %arg6[%dma_wait3A_547, %dma_wait3A_548, %dma_wait3A_549] : memref<26x4x128xi32, #tpu.memory_space<vmem>> -> memref<1x4x128xi32, #tpu.memory_space<vmem>>
    %dma_wait3A_551 = tpu.memref_squeeze %dma_wait3A_550 : memref<1x4x128xi32, #tpu.memory_space<vmem>> -> memref<4x128xi32, #tpu.memory_space<vmem>>
    %dma_wait3A_552 = arith.constant 0 : i32
    %dma_wait3A_553 = tpu.memref_slice %arg2[%add3A_117, %dma_wait3A_552] : memref<3328x128xi32, #tpu.memory_space<hbm>> -> memref<4x128xi32, #tpu.memory_space<hbm>>
    %dma_wait3A_554 = arith.constant 0 : i32
    %dma_wait3A_555 = arith.constant 0 : i32
    %dma_wait3A_556 = tpu.memref_slice %arg6[%dma_wait3A_547, %dma_wait3A_554, %dma_wait3A_555] : memref<26x4x128xi32, #tpu.memory_space<vmem>> -> memref<1x4x128xi32, #tpu.memory_space<vmem>>
    %dma_wait3A_557 = tpu.memref_squeeze %dma_wait3A_556 : memref<1x4x128xi32, #tpu.memory_space<vmem>> -> memref<4x128xi32, #tpu.memory_space<vmem>>
    %dma_wait3A_558 = arith.constant 0 : i32
    %dma_wait3A_559 = tpu.memref_slice %arg2[%add3A_117, %dma_wait3A_558] : memref<3328x128xi32, #tpu.memory_space<hbm>> -> memref<4x128xi32, #tpu.memory_space<hbm>>
    tpu.wait_dma2 semaphore(%arg9 : memref<!tpu.dma_semaphore, #tpu.memory_space<semaphore_mem>>) src(%dma_wait3A_559 : memref<4x128xi32, #tpu.memory_space<hbm>>) dst(%dma_wait3A_557 : memref<4x128xi32, #tpu.memory_space<vmem>>)
    %dma_wait3A_560 = arith.constant 3 : i32
    %dma_wait3A_561 = arith.constant 0 : i32
    %dma_wait3A_562 = arith.constant 0 : i32
    %dma_wait3A_563 = tpu.memref_slice %arg6[%dma_wait3A_560, %dma_wait3A_561, %dma_wait3A_562] : memref<26x4x128xi32, #tpu.memory_space<vmem>> -> memref<1x4x128xi32, #tpu.memory_space<vmem>>
    %dma_wait3A_564 = tpu.memref_squeeze %dma_wait3A_563 : memref<1x4x128xi32, #tpu.memory_space<vmem>> -> memref<4x128xi32, #tpu.memory_space<vmem>>
    %dma_wait3A_565 = arith.constant 0 : i32
    %dma_wait3A_566 = tpu.memref_slice %arg2[%add3A_134, %dma_wait3A_565] : memref<3328x128xi32, #tpu.memory_space<hbm>> -> memref<4x128xi32, #tpu.memory_space<hbm>>
    %dma_wait3A_567 = arith.constant 0 : i32
    %dma_wait3A_568 = arith.constant 0 : i32
    %dma_wait3A_569 = tpu.memref_slice %arg6[%dma_wait3A_560, %dma_wait3A_567, %dma_wait3A_568] : memref<26x4x128xi32, #tpu.memory_space<vmem>> -> memref<1x4x128xi32, #tpu.memory_space<vmem>>
    %dma_wait3A_570 = tpu.memref_squeeze %dma_wait3A_569 : memref<1x4x128xi32, #tpu.memory_space<vmem>> -> memref<4x128xi32, #tpu.memory_space<vmem>>
    %dma_wait3A_571 = arith.constant 0 : i32
    %dma_wait3A_572 = tpu.memref_slice %arg2[%add3A_134, %dma_wait3A_571] : memref<3328x128xi32, #tpu.memory_space<hbm>> -> memref<4x128xi32, #tpu.memory_space<hbm>>
    tpu.wait_dma2 semaphore(%arg9 : memref<!tpu.dma_semaphore, #tpu.memory_space<semaphore_mem>>) src(%dma_wait3A_572 : memref<4x128xi32, #tpu.memory_space<hbm>>) dst(%dma_wait3A_570 : memref<4x128xi32, #tpu.memory_space<vmem>>)
    %dma_wait3A_573 = arith.constant 4 : i32
    %dma_wait3A_574 = arith.constant 0 : i32
    %dma_wait3A_575 = arith.constant 0 : i32
    %dma_wait3A_576 = tpu.memref_slice %arg6[%dma_wait3A_573, %dma_wait3A_574, %dma_wait3A_575] : memref<26x4x128xi32, #tpu.memory_space<vmem>> -> memref<1x4x128xi32, #tpu.memory_space<vmem>>
    %dma_wait3A_577 = tpu.memref_squeeze %dma_wait3A_576 : memref<1x4x128xi32, #tpu.memory_space<vmem>> -> memref<4x128xi32, #tpu.memory_space<vmem>>
    %dma_wait3A_578 = arith.constant 0 : i32
    %dma_wait3A_579 = tpu.memref_slice %arg2[%add3A_151, %dma_wait3A_578] : memref<3328x128xi32, #tpu.memory_space<hbm>> -> memref<4x128xi32, #tpu.memory_space<hbm>>
    %dma_wait3A_580 = arith.constant 0 : i32
    %dma_wait3A_581 = arith.constant 0 : i32
    %dma_wait3A_582 = tpu.memref_slice %arg6[%dma_wait3A_573, %dma_wait3A_580, %dma_wait3A_581] : memref<26x4x128xi32, #tpu.memory_space<vmem>> -> memref<1x4x128xi32, #tpu.memory_space<vmem>>
    %dma_wait3A_583 = tpu.memref_squeeze %dma_wait3A_582 : memref<1x4x128xi32, #tpu.memory_space<vmem>> -> memref<4x128xi32, #tpu.memory_space<vmem>>
    %dma_wait3A_584 = arith.constant 0 : i32
    %dma_wait3A_585 = tpu.memref_slice %arg2[%add3A_151, %dma_wait3A_584] : memref<3328x128xi32, #tpu.memory_space<hbm>> -> memref<4x128xi32, #tpu.memory_space<hbm>>
    tpu.wait_dma2 semaphore(%arg9 : memref<!tpu.dma_semaphore, #tpu.memory_space<semaphore_mem>>) src(%dma_wait3A_585 : memref<4x128xi32, #tpu.memory_space<hbm>>) dst(%dma_wait3A_583 : memref<4x128xi32, #tpu.memory_space<vmem>>)
    %dma_wait3A_586 = arith.constant 5 : i32
    %dma_wait3A_587 = arith.constant 0 : i32
    %dma_wait3A_588 = arith.constant 0 : i32
    %dma_wait3A_589 = tpu.memref_slice %arg6[%dma_wait3A_586, %dma_wait3A_587, %dma_wait3A_588] : memref<26x4x128xi32, #tpu.memory_space<vmem>> -> memref<1x4x128xi32, #tpu.memory_space<vmem>>
    %dma_wait3A_590 = tpu.memref_squeeze %dma_wait3A_589 : memref<1x4x128xi32, #tpu.memory_space<vmem>> -> memref<4x128xi32, #tpu.memory_space<vmem>>
    %dma_wait3A_591 = arith.constant 0 : i32
    %dma_wait3A_592 = tpu.memref_slice %arg2[%add3A_168, %dma_wait3A_591] : memref<3328x128xi32, #tpu.memory_space<hbm>> -> memref<4x128xi32, #tpu.memory_space<hbm>>
    %dma_wait3A_593 = arith.constant 0 : i32
    %dma_wait3A_594 = arith.constant 0 : i32
    %dma_wait3A_595 = tpu.memref_slice %arg6[%dma_wait3A_586, %dma_wait3A_593, %dma_wait3A_594] : memref<26x4x128xi32, #tpu.memory_space<vmem>> -> memref<1x4x128xi32, #tpu.memory_space<vmem>>
    %dma_wait3A_596 = tpu.memref_squeeze %dma_wait3A_595 : memref<1x4x128xi32, #tpu.memory_space<vmem>> -> memref<4x128xi32, #tpu.memory_space<vmem>>
    %dma_wait3A_597 = arith.constant 0 : i32
    %dma_wait3A_598 = tpu.memref_slice %arg2[%add3A_168, %dma_wait3A_597] : memref<3328x128xi32, #tpu.memory_space<hbm>> -> memref<4x128xi32, #tpu.memory_space<hbm>>
    tpu.wait_dma2 semaphore(%arg9 : memref<!tpu.dma_semaphore, #tpu.memory_space<semaphore_mem>>) src(%dma_wait3A_598 : memref<4x128xi32, #tpu.memory_space<hbm>>) dst(%dma_wait3A_596 : memref<4x128xi32, #tpu.memory_space<vmem>>)
    %dma_wait3A_599 = arith.constant 6 : i32
    %dma_wait3A_600 = arith.constant 0 : i32
    %dma_wait3A_601 = arith.constant 0 : i32
    %dma_wait3A_602 = tpu.memref_slice %arg6[%dma_wait3A_599, %dma_wait3A_600, %dma_wait3A_601] : memref<26x4x128xi32, #tpu.memory_space<vmem>> -> memref<1x4x128xi32, #tpu.memory_space<vmem>>
    %dma_wait3A_603 = tpu.memref_squeeze %dma_wait3A_602 : memref<1x4x128xi32, #tpu.memory_space<vmem>> -> memref<4x128xi32, #tpu.memory_space<vmem>>
    %dma_wait3A_604 = arith.constant 0 : i32
    %dma_wait3A_605 = tpu.memref_slice %arg2[%add3A_185, %dma_wait3A_604] : memref<3328x128xi32, #tpu.memory_space<hbm>> -> memref<4x128xi32, #tpu.memory_space<hbm>>
    %dma_wait3A_606 = arith.constant 0 : i32
    %dma_wait3A_607 = arith.constant 0 : i32
    %dma_wait3A_608 = tpu.memref_slice %arg6[%dma_wait3A_599, %dma_wait3A_606, %dma_wait3A_607] : memref<26x4x128xi32, #tpu.memory_space<vmem>> -> memref<1x4x128xi32, #tpu.memory_space<vmem>>
    %dma_wait3A_609 = tpu.memref_squeeze %dma_wait3A_608 : memref<1x4x128xi32, #tpu.memory_space<vmem>> -> memref<4x128xi32, #tpu.memory_space<vmem>>
    %dma_wait3A_610 = arith.constant 0 : i32
    %dma_wait3A_611 = tpu.memref_slice %arg2[%add3A_185, %dma_wait3A_610] : memref<3328x128xi32, #tpu.memory_space<hbm>> -> memref<4x128xi32, #tpu.memory_space<hbm>>
    tpu.wait_dma2 semaphore(%arg9 : memref<!tpu.dma_semaphore, #tpu.memory_space<semaphore_mem>>) src(%dma_wait3A_611 : memref<4x128xi32, #tpu.memory_space<hbm>>) dst(%dma_wait3A_609 : memref<4x128xi32, #tpu.memory_space<vmem>>)
    %dma_wait3A_612 = arith.constant 7 : i32
    %dma_wait3A_613 = arith.constant 0 : i32
    %dma_wait3A_614 = arith.constant 0 : i32
    %dma_wait3A_615 = tpu.memref_slice %arg6[%dma_wait3A_612, %dma_wait3A_613, %dma_wait3A_614] : memref<26x4x128xi32, #tpu.memory_space<vmem>> -> memref<1x4x128xi32, #tpu.memory_space<vmem>>
    %dma_wait3A_616 = tpu.memref_squeeze %dma_wait3A_615 : memref<1x4x128xi32, #tpu.memory_space<vmem>> -> memref<4x128xi32, #tpu.memory_space<vmem>>
    %dma_wait3A_617 = arith.constant 0 : i32
    %dma_wait3A_618 = tpu.memref_slice %arg2[%add3A_202, %dma_wait3A_617] : memref<3328x128xi32, #tpu.memory_space<hbm>> -> memref<4x128xi32, #tpu.memory_space<hbm>>
    %dma_wait3A_619 = arith.constant 0 : i32
    %dma_wait3A_620 = arith.constant 0 : i32
    %dma_wait3A_621 = tpu.memref_slice %arg6[%dma_wait3A_612, %dma_wait3A_619, %dma_wait3A_620] : memref<26x4x128xi32, #tpu.memory_space<vmem>> -> memref<1x4x128xi32, #tpu.memory_space<vmem>>
    %dma_wait3A_622 = tpu.memref_squeeze %dma_wait3A_621 : memref<1x4x128xi32, #tpu.memory_space<vmem>> -> memref<4x128xi32, #tpu.memory_space<vmem>>
    %dma_wait3A_623 = arith.constant 0 : i32
    %dma_wait3A_624 = tpu.memref_slice %arg2[%add3A_202, %dma_wait3A_623] : memref<3328x128xi32, #tpu.memory_space<hbm>> -> memref<4x128xi32, #tpu.memory_space<hbm>>
    tpu.wait_dma2 semaphore(%arg9 : memref<!tpu.dma_semaphore, #tpu.memory_space<semaphore_mem>>) src(%dma_wait3A_624 : memref<4x128xi32, #tpu.memory_space<hbm>>) dst(%dma_wait3A_622 : memref<4x128xi32, #tpu.memory_space<vmem>>)
    %dma_wait3A_625 = arith.constant 8 : i32
    %dma_wait3A_626 = arith.constant 0 : i32
    %dma_wait3A_627 = arith.constant 0 : i32
    %dma_wait3A_628 = tpu.memref_slice %arg6[%dma_wait3A_625, %dma_wait3A_626, %dma_wait3A_627] : memref<26x4x128xi32, #tpu.memory_space<vmem>> -> memref<1x4x128xi32, #tpu.memory_space<vmem>>
    %dma_wait3A_629 = tpu.memref_squeeze %dma_wait3A_628 : memref<1x4x128xi32, #tpu.memory_space<vmem>> -> memref<4x128xi32, #tpu.memory_space<vmem>>
    %dma_wait3A_630 = arith.constant 0 : i32
    %dma_wait3A_631 = tpu.memref_slice %arg2[%add3A_219, %dma_wait3A_630] : memref<3328x128xi32, #tpu.memory_space<hbm>> -> memref<4x128xi32, #tpu.memory_space<hbm>>
    %dma_wait3A_632 = arith.constant 0 : i32
    %dma_wait3A_633 = arith.constant 0 : i32
    %dma_wait3A_634 = tpu.memref_slice %arg6[%dma_wait3A_625, %dma_wait3A_632, %dma_wait3A_633] : memref<26x4x128xi32, #tpu.memory_space<vmem>> -> memref<1x4x128xi32, #tpu.memory_space<vmem>>
    %dma_wait3A_635 = tpu.memref_squeeze %dma_wait3A_634 : memref<1x4x128xi32, #tpu.memory_space<vmem>> -> memref<4x128xi32, #tpu.memory_space<vmem>>
    %dma_wait3A_636 = arith.constant 0 : i32
    %dma_wait3A_637 = tpu.memref_slice %arg2[%add3A_219, %dma_wait3A_636] : memref<3328x128xi32, #tpu.memory_space<hbm>> -> memref<4x128xi32, #tpu.memory_space<hbm>>
    tpu.wait_dma2 semaphore(%arg9 : memref<!tpu.dma_semaphore, #tpu.memory_space<semaphore_mem>>) src(%dma_wait3A_637 : memref<4x128xi32, #tpu.memory_space<hbm>>) dst(%dma_wait3A_635 : memref<4x128xi32, #tpu.memory_space<vmem>>)
    %dma_wait3A_638 = arith.constant 9 : i32
    %dma_wait3A_639 = arith.constant 0 : i32
    %dma_wait3A_640 = arith.constant 0 : i32
    %dma_wait3A_641 = tpu.memref_slice %arg6[%dma_wait3A_638, %dma_wait3A_639, %dma_wait3A_640] : memref<26x4x128xi32, #tpu.memory_space<vmem>> -> memref<1x4x128xi32, #tpu.memory_space<vmem>>
    %dma_wait3A_642 = tpu.memref_squeeze %dma_wait3A_641 : memref<1x4x128xi32, #tpu.memory_space<vmem>> -> memref<4x128xi32, #tpu.memory_space<vmem>>
    %dma_wait3A_643 = arith.constant 0 : i32
    %dma_wait3A_644 = tpu.memref_slice %arg2[%add3A_236, %dma_wait3A_643] : memref<3328x128xi32, #tpu.memory_space<hbm>> -> memref<4x128xi32, #tpu.memory_space<hbm>>
    %dma_wait3A_645 = arith.constant 0 : i32
    %dma_wait3A_646 = arith.constant 0 : i32
    %dma_wait3A_647 = tpu.memref_slice %arg6[%dma_wait3A_638, %dma_wait3A_645, %dma_wait3A_646] : memref<26x4x128xi32, #tpu.memory_space<vmem>> -> memref<1x4x128xi32, #tpu.memory_space<vmem>>
    %dma_wait3A_648 = tpu.memref_squeeze %dma_wait3A_647 : memref<1x4x128xi32, #tpu.memory_space<vmem>> -> memref<4x128xi32, #tpu.memory_space<vmem>>
    %dma_wait3A_649 = arith.constant 0 : i32
    %dma_wait3A_650 = tpu.memref_slice %arg2[%add3A_236, %dma_wait3A_649] : memref<3328x128xi32, #tpu.memory_space<hbm>> -> memref<4x128xi32, #tpu.memory_space<hbm>>
    tpu.wait_dma2 semaphore(%arg9 : memref<!tpu.dma_semaphore, #tpu.memory_space<semaphore_mem>>) src(%dma_wait3A_650 : memref<4x128xi32, #tpu.memory_space<hbm>>) dst(%dma_wait3A_648 : memref<4x128xi32, #tpu.memory_space<vmem>>)
    %dma_wait3A_651 = arith.constant 10 : i32
    %dma_wait3A_652 = arith.constant 0 : i32
    %dma_wait3A_653 = arith.constant 0 : i32
    %dma_wait3A_654 = tpu.memref_slice %arg6[%dma_wait3A_651, %dma_wait3A_652, %dma_wait3A_653] : memref<26x4x128xi32, #tpu.memory_space<vmem>> -> memref<1x4x128xi32, #tpu.memory_space<vmem>>
    %dma_wait3A_655 = tpu.memref_squeeze %dma_wait3A_654 : memref<1x4x128xi32, #tpu.memory_space<vmem>> -> memref<4x128xi32, #tpu.memory_space<vmem>>
    %dma_wait3A_656 = arith.constant 0 : i32
    %dma_wait3A_657 = tpu.memref_slice %arg2[%add3A_253, %dma_wait3A_656] : memref<3328x128xi32, #tpu.memory_space<hbm>> -> memref<4x128xi32, #tpu.memory_space<hbm>>
    %dma_wait3A_658 = arith.constant 0 : i32
    %dma_wait3A_659 = arith.constant 0 : i32
    %dma_wait3A_660 = tpu.memref_slice %arg6[%dma_wait3A_651, %dma_wait3A_658, %dma_wait3A_659] : memref<26x4x128xi32, #tpu.memory_space<vmem>> -> memref<1x4x128xi32, #tpu.memory_space<vmem>>
    %dma_wait3A_661 = tpu.memref_squeeze %dma_wait3A_660 : memref<1x4x128xi32, #tpu.memory_space<vmem>> -> memref<4x128xi32, #tpu.memory_space<vmem>>
    %dma_wait3A_662 = arith.constant 0 : i32
    %dma_wait3A_663 = tpu.memref_slice %arg2[%add3A_253, %dma_wait3A_662] : memref<3328x128xi32, #tpu.memory_space<hbm>> -> memref<4x128xi32, #tpu.memory_space<hbm>>
    tpu.wait_dma2 semaphore(%arg9 : memref<!tpu.dma_semaphore, #tpu.memory_space<semaphore_mem>>) src(%dma_wait3A_663 : memref<4x128xi32, #tpu.memory_space<hbm>>) dst(%dma_wait3A_661 : memref<4x128xi32, #tpu.memory_space<vmem>>)
    %dma_wait3A_664 = arith.constant 11 : i32
    %dma_wait3A_665 = arith.constant 0 : i32
    %dma_wait3A_666 = arith.constant 0 : i32
    %dma_wait3A_667 = tpu.memref_slice %arg6[%dma_wait3A_664, %dma_wait3A_665, %dma_wait3A_666] : memref<26x4x128xi32, #tpu.memory_space<vmem>> -> memref<1x4x128xi32, #tpu.memory_space<vmem>>
    %dma_wait3A_668 = tpu.memref_squeeze %dma_wait3A_667 : memref<1x4x128xi32, #tpu.memory_space<vmem>> -> memref<4x128xi32, #tpu.memory_space<vmem>>
    %dma_wait3A_669 = arith.constant 0 : i32
    %dma_wait3A_670 = tpu.memref_slice %arg2[%add3A_270, %dma_wait3A_669] : memref<3328x128xi32, #tpu.memory_space<hbm>> -> memref<4x128xi32, #tpu.memory_space<hbm>>
    %dma_wait3A_671 = arith.constant 0 : i32
    %dma_wait3A_672 = arith.constant 0 : i32
    %dma_wait3A_673 = tpu.memref_slice %arg6[%dma_wait3A_664, %dma_wait3A_671, %dma_wait3A_672] : memref<26x4x128xi32, #tpu.memory_space<vmem>> -> memref<1x4x128xi32, #tpu.memory_space<vmem>>
    %dma_wait3A_674 = tpu.memref_squeeze %dma_wait3A_673 : memref<1x4x128xi32, #tpu.memory_space<vmem>> -> memref<4x128xi32, #tpu.memory_space<vmem>>
    %dma_wait3A_675 = arith.constant 0 : i32
    %dma_wait3A_676 = tpu.memref_slice %arg2[%add3A_270, %dma_wait3A_675] : memref<3328x128xi32, #tpu.memory_space<hbm>> -> memref<4x128xi32, #tpu.memory_space<hbm>>
    tpu.wait_dma2 semaphore(%arg9 : memref<!tpu.dma_semaphore, #tpu.memory_space<semaphore_mem>>) src(%dma_wait3A_676 : memref<4x128xi32, #tpu.memory_space<hbm>>) dst(%dma_wait3A_674 : memref<4x128xi32, #tpu.memory_space<vmem>>)
    %dma_wait3A_677 = arith.constant 12 : i32
    %dma_wait3A_678 = arith.constant 0 : i32
    %dma_wait3A_679 = arith.constant 0 : i32
    %dma_wait3A_680 = tpu.memref_slice %arg6[%dma_wait3A_677, %dma_wait3A_678, %dma_wait3A_679] : memref<26x4x128xi32, #tpu.memory_space<vmem>> -> memref<1x4x128xi32, #tpu.memory_space<vmem>>
    %dma_wait3A_681 = tpu.memref_squeeze %dma_wait3A_680 : memref<1x4x128xi32, #tpu.memory_space<vmem>> -> memref<4x128xi32, #tpu.memory_space<vmem>>
    %dma_wait3A_682 = arith.constant 0 : i32
    %dma_wait3A_683 = tpu.memref_slice %arg2[%add3A_287, %dma_wait3A_682] : memref<3328x128xi32, #tpu.memory_space<hbm>> -> memref<4x128xi32, #tpu.memory_space<hbm>>
    %dma_wait3A_684 = arith.constant 0 : i32
    %dma_wait3A_685 = arith.constant 0 : i32
    %dma_wait3A_686 = tpu.memref_slice %arg6[%dma_wait3A_677, %dma_wait3A_684, %dma_wait3A_685] : memref<26x4x128xi32, #tpu.memory_space<vmem>> -> memref<1x4x128xi32, #tpu.memory_space<vmem>>
    %dma_wait3A_687 = tpu.memref_squeeze %dma_wait3A_686 : memref<1x4x128xi32, #tpu.memory_space<vmem>> -> memref<4x128xi32, #tpu.memory_space<vmem>>
    %dma_wait3A_688 = arith.constant 0 : i32
    %dma_wait3A_689 = tpu.memref_slice %arg2[%add3A_287, %dma_wait3A_688] : memref<3328x128xi32, #tpu.memory_space<hbm>> -> memref<4x128xi32, #tpu.memory_space<hbm>>
    tpu.wait_dma2 semaphore(%arg9 : memref<!tpu.dma_semaphore, #tpu.memory_space<semaphore_mem>>) src(%dma_wait3A_689 : memref<4x128xi32, #tpu.memory_space<hbm>>) dst(%dma_wait3A_687 : memref<4x128xi32, #tpu.memory_space<vmem>>)
    %dma_wait3A_690 = arith.constant 13 : i32
    %dma_wait3A_691 = arith.constant 0 : i32
    %dma_wait3A_692 = arith.constant 0 : i32
    %dma_wait3A_693 = tpu.memref_slice %arg6[%dma_wait3A_690, %dma_wait3A_691, %dma_wait3A_692] : memref<26x4x128xi32, #tpu.memory_space<vmem>> -> memref<1x4x128xi32, #tpu.memory_space<vmem>>
    %dma_wait3A_694 = tpu.memref_squeeze %dma_wait3A_693 : memref<1x4x128xi32, #tpu.memory_space<vmem>> -> memref<4x128xi32, #tpu.memory_space<vmem>>
    %dma_wait3A_695 = arith.constant 0 : i32
    %dma_wait3A_696 = tpu.memref_slice %arg2[%add3A_304, %dma_wait3A_695] : memref<3328x128xi32, #tpu.memory_space<hbm>> -> memref<4x128xi32, #tpu.memory_space<hbm>>
    %dma_wait3A_697 = arith.constant 0 : i32
    %dma_wait3A_698 = arith.constant 0 : i32
    %dma_wait3A_699 = tpu.memref_slice %arg6[%dma_wait3A_690, %dma_wait3A_697, %dma_wait3A_698] : memref<26x4x128xi32, #tpu.memory_space<vmem>> -> memref<1x4x128xi32, #tpu.memory_space<vmem>>
    %dma_wait3A_700 = tpu.memref_squeeze %dma_wait3A_699 : memref<1x4x128xi32, #tpu.memory_space<vmem>> -> memref<4x128xi32, #tpu.memory_space<vmem>>
    %dma_wait3A_701 = arith.constant 0 : i32
    %dma_wait3A_702 = tpu.memref_slice %arg2[%add3A_304, %dma_wait3A_701] : memref<3328x128xi32, #tpu.memory_space<hbm>> -> memref<4x128xi32, #tpu.memory_space<hbm>>
    tpu.wait_dma2 semaphore(%arg9 : memref<!tpu.dma_semaphore, #tpu.memory_space<semaphore_mem>>) src(%dma_wait3A_702 : memref<4x128xi32, #tpu.memory_space<hbm>>) dst(%dma_wait3A_700 : memref<4x128xi32, #tpu.memory_space<vmem>>)
    %dma_wait3A_703 = arith.constant 14 : i32
    %dma_wait3A_704 = arith.constant 0 : i32
    %dma_wait3A_705 = arith.constant 0 : i32
    %dma_wait3A_706 = tpu.memref_slice %arg6[%dma_wait3A_703, %dma_wait3A_704, %dma_wait3A_705] : memref<26x4x128xi32, #tpu.memory_space<vmem>> -> memref<1x4x128xi32, #tpu.memory_space<vmem>>
    %dma_wait3A_707 = tpu.memref_squeeze %dma_wait3A_706 : memref<1x4x128xi32, #tpu.memory_space<vmem>> -> memref<4x128xi32, #tpu.memory_space<vmem>>
    %dma_wait3A_708 = arith.constant 0 : i32
    %dma_wait3A_709 = tpu.memref_slice %arg2[%add3A_321, %dma_wait3A_708] : memref<3328x128xi32, #tpu.memory_space<hbm>> -> memref<4x128xi32, #tpu.memory_space<hbm>>
    %dma_wait3A_710 = arith.constant 0 : i32
    %dma_wait3A_711 = arith.constant 0 : i32
    %dma_wait3A_712 = tpu.memref_slice %arg6[%dma_wait3A_703, %dma_wait3A_710, %dma_wait3A_711] : memref<26x4x128xi32, #tpu.memory_space<vmem>> -> memref<1x4x128xi32, #tpu.memory_space<vmem>>
    %dma_wait3A_713 = tpu.memref_squeeze %dma_wait3A_712 : memref<1x4x128xi32, #tpu.memory_space<vmem>> -> memref<4x128xi32, #tpu.memory_space<vmem>>
    %dma_wait3A_714 = arith.constant 0 : i32
    %dma_wait3A_715 = tpu.memref_slice %arg2[%add3A_321, %dma_wait3A_714] : memref<3328x128xi32, #tpu.memory_space<hbm>> -> memref<4x128xi32, #tpu.memory_space<hbm>>
    tpu.wait_dma2 semaphore(%arg9 : memref<!tpu.dma_semaphore, #tpu.memory_space<semaphore_mem>>) src(%dma_wait3A_715 : memref<4x128xi32, #tpu.memory_space<hbm>>) dst(%dma_wait3A_713 : memref<4x128xi32, #tpu.memory_space<vmem>>)
    %dma_wait3A_716 = arith.constant 15 : i32
    %dma_wait3A_717 = arith.constant 0 : i32
    %dma_wait3A_718 = arith.constant 0 : i32
    %dma_wait3A_719 = tpu.memref_slice %arg6[%dma_wait3A_716, %dma_wait3A_717, %dma_wait3A_718] : memref<26x4x128xi32, #tpu.memory_space<vmem>> -> memref<1x4x128xi32, #tpu.memory_space<vmem>>
    %dma_wait3A_720 = tpu.memref_squeeze %dma_wait3A_719 : memref<1x4x128xi32, #tpu.memory_space<vmem>> -> memref<4x128xi32, #tpu.memory_space<vmem>>
    %dma_wait3A_721 = arith.constant 0 : i32
    %dma_wait3A_722 = tpu.memref_slice %arg2[%add3A_338, %dma_wait3A_721] : memref<3328x128xi32, #tpu.memory_space<hbm>> -> memref<4x128xi32, #tpu.memory_space<hbm>>
    %dma_wait3A_723 = arith.constant 0 : i32
    %dma_wait3A_724 = arith.constant 0 : i32
    %dma_wait3A_725 = tpu.memref_slice %arg6[%dma_wait3A_716, %dma_wait3A_723, %dma_wait3A_724] : memref<26x4x128xi32, #tpu.memory_space<vmem>> -> memref<1x4x128xi32, #tpu.memory_space<vmem>>
    %dma_wait3A_726 = tpu.memref_squeeze %dma_wait3A_725 : memref<1x4x128xi32, #tpu.memory_space<vmem>> -> memref<4x128xi32, #tpu.memory_space<vmem>>
    %dma_wait3A_727 = arith.constant 0 : i32
    %dma_wait3A_728 = tpu.memref_slice %arg2[%add3A_338, %dma_wait3A_727] : memref<3328x128xi32, #tpu.memory_space<hbm>> -> memref<4x128xi32, #tpu.memory_space<hbm>>
    tpu.wait_dma2 semaphore(%arg9 : memref<!tpu.dma_semaphore, #tpu.memory_space<semaphore_mem>>) src(%dma_wait3A_728 : memref<4x128xi32, #tpu.memory_space<hbm>>) dst(%dma_wait3A_726 : memref<4x128xi32, #tpu.memory_space<vmem>>)
    %dma_wait3A_729 = arith.constant 16 : i32
    %dma_wait3A_730 = arith.constant 0 : i32
    %dma_wait3A_731 = arith.constant 0 : i32
    %dma_wait3A_732 = tpu.memref_slice %arg6[%dma_wait3A_729, %dma_wait3A_730, %dma_wait3A_731] : memref<26x4x128xi32, #tpu.memory_space<vmem>> -> memref<1x4x128xi32, #tpu.memory_space<vmem>>
    %dma_wait3A_733 = tpu.memref_squeeze %dma_wait3A_732 : memref<1x4x128xi32, #tpu.memory_space<vmem>> -> memref<4x128xi32, #tpu.memory_space<vmem>>
    %dma_wait3A_734 = arith.constant 0 : i32
    %dma_wait3A_735 = tpu.memref_slice %arg2[%add3A_355, %dma_wait3A_734] : memref<3328x128xi32, #tpu.memory_space<hbm>> -> memref<4x128xi32, #tpu.memory_space<hbm>>
    %dma_wait3A_736 = arith.constant 0 : i32
    %dma_wait3A_737 = arith.constant 0 : i32
    %dma_wait3A_738 = tpu.memref_slice %arg6[%dma_wait3A_729, %dma_wait3A_736, %dma_wait3A_737] : memref<26x4x128xi32, #tpu.memory_space<vmem>> -> memref<1x4x128xi32, #tpu.memory_space<vmem>>
    %dma_wait3A_739 = tpu.memref_squeeze %dma_wait3A_738 : memref<1x4x128xi32, #tpu.memory_space<vmem>> -> memref<4x128xi32, #tpu.memory_space<vmem>>
    %dma_wait3A_740 = arith.constant 0 : i32
    %dma_wait3A_741 = tpu.memref_slice %arg2[%add3A_355, %dma_wait3A_740] : memref<3328x128xi32, #tpu.memory_space<hbm>> -> memref<4x128xi32, #tpu.memory_space<hbm>>
    tpu.wait_dma2 semaphore(%arg9 : memref<!tpu.dma_semaphore, #tpu.memory_space<semaphore_mem>>) src(%dma_wait3A_741 : memref<4x128xi32, #tpu.memory_space<hbm>>) dst(%dma_wait3A_739 : memref<4x128xi32, #tpu.memory_space<vmem>>)
    %dma_wait3A_742 = arith.constant 17 : i32
    %dma_wait3A_743 = arith.constant 0 : i32
    %dma_wait3A_744 = arith.constant 0 : i32
    %dma_wait3A_745 = tpu.memref_slice %arg6[%dma_wait3A_742, %dma_wait3A_743, %dma_wait3A_744] : memref<26x4x128xi32, #tpu.memory_space<vmem>> -> memref<1x4x128xi32, #tpu.memory_space<vmem>>
    %dma_wait3A_746 = tpu.memref_squeeze %dma_wait3A_745 : memref<1x4x128xi32, #tpu.memory_space<vmem>> -> memref<4x128xi32, #tpu.memory_space<vmem>>
    %dma_wait3A_747 = arith.constant 0 : i32
    %dma_wait3A_748 = tpu.memref_slice %arg2[%add3A_372, %dma_wait3A_747] : memref<3328x128xi32, #tpu.memory_space<hbm>> -> memref<4x128xi32, #tpu.memory_space<hbm>>
    %dma_wait3A_749 = arith.constant 0 : i32
    %dma_wait3A_750 = arith.constant 0 : i32
    %dma_wait3A_751 = tpu.memref_slice %arg6[%dma_wait3A_742, %dma_wait3A_749, %dma_wait3A_750] : memref<26x4x128xi32, #tpu.memory_space<vmem>> -> memref<1x4x128xi32, #tpu.memory_space<vmem>>
    %dma_wait3A_752 = tpu.memref_squeeze %dma_wait3A_751 : memref<1x4x128xi32, #tpu.memory_space<vmem>> -> memref<4x128xi32, #tpu.memory_space<vmem>>
    %dma_wait3A_753 = arith.constant 0 : i32
    %dma_wait3A_754 = tpu.memref_slice %arg2[%add3A_372, %dma_wait3A_753] : memref<3328x128xi32, #tpu.memory_space<hbm>> -> memref<4x128xi32, #tpu.memory_space<hbm>>
    tpu.wait_dma2 semaphore(%arg9 : memref<!tpu.dma_semaphore, #tpu.memory_space<semaphore_mem>>) src(%dma_wait3A_754 : memref<4x128xi32, #tpu.memory_space<hbm>>) dst(%dma_wait3A_752 : memref<4x128xi32, #tpu.memory_space<vmem>>)
    %dma_wait3A_755 = arith.constant 18 : i32
    %dma_wait3A_756 = arith.constant 0 : i32
    %dma_wait3A_757 = arith.constant 0 : i32
    %dma_wait3A_758 = tpu.memref_slice %arg6[%dma_wait3A_755, %dma_wait3A_756, %dma_wait3A_757] : memref<26x4x128xi32, #tpu.memory_space<vmem>> -> memref<1x4x128xi32, #tpu.memory_space<vmem>>
    %dma_wait3A_759 = tpu.memref_squeeze %dma_wait3A_758 : memref<1x4x128xi32, #tpu.memory_space<vmem>> -> memref<4x128xi32, #tpu.memory_space<vmem>>
    %dma_wait3A_760 = arith.constant 0 : i32
    %dma_wait3A_761 = tpu.memref_slice %arg2[%add3A_389, %dma_wait3A_760] : memref<3328x128xi32, #tpu.memory_space<hbm>> -> memref<4x128xi32, #tpu.memory_space<hbm>>
    %dma_wait3A_762 = arith.constant 0 : i32
    %dma_wait3A_763 = arith.constant 0 : i32
    %dma_wait3A_764 = tpu.memref_slice %arg6[%dma_wait3A_755, %dma_wait3A_762, %dma_wait3A_763] : memref<26x4x128xi32, #tpu.memory_space<vmem>> -> memref<1x4x128xi32, #tpu.memory_space<vmem>>
    %dma_wait3A_765 = tpu.memref_squeeze %dma_wait3A_764 : memref<1x4x128xi32, #tpu.memory_space<vmem>> -> memref<4x128xi32, #tpu.memory_space<vmem>>
    %dma_wait3A_766 = arith.constant 0 : i32
    %dma_wait3A_767 = tpu.memref_slice %arg2[%add3A_389, %dma_wait3A_766] : memref<3328x128xi32, #tpu.memory_space<hbm>> -> memref<4x128xi32, #tpu.memory_space<hbm>>
    tpu.wait_dma2 semaphore(%arg9 : memref<!tpu.dma_semaphore, #tpu.memory_space<semaphore_mem>>) src(%dma_wait3A_767 : memref<4x128xi32, #tpu.memory_space<hbm>>) dst(%dma_wait3A_765 : memref<4x128xi32, #tpu.memory_space<vmem>>)
    %dma_wait3A_768 = arith.constant 19 : i32
    %dma_wait3A_769 = arith.constant 0 : i32
    %dma_wait3A_770 = arith.constant 0 : i32
    %dma_wait3A_771 = tpu.memref_slice %arg6[%dma_wait3A_768, %dma_wait3A_769, %dma_wait3A_770] : memref<26x4x128xi32, #tpu.memory_space<vmem>> -> memref<1x4x128xi32, #tpu.memory_space<vmem>>
    %dma_wait3A_772 = tpu.memref_squeeze %dma_wait3A_771 : memref<1x4x128xi32, #tpu.memory_space<vmem>> -> memref<4x128xi32, #tpu.memory_space<vmem>>
    %dma_wait3A_773 = arith.constant 0 : i32
    %dma_wait3A_774 = tpu.memref_slice %arg2[%add3A_406, %dma_wait3A_773] : memref<3328x128xi32, #tpu.memory_space<hbm>> -> memref<4x128xi32, #tpu.memory_space<hbm>>
    %dma_wait3A_775 = arith.constant 0 : i32
    %dma_wait3A_776 = arith.constant 0 : i32
    %dma_wait3A_777 = tpu.memref_slice %arg6[%dma_wait3A_768, %dma_wait3A_775, %dma_wait3A_776] : memref<26x4x128xi32, #tpu.memory_space<vmem>> -> memref<1x4x128xi32, #tpu.memory_space<vmem>>
    %dma_wait3A_778 = tpu.memref_squeeze %dma_wait3A_777 : memref<1x4x128xi32, #tpu.memory_space<vmem>> -> memref<4x128xi32, #tpu.memory_space<vmem>>
    %dma_wait3A_779 = arith.constant 0 : i32
    %dma_wait3A_780 = tpu.memref_slice %arg2[%add3A_406, %dma_wait3A_779] : memref<3328x128xi32, #tpu.memory_space<hbm>> -> memref<4x128xi32, #tpu.memory_space<hbm>>
    tpu.wait_dma2 semaphore(%arg9 : memref<!tpu.dma_semaphore, #tpu.memory_space<semaphore_mem>>) src(%dma_wait3A_780 : memref<4x128xi32, #tpu.memory_space<hbm>>) dst(%dma_wait3A_778 : memref<4x128xi32, #tpu.memory_space<vmem>>)
    %dma_wait3A_781 = arith.constant 20 : i32
    %dma_wait3A_782 = arith.constant 0 : i32
    %dma_wait3A_783 = arith.constant 0 : i32
    %dma_wait3A_784 = tpu.memref_slice %arg6[%dma_wait3A_781, %dma_wait3A_782, %dma_wait3A_783] : memref<26x4x128xi32, #tpu.memory_space<vmem>> -> memref<1x4x128xi32, #tpu.memory_space<vmem>>
    %dma_wait3A_785 = tpu.memref_squeeze %dma_wait3A_784 : memref<1x4x128xi32, #tpu.memory_space<vmem>> -> memref<4x128xi32, #tpu.memory_space<vmem>>
    %dma_wait3A_786 = arith.constant 0 : i32
    %dma_wait3A_787 = tpu.memref_slice %arg2[%add3A_423, %dma_wait3A_786] : memref<3328x128xi32, #tpu.memory_space<hbm>> -> memref<4x128xi32, #tpu.memory_space<hbm>>
    %dma_wait3A_788 = arith.constant 0 : i32
    %dma_wait3A_789 = arith.constant 0 : i32
    %dma_wait3A_790 = tpu.memref_slice %arg6[%dma_wait3A_781, %dma_wait3A_788, %dma_wait3A_789] : memref<26x4x128xi32, #tpu.memory_space<vmem>> -> memref<1x4x128xi32, #tpu.memory_space<vmem>>
    %dma_wait3A_791 = tpu.memref_squeeze %dma_wait3A_790 : memref<1x4x128xi32, #tpu.memory_space<vmem>> -> memref<4x128xi32, #tpu.memory_space<vmem>>
    %dma_wait3A_792 = arith.constant 0 : i32
    %dma_wait3A_793 = tpu.memref_slice %arg2[%add3A_423, %dma_wait3A_792] : memref<3328x128xi32, #tpu.memory_space<hbm>> -> memref<4x128xi32, #tpu.memory_space<hbm>>
    tpu.wait_dma2 semaphore(%arg9 : memref<!tpu.dma_semaphore, #tpu.memory_space<semaphore_mem>>) src(%dma_wait3A_793 : memref<4x128xi32, #tpu.memory_space<hbm>>) dst(%dma_wait3A_791 : memref<4x128xi32, #tpu.memory_space<vmem>>)
    %dma_wait3A_794 = arith.constant 21 : i32
    %dma_wait3A_795 = arith.constant 0 : i32
    %dma_wait3A_796 = arith.constant 0 : i32
    %dma_wait3A_797 = tpu.memref_slice %arg6[%dma_wait3A_794, %dma_wait3A_795, %dma_wait3A_796] : memref<26x4x128xi32, #tpu.memory_space<vmem>> -> memref<1x4x128xi32, #tpu.memory_space<vmem>>
    %dma_wait3A_798 = tpu.memref_squeeze %dma_wait3A_797 : memref<1x4x128xi32, #tpu.memory_space<vmem>> -> memref<4x128xi32, #tpu.memory_space<vmem>>
    %dma_wait3A_799 = arith.constant 0 : i32
    %dma_wait3A_800 = tpu.memref_slice %arg2[%add3A_440, %dma_wait3A_799] : memref<3328x128xi32, #tpu.memory_space<hbm>> -> memref<4x128xi32, #tpu.memory_space<hbm>>
    %dma_wait3A_801 = arith.constant 0 : i32
    %dma_wait3A_802 = arith.constant 0 : i32
    %dma_wait3A_803 = tpu.memref_slice %arg6[%dma_wait3A_794, %dma_wait3A_801, %dma_wait3A_802] : memref<26x4x128xi32, #tpu.memory_space<vmem>> -> memref<1x4x128xi32, #tpu.memory_space<vmem>>
    %dma_wait3A_804 = tpu.memref_squeeze %dma_wait3A_803 : memref<1x4x128xi32, #tpu.memory_space<vmem>> -> memref<4x128xi32, #tpu.memory_space<vmem>>
    %dma_wait3A_805 = arith.constant 0 : i32
    %dma_wait3A_806 = tpu.memref_slice %arg2[%add3A_440, %dma_wait3A_805] : memref<3328x128xi32, #tpu.memory_space<hbm>> -> memref<4x128xi32, #tpu.memory_space<hbm>>
    tpu.wait_dma2 semaphore(%arg9 : memref<!tpu.dma_semaphore, #tpu.memory_space<semaphore_mem>>) src(%dma_wait3A_806 : memref<4x128xi32, #tpu.memory_space<hbm>>) dst(%dma_wait3A_804 : memref<4x128xi32, #tpu.memory_space<vmem>>)
    %dma_wait3A_807 = arith.constant 22 : i32
    %dma_wait3A_808 = arith.constant 0 : i32
    %dma_wait3A_809 = arith.constant 0 : i32
    %dma_wait3A_810 = tpu.memref_slice %arg6[%dma_wait3A_807, %dma_wait3A_808, %dma_wait3A_809] : memref<26x4x128xi32, #tpu.memory_space<vmem>> -> memref<1x4x128xi32, #tpu.memory_space<vmem>>
    %dma_wait3A_811 = tpu.memref_squeeze %dma_wait3A_810 : memref<1x4x128xi32, #tpu.memory_space<vmem>> -> memref<4x128xi32, #tpu.memory_space<vmem>>
    %dma_wait3A_812 = arith.constant 0 : i32
    %dma_wait3A_813 = tpu.memref_slice %arg2[%add3A_457, %dma_wait3A_812] : memref<3328x128xi32, #tpu.memory_space<hbm>> -> memref<4x128xi32, #tpu.memory_space<hbm>>
    %dma_wait3A_814 = arith.constant 0 : i32
    %dma_wait3A_815 = arith.constant 0 : i32
    %dma_wait3A_816 = tpu.memref_slice %arg6[%dma_wait3A_807, %dma_wait3A_814, %dma_wait3A_815] : memref<26x4x128xi32, #tpu.memory_space<vmem>> -> memref<1x4x128xi32, #tpu.memory_space<vmem>>
    %dma_wait3A_817 = tpu.memref_squeeze %dma_wait3A_816 : memref<1x4x128xi32, #tpu.memory_space<vmem>> -> memref<4x128xi32, #tpu.memory_space<vmem>>
    %dma_wait3A_818 = arith.constant 0 : i32
    %dma_wait3A_819 = tpu.memref_slice %arg2[%add3A_457, %dma_wait3A_818] : memref<3328x128xi32, #tpu.memory_space<hbm>> -> memref<4x128xi32, #tpu.memory_space<hbm>>
    tpu.wait_dma2 semaphore(%arg9 : memref<!tpu.dma_semaphore, #tpu.memory_space<semaphore_mem>>) src(%dma_wait3A_819 : memref<4x128xi32, #tpu.memory_space<hbm>>) dst(%dma_wait3A_817 : memref<4x128xi32, #tpu.memory_space<vmem>>)
    %dma_wait3A_820 = arith.constant 23 : i32
    %dma_wait3A_821 = arith.constant 0 : i32
    %dma_wait3A_822 = arith.constant 0 : i32
    %dma_wait3A_823 = tpu.memref_slice %arg6[%dma_wait3A_820, %dma_wait3A_821, %dma_wait3A_822] : memref<26x4x128xi32, #tpu.memory_space<vmem>> -> memref<1x4x128xi32, #tpu.memory_space<vmem>>
    %dma_wait3A_824 = tpu.memref_squeeze %dma_wait3A_823 : memref<1x4x128xi32, #tpu.memory_space<vmem>> -> memref<4x128xi32, #tpu.memory_space<vmem>>
    %dma_wait3A_825 = arith.constant 0 : i32
    %dma_wait3A_826 = tpu.memref_slice %arg2[%add3A_474, %dma_wait3A_825] : memref<3328x128xi32, #tpu.memory_space<hbm>> -> memref<4x128xi32, #tpu.memory_space<hbm>>
    %dma_wait3A_827 = arith.constant 0 : i32
    %dma_wait3A_828 = arith.constant 0 : i32
    %dma_wait3A_829 = tpu.memref_slice %arg6[%dma_wait3A_820, %dma_wait3A_827, %dma_wait3A_828] : memref<26x4x128xi32, #tpu.memory_space<vmem>> -> memref<1x4x128xi32, #tpu.memory_space<vmem>>
    %dma_wait3A_830 = tpu.memref_squeeze %dma_wait3A_829 : memref<1x4x128xi32, #tpu.memory_space<vmem>> -> memref<4x128xi32, #tpu.memory_space<vmem>>
    %dma_wait3A_831 = arith.constant 0 : i32
    %dma_wait3A_832 = tpu.memref_slice %arg2[%add3A_474, %dma_wait3A_831] : memref<3328x128xi32, #tpu.memory_space<hbm>> -> memref<4x128xi32, #tpu.memory_space<hbm>>
    tpu.wait_dma2 semaphore(%arg9 : memref<!tpu.dma_semaphore, #tpu.memory_space<semaphore_mem>>) src(%dma_wait3A_832 : memref<4x128xi32, #tpu.memory_space<hbm>>) dst(%dma_wait3A_830 : memref<4x128xi32, #tpu.memory_space<vmem>>)
    %dma_wait3A_833 = arith.constant 24 : i32
    %dma_wait3A_834 = arith.constant 0 : i32
    %dma_wait3A_835 = arith.constant 0 : i32
    %dma_wait3A_836 = tpu.memref_slice %arg6[%dma_wait3A_833, %dma_wait3A_834, %dma_wait3A_835] : memref<26x4x128xi32, #tpu.memory_space<vmem>> -> memref<1x4x128xi32, #tpu.memory_space<vmem>>
    %dma_wait3A_837 = tpu.memref_squeeze %dma_wait3A_836 : memref<1x4x128xi32, #tpu.memory_space<vmem>> -> memref<4x128xi32, #tpu.memory_space<vmem>>
    %dma_wait3A_838 = arith.constant 0 : i32
    %dma_wait3A_839 = tpu.memref_slice %arg2[%add3A_491, %dma_wait3A_838] : memref<3328x128xi32, #tpu.memory_space<hbm>> -> memref<4x128xi32, #tpu.memory_space<hbm>>
    %dma_wait3A_840 = arith.constant 0 : i32
    %dma_wait3A_841 = arith.constant 0 : i32
    %dma_wait3A_842 = tpu.memref_slice %arg6[%dma_wait3A_833, %dma_wait3A_840, %dma_wait3A_841] : memref<26x4x128xi32, #tpu.memory_space<vmem>> -> memref<1x4x128xi32, #tpu.memory_space<vmem>>
    %dma_wait3A_843 = tpu.memref_squeeze %dma_wait3A_842 : memref<1x4x128xi32, #tpu.memory_space<vmem>> -> memref<4x128xi32, #tpu.memory_space<vmem>>
    %dma_wait3A_844 = arith.constant 0 : i32
    %dma_wait3A_845 = tpu.memref_slice %arg2[%add3A_491, %dma_wait3A_844] : memref<3328x128xi32, #tpu.memory_space<hbm>> -> memref<4x128xi32, #tpu.memory_space<hbm>>
    tpu.wait_dma2 semaphore(%arg9 : memref<!tpu.dma_semaphore, #tpu.memory_space<semaphore_mem>>) src(%dma_wait3A_845 : memref<4x128xi32, #tpu.memory_space<hbm>>) dst(%dma_wait3A_843 : memref<4x128xi32, #tpu.memory_space<vmem>>)
    %dma_wait3A_846 = arith.constant 25 : i32
    %dma_wait3A_847 = arith.constant 0 : i32
    %dma_wait3A_848 = arith.constant 0 : i32
    %dma_wait3A_849 = tpu.memref_slice %arg6[%dma_wait3A_846, %dma_wait3A_847, %dma_wait3A_848] : memref<26x4x128xi32, #tpu.memory_space<vmem>> -> memref<1x4x128xi32, #tpu.memory_space<vmem>>
    %dma_wait3A_850 = tpu.memref_squeeze %dma_wait3A_849 : memref<1x4x128xi32, #tpu.memory_space<vmem>> -> memref<4x128xi32, #tpu.memory_space<vmem>>
    %dma_wait3A_851 = arith.constant 0 : i32
    %dma_wait3A_852 = tpu.memref_slice %arg2[%add3A_508, %dma_wait3A_851] : memref<3328x128xi32, #tpu.memory_space<hbm>> -> memref<4x128xi32, #tpu.memory_space<hbm>>
    %dma_wait3A_853 = arith.constant 0 : i32
    %dma_wait3A_854 = arith.constant 0 : i32
    %dma_wait3A_855 = tpu.memref_slice %arg6[%dma_wait3A_846, %dma_wait3A_853, %dma_wait3A_854] : memref<26x4x128xi32, #tpu.memory_space<vmem>> -> memref<1x4x128xi32, #tpu.memory_space<vmem>>
    %dma_wait3A_856 = tpu.memref_squeeze %dma_wait3A_855 : memref<1x4x128xi32, #tpu.memory_space<vmem>> -> memref<4x128xi32, #tpu.memory_space<vmem>>
    %dma_wait3A_857 = arith.constant 0 : i32
    %dma_wait3A_858 = tpu.memref_slice %arg2[%add3A_508, %dma_wait3A_857] : memref<3328x128xi32, #tpu.memory_space<hbm>> -> memref<4x128xi32, #tpu.memory_space<hbm>>
    tpu.wait_dma2 semaphore(%arg9 : memref<!tpu.dma_semaphore, #tpu.memory_space<semaphore_mem>>) src(%dma_wait3A_858 : memref<4x128xi32, #tpu.memory_space<hbm>>) dst(%dma_wait3A_856 : memref<4x128xi32, #tpu.memory_space<vmem>>)
    %scan3A = arith.constant 0 : i32
    %scan3A_859 = arith.constant 0 : i32
    %scan3A_860 = arith.constant 26 : i32
    %scan3A_861 = arith.addi %scan3A_859, %scan3A_860 : i32
    %scan3A_862 = arith.constant 1 : i32
    scf.for %scan3A_948 = %scan3A_859 to %scan3A_861 step %scan3A_862  : i32 {
      %mul3A_949 = arith.constant 16 : i32
      %mul3A_950 = arith.muli %scan3A_948, %mul3A_949 : i32
      %add3A_951 = arith.constant 0 : i32
      %add3A_952 = arith.addi %mul3A_950, %add3A_951 : i32
      %mul3A_953 = arith.constant 16 : i32
      %mul3A_954 = arith.muli %scan3A_948, %mul3A_953 : i32
      %add3A_955 = arith.constant 0 : i32
      %add3A_956 = arith.addi %mul3A_954, %add3A_955 : i32
      %dma_start3A_957 = arith.constant 0 : i32
      %dma_start3A_958 = arith.constant 0 : i32
      %dma_start3A_959 = arith.constant 0 : i32
      %dma_start3A_960 = tpu.memref_slice %arg7[%dma_start3A_958, %add3A_956, %dma_start3A_959] : memref<2x416x128xf32, #tpu.memory_space<vmem>> -> memref<1x1x128xf32, #tpu.memory_space<vmem>>
      %dma_start3A_961 = tpu.memref_squeeze %dma_start3A_960 : memref<1x1x128xf32, #tpu.memory_space<vmem>> -> memref<128xf32, #tpu.memory_space<vmem>>
      %dma_start3A_962 = arith.constant 0 : i32
      %dma_start3A_963 = tpu.memref_slice %arg6[%scan3A_948, %dma_start3A_957, %dma_start3A_962] : memref<26x4x128xi32, #tpu.memory_space<vmem>> -> memref<1x1x128xi32, #tpu.memory_space<vmem>>
      %dma_start3A_964 = tpu.memref_squeeze %dma_start3A_963 : memref<1x1x128xi32, #tpu.memory_space<vmem>> -> memref<128xi32, #tpu.memory_space<vmem>>
      %dma_start3A_965 = arith.constant 0 : i32
      %dma_start3A_966 = tpu.memref_slice %arg4[%add3A_952, %dma_start3A_965] : memref<416x100000xf32, #tpu.memory_space<hbm>> -> memref<1x100000xf32, #tpu.memory_space<hbm>>
      %dma_start3A_967 = tpu.memref_squeeze %dma_start3A_966 : memref<1x100000xf32, #tpu.memory_space<hbm>> -> memref<100000xf32, #tpu.memory_space<hbm>>
      %dma_start3A_968 = arith.constant 0 : i32
      %dma_start3A_969 = tpu.memref_slice %dma_start3A_967[%dma_start3A_968] : memref<100000xf32, #tpu.memory_space<hbm>> -> memref<100000xf32, #tpu.memory_space<hbm>>
      tpu.enqueue_indirect_dma source(%dma_start3A_969 : memref<100000xf32, #tpu.memory_space<hbm>>) target(%dma_start3A_961 : memref<128xf32, #tpu.memory_space<vmem>>) offsets(%dma_start3A_964 : memref<128xi32, #tpu.memory_space<vmem>>) semaphore(%arg8 : memref<!tpu.dma_semaphore, #tpu.memory_space<semaphore_mem>>)
      %mul3A_970 = arith.constant 16 : i32
      %mul3A_971 = arith.muli %scan3A_948, %mul3A_970 : i32
      %add3A_972 = arith.constant 1 : i32
      %add3A_973 = arith.addi %mul3A_971, %add3A_972 : i32
      %mul3A_974 = arith.constant 16 : i32
      %mul3A_975 = arith.muli %scan3A_948, %mul3A_974 : i32
      %add3A_976 = arith.constant 1 : i32
      %add3A_977 = arith.addi %mul3A_975, %add3A_976 : i32
      %dma_start3A_978 = arith.constant 0 : i32
      %dma_start3A_979 = arith.constant 0 : i32
      %dma_start3A_980 = arith.constant 0 : i32
      %dma_start3A_981 = tpu.memref_slice %arg7[%dma_start3A_979, %add3A_977, %dma_start3A_980] : memref<2x416x128xf32, #tpu.memory_space<vmem>> -> memref<1x1x128xf32, #tpu.memory_space<vmem>>
      %dma_start3A_982 = tpu.memref_squeeze %dma_start3A_981 : memref<1x1x128xf32, #tpu.memory_space<vmem>> -> memref<128xf32, #tpu.memory_space<vmem>>
      %dma_start3A_983 = arith.constant 0 : i32
      %dma_start3A_984 = tpu.memref_slice %arg6[%scan3A_948, %dma_start3A_978, %dma_start3A_983] : memref<26x4x128xi32, #tpu.memory_space<vmem>> -> memref<1x1x128xi32, #tpu.memory_space<vmem>>
      %dma_start3A_985 = tpu.memref_squeeze %dma_start3A_984 : memref<1x1x128xi32, #tpu.memory_space<vmem>> -> memref<128xi32, #tpu.memory_space<vmem>>
      %dma_start3A_986 = arith.constant 0 : i32
      %dma_start3A_987 = tpu.memref_slice %arg4[%add3A_973, %dma_start3A_986] : memref<416x100000xf32, #tpu.memory_space<hbm>> -> memref<1x100000xf32, #tpu.memory_space<hbm>>
      %dma_start3A_988 = tpu.memref_squeeze %dma_start3A_987 : memref<1x100000xf32, #tpu.memory_space<hbm>> -> memref<100000xf32, #tpu.memory_space<hbm>>
      %dma_start3A_989 = arith.constant 0 : i32
      %dma_start3A_990 = tpu.memref_slice %dma_start3A_988[%dma_start3A_989] : memref<100000xf32, #tpu.memory_space<hbm>> -> memref<100000xf32, #tpu.memory_space<hbm>>
      tpu.enqueue_indirect_dma source(%dma_start3A_990 : memref<100000xf32, #tpu.memory_space<hbm>>) target(%dma_start3A_982 : memref<128xf32, #tpu.memory_space<vmem>>) offsets(%dma_start3A_985 : memref<128xi32, #tpu.memory_space<vmem>>) semaphore(%arg8 : memref<!tpu.dma_semaphore, #tpu.memory_space<semaphore_mem>>)
      %mul3A_991 = arith.constant 16 : i32
      %mul3A_992 = arith.muli %scan3A_948, %mul3A_991 : i32
      %add3A_993 = arith.constant 2 : i32
      %add3A_994 = arith.addi %mul3A_992, %add3A_993 : i32
      %mul3A_995 = arith.constant 16 : i32
      %mul3A_996 = arith.muli %scan3A_948, %mul3A_995 : i32
      %add3A_997 = arith.constant 2 : i32
      %add3A_998 = arith.addi %mul3A_996, %add3A_997 : i32
      %dma_start3A_999 = arith.constant 0 : i32
      %dma_start3A_1000 = arith.constant 0 : i32
      %dma_start3A_1001 = arith.constant 0 : i32
      %dma_start3A_1002 = tpu.memref_slice %arg7[%dma_start3A_1000, %add3A_998, %dma_start3A_1001] : memref<2x416x128xf32, #tpu.memory_space<vmem>> -> memref<1x1x128xf32, #tpu.memory_space<vmem>>
      %dma_start3A_1003 = tpu.memref_squeeze %dma_start3A_1002 : memref<1x1x128xf32, #tpu.memory_space<vmem>> -> memref<128xf32, #tpu.memory_space<vmem>>
      %dma_start3A_1004 = arith.constant 0 : i32
      %dma_start3A_1005 = tpu.memref_slice %arg6[%scan3A_948, %dma_start3A_999, %dma_start3A_1004] : memref<26x4x128xi32, #tpu.memory_space<vmem>> -> memref<1x1x128xi32, #tpu.memory_space<vmem>>
      %dma_start3A_1006 = tpu.memref_squeeze %dma_start3A_1005 : memref<1x1x128xi32, #tpu.memory_space<vmem>> -> memref<128xi32, #tpu.memory_space<vmem>>
      %dma_start3A_1007 = arith.constant 0 : i32
      %dma_start3A_1008 = tpu.memref_slice %arg4[%add3A_994, %dma_start3A_1007] : memref<416x100000xf32, #tpu.memory_space<hbm>> -> memref<1x100000xf32, #tpu.memory_space<hbm>>
      %dma_start3A_1009 = tpu.memref_squeeze %dma_start3A_1008 : memref<1x100000xf32, #tpu.memory_space<hbm>> -> memref<100000xf32, #tpu.memory_space<hbm>>
      %dma_start3A_1010 = arith.constant 0 : i32
      %dma_start3A_1011 = tpu.memref_slice %dma_start3A_1009[%dma_start3A_1010] : memref<100000xf32, #tpu.memory_space<hbm>> -> memref<100000xf32, #tpu.memory_space<hbm>>
      tpu.enqueue_indirect_dma source(%dma_start3A_1011 : memref<100000xf32, #tpu.memory_space<hbm>>) target(%dma_start3A_1003 : memref<128xf32, #tpu.memory_space<vmem>>) offsets(%dma_start3A_1006 : memref<128xi32, #tpu.memory_space<vmem>>) semaphore(%arg8 : memref<!tpu.dma_semaphore, #tpu.memory_space<semaphore_mem>>)
      %mul3A_1012 = arith.constant 16 : i32
      %mul3A_1013 = arith.muli %scan3A_948, %mul3A_1012 : i32
      %add3A_1014 = arith.constant 3 : i32
      %add3A_1015 = arith.addi %mul3A_1013, %add3A_1014 : i32
      %mul3A_1016 = arith.constant 16 : i32
      %mul3A_1017 = arith.muli %scan3A_948, %mul3A_1016 : i32
      %add3A_1018 = arith.constant 3 : i32
      %add3A_1019 = arith.addi %mul3A_1017, %add3A_1018 : i32
      %dma_start3A_1020 = arith.constant 0 : i32
      %dma_start3A_1021 = arith.constant 0 : i32
      %dma_start3A_1022 = arith.constant 0 : i32
      %dma_start3A_1023 = tpu.memref_slice %arg7[%dma_start3A_1021, %add3A_1019, %dma_start3A_1022] : memref<2x416x128xf32, #tpu.memory_space<vmem>> -> memref<1x1x128xf32, #tpu.memory_space<vmem>>
      %dma_start3A_1024 = tpu.memref_squeeze %dma_start3A_1023 : memref<1x1x128xf32, #tpu.memory_space<vmem>> -> memref<128xf32, #tpu.memory_space<vmem>>
      %dma_start3A_1025 = arith.constant 0 : i32
      %dma_start3A_1026 = tpu.memref_slice %arg6[%scan3A_948, %dma_start3A_1020, %dma_start3A_1025] : memref<26x4x128xi32, #tpu.memory_space<vmem>> -> memref<1x1x128xi32, #tpu.memory_space<vmem>>
      %dma_start3A_1027 = tpu.memref_squeeze %dma_start3A_1026 : memref<1x1x128xi32, #tpu.memory_space<vmem>> -> memref<128xi32, #tpu.memory_space<vmem>>
      %dma_start3A_1028 = arith.constant 0 : i32
      %dma_start3A_1029 = tpu.memref_slice %arg4[%add3A_1015, %dma_start3A_1028] : memref<416x100000xf32, #tpu.memory_space<hbm>> -> memref<1x100000xf32, #tpu.memory_space<hbm>>
      %dma_start3A_1030 = tpu.memref_squeeze %dma_start3A_1029 : memref<1x100000xf32, #tpu.memory_space<hbm>> -> memref<100000xf32, #tpu.memory_space<hbm>>
      %dma_start3A_1031 = arith.constant 0 : i32
      %dma_start3A_1032 = tpu.memref_slice %dma_start3A_1030[%dma_start3A_1031] : memref<100000xf32, #tpu.memory_space<hbm>> -> memref<100000xf32, #tpu.memory_space<hbm>>
      tpu.enqueue_indirect_dma source(%dma_start3A_1032 : memref<100000xf32, #tpu.memory_space<hbm>>) target(%dma_start3A_1024 : memref<128xf32, #tpu.memory_space<vmem>>) offsets(%dma_start3A_1027 : memref<128xi32, #tpu.memory_space<vmem>>) semaphore(%arg8 : memref<!tpu.dma_semaphore, #tpu.memory_space<semaphore_mem>>)
      %mul3A_1033 = arith.constant 16 : i32
      %mul3A_1034 = arith.muli %scan3A_948, %mul3A_1033 : i32
      %add3A_1035 = arith.constant 4 : i32
      %add3A_1036 = arith.addi %mul3A_1034, %add3A_1035 : i32
      %mul3A_1037 = arith.constant 16 : i32
      %mul3A_1038 = arith.muli %scan3A_948, %mul3A_1037 : i32
      %add3A_1039 = arith.constant 4 : i32
      %add3A_1040 = arith.addi %mul3A_1038, %add3A_1039 : i32
      %dma_start3A_1041 = arith.constant 0 : i32
      %dma_start3A_1042 = arith.constant 0 : i32
      %dma_start3A_1043 = arith.constant 0 : i32
      %dma_start3A_1044 = tpu.memref_slice %arg7[%dma_start3A_1042, %add3A_1040, %dma_start3A_1043] : memref<2x416x128xf32, #tpu.memory_space<vmem>> -> memref<1x1x128xf32, #tpu.memory_space<vmem>>
      %dma_start3A_1045 = tpu.memref_squeeze %dma_start3A_1044 : memref<1x1x128xf32, #tpu.memory_space<vmem>> -> memref<128xf32, #tpu.memory_space<vmem>>
      %dma_start3A_1046 = arith.constant 0 : i32
      %dma_start3A_1047 = tpu.memref_slice %arg6[%scan3A_948, %dma_start3A_1041, %dma_start3A_1046] : memref<26x4x128xi32, #tpu.memory_space<vmem>> -> memref<1x1x128xi32, #tpu.memory_space<vmem>>
      %dma_start3A_1048 = tpu.memref_squeeze %dma_start3A_1047 : memref<1x1x128xi32, #tpu.memory_space<vmem>> -> memref<128xi32, #tpu.memory_space<vmem>>
      %dma_start3A_1049 = arith.constant 0 : i32
      %dma_start3A_1050 = tpu.memref_slice %arg4[%add3A_1036, %dma_start3A_1049] : memref<416x100000xf32, #tpu.memory_space<hbm>> -> memref<1x100000xf32, #tpu.memory_space<hbm>>
      %dma_start3A_1051 = tpu.memref_squeeze %dma_start3A_1050 : memref<1x100000xf32, #tpu.memory_space<hbm>> -> memref<100000xf32, #tpu.memory_space<hbm>>
      %dma_start3A_1052 = arith.constant 0 : i32
      %dma_start3A_1053 = tpu.memref_slice %dma_start3A_1051[%dma_start3A_1052] : memref<100000xf32, #tpu.memory_space<hbm>> -> memref<100000xf32, #tpu.memory_space<hbm>>
      tpu.enqueue_indirect_dma source(%dma_start3A_1053 : memref<100000xf32, #tpu.memory_space<hbm>>) target(%dma_start3A_1045 : memref<128xf32, #tpu.memory_space<vmem>>) offsets(%dma_start3A_1048 : memref<128xi32, #tpu.memory_space<vmem>>) semaphore(%arg8 : memref<!tpu.dma_semaphore, #tpu.memory_space<semaphore_mem>>)
      %mul3A_1054 = arith.constant 16 : i32
      %mul3A_1055 = arith.muli %scan3A_948, %mul3A_1054 : i32
      %add3A_1056 = arith.constant 5 : i32
      %add3A_1057 = arith.addi %mul3A_1055, %add3A_1056 : i32
      %mul3A_1058 = arith.constant 16 : i32
      %mul3A_1059 = arith.muli %scan3A_948, %mul3A_1058 : i32
      %add3A_1060 = arith.constant 5 : i32
      %add3A_1061 = arith.addi %mul3A_1059, %add3A_1060 : i32
      %dma_start3A_1062 = arith.constant 0 : i32
      %dma_start3A_1063 = arith.constant 0 : i32
      %dma_start3A_1064 = arith.constant 0 : i32
      %dma_start3A_1065 = tpu.memref_slice %arg7[%dma_start3A_1063, %add3A_1061, %dma_start3A_1064] : memref<2x416x128xf32, #tpu.memory_space<vmem>> -> memref<1x1x128xf32, #tpu.memory_space<vmem>>
      %dma_start3A_1066 = tpu.memref_squeeze %dma_start3A_1065 : memref<1x1x128xf32, #tpu.memory_space<vmem>> -> memref<128xf32, #tpu.memory_space<vmem>>
      %dma_start3A_1067 = arith.constant 0 : i32
      %dma_start3A_1068 = tpu.memref_slice %arg6[%scan3A_948, %dma_start3A_1062, %dma_start3A_1067] : memref<26x4x128xi32, #tpu.memory_space<vmem>> -> memref<1x1x128xi32, #tpu.memory_space<vmem>>
      %dma_start3A_1069 = tpu.memref_squeeze %dma_start3A_1068 : memref<1x1x128xi32, #tpu.memory_space<vmem>> -> memref<128xi32, #tpu.memory_space<vmem>>
      %dma_start3A_1070 = arith.constant 0 : i32
      %dma_start3A_1071 = tpu.memref_slice %arg4[%add3A_1057, %dma_start3A_1070] : memref<416x100000xf32, #tpu.memory_space<hbm>> -> memref<1x100000xf32, #tpu.memory_space<hbm>>
      %dma_start3A_1072 = tpu.memref_squeeze %dma_start3A_1071 : memref<1x100000xf32, #tpu.memory_space<hbm>> -> memref<100000xf32, #tpu.memory_space<hbm>>
      %dma_start3A_1073 = arith.constant 0 : i32
      %dma_start3A_1074 = tpu.memref_slice %dma_start3A_1072[%dma_start3A_1073] : memref<100000xf32, #tpu.memory_space<hbm>> -> memref<100000xf32, #tpu.memory_space<hbm>>
      tpu.enqueue_indirect_dma source(%dma_start3A_1074 : memref<100000xf32, #tpu.memory_space<hbm>>) target(%dma_start3A_1066 : memref<128xf32, #tpu.memory_space<vmem>>) offsets(%dma_start3A_1069 : memref<128xi32, #tpu.memory_space<vmem>>) semaphore(%arg8 : memref<!tpu.dma_semaphore, #tpu.memory_space<semaphore_mem>>)
      %mul3A_1075 = arith.constant 16 : i32
      %mul3A_1076 = arith.muli %scan3A_948, %mul3A_1075 : i32
      %add3A_1077 = arith.constant 6 : i32
      %add3A_1078 = arith.addi %mul3A_1076, %add3A_1077 : i32
      %mul3A_1079 = arith.constant 16 : i32
      %mul3A_1080 = arith.muli %scan3A_948, %mul3A_1079 : i32
      %add3A_1081 = arith.constant 6 : i32
      %add3A_1082 = arith.addi %mul3A_1080, %add3A_1081 : i32
      %dma_start3A_1083 = arith.constant 0 : i32
      %dma_start3A_1084 = arith.constant 0 : i32
      %dma_start3A_1085 = arith.constant 0 : i32
      %dma_start3A_1086 = tpu.memref_slice %arg7[%dma_start3A_1084, %add3A_1082, %dma_start3A_1085] : memref<2x416x128xf32, #tpu.memory_space<vmem>> -> memref<1x1x128xf32, #tpu.memory_space<vmem>>
      %dma_start3A_1087 = tpu.memref_squeeze %dma_start3A_1086 : memref<1x1x128xf32, #tpu.memory_space<vmem>> -> memref<128xf32, #tpu.memory_space<vmem>>
      %dma_start3A_1088 = arith.constant 0 : i32
      %dma_start3A_1089 = tpu.memref_slice %arg6[%scan3A_948, %dma_start3A_1083, %dma_start3A_1088] : memref<26x4x128xi32, #tpu.memory_space<vmem>> -> memref<1x1x128xi32, #tpu.memory_space<vmem>>
      %dma_start3A_1090 = tpu.memref_squeeze %dma_start3A_1089 : memref<1x1x128xi32, #tpu.memory_space<vmem>> -> memref<128xi32, #tpu.memory_space<vmem>>
      %dma_start3A_1091 = arith.constant 0 : i32
      %dma_start3A_1092 = tpu.memref_slice %arg4[%add3A_1078, %dma_start3A_1091] : memref<416x100000xf32, #tpu.memory_space<hbm>> -> memref<1x100000xf32, #tpu.memory_space<hbm>>
      %dma_start3A_1093 = tpu.memref_squeeze %dma_start3A_1092 : memref<1x100000xf32, #tpu.memory_space<hbm>> -> memref<100000xf32, #tpu.memory_space<hbm>>
      %dma_start3A_1094 = arith.constant 0 : i32
      %dma_start3A_1095 = tpu.memref_slice %dma_start3A_1093[%dma_start3A_1094] : memref<100000xf32, #tpu.memory_space<hbm>> -> memref<100000xf32, #tpu.memory_space<hbm>>
      tpu.enqueue_indirect_dma source(%dma_start3A_1095 : memref<100000xf32, #tpu.memory_space<hbm>>) target(%dma_start3A_1087 : memref<128xf32, #tpu.memory_space<vmem>>) offsets(%dma_start3A_1090 : memref<128xi32, #tpu.memory_space<vmem>>) semaphore(%arg8 : memref<!tpu.dma_semaphore, #tpu.memory_space<semaphore_mem>>)
      %mul3A_1096 = arith.constant 16 : i32
      %mul3A_1097 = arith.muli %scan3A_948, %mul3A_1096 : i32
      %add3A_1098 = arith.constant 7 : i32
      %add3A_1099 = arith.addi %mul3A_1097, %add3A_1098 : i32
      %mul3A_1100 = arith.constant 16 : i32
      %mul3A_1101 = arith.muli %scan3A_948, %mul3A_1100 : i32
      %add3A_1102 = arith.constant 7 : i32
      %add3A_1103 = arith.addi %mul3A_1101, %add3A_1102 : i32
      %dma_start3A_1104 = arith.constant 0 : i32
      %dma_start3A_1105 = arith.constant 0 : i32
      %dma_start3A_1106 = arith.constant 0 : i32
      %dma_start3A_1107 = tpu.memref_slice %arg7[%dma_start3A_1105, %add3A_1103, %dma_start3A_1106] : memref<2x416x128xf32, #tpu.memory_space<vmem>> -> memref<1x1x128xf32, #tpu.memory_space<vmem>>
      %dma_start3A_1108 = tpu.memref_squeeze %dma_start3A_1107 : memref<1x1x128xf32, #tpu.memory_space<vmem>> -> memref<128xf32, #tpu.memory_space<vmem>>
      %dma_start3A_1109 = arith.constant 0 : i32
      %dma_start3A_1110 = tpu.memref_slice %arg6[%scan3A_948, %dma_start3A_1104, %dma_start3A_1109] : memref<26x4x128xi32, #tpu.memory_space<vmem>> -> memref<1x1x128xi32, #tpu.memory_space<vmem>>
      %dma_start3A_1111 = tpu.memref_squeeze %dma_start3A_1110 : memref<1x1x128xi32, #tpu.memory_space<vmem>> -> memref<128xi32, #tpu.memory_space<vmem>>
      %dma_start3A_1112 = arith.constant 0 : i32
      %dma_start3A_1113 = tpu.memref_slice %arg4[%add3A_1099, %dma_start3A_1112] : memref<416x100000xf32, #tpu.memory_space<hbm>> -> memref<1x100000xf32, #tpu.memory_space<hbm>>
      %dma_start3A_1114 = tpu.memref_squeeze %dma_start3A_1113 : memref<1x100000xf32, #tpu.memory_space<hbm>> -> memref<100000xf32, #tpu.memory_space<hbm>>
      %dma_start3A_1115 = arith.constant 0 : i32
      %dma_start3A_1116 = tpu.memref_slice %dma_start3A_1114[%dma_start3A_1115] : memref<100000xf32, #tpu.memory_space<hbm>> -> memref<100000xf32, #tpu.memory_space<hbm>>
      tpu.enqueue_indirect_dma source(%dma_start3A_1116 : memref<100000xf32, #tpu.memory_space<hbm>>) target(%dma_start3A_1108 : memref<128xf32, #tpu.memory_space<vmem>>) offsets(%dma_start3A_1111 : memref<128xi32, #tpu.memory_space<vmem>>) semaphore(%arg8 : memref<!tpu.dma_semaphore, #tpu.memory_space<semaphore_mem>>)
      %mul3A_1117 = arith.constant 16 : i32
      %mul3A_1118 = arith.muli %scan3A_948, %mul3A_1117 : i32
      %add3A_1119 = arith.constant 8 : i32
      %add3A_1120 = arith.addi %mul3A_1118, %add3A_1119 : i32
      %mul3A_1121 = arith.constant 16 : i32
      %mul3A_1122 = arith.muli %scan3A_948, %mul3A_1121 : i32
      %add3A_1123 = arith.constant 8 : i32
      %add3A_1124 = arith.addi %mul3A_1122, %add3A_1123 : i32
      %dma_start3A_1125 = arith.constant 0 : i32
      %dma_start3A_1126 = arith.constant 0 : i32
      %dma_start3A_1127 = arith.constant 0 : i32
      %dma_start3A_1128 = tpu.memref_slice %arg7[%dma_start3A_1126, %add3A_1124, %dma_start3A_1127] : memref<2x416x128xf32, #tpu.memory_space<vmem>> -> memref<1x1x128xf32, #tpu.memory_space<vmem>>
      %dma_start3A_1129 = tpu.memref_squeeze %dma_start3A_1128 : memref<1x1x128xf32, #tpu.memory_space<vmem>> -> memref<128xf32, #tpu.memory_space<vmem>>
      %dma_start3A_1130 = arith.constant 0 : i32
      %dma_start3A_1131 = tpu.memref_slice %arg6[%scan3A_948, %dma_start3A_1125, %dma_start3A_1130] : memref<26x4x128xi32, #tpu.memory_space<vmem>> -> memref<1x1x128xi32, #tpu.memory_space<vmem>>
      %dma_start3A_1132 = tpu.memref_squeeze %dma_start3A_1131 : memref<1x1x128xi32, #tpu.memory_space<vmem>> -> memref<128xi32, #tpu.memory_space<vmem>>
      %dma_start3A_1133 = arith.constant 0 : i32
      %dma_start3A_1134 = tpu.memref_slice %arg4[%add3A_1120, %dma_start3A_1133] : memref<416x100000xf32, #tpu.memory_space<hbm>> -> memref<1x100000xf32, #tpu.memory_space<hbm>>
      %dma_start3A_1135 = tpu.memref_squeeze %dma_start3A_1134 : memref<1x100000xf32, #tpu.memory_space<hbm>> -> memref<100000xf32, #tpu.memory_space<hbm>>
      %dma_start3A_1136 = arith.constant 0 : i32
      %dma_start3A_1137 = tpu.memref_slice %dma_start3A_1135[%dma_start3A_1136] : memref<100000xf32, #tpu.memory_space<hbm>> -> memref<100000xf32, #tpu.memory_space<hbm>>
      tpu.enqueue_indirect_dma source(%dma_start3A_1137 : memref<100000xf32, #tpu.memory_space<hbm>>) target(%dma_start3A_1129 : memref<128xf32, #tpu.memory_space<vmem>>) offsets(%dma_start3A_1132 : memref<128xi32, #tpu.memory_space<vmem>>) semaphore(%arg8 : memref<!tpu.dma_semaphore, #tpu.memory_space<semaphore_mem>>)
      %mul3A_1138 = arith.constant 16 : i32
      %mul3A_1139 = arith.muli %scan3A_948, %mul3A_1138 : i32
      %add3A_1140 = arith.constant 9 : i32
      %add3A_1141 = arith.addi %mul3A_1139, %add3A_1140 : i32
      %mul3A_1142 = arith.constant 16 : i32
      %mul3A_1143 = arith.muli %scan3A_948, %mul3A_1142 : i32
      %add3A_1144 = arith.constant 9 : i32
      %add3A_1145 = arith.addi %mul3A_1143, %add3A_1144 : i32
      %dma_start3A_1146 = arith.constant 0 : i32
      %dma_start3A_1147 = arith.constant 0 : i32
      %dma_start3A_1148 = arith.constant 0 : i32
      %dma_start3A_1149 = tpu.memref_slice %arg7[%dma_start3A_1147, %add3A_1145, %dma_start3A_1148] : memref<2x416x128xf32, #tpu.memory_space<vmem>> -> memref<1x1x128xf32, #tpu.memory_space<vmem>>
      %dma_start3A_1150 = tpu.memref_squeeze %dma_start3A_1149 : memref<1x1x128xf32, #tpu.memory_space<vmem>> -> memref<128xf32, #tpu.memory_space<vmem>>
      %dma_start3A_1151 = arith.constant 0 : i32
      %dma_start3A_1152 = tpu.memref_slice %arg6[%scan3A_948, %dma_start3A_1146, %dma_start3A_1151] : memref<26x4x128xi32, #tpu.memory_space<vmem>> -> memref<1x1x128xi32, #tpu.memory_space<vmem>>
      %dma_start3A_1153 = tpu.memref_squeeze %dma_start3A_1152 : memref<1x1x128xi32, #tpu.memory_space<vmem>> -> memref<128xi32, #tpu.memory_space<vmem>>
      %dma_start3A_1154 = arith.constant 0 : i32
      %dma_start3A_1155 = tpu.memref_slice %arg4[%add3A_1141, %dma_start3A_1154] : memref<416x100000xf32, #tpu.memory_space<hbm>> -> memref<1x100000xf32, #tpu.memory_space<hbm>>
      %dma_start3A_1156 = tpu.memref_squeeze %dma_start3A_1155 : memref<1x100000xf32, #tpu.memory_space<hbm>> -> memref<100000xf32, #tpu.memory_space<hbm>>
      %dma_start3A_1157 = arith.constant 0 : i32
      %dma_start3A_1158 = tpu.memref_slice %dma_start3A_1156[%dma_start3A_1157] : memref<100000xf32, #tpu.memory_space<hbm>> -> memref<100000xf32, #tpu.memory_space<hbm>>
      tpu.enqueue_indirect_dma source(%dma_start3A_1158 : memref<100000xf32, #tpu.memory_space<hbm>>) target(%dma_start3A_1150 : memref<128xf32, #tpu.memory_space<vmem>>) offsets(%dma_start3A_1153 : memref<128xi32, #tpu.memory_space<vmem>>) semaphore(%arg8 : memref<!tpu.dma_semaphore, #tpu.memory_space<semaphore_mem>>)
      %mul3A_1159 = arith.constant 16 : i32
      %mul3A_1160 = arith.muli %scan3A_948, %mul3A_1159 : i32
      %add3A_1161 = arith.constant 10 : i32
      %add3A_1162 = arith.addi %mul3A_1160, %add3A_1161 : i32
      %mul3A_1163 = arith.constant 16 : i32
      %mul3A_1164 = arith.muli %scan3A_948, %mul3A_1163 : i32
      %add3A_1165 = arith.constant 10 : i32
      %add3A_1166 = arith.addi %mul3A_1164, %add3A_1165 : i32
      %dma_start3A_1167 = arith.constant 0 : i32
      %dma_start3A_1168 = arith.constant 0 : i32
      %dma_start3A_1169 = arith.constant 0 : i32
      %dma_start3A_1170 = tpu.memref_slice %arg7[%dma_start3A_1168, %add3A_1166, %dma_start3A_1169] : memref<2x416x128xf32, #tpu.memory_space<vmem>> -> memref<1x1x128xf32, #tpu.memory_space<vmem>>
      %dma_start3A_1171 = tpu.memref_squeeze %dma_start3A_1170 : memref<1x1x128xf32, #tpu.memory_space<vmem>> -> memref<128xf32, #tpu.memory_space<vmem>>
      %dma_start3A_1172 = arith.constant 0 : i32
      %dma_start3A_1173 = tpu.memref_slice %arg6[%scan3A_948, %dma_start3A_1167, %dma_start3A_1172] : memref<26x4x128xi32, #tpu.memory_space<vmem>> -> memref<1x1x128xi32, #tpu.memory_space<vmem>>
      %dma_start3A_1174 = tpu.memref_squeeze %dma_start3A_1173 : memref<1x1x128xi32, #tpu.memory_space<vmem>> -> memref<128xi32, #tpu.memory_space<vmem>>
      %dma_start3A_1175 = arith.constant 0 : i32
      %dma_start3A_1176 = tpu.memref_slice %arg4[%add3A_1162, %dma_start3A_1175] : memref<416x100000xf32, #tpu.memory_space<hbm>> -> memref<1x100000xf32, #tpu.memory_space<hbm>>
      %dma_start3A_1177 = tpu.memref_squeeze %dma_start3A_1176 : memref<1x100000xf32, #tpu.memory_space<hbm>> -> memref<100000xf32, #tpu.memory_space<hbm>>
      %dma_start3A_1178 = arith.constant 0 : i32
      %dma_start3A_1179 = tpu.memref_slice %dma_start3A_1177[%dma_start3A_1178] : memref<100000xf32, #tpu.memory_space<hbm>> -> memref<100000xf32, #tpu.memory_space<hbm>>
      tpu.enqueue_indirect_dma source(%dma_start3A_1179 : memref<100000xf32, #tpu.memory_space<hbm>>) target(%dma_start3A_1171 : memref<128xf32, #tpu.memory_space<vmem>>) offsets(%dma_start3A_1174 : memref<128xi32, #tpu.memory_space<vmem>>) semaphore(%arg8 : memref<!tpu.dma_semaphore, #tpu.memory_space<semaphore_mem>>)
      %mul3A_1180 = arith.constant 16 : i32
      %mul3A_1181 = arith.muli %scan3A_948, %mul3A_1180 : i32
      %add3A_1182 = arith.constant 11 : i32
      %add3A_1183 = arith.addi %mul3A_1181, %add3A_1182 : i32
      %mul3A_1184 = arith.constant 16 : i32
      %mul3A_1185 = arith.muli %scan3A_948, %mul3A_1184 : i32
      %add3A_1186 = arith.constant 11 : i32
      %add3A_1187 = arith.addi %mul3A_1185, %add3A_1186 : i32
      %dma_start3A_1188 = arith.constant 0 : i32
      %dma_start3A_1189 = arith.constant 0 : i32
      %dma_start3A_1190 = arith.constant 0 : i32
      %dma_start3A_1191 = tpu.memref_slice %arg7[%dma_start3A_1189, %add3A_1187, %dma_start3A_1190] : memref<2x416x128xf32, #tpu.memory_space<vmem>> -> memref<1x1x128xf32, #tpu.memory_space<vmem>>
      %dma_start3A_1192 = tpu.memref_squeeze %dma_start3A_1191 : memref<1x1x128xf32, #tpu.memory_space<vmem>> -> memref<128xf32, #tpu.memory_space<vmem>>
      %dma_start3A_1193 = arith.constant 0 : i32
      %dma_start3A_1194 = tpu.memref_slice %arg6[%scan3A_948, %dma_start3A_1188, %dma_start3A_1193] : memref<26x4x128xi32, #tpu.memory_space<vmem>> -> memref<1x1x128xi32, #tpu.memory_space<vmem>>
      %dma_start3A_1195 = tpu.memref_squeeze %dma_start3A_1194 : memref<1x1x128xi32, #tpu.memory_space<vmem>> -> memref<128xi32, #tpu.memory_space<vmem>>
      %dma_start3A_1196 = arith.constant 0 : i32
      %dma_start3A_1197 = tpu.memref_slice %arg4[%add3A_1183, %dma_start3A_1196] : memref<416x100000xf32, #tpu.memory_space<hbm>> -> memref<1x100000xf32, #tpu.memory_space<hbm>>
      %dma_start3A_1198 = tpu.memref_squeeze %dma_start3A_1197 : memref<1x100000xf32, #tpu.memory_space<hbm>> -> memref<100000xf32, #tpu.memory_space<hbm>>
      %dma_start3A_1199 = arith.constant 0 : i32
      %dma_start3A_1200 = tpu.memref_slice %dma_start3A_1198[%dma_start3A_1199] : memref<100000xf32, #tpu.memory_space<hbm>> -> memref<100000xf32, #tpu.memory_space<hbm>>
      tpu.enqueue_indirect_dma source(%dma_start3A_1200 : memref<100000xf32, #tpu.memory_space<hbm>>) target(%dma_start3A_1192 : memref<128xf32, #tpu.memory_space<vmem>>) offsets(%dma_start3A_1195 : memref<128xi32, #tpu.memory_space<vmem>>) semaphore(%arg8 : memref<!tpu.dma_semaphore, #tpu.memory_space<semaphore_mem>>)
      %mul3A_1201 = arith.constant 16 : i32
      %mul3A_1202 = arith.muli %scan3A_948, %mul3A_1201 : i32
      %add3A_1203 = arith.constant 12 : i32
      %add3A_1204 = arith.addi %mul3A_1202, %add3A_1203 : i32
      %mul3A_1205 = arith.constant 16 : i32
      %mul3A_1206 = arith.muli %scan3A_948, %mul3A_1205 : i32
      %add3A_1207 = arith.constant 12 : i32
      %add3A_1208 = arith.addi %mul3A_1206, %add3A_1207 : i32
      %dma_start3A_1209 = arith.constant 0 : i32
      %dma_start3A_1210 = arith.constant 0 : i32
      %dma_start3A_1211 = arith.constant 0 : i32
      %dma_start3A_1212 = tpu.memref_slice %arg7[%dma_start3A_1210, %add3A_1208, %dma_start3A_1211] : memref<2x416x128xf32, #tpu.memory_space<vmem>> -> memref<1x1x128xf32, #tpu.memory_space<vmem>>
      %dma_start3A_1213 = tpu.memref_squeeze %dma_start3A_1212 : memref<1x1x128xf32, #tpu.memory_space<vmem>> -> memref<128xf32, #tpu.memory_space<vmem>>
      %dma_start3A_1214 = arith.constant 0 : i32
      %dma_start3A_1215 = tpu.memref_slice %arg6[%scan3A_948, %dma_start3A_1209, %dma_start3A_1214] : memref<26x4x128xi32, #tpu.memory_space<vmem>> -> memref<1x1x128xi32, #tpu.memory_space<vmem>>
      %dma_start3A_1216 = tpu.memref_squeeze %dma_start3A_1215 : memref<1x1x128xi32, #tpu.memory_space<vmem>> -> memref<128xi32, #tpu.memory_space<vmem>>
      %dma_start3A_1217 = arith.constant 0 : i32
      %dma_start3A_1218 = tpu.memref_slice %arg4[%add3A_1204, %dma_start3A_1217] : memref<416x100000xf32, #tpu.memory_space<hbm>> -> memref<1x100000xf32, #tpu.memory_space<hbm>>
      %dma_start3A_1219 = tpu.memref_squeeze %dma_start3A_1218 : memref<1x100000xf32, #tpu.memory_space<hbm>> -> memref<100000xf32, #tpu.memory_space<hbm>>
      %dma_start3A_1220 = arith.constant 0 : i32
      %dma_start3A_1221 = tpu.memref_slice %dma_start3A_1219[%dma_start3A_1220] : memref<100000xf32, #tpu.memory_space<hbm>> -> memref<100000xf32, #tpu.memory_space<hbm>>
      tpu.enqueue_indirect_dma source(%dma_start3A_1221 : memref<100000xf32, #tpu.memory_space<hbm>>) target(%dma_start3A_1213 : memref<128xf32, #tpu.memory_space<vmem>>) offsets(%dma_start3A_1216 : memref<128xi32, #tpu.memory_space<vmem>>) semaphore(%arg8 : memref<!tpu.dma_semaphore, #tpu.memory_space<semaphore_mem>>)
      %mul3A_1222 = arith.constant 16 : i32
      %mul3A_1223 = arith.muli %scan3A_948, %mul3A_1222 : i32
      %add3A_1224 = arith.constant 13 : i32
      %add3A_1225 = arith.addi %mul3A_1223, %add3A_1224 : i32
      %mul3A_1226 = arith.constant 16 : i32
      %mul3A_1227 = arith.muli %scan3A_948, %mul3A_1226 : i32
      %add3A_1228 = arith.constant 13 : i32
      %add3A_1229 = arith.addi %mul3A_1227, %add3A_1228 : i32
      %dma_start3A_1230 = arith.constant 0 : i32
      %dma_start3A_1231 = arith.constant 0 : i32
      %dma_start3A_1232 = arith.constant 0 : i32
      %dma_start3A_1233 = tpu.memref_slice %arg7[%dma_start3A_1231, %add3A_1229, %dma_start3A_1232] : memref<2x416x128xf32, #tpu.memory_space<vmem>> -> memref<1x1x128xf32, #tpu.memory_space<vmem>>
      %dma_start3A_1234 = tpu.memref_squeeze %dma_start3A_1233 : memref<1x1x128xf32, #tpu.memory_space<vmem>> -> memref<128xf32, #tpu.memory_space<vmem>>
      %dma_start3A_1235 = arith.constant 0 : i32
      %dma_start3A_1236 = tpu.memref_slice %arg6[%scan3A_948, %dma_start3A_1230, %dma_start3A_1235] : memref<26x4x128xi32, #tpu.memory_space<vmem>> -> memref<1x1x128xi32, #tpu.memory_space<vmem>>
      %dma_start3A_1237 = tpu.memref_squeeze %dma_start3A_1236 : memref<1x1x128xi32, #tpu.memory_space<vmem>> -> memref<128xi32, #tpu.memory_space<vmem>>
      %dma_start3A_1238 = arith.constant 0 : i32
      %dma_start3A_1239 = tpu.memref_slice %arg4[%add3A_1225, %dma_start3A_1238] : memref<416x100000xf32, #tpu.memory_space<hbm>> -> memref<1x100000xf32, #tpu.memory_space<hbm>>
      %dma_start3A_1240 = tpu.memref_squeeze %dma_start3A_1239 : memref<1x100000xf32, #tpu.memory_space<hbm>> -> memref<100000xf32, #tpu.memory_space<hbm>>
      %dma_start3A_1241 = arith.constant 0 : i32
      %dma_start3A_1242 = tpu.memref_slice %dma_start3A_1240[%dma_start3A_1241] : memref<100000xf32, #tpu.memory_space<hbm>> -> memref<100000xf32, #tpu.memory_space<hbm>>
      tpu.enqueue_indirect_dma source(%dma_start3A_1242 : memref<100000xf32, #tpu.memory_space<hbm>>) target(%dma_start3A_1234 : memref<128xf32, #tpu.memory_space<vmem>>) offsets(%dma_start3A_1237 : memref<128xi32, #tpu.memory_space<vmem>>) semaphore(%arg8 : memref<!tpu.dma_semaphore, #tpu.memory_space<semaphore_mem>>)
      %mul3A_1243 = arith.constant 16 : i32
      %mul3A_1244 = arith.muli %scan3A_948, %mul3A_1243 : i32
      %add3A_1245 = arith.constant 14 : i32
      %add3A_1246 = arith.addi %mul3A_1244, %add3A_1245 : i32
      %mul3A_1247 = arith.constant 16 : i32
      %mul3A_1248 = arith.muli %scan3A_948, %mul3A_1247 : i32
      %add3A_1249 = arith.constant 14 : i32
      %add3A_1250 = arith.addi %mul3A_1248, %add3A_1249 : i32
      %dma_start3A_1251 = arith.constant 0 : i32
      %dma_start3A_1252 = arith.constant 0 : i32
      %dma_start3A_1253 = arith.constant 0 : i32
      %dma_start3A_1254 = tpu.memref_slice %arg7[%dma_start3A_1252, %add3A_1250, %dma_start3A_1253] : memref<2x416x128xf32, #tpu.memory_space<vmem>> -> memref<1x1x128xf32, #tpu.memory_space<vmem>>
      %dma_start3A_1255 = tpu.memref_squeeze %dma_start3A_1254 : memref<1x1x128xf32, #tpu.memory_space<vmem>> -> memref<128xf32, #tpu.memory_space<vmem>>
      %dma_start3A_1256 = arith.constant 0 : i32
      %dma_start3A_1257 = tpu.memref_slice %arg6[%scan3A_948, %dma_start3A_1251, %dma_start3A_1256] : memref<26x4x128xi32, #tpu.memory_space<vmem>> -> memref<1x1x128xi32, #tpu.memory_space<vmem>>
      %dma_start3A_1258 = tpu.memref_squeeze %dma_start3A_1257 : memref<1x1x128xi32, #tpu.memory_space<vmem>> -> memref<128xi32, #tpu.memory_space<vmem>>
      %dma_start3A_1259 = arith.constant 0 : i32
      %dma_start3A_1260 = tpu.memref_slice %arg4[%add3A_1246, %dma_start3A_1259] : memref<416x100000xf32, #tpu.memory_space<hbm>> -> memref<1x100000xf32, #tpu.memory_space<hbm>>
      %dma_start3A_1261 = tpu.memref_squeeze %dma_start3A_1260 : memref<1x100000xf32, #tpu.memory_space<hbm>> -> memref<100000xf32, #tpu.memory_space<hbm>>
      %dma_start3A_1262 = arith.constant 0 : i32
      %dma_start3A_1263 = tpu.memref_slice %dma_start3A_1261[%dma_start3A_1262] : memref<100000xf32, #tpu.memory_space<hbm>> -> memref<100000xf32, #tpu.memory_space<hbm>>
      tpu.enqueue_indirect_dma source(%dma_start3A_1263 : memref<100000xf32, #tpu.memory_space<hbm>>) target(%dma_start3A_1255 : memref<128xf32, #tpu.memory_space<vmem>>) offsets(%dma_start3A_1258 : memref<128xi32, #tpu.memory_space<vmem>>) semaphore(%arg8 : memref<!tpu.dma_semaphore, #tpu.memory_space<semaphore_mem>>)
      %mul3A_1264 = arith.constant 16 : i32
      %mul3A_1265 = arith.muli %scan3A_948, %mul3A_1264 : i32
      %add3A_1266 = arith.constant 15 : i32
      %add3A_1267 = arith.addi %mul3A_1265, %add3A_1266 : i32
      %mul3A_1268 = arith.constant 16 : i32
      %mul3A_1269 = arith.muli %scan3A_948, %mul3A_1268 : i32
      %add3A_1270 = arith.constant 15 : i32
      %add3A_1271 = arith.addi %mul3A_1269, %add3A_1270 : i32
      %dma_start3A_1272 = arith.constant 0 : i32
      %dma_start3A_1273 = arith.constant 0 : i32
      %dma_start3A_1274 = arith.constant 0 : i32
      %dma_start3A_1275 = tpu.memref_slice %arg7[%dma_start3A_1273, %add3A_1271, %dma_start3A_1274] : memref<2x416x128xf32, #tpu.memory_space<vmem>> -> memref<1x1x128xf32, #tpu.memory_space<vmem>>
      %dma_start3A_1276 = tpu.memref_squeeze %dma_start3A_1275 : memref<1x1x128xf32, #tpu.memory_space<vmem>> -> memref<128xf32, #tpu.memory_space<vmem>>
      %dma_start3A_1277 = arith.constant 0 : i32
      %dma_start3A_1278 = tpu.memref_slice %arg6[%scan3A_948, %dma_start3A_1272, %dma_start3A_1277] : memref<26x4x128xi32, #tpu.memory_space<vmem>> -> memref<1x1x128xi32, #tpu.memory_space<vmem>>
      %dma_start3A_1279 = tpu.memref_squeeze %dma_start3A_1278 : memref<1x1x128xi32, #tpu.memory_space<vmem>> -> memref<128xi32, #tpu.memory_space<vmem>>
      %dma_start3A_1280 = arith.constant 0 : i32
      %dma_start3A_1281 = tpu.memref_slice %arg4[%add3A_1267, %dma_start3A_1280] : memref<416x100000xf32, #tpu.memory_space<hbm>> -> memref<1x100000xf32, #tpu.memory_space<hbm>>
      %dma_start3A_1282 = tpu.memref_squeeze %dma_start3A_1281 : memref<1x100000xf32, #tpu.memory_space<hbm>> -> memref<100000xf32, #tpu.memory_space<hbm>>
      %dma_start3A_1283 = arith.constant 0 : i32
      %dma_start3A_1284 = tpu.memref_slice %dma_start3A_1282[%dma_start3A_1283] : memref<100000xf32, #tpu.memory_space<hbm>> -> memref<100000xf32, #tpu.memory_space<hbm>>
      tpu.enqueue_indirect_dma source(%dma_start3A_1284 : memref<100000xf32, #tpu.memory_space<hbm>>) target(%dma_start3A_1276 : memref<128xf32, #tpu.memory_space<vmem>>) offsets(%dma_start3A_1279 : memref<128xi32, #tpu.memory_space<vmem>>) semaphore(%arg8 : memref<!tpu.dma_semaphore, #tpu.memory_space<semaphore_mem>>)
    }
    %scan3A_863 = arith.constant 26 : i32
    %scan3A_864 = arith.constant 0 : i32
    %scan3A_865 = arith.constant 0 : i32
    %scan3A_866 = arith.constant 4 : i32
    %scan3A_867 = arith.addi %scan3A_865, %scan3A_866 : i32
    %scan3A_868 = arith.constant 1 : i32
    scf.for %scan3A_948 = %scan3A_865 to %scan3A_867 step %scan3A_868  : i32 {
      %rem3A = arith.constant 2 : i32
      %rem3A_949 = arith.remsi %scan3A_948, %rem3A : i32
      %scan3A_950 = arith.constant 0 : i32
      %scan3A_951 = arith.constant 0 : i32
      %scan3A_952 = arith.constant 26 : i32
      %scan3A_953 = arith.addi %scan3A_951, %scan3A_952 : i32
      %scan3A_954 = arith.constant 1 : i32
      scf.for %scan3A_972 = %scan3A_951 to %scan3A_953 step %scan3A_954  : i32 {
        %mul3A_973 = arith.constant 16 : i32
        %mul3A_974 = arith.muli %scan3A_972, %mul3A_973 : i32
        %add3A_975 = arith.constant 0 : i32
        %add3A_976 = arith.addi %mul3A_974, %add3A_975 : i32
        %mul3A_977 = arith.constant 16 : i32
        %mul3A_978 = arith.muli %scan3A_972, %mul3A_977 : i32
        %add3A_979 = arith.constant 0 : i32
        %add3A_980 = arith.addi %mul3A_978, %add3A_979 : i32
        %dma_wait3A_981 = arith.constant 0 : i32
        %dma_wait3A_982 = tpu.memref_slice %arg7[%rem3A_949, %add3A_980, %dma_wait3A_981] : memref<2x416x128xf32, #tpu.memory_space<vmem>> -> memref<1x1x128xf32, #tpu.memory_space<vmem>>
        %dma_wait3A_983 = tpu.memref_squeeze %dma_wait3A_982 : memref<1x1x128xf32, #tpu.memory_space<vmem>> -> memref<128xf32, #tpu.memory_space<vmem>>
        %dma_wait3A_984 = arith.constant 0 : i32
        %dma_wait3A_985 = tpu.memref_slice %arg6[%scan3A_972, %scan3A_948, %dma_wait3A_984] : memref<26x4x128xi32, #tpu.memory_space<vmem>> -> memref<1x1x128xi32, #tpu.memory_space<vmem>>
        %dma_wait3A_986 = tpu.memref_squeeze %dma_wait3A_985 : memref<1x1x128xi32, #tpu.memory_space<vmem>> -> memref<128xi32, #tpu.memory_space<vmem>>
        %dma_wait3A_987 = arith.constant 0 : i32
        %dma_wait3A_988 = tpu.memref_slice %arg4[%add3A_976, %dma_wait3A_987] : memref<416x100000xf32, #tpu.memory_space<hbm>> -> memref<1x100000xf32, #tpu.memory_space<hbm>>
        %dma_wait3A_989 = tpu.memref_squeeze %dma_wait3A_988 : memref<1x100000xf32, #tpu.memory_space<hbm>> -> memref<100000xf32, #tpu.memory_space<hbm>>
        %dma_wait3A_990 = arith.constant 0 : i32
        %dma_wait3A_991 = tpu.memref_slice %dma_wait3A_989[%dma_wait3A_990] : memref<100000xf32, #tpu.memory_space<hbm>> -> memref<100000xf32, #tpu.memory_space<hbm>>
        tpu.wait_indirect_dma semaphore(%arg8 : memref<!tpu.dma_semaphore, #tpu.memory_space<semaphore_mem>>) src(%dma_wait3A_991 : memref<100000xf32, #tpu.memory_space<hbm>>) dst(%dma_wait3A_983 : memref<128xf32, #tpu.memory_space<vmem>>)
        %mul3A_992 = arith.constant 16 : i32
        %mul3A_993 = arith.muli %scan3A_972, %mul3A_992 : i32
        %add3A_994 = arith.constant 1 : i32
        %add3A_995 = arith.addi %mul3A_993, %add3A_994 : i32
        %mul3A_996 = arith.constant 16 : i32
        %mul3A_997 = arith.muli %scan3A_972, %mul3A_996 : i32
        %add3A_998 = arith.constant 1 : i32
        %add3A_999 = arith.addi %mul3A_997, %add3A_998 : i32
        %dma_wait3A_1000 = arith.constant 0 : i32
        %dma_wait3A_1001 = tpu.memref_slice %arg7[%rem3A_949, %add3A_999, %dma_wait3A_1000] : memref<2x416x128xf32, #tpu.memory_space<vmem>> -> memref<1x1x128xf32, #tpu.memory_space<vmem>>
        %dma_wait3A_1002 = tpu.memref_squeeze %dma_wait3A_1001 : memref<1x1x128xf32, #tpu.memory_space<vmem>> -> memref<128xf32, #tpu.memory_space<vmem>>
        %dma_wait3A_1003 = arith.constant 0 : i32
        %dma_wait3A_1004 = tpu.memref_slice %arg6[%scan3A_972, %scan3A_948, %dma_wait3A_1003] : memref<26x4x128xi32, #tpu.memory_space<vmem>> -> memref<1x1x128xi32, #tpu.memory_space<vmem>>
        %dma_wait3A_1005 = tpu.memref_squeeze %dma_wait3A_1004 : memref<1x1x128xi32, #tpu.memory_space<vmem>> -> memref<128xi32, #tpu.memory_space<vmem>>
        %dma_wait3A_1006 = arith.constant 0 : i32
        %dma_wait3A_1007 = tpu.memref_slice %arg4[%add3A_995, %dma_wait3A_1006] : memref<416x100000xf32, #tpu.memory_space<hbm>> -> memref<1x100000xf32, #tpu.memory_space<hbm>>
        %dma_wait3A_1008 = tpu.memref_squeeze %dma_wait3A_1007 : memref<1x100000xf32, #tpu.memory_space<hbm>> -> memref<100000xf32, #tpu.memory_space<hbm>>
        %dma_wait3A_1009 = arith.constant 0 : i32
        %dma_wait3A_1010 = tpu.memref_slice %dma_wait3A_1008[%dma_wait3A_1009] : memref<100000xf32, #tpu.memory_space<hbm>> -> memref<100000xf32, #tpu.memory_space<hbm>>
        tpu.wait_indirect_dma semaphore(%arg8 : memref<!tpu.dma_semaphore, #tpu.memory_space<semaphore_mem>>) src(%dma_wait3A_1010 : memref<100000xf32, #tpu.memory_space<hbm>>) dst(%dma_wait3A_1002 : memref<128xf32, #tpu.memory_space<vmem>>)
        %mul3A_1011 = arith.constant 16 : i32
        %mul3A_1012 = arith.muli %scan3A_972, %mul3A_1011 : i32
        %add3A_1013 = arith.constant 2 : i32
        %add3A_1014 = arith.addi %mul3A_1012, %add3A_1013 : i32
        %mul3A_1015 = arith.constant 16 : i32
        %mul3A_1016 = arith.muli %scan3A_972, %mul3A_1015 : i32
        %add3A_1017 = arith.constant 2 : i32
        %add3A_1018 = arith.addi %mul3A_1016, %add3A_1017 : i32
        %dma_wait3A_1019 = arith.constant 0 : i32
        %dma_wait3A_1020 = tpu.memref_slice %arg7[%rem3A_949, %add3A_1018, %dma_wait3A_1019] : memref<2x416x128xf32, #tpu.memory_space<vmem>> -> memref<1x1x128xf32, #tpu.memory_space<vmem>>
        %dma_wait3A_1021 = tpu.memref_squeeze %dma_wait3A_1020 : memref<1x1x128xf32, #tpu.memory_space<vmem>> -> memref<128xf32, #tpu.memory_space<vmem>>
        %dma_wait3A_1022 = arith.constant 0 : i32
        %dma_wait3A_1023 = tpu.memref_slice %arg6[%scan3A_972, %scan3A_948, %dma_wait3A_1022] : memref<26x4x128xi32, #tpu.memory_space<vmem>> -> memref<1x1x128xi32, #tpu.memory_space<vmem>>
        %dma_wait3A_1024 = tpu.memref_squeeze %dma_wait3A_1023 : memref<1x1x128xi32, #tpu.memory_space<vmem>> -> memref<128xi32, #tpu.memory_space<vmem>>
        %dma_wait3A_1025 = arith.constant 0 : i32
        %dma_wait3A_1026 = tpu.memref_slice %arg4[%add3A_1014, %dma_wait3A_1025] : memref<416x100000xf32, #tpu.memory_space<hbm>> -> memref<1x100000xf32, #tpu.memory_space<hbm>>
        %dma_wait3A_1027 = tpu.memref_squeeze %dma_wait3A_1026 : memref<1x100000xf32, #tpu.memory_space<hbm>> -> memref<100000xf32, #tpu.memory_space<hbm>>
        %dma_wait3A_1028 = arith.constant 0 : i32
        %dma_wait3A_1029 = tpu.memref_slice %dma_wait3A_1027[%dma_wait3A_1028] : memref<100000xf32, #tpu.memory_space<hbm>> -> memref<100000xf32, #tpu.memory_space<hbm>>
        tpu.wait_indirect_dma semaphore(%arg8 : memref<!tpu.dma_semaphore, #tpu.memory_space<semaphore_mem>>) src(%dma_wait3A_1029 : memref<100000xf32, #tpu.memory_space<hbm>>) dst(%dma_wait3A_1021 : memref<128xf32, #tpu.memory_space<vmem>>)
        %mul3A_1030 = arith.constant 16 : i32
        %mul3A_1031 = arith.muli %scan3A_972, %mul3A_1030 : i32
        %add3A_1032 = arith.constant 3 : i32
        %add3A_1033 = arith.addi %mul3A_1031, %add3A_1032 : i32
        %mul3A_1034 = arith.constant 16 : i32
        %mul3A_1035 = arith.muli %scan3A_972, %mul3A_1034 : i32
        %add3A_1036 = arith.constant 3 : i32
        %add3A_1037 = arith.addi %mul3A_1035, %add3A_1036 : i32
        %dma_wait3A_1038 = arith.constant 0 : i32
        %dma_wait3A_1039 = tpu.memref_slice %arg7[%rem3A_949, %add3A_1037, %dma_wait3A_1038] : memref<2x416x128xf32, #tpu.memory_space<vmem>> -> memref<1x1x128xf32, #tpu.memory_space<vmem>>
        %dma_wait3A_1040 = tpu.memref_squeeze %dma_wait3A_1039 : memref<1x1x128xf32, #tpu.memory_space<vmem>> -> memref<128xf32, #tpu.memory_space<vmem>>
        %dma_wait3A_1041 = arith.constant 0 : i32
        %dma_wait3A_1042 = tpu.memref_slice %arg6[%scan3A_972, %scan3A_948, %dma_wait3A_1041] : memref<26x4x128xi32, #tpu.memory_space<vmem>> -> memref<1x1x128xi32, #tpu.memory_space<vmem>>
        %dma_wait3A_1043 = tpu.memref_squeeze %dma_wait3A_1042 : memref<1x1x128xi32, #tpu.memory_space<vmem>> -> memref<128xi32, #tpu.memory_space<vmem>>
        %dma_wait3A_1044 = arith.constant 0 : i32
        %dma_wait3A_1045 = tpu.memref_slice %arg4[%add3A_1033, %dma_wait3A_1044] : memref<416x100000xf32, #tpu.memory_space<hbm>> -> memref<1x100000xf32, #tpu.memory_space<hbm>>
        %dma_wait3A_1046 = tpu.memref_squeeze %dma_wait3A_1045 : memref<1x100000xf32, #tpu.memory_space<hbm>> -> memref<100000xf32, #tpu.memory_space<hbm>>
        %dma_wait3A_1047 = arith.constant 0 : i32
        %dma_wait3A_1048 = tpu.memref_slice %dma_wait3A_1046[%dma_wait3A_1047] : memref<100000xf32, #tpu.memory_space<hbm>> -> memref<100000xf32, #tpu.memory_space<hbm>>
        tpu.wait_indirect_dma semaphore(%arg8 : memref<!tpu.dma_semaphore, #tpu.memory_space<semaphore_mem>>) src(%dma_wait3A_1048 : memref<100000xf32, #tpu.memory_space<hbm>>) dst(%dma_wait3A_1040 : memref<128xf32, #tpu.memory_space<vmem>>)
        %mul3A_1049 = arith.constant 16 : i32
        %mul3A_1050 = arith.muli %scan3A_972, %mul3A_1049 : i32
        %add3A_1051 = arith.constant 4 : i32
        %add3A_1052 = arith.addi %mul3A_1050, %add3A_1051 : i32
        %mul3A_1053 = arith.constant 16 : i32
        %mul3A_1054 = arith.muli %scan3A_972, %mul3A_1053 : i32
        %add3A_1055 = arith.constant 4 : i32
        %add3A_1056 = arith.addi %mul3A_1054, %add3A_1055 : i32
        %dma_wait3A_1057 = arith.constant 0 : i32
        %dma_wait3A_1058 = tpu.memref_slice %arg7[%rem3A_949, %add3A_1056, %dma_wait3A_1057] : memref<2x416x128xf32, #tpu.memory_space<vmem>> -> memref<1x1x128xf32, #tpu.memory_space<vmem>>
        %dma_wait3A_1059 = tpu.memref_squeeze %dma_wait3A_1058 : memref<1x1x128xf32, #tpu.memory_space<vmem>> -> memref<128xf32, #tpu.memory_space<vmem>>
        %dma_wait3A_1060 = arith.constant 0 : i32
        %dma_wait3A_1061 = tpu.memref_slice %arg6[%scan3A_972, %scan3A_948, %dma_wait3A_1060] : memref<26x4x128xi32, #tpu.memory_space<vmem>> -> memref<1x1x128xi32, #tpu.memory_space<vmem>>
        %dma_wait3A_1062 = tpu.memref_squeeze %dma_wait3A_1061 : memref<1x1x128xi32, #tpu.memory_space<vmem>> -> memref<128xi32, #tpu.memory_space<vmem>>
        %dma_wait3A_1063 = arith.constant 0 : i32
        %dma_wait3A_1064 = tpu.memref_slice %arg4[%add3A_1052, %dma_wait3A_1063] : memref<416x100000xf32, #tpu.memory_space<hbm>> -> memref<1x100000xf32, #tpu.memory_space<hbm>>
        %dma_wait3A_1065 = tpu.memref_squeeze %dma_wait3A_1064 : memref<1x100000xf32, #tpu.memory_space<hbm>> -> memref<100000xf32, #tpu.memory_space<hbm>>
        %dma_wait3A_1066 = arith.constant 0 : i32
        %dma_wait3A_1067 = tpu.memref_slice %dma_wait3A_1065[%dma_wait3A_1066] : memref<100000xf32, #tpu.memory_space<hbm>> -> memref<100000xf32, #tpu.memory_space<hbm>>
        tpu.wait_indirect_dma semaphore(%arg8 : memref<!tpu.dma_semaphore, #tpu.memory_space<semaphore_mem>>) src(%dma_wait3A_1067 : memref<100000xf32, #tpu.memory_space<hbm>>) dst(%dma_wait3A_1059 : memref<128xf32, #tpu.memory_space<vmem>>)
        %mul3A_1068 = arith.constant 16 : i32
        %mul3A_1069 = arith.muli %scan3A_972, %mul3A_1068 : i32
        %add3A_1070 = arith.constant 5 : i32
        %add3A_1071 = arith.addi %mul3A_1069, %add3A_1070 : i32
        %mul3A_1072 = arith.constant 16 : i32
        %mul3A_1073 = arith.muli %scan3A_972, %mul3A_1072 : i32
        %add3A_1074 = arith.constant 5 : i32
        %add3A_1075 = arith.addi %mul3A_1073, %add3A_1074 : i32
        %dma_wait3A_1076 = arith.constant 0 : i32
        %dma_wait3A_1077 = tpu.memref_slice %arg7[%rem3A_949, %add3A_1075, %dma_wait3A_1076] : memref<2x416x128xf32, #tpu.memory_space<vmem>> -> memref<1x1x128xf32, #tpu.memory_space<vmem>>
        %dma_wait3A_1078 = tpu.memref_squeeze %dma_wait3A_1077 : memref<1x1x128xf32, #tpu.memory_space<vmem>> -> memref<128xf32, #tpu.memory_space<vmem>>
        %dma_wait3A_1079 = arith.constant 0 : i32
        %dma_wait3A_1080 = tpu.memref_slice %arg6[%scan3A_972, %scan3A_948, %dma_wait3A_1079] : memref<26x4x128xi32, #tpu.memory_space<vmem>> -> memref<1x1x128xi32, #tpu.memory_space<vmem>>
        %dma_wait3A_1081 = tpu.memref_squeeze %dma_wait3A_1080 : memref<1x1x128xi32, #tpu.memory_space<vmem>> -> memref<128xi32, #tpu.memory_space<vmem>>
        %dma_wait3A_1082 = arith.constant 0 : i32
        %dma_wait3A_1083 = tpu.memref_slice %arg4[%add3A_1071, %dma_wait3A_1082] : memref<416x100000xf32, #tpu.memory_space<hbm>> -> memref<1x100000xf32, #tpu.memory_space<hbm>>
        %dma_wait3A_1084 = tpu.memref_squeeze %dma_wait3A_1083 : memref<1x100000xf32, #tpu.memory_space<hbm>> -> memref<100000xf32, #tpu.memory_space<hbm>>
        %dma_wait3A_1085 = arith.constant 0 : i32
        %dma_wait3A_1086 = tpu.memref_slice %dma_wait3A_1084[%dma_wait3A_1085] : memref<100000xf32, #tpu.memory_space<hbm>> -> memref<100000xf32, #tpu.memory_space<hbm>>
        tpu.wait_indirect_dma semaphore(%arg8 : memref<!tpu.dma_semaphore, #tpu.memory_space<semaphore_mem>>) src(%dma_wait3A_1086 : memref<100000xf32, #tpu.memory_space<hbm>>) dst(%dma_wait3A_1078 : memref<128xf32, #tpu.memory_space<vmem>>)
        %mul3A_1087 = arith.constant 16 : i32
        %mul3A_1088 = arith.muli %scan3A_972, %mul3A_1087 : i32
        %add3A_1089 = arith.constant 6 : i32
        %add3A_1090 = arith.addi %mul3A_1088, %add3A_1089 : i32
        %mul3A_1091 = arith.constant 16 : i32
        %mul3A_1092 = arith.muli %scan3A_972, %mul3A_1091 : i32
        %add3A_1093 = arith.constant 6 : i32
        %add3A_1094 = arith.addi %mul3A_1092, %add3A_1093 : i32
        %dma_wait3A_1095 = arith.constant 0 : i32
        %dma_wait3A_1096 = tpu.memref_slice %arg7[%rem3A_949, %add3A_1094, %dma_wait3A_1095] : memref<2x416x128xf32, #tpu.memory_space<vmem>> -> memref<1x1x128xf32, #tpu.memory_space<vmem>>
        %dma_wait3A_1097 = tpu.memref_squeeze %dma_wait3A_1096 : memref<1x1x128xf32, #tpu.memory_space<vmem>> -> memref<128xf32, #tpu.memory_space<vmem>>
        %dma_wait3A_1098 = arith.constant 0 : i32
        %dma_wait3A_1099 = tpu.memref_slice %arg6[%scan3A_972, %scan3A_948, %dma_wait3A_1098] : memref<26x4x128xi32, #tpu.memory_space<vmem>> -> memref<1x1x128xi32, #tpu.memory_space<vmem>>
        %dma_wait3A_1100 = tpu.memref_squeeze %dma_wait3A_1099 : memref<1x1x128xi32, #tpu.memory_space<vmem>> -> memref<128xi32, #tpu.memory_space<vmem>>
        %dma_wait3A_1101 = arith.constant 0 : i32
        %dma_wait3A_1102 = tpu.memref_slice %arg4[%add3A_1090, %dma_wait3A_1101] : memref<416x100000xf32, #tpu.memory_space<hbm>> -> memref<1x100000xf32, #tpu.memory_space<hbm>>
        %dma_wait3A_1103 = tpu.memref_squeeze %dma_wait3A_1102 : memref<1x100000xf32, #tpu.memory_space<hbm>> -> memref<100000xf32, #tpu.memory_space<hbm>>
        %dma_wait3A_1104 = arith.constant 0 : i32
        %dma_wait3A_1105 = tpu.memref_slice %dma_wait3A_1103[%dma_wait3A_1104] : memref<100000xf32, #tpu.memory_space<hbm>> -> memref<100000xf32, #tpu.memory_space<hbm>>
        tpu.wait_indirect_dma semaphore(%arg8 : memref<!tpu.dma_semaphore, #tpu.memory_space<semaphore_mem>>) src(%dma_wait3A_1105 : memref<100000xf32, #tpu.memory_space<hbm>>) dst(%dma_wait3A_1097 : memref<128xf32, #tpu.memory_space<vmem>>)
        %mul3A_1106 = arith.constant 16 : i32
        %mul3A_1107 = arith.muli %scan3A_972, %mul3A_1106 : i32
        %add3A_1108 = arith.constant 7 : i32
        %add3A_1109 = arith.addi %mul3A_1107, %add3A_1108 : i32
        %mul3A_1110 = arith.constant 16 : i32
        %mul3A_1111 = arith.muli %scan3A_972, %mul3A_1110 : i32
        %add3A_1112 = arith.constant 7 : i32
        %add3A_1113 = arith.addi %mul3A_1111, %add3A_1112 : i32
        %dma_wait3A_1114 = arith.constant 0 : i32
        %dma_wait3A_1115 = tpu.memref_slice %arg7[%rem3A_949, %add3A_1113, %dma_wait3A_1114] : memref<2x416x128xf32, #tpu.memory_space<vmem>> -> memref<1x1x128xf32, #tpu.memory_space<vmem>>
        %dma_wait3A_1116 = tpu.memref_squeeze %dma_wait3A_1115 : memref<1x1x128xf32, #tpu.memory_space<vmem>> -> memref<128xf32, #tpu.memory_space<vmem>>
        %dma_wait3A_1117 = arith.constant 0 : i32
        %dma_wait3A_1118 = tpu.memref_slice %arg6[%scan3A_972, %scan3A_948, %dma_wait3A_1117] : memref<26x4x128xi32, #tpu.memory_space<vmem>> -> memref<1x1x128xi32, #tpu.memory_space<vmem>>
        %dma_wait3A_1119 = tpu.memref_squeeze %dma_wait3A_1118 : memref<1x1x128xi32, #tpu.memory_space<vmem>> -> memref<128xi32, #tpu.memory_space<vmem>>
        %dma_wait3A_1120 = arith.constant 0 : i32
        %dma_wait3A_1121 = tpu.memref_slice %arg4[%add3A_1109, %dma_wait3A_1120] : memref<416x100000xf32, #tpu.memory_space<hbm>> -> memref<1x100000xf32, #tpu.memory_space<hbm>>
        %dma_wait3A_1122 = tpu.memref_squeeze %dma_wait3A_1121 : memref<1x100000xf32, #tpu.memory_space<hbm>> -> memref<100000xf32, #tpu.memory_space<hbm>>
        %dma_wait3A_1123 = arith.constant 0 : i32
        %dma_wait3A_1124 = tpu.memref_slice %dma_wait3A_1122[%dma_wait3A_1123] : memref<100000xf32, #tpu.memory_space<hbm>> -> memref<100000xf32, #tpu.memory_space<hbm>>
        tpu.wait_indirect_dma semaphore(%arg8 : memref<!tpu.dma_semaphore, #tpu.memory_space<semaphore_mem>>) src(%dma_wait3A_1124 : memref<100000xf32, #tpu.memory_space<hbm>>) dst(%dma_wait3A_1116 : memref<128xf32, #tpu.memory_space<vmem>>)
        %mul3A_1125 = arith.constant 16 : i32
        %mul3A_1126 = arith.muli %scan3A_972, %mul3A_1125 : i32
        %add3A_1127 = arith.constant 8 : i32
        %add3A_1128 = arith.addi %mul3A_1126, %add3A_1127 : i32
        %mul3A_1129 = arith.constant 16 : i32
        %mul3A_1130 = arith.muli %scan3A_972, %mul3A_1129 : i32
        %add3A_1131 = arith.constant 8 : i32
        %add3A_1132 = arith.addi %mul3A_1130, %add3A_1131 : i32
        %dma_wait3A_1133 = arith.constant 0 : i32
        %dma_wait3A_1134 = tpu.memref_slice %arg7[%rem3A_949, %add3A_1132, %dma_wait3A_1133] : memref<2x416x128xf32, #tpu.memory_space<vmem>> -> memref<1x1x128xf32, #tpu.memory_space<vmem>>
        %dma_wait3A_1135 = tpu.memref_squeeze %dma_wait3A_1134 : memref<1x1x128xf32, #tpu.memory_space<vmem>> -> memref<128xf32, #tpu.memory_space<vmem>>
        %dma_wait3A_1136 = arith.constant 0 : i32
        %dma_wait3A_1137 = tpu.memref_slice %arg6[%scan3A_972, %scan3A_948, %dma_wait3A_1136] : memref<26x4x128xi32, #tpu.memory_space<vmem>> -> memref<1x1x128xi32, #tpu.memory_space<vmem>>
        %dma_wait3A_1138 = tpu.memref_squeeze %dma_wait3A_1137 : memref<1x1x128xi32, #tpu.memory_space<vmem>> -> memref<128xi32, #tpu.memory_space<vmem>>
        %dma_wait3A_1139 = arith.constant 0 : i32
        %dma_wait3A_1140 = tpu.memref_slice %arg4[%add3A_1128, %dma_wait3A_1139] : memref<416x100000xf32, #tpu.memory_space<hbm>> -> memref<1x100000xf32, #tpu.memory_space<hbm>>
        %dma_wait3A_1141 = tpu.memref_squeeze %dma_wait3A_1140 : memref<1x100000xf32, #tpu.memory_space<hbm>> -> memref<100000xf32, #tpu.memory_space<hbm>>
        %dma_wait3A_1142 = arith.constant 0 : i32
        %dma_wait3A_1143 = tpu.memref_slice %dma_wait3A_1141[%dma_wait3A_1142] : memref<100000xf32, #tpu.memory_space<hbm>> -> memref<100000xf32, #tpu.memory_space<hbm>>
        tpu.wait_indirect_dma semaphore(%arg8 : memref<!tpu.dma_semaphore, #tpu.memory_space<semaphore_mem>>) src(%dma_wait3A_1143 : memref<100000xf32, #tpu.memory_space<hbm>>) dst(%dma_wait3A_1135 : memref<128xf32, #tpu.memory_space<vmem>>)
        %mul3A_1144 = arith.constant 16 : i32
        %mul3A_1145 = arith.muli %scan3A_972, %mul3A_1144 : i32
        %add3A_1146 = arith.constant 9 : i32
        %add3A_1147 = arith.addi %mul3A_1145, %add3A_1146 : i32
        %mul3A_1148 = arith.constant 16 : i32
        %mul3A_1149 = arith.muli %scan3A_972, %mul3A_1148 : i32
        %add3A_1150 = arith.constant 9 : i32
        %add3A_1151 = arith.addi %mul3A_1149, %add3A_1150 : i32
        %dma_wait3A_1152 = arith.constant 0 : i32
        %dma_wait3A_1153 = tpu.memref_slice %arg7[%rem3A_949, %add3A_1151, %dma_wait3A_1152] : memref<2x416x128xf32, #tpu.memory_space<vmem>> -> memref<1x1x128xf32, #tpu.memory_space<vmem>>
        %dma_wait3A_1154 = tpu.memref_squeeze %dma_wait3A_1153 : memref<1x1x128xf32, #tpu.memory_space<vmem>> -> memref<128xf32, #tpu.memory_space<vmem>>
        %dma_wait3A_1155 = arith.constant 0 : i32
        %dma_wait3A_1156 = tpu.memref_slice %arg6[%scan3A_972, %scan3A_948, %dma_wait3A_1155] : memref<26x4x128xi32, #tpu.memory_space<vmem>> -> memref<1x1x128xi32, #tpu.memory_space<vmem>>
        %dma_wait3A_1157 = tpu.memref_squeeze %dma_wait3A_1156 : memref<1x1x128xi32, #tpu.memory_space<vmem>> -> memref<128xi32, #tpu.memory_space<vmem>>
        %dma_wait3A_1158 = arith.constant 0 : i32
        %dma_wait3A_1159 = tpu.memref_slice %arg4[%add3A_1147, %dma_wait3A_1158] : memref<416x100000xf32, #tpu.memory_space<hbm>> -> memref<1x100000xf32, #tpu.memory_space<hbm>>
        %dma_wait3A_1160 = tpu.memref_squeeze %dma_wait3A_1159 : memref<1x100000xf32, #tpu.memory_space<hbm>> -> memref<100000xf32, #tpu.memory_space<hbm>>
        %dma_wait3A_1161 = arith.constant 0 : i32
        %dma_wait3A_1162 = tpu.memref_slice %dma_wait3A_1160[%dma_wait3A_1161] : memref<100000xf32, #tpu.memory_space<hbm>> -> memref<100000xf32, #tpu.memory_space<hbm>>
        tpu.wait_indirect_dma semaphore(%arg8 : memref<!tpu.dma_semaphore, #tpu.memory_space<semaphore_mem>>) src(%dma_wait3A_1162 : memref<100000xf32, #tpu.memory_space<hbm>>) dst(%dma_wait3A_1154 : memref<128xf32, #tpu.memory_space<vmem>>)
        %mul3A_1163 = arith.constant 16 : i32
        %mul3A_1164 = arith.muli %scan3A_972, %mul3A_1163 : i32
        %add3A_1165 = arith.constant 10 : i32
        %add3A_1166 = arith.addi %mul3A_1164, %add3A_1165 : i32
        %mul3A_1167 = arith.constant 16 : i32
        %mul3A_1168 = arith.muli %scan3A_972, %mul3A_1167 : i32
        %add3A_1169 = arith.constant 10 : i32
        %add3A_1170 = arith.addi %mul3A_1168, %add3A_1169 : i32
        %dma_wait3A_1171 = arith.constant 0 : i32
        %dma_wait3A_1172 = tpu.memref_slice %arg7[%rem3A_949, %add3A_1170, %dma_wait3A_1171] : memref<2x416x128xf32, #tpu.memory_space<vmem>> -> memref<1x1x128xf32, #tpu.memory_space<vmem>>
        %dma_wait3A_1173 = tpu.memref_squeeze %dma_wait3A_1172 : memref<1x1x128xf32, #tpu.memory_space<vmem>> -> memref<128xf32, #tpu.memory_space<vmem>>
        %dma_wait3A_1174 = arith.constant 0 : i32
        %dma_wait3A_1175 = tpu.memref_slice %arg6[%scan3A_972, %scan3A_948, %dma_wait3A_1174] : memref<26x4x128xi32, #tpu.memory_space<vmem>> -> memref<1x1x128xi32, #tpu.memory_space<vmem>>
        %dma_wait3A_1176 = tpu.memref_squeeze %dma_wait3A_1175 : memref<1x1x128xi32, #tpu.memory_space<vmem>> -> memref<128xi32, #tpu.memory_space<vmem>>
        %dma_wait3A_1177 = arith.constant 0 : i32
        %dma_wait3A_1178 = tpu.memref_slice %arg4[%add3A_1166, %dma_wait3A_1177] : memref<416x100000xf32, #tpu.memory_space<hbm>> -> memref<1x100000xf32, #tpu.memory_space<hbm>>
        %dma_wait3A_1179 = tpu.memref_squeeze %dma_wait3A_1178 : memref<1x100000xf32, #tpu.memory_space<hbm>> -> memref<100000xf32, #tpu.memory_space<hbm>>
        %dma_wait3A_1180 = arith.constant 0 : i32
        %dma_wait3A_1181 = tpu.memref_slice %dma_wait3A_1179[%dma_wait3A_1180] : memref<100000xf32, #tpu.memory_space<hbm>> -> memref<100000xf32, #tpu.memory_space<hbm>>
        tpu.wait_indirect_dma semaphore(%arg8 : memref<!tpu.dma_semaphore, #tpu.memory_space<semaphore_mem>>) src(%dma_wait3A_1181 : memref<100000xf32, #tpu.memory_space<hbm>>) dst(%dma_wait3A_1173 : memref<128xf32, #tpu.memory_space<vmem>>)
        %mul3A_1182 = arith.constant 16 : i32
        %mul3A_1183 = arith.muli %scan3A_972, %mul3A_1182 : i32
        %add3A_1184 = arith.constant 11 : i32
        %add3A_1185 = arith.addi %mul3A_1183, %add3A_1184 : i32
        %mul3A_1186 = arith.constant 16 : i32
        %mul3A_1187 = arith.muli %scan3A_972, %mul3A_1186 : i32
        %add3A_1188 = arith.constant 11 : i32
        %add3A_1189 = arith.addi %mul3A_1187, %add3A_1188 : i32
        %dma_wait3A_1190 = arith.constant 0 : i32
        %dma_wait3A_1191 = tpu.memref_slice %arg7[%rem3A_949, %add3A_1189, %dma_wait3A_1190] : memref<2x416x128xf32, #tpu.memory_space<vmem>> -> memref<1x1x128xf32, #tpu.memory_space<vmem>>
        %dma_wait3A_1192 = tpu.memref_squeeze %dma_wait3A_1191 : memref<1x1x128xf32, #tpu.memory_space<vmem>> -> memref<128xf32, #tpu.memory_space<vmem>>
        %dma_wait3A_1193 = arith.constant 0 : i32
        %dma_wait3A_1194 = tpu.memref_slice %arg6[%scan3A_972, %scan3A_948, %dma_wait3A_1193] : memref<26x4x128xi32, #tpu.memory_space<vmem>> -> memref<1x1x128xi32, #tpu.memory_space<vmem>>
        %dma_wait3A_1195 = tpu.memref_squeeze %dma_wait3A_1194 : memref<1x1x128xi32, #tpu.memory_space<vmem>> -> memref<128xi32, #tpu.memory_space<vmem>>
        %dma_wait3A_1196 = arith.constant 0 : i32
        %dma_wait3A_1197 = tpu.memref_slice %arg4[%add3A_1185, %dma_wait3A_1196] : memref<416x100000xf32, #tpu.memory_space<hbm>> -> memref<1x100000xf32, #tpu.memory_space<hbm>>
        %dma_wait3A_1198 = tpu.memref_squeeze %dma_wait3A_1197 : memref<1x100000xf32, #tpu.memory_space<hbm>> -> memref<100000xf32, #tpu.memory_space<hbm>>
        %dma_wait3A_1199 = arith.constant 0 : i32
        %dma_wait3A_1200 = tpu.memref_slice %dma_wait3A_1198[%dma_wait3A_1199] : memref<100000xf32, #tpu.memory_space<hbm>> -> memref<100000xf32, #tpu.memory_space<hbm>>
        tpu.wait_indirect_dma semaphore(%arg8 : memref<!tpu.dma_semaphore, #tpu.memory_space<semaphore_mem>>) src(%dma_wait3A_1200 : memref<100000xf32, #tpu.memory_space<hbm>>) dst(%dma_wait3A_1192 : memref<128xf32, #tpu.memory_space<vmem>>)
        %mul3A_1201 = arith.constant 16 : i32
        %mul3A_1202 = arith.muli %scan3A_972, %mul3A_1201 : i32
        %add3A_1203 = arith.constant 12 : i32
        %add3A_1204 = arith.addi %mul3A_1202, %add3A_1203 : i32
        %mul3A_1205 = arith.constant 16 : i32
        %mul3A_1206 = arith.muli %scan3A_972, %mul3A_1205 : i32
        %add3A_1207 = arith.constant 12 : i32
        %add3A_1208 = arith.addi %mul3A_1206, %add3A_1207 : i32
        %dma_wait3A_1209 = arith.constant 0 : i32
        %dma_wait3A_1210 = tpu.memref_slice %arg7[%rem3A_949, %add3A_1208, %dma_wait3A_1209] : memref<2x416x128xf32, #tpu.memory_space<vmem>> -> memref<1x1x128xf32, #tpu.memory_space<vmem>>
        %dma_wait3A_1211 = tpu.memref_squeeze %dma_wait3A_1210 : memref<1x1x128xf32, #tpu.memory_space<vmem>> -> memref<128xf32, #tpu.memory_space<vmem>>
        %dma_wait3A_1212 = arith.constant 0 : i32
        %dma_wait3A_1213 = tpu.memref_slice %arg6[%scan3A_972, %scan3A_948, %dma_wait3A_1212] : memref<26x4x128xi32, #tpu.memory_space<vmem>> -> memref<1x1x128xi32, #tpu.memory_space<vmem>>
        %dma_wait3A_1214 = tpu.memref_squeeze %dma_wait3A_1213 : memref<1x1x128xi32, #tpu.memory_space<vmem>> -> memref<128xi32, #tpu.memory_space<vmem>>
        %dma_wait3A_1215 = arith.constant 0 : i32
        %dma_wait3A_1216 = tpu.memref_slice %arg4[%add3A_1204, %dma_wait3A_1215] : memref<416x100000xf32, #tpu.memory_space<hbm>> -> memref<1x100000xf32, #tpu.memory_space<hbm>>
        %dma_wait3A_1217 = tpu.memref_squeeze %dma_wait3A_1216 : memref<1x100000xf32, #tpu.memory_space<hbm>> -> memref<100000xf32, #tpu.memory_space<hbm>>
        %dma_wait3A_1218 = arith.constant 0 : i32
        %dma_wait3A_1219 = tpu.memref_slice %dma_wait3A_1217[%dma_wait3A_1218] : memref<100000xf32, #tpu.memory_space<hbm>> -> memref<100000xf32, #tpu.memory_space<hbm>>
        tpu.wait_indirect_dma semaphore(%arg8 : memref<!tpu.dma_semaphore, #tpu.memory_space<semaphore_mem>>) src(%dma_wait3A_1219 : memref<100000xf32, #tpu.memory_space<hbm>>) dst(%dma_wait3A_1211 : memref<128xf32, #tpu.memory_space<vmem>>)
        %mul3A_1220 = arith.constant 16 : i32
        %mul3A_1221 = arith.muli %scan3A_972, %mul3A_1220 : i32
        %add3A_1222 = arith.constant 13 : i32
        %add3A_1223 = arith.addi %mul3A_1221, %add3A_1222 : i32
        %mul3A_1224 = arith.constant 16 : i32
        %mul3A_1225 = arith.muli %scan3A_972, %mul3A_1224 : i32
        %add3A_1226 = arith.constant 13 : i32
        %add3A_1227 = arith.addi %mul3A_1225, %add3A_1226 : i32
        %dma_wait3A_1228 = arith.constant 0 : i32
        %dma_wait3A_1229 = tpu.memref_slice %arg7[%rem3A_949, %add3A_1227, %dma_wait3A_1228] : memref<2x416x128xf32, #tpu.memory_space<vmem>> -> memref<1x1x128xf32, #tpu.memory_space<vmem>>
        %dma_wait3A_1230 = tpu.memref_squeeze %dma_wait3A_1229 : memref<1x1x128xf32, #tpu.memory_space<vmem>> -> memref<128xf32, #tpu.memory_space<vmem>>
        %dma_wait3A_1231 = arith.constant 0 : i32
        %dma_wait3A_1232 = tpu.memref_slice %arg6[%scan3A_972, %scan3A_948, %dma_wait3A_1231] : memref<26x4x128xi32, #tpu.memory_space<vmem>> -> memref<1x1x128xi32, #tpu.memory_space<vmem>>
        %dma_wait3A_1233 = tpu.memref_squeeze %dma_wait3A_1232 : memref<1x1x128xi32, #tpu.memory_space<vmem>> -> memref<128xi32, #tpu.memory_space<vmem>>
        %dma_wait3A_1234 = arith.constant 0 : i32
        %dma_wait3A_1235 = tpu.memref_slice %arg4[%add3A_1223, %dma_wait3A_1234] : memref<416x100000xf32, #tpu.memory_space<hbm>> -> memref<1x100000xf32, #tpu.memory_space<hbm>>
        %dma_wait3A_1236 = tpu.memref_squeeze %dma_wait3A_1235 : memref<1x100000xf32, #tpu.memory_space<hbm>> -> memref<100000xf32, #tpu.memory_space<hbm>>
        %dma_wait3A_1237 = arith.constant 0 : i32
        %dma_wait3A_1238 = tpu.memref_slice %dma_wait3A_1236[%dma_wait3A_1237] : memref<100000xf32, #tpu.memory_space<hbm>> -> memref<100000xf32, #tpu.memory_space<hbm>>
        tpu.wait_indirect_dma semaphore(%arg8 : memref<!tpu.dma_semaphore, #tpu.memory_space<semaphore_mem>>) src(%dma_wait3A_1238 : memref<100000xf32, #tpu.memory_space<hbm>>) dst(%dma_wait3A_1230 : memref<128xf32, #tpu.memory_space<vmem>>)
        %mul3A_1239 = arith.constant 16 : i32
        %mul3A_1240 = arith.muli %scan3A_972, %mul3A_1239 : i32
        %add3A_1241 = arith.constant 14 : i32
        %add3A_1242 = arith.addi %mul3A_1240, %add3A_1241 : i32
        %mul3A_1243 = arith.constant 16 : i32
        %mul3A_1244 = arith.muli %scan3A_972, %mul3A_1243 : i32
        %add3A_1245 = arith.constant 14 : i32
        %add3A_1246 = arith.addi %mul3A_1244, %add3A_1245 : i32
        %dma_wait3A_1247 = arith.constant 0 : i32
        %dma_wait3A_1248 = tpu.memref_slice %arg7[%rem3A_949, %add3A_1246, %dma_wait3A_1247] : memref<2x416x128xf32, #tpu.memory_space<vmem>> -> memref<1x1x128xf32, #tpu.memory_space<vmem>>
        %dma_wait3A_1249 = tpu.memref_squeeze %dma_wait3A_1248 : memref<1x1x128xf32, #tpu.memory_space<vmem>> -> memref<128xf32, #tpu.memory_space<vmem>>
        %dma_wait3A_1250 = arith.constant 0 : i32
        %dma_wait3A_1251 = tpu.memref_slice %arg6[%scan3A_972, %scan3A_948, %dma_wait3A_1250] : memref<26x4x128xi32, #tpu.memory_space<vmem>> -> memref<1x1x128xi32, #tpu.memory_space<vmem>>
        %dma_wait3A_1252 = tpu.memref_squeeze %dma_wait3A_1251 : memref<1x1x128xi32, #tpu.memory_space<vmem>> -> memref<128xi32, #tpu.memory_space<vmem>>
        %dma_wait3A_1253 = arith.constant 0 : i32
        %dma_wait3A_1254 = tpu.memref_slice %arg4[%add3A_1242, %dma_wait3A_1253] : memref<416x100000xf32, #tpu.memory_space<hbm>> -> memref<1x100000xf32, #tpu.memory_space<hbm>>
        %dma_wait3A_1255 = tpu.memref_squeeze %dma_wait3A_1254 : memref<1x100000xf32, #tpu.memory_space<hbm>> -> memref<100000xf32, #tpu.memory_space<hbm>>
        %dma_wait3A_1256 = arith.constant 0 : i32
        %dma_wait3A_1257 = tpu.memref_slice %dma_wait3A_1255[%dma_wait3A_1256] : memref<100000xf32, #tpu.memory_space<hbm>> -> memref<100000xf32, #tpu.memory_space<hbm>>
        tpu.wait_indirect_dma semaphore(%arg8 : memref<!tpu.dma_semaphore, #tpu.memory_space<semaphore_mem>>) src(%dma_wait3A_1257 : memref<100000xf32, #tpu.memory_space<hbm>>) dst(%dma_wait3A_1249 : memref<128xf32, #tpu.memory_space<vmem>>)
        %mul3A_1258 = arith.constant 16 : i32
        %mul3A_1259 = arith.muli %scan3A_972, %mul3A_1258 : i32
        %add3A_1260 = arith.constant 15 : i32
        %add3A_1261 = arith.addi %mul3A_1259, %add3A_1260 : i32
        %mul3A_1262 = arith.constant 16 : i32
        %mul3A_1263 = arith.muli %scan3A_972, %mul3A_1262 : i32
        %add3A_1264 = arith.constant 15 : i32
        %add3A_1265 = arith.addi %mul3A_1263, %add3A_1264 : i32
        %dma_wait3A_1266 = arith.constant 0 : i32
        %dma_wait3A_1267 = tpu.memref_slice %arg7[%rem3A_949, %add3A_1265, %dma_wait3A_1266] : memref<2x416x128xf32, #tpu.memory_space<vmem>> -> memref<1x1x128xf32, #tpu.memory_space<vmem>>
        %dma_wait3A_1268 = tpu.memref_squeeze %dma_wait3A_1267 : memref<1x1x128xf32, #tpu.memory_space<vmem>> -> memref<128xf32, #tpu.memory_space<vmem>>
        %dma_wait3A_1269 = arith.constant 0 : i32
        %dma_wait3A_1270 = tpu.memref_slice %arg6[%scan3A_972, %scan3A_948, %dma_wait3A_1269] : memref<26x4x128xi32, #tpu.memory_space<vmem>> -> memref<1x1x128xi32, #tpu.memory_space<vmem>>
        %dma_wait3A_1271 = tpu.memref_squeeze %dma_wait3A_1270 : memref<1x1x128xi32, #tpu.memory_space<vmem>> -> memref<128xi32, #tpu.memory_space<vmem>>
        %dma_wait3A_1272 = arith.constant 0 : i32
        %dma_wait3A_1273 = tpu.memref_slice %arg4[%add3A_1261, %dma_wait3A_1272] : memref<416x100000xf32, #tpu.memory_space<hbm>> -> memref<1x100000xf32, #tpu.memory_space<hbm>>
        %dma_wait3A_1274 = tpu.memref_squeeze %dma_wait3A_1273 : memref<1x100000xf32, #tpu.memory_space<hbm>> -> memref<100000xf32, #tpu.memory_space<hbm>>
        %dma_wait3A_1275 = arith.constant 0 : i32
        %dma_wait3A_1276 = tpu.memref_slice %dma_wait3A_1274[%dma_wait3A_1275] : memref<100000xf32, #tpu.memory_space<hbm>> -> memref<100000xf32, #tpu.memory_space<hbm>>
        tpu.wait_indirect_dma semaphore(%arg8 : memref<!tpu.dma_semaphore, #tpu.memory_space<semaphore_mem>>) src(%dma_wait3A_1276 : memref<100000xf32, #tpu.memory_space<hbm>>) dst(%dma_wait3A_1268 : memref<128xf32, #tpu.memory_space<vmem>>)
      }
      %scan3A_955 = arith.constant 26 : i32
      %add3A_956 = arith.constant 1 : i32
      %add3A_957 = arith.addi %scan3A_948, %add3A_956 : i32
      %lt3A = arith.constant 4 : i32
      %lt3A_958 = arith.cmpi slt, %add3A_957, %lt3A : i32
      %convert_element_type3A = arith.extui %lt3A_958 : i1 to i32
      %cond3A = arith.constant 0 : i32
      %cond3A_959 = arith.cmpi ne, %convert_element_type3A, %cond3A : i32
      scf.if %cond3A_959 {
        %add3A_972 = arith.constant 1 : i32
        %add3A_973 = arith.addi %scan3A_948, %add3A_972 : i32
        %add3A_974 = arith.constant 1 : i32
        %add3A_975 = arith.addi %scan3A_948, %add3A_974 : i32
        %rem3A_976 = arith.constant 2 : i32
        %rem3A_977 = arith.remsi %add3A_975, %rem3A_976 : i32
        %scan3A_978 = arith.constant 0 : i32
        %scan3A_979 = arith.constant 0 : i32
        %scan3A_980 = arith.constant 26 : i32
        %scan3A_981 = arith.addi %scan3A_979, %scan3A_980 : i32
        %scan3A_982 = arith.constant 1 : i32
        scf.for %scan3A_984 = %scan3A_979 to %scan3A_981 step %scan3A_982  : i32 {
          %mul3A_985 = arith.constant 16 : i32
          %mul3A_986 = arith.muli %scan3A_984, %mul3A_985 : i32
          %add3A_987 = arith.constant 0 : i32
          %add3A_988 = arith.addi %mul3A_986, %add3A_987 : i32
          %mul3A_989 = arith.constant 16 : i32
          %mul3A_990 = arith.muli %scan3A_984, %mul3A_989 : i32
          %add3A_991 = arith.constant 0 : i32
          %add3A_992 = arith.addi %mul3A_990, %add3A_991 : i32
          %dma_start3A_993 = arith.constant 0 : i32
          %dma_start3A_994 = tpu.memref_slice %arg7[%rem3A_977, %add3A_992, %dma_start3A_993] : memref<2x416x128xf32, #tpu.memory_space<vmem>> -> memref<1x1x128xf32, #tpu.memory_space<vmem>>
          %dma_start3A_995 = tpu.memref_squeeze %dma_start3A_994 : memref<1x1x128xf32, #tpu.memory_space<vmem>> -> memref<128xf32, #tpu.memory_space<vmem>>
          %dma_start3A_996 = arith.constant 0 : i32
          %dma_start3A_997 = tpu.memref_slice %arg6[%scan3A_984, %add3A_973, %dma_start3A_996] : memref<26x4x128xi32, #tpu.memory_space<vmem>> -> memref<1x1x128xi32, #tpu.memory_space<vmem>>
          %dma_start3A_998 = tpu.memref_squeeze %dma_start3A_997 : memref<1x1x128xi32, #tpu.memory_space<vmem>> -> memref<128xi32, #tpu.memory_space<vmem>>
          %dma_start3A_999 = arith.constant 0 : i32
          %dma_start3A_1000 = tpu.memref_slice %arg4[%add3A_988, %dma_start3A_999] : memref<416x100000xf32, #tpu.memory_space<hbm>> -> memref<1x100000xf32, #tpu.memory_space<hbm>>
          %dma_start3A_1001 = tpu.memref_squeeze %dma_start3A_1000 : memref<1x100000xf32, #tpu.memory_space<hbm>> -> memref<100000xf32, #tpu.memory_space<hbm>>
          %dma_start3A_1002 = arith.constant 0 : i32
          %dma_start3A_1003 = tpu.memref_slice %dma_start3A_1001[%dma_start3A_1002] : memref<100000xf32, #tpu.memory_space<hbm>> -> memref<100000xf32, #tpu.memory_space<hbm>>
          tpu.enqueue_indirect_dma source(%dma_start3A_1003 : memref<100000xf32, #tpu.memory_space<hbm>>) target(%dma_start3A_995 : memref<128xf32, #tpu.memory_space<vmem>>) offsets(%dma_start3A_998 : memref<128xi32, #tpu.memory_space<vmem>>) semaphore(%arg8 : memref<!tpu.dma_semaphore, #tpu.memory_space<semaphore_mem>>)
          %mul3A_1004 = arith.constant 16 : i32
          %mul3A_1005 = arith.muli %scan3A_984, %mul3A_1004 : i32
          %add3A_1006 = arith.constant 1 : i32
          %add3A_1007 = arith.addi %mul3A_1005, %add3A_1006 : i32
          %mul3A_1008 = arith.constant 16 : i32
          %mul3A_1009 = arith.muli %scan3A_984, %mul3A_1008 : i32
          %add3A_1010 = arith.constant 1 : i32
          %add3A_1011 = arith.addi %mul3A_1009, %add3A_1010 : i32
          %dma_start3A_1012 = arith.constant 0 : i32
          %dma_start3A_1013 = tpu.memref_slice %arg7[%rem3A_977, %add3A_1011, %dma_start3A_1012] : memref<2x416x128xf32, #tpu.memory_space<vmem>> -> memref<1x1x128xf32, #tpu.memory_space<vmem>>
          %dma_start3A_1014 = tpu.memref_squeeze %dma_start3A_1013 : memref<1x1x128xf32, #tpu.memory_space<vmem>> -> memref<128xf32, #tpu.memory_space<vmem>>
          %dma_start3A_1015 = arith.constant 0 : i32
          %dma_start3A_1016 = tpu.memref_slice %arg6[%scan3A_984, %add3A_973, %dma_start3A_1015] : memref<26x4x128xi32, #tpu.memory_space<vmem>> -> memref<1x1x128xi32, #tpu.memory_space<vmem>>
          %dma_start3A_1017 = tpu.memref_squeeze %dma_start3A_1016 : memref<1x1x128xi32, #tpu.memory_space<vmem>> -> memref<128xi32, #tpu.memory_space<vmem>>
          %dma_start3A_1018 = arith.constant 0 : i32
          %dma_start3A_1019 = tpu.memref_slice %arg4[%add3A_1007, %dma_start3A_1018] : memref<416x100000xf32, #tpu.memory_space<hbm>> -> memref<1x100000xf32, #tpu.memory_space<hbm>>
          %dma_start3A_1020 = tpu.memref_squeeze %dma_start3A_1019 : memref<1x100000xf32, #tpu.memory_space<hbm>> -> memref<100000xf32, #tpu.memory_space<hbm>>
          %dma_start3A_1021 = arith.constant 0 : i32
          %dma_start3A_1022 = tpu.memref_slice %dma_start3A_1020[%dma_start3A_1021] : memref<100000xf32, #tpu.memory_space<hbm>> -> memref<100000xf32, #tpu.memory_space<hbm>>
          tpu.enqueue_indirect_dma source(%dma_start3A_1022 : memref<100000xf32, #tpu.memory_space<hbm>>) target(%dma_start3A_1014 : memref<128xf32, #tpu.memory_space<vmem>>) offsets(%dma_start3A_1017 : memref<128xi32, #tpu.memory_space<vmem>>) semaphore(%arg8 : memref<!tpu.dma_semaphore, #tpu.memory_space<semaphore_mem>>)
          %mul3A_1023 = arith.constant 16 : i32
          %mul3A_1024 = arith.muli %scan3A_984, %mul3A_1023 : i32
          %add3A_1025 = arith.constant 2 : i32
          %add3A_1026 = arith.addi %mul3A_1024, %add3A_1025 : i32
          %mul3A_1027 = arith.constant 16 : i32
          %mul3A_1028 = arith.muli %scan3A_984, %mul3A_1027 : i32
          %add3A_1029 = arith.constant 2 : i32
          %add3A_1030 = arith.addi %mul3A_1028, %add3A_1029 : i32
          %dma_start3A_1031 = arith.constant 0 : i32
          %dma_start3A_1032 = tpu.memref_slice %arg7[%rem3A_977, %add3A_1030, %dma_start3A_1031] : memref<2x416x128xf32, #tpu.memory_space<vmem>> -> memref<1x1x128xf32, #tpu.memory_space<vmem>>
          %dma_start3A_1033 = tpu.memref_squeeze %dma_start3A_1032 : memref<1x1x128xf32, #tpu.memory_space<vmem>> -> memref<128xf32, #tpu.memory_space<vmem>>
          %dma_start3A_1034 = arith.constant 0 : i32
          %dma_start3A_1035 = tpu.memref_slice %arg6[%scan3A_984, %add3A_973, %dma_start3A_1034] : memref<26x4x128xi32, #tpu.memory_space<vmem>> -> memref<1x1x128xi32, #tpu.memory_space<vmem>>
          %dma_start3A_1036 = tpu.memref_squeeze %dma_start3A_1035 : memref<1x1x128xi32, #tpu.memory_space<vmem>> -> memref<128xi32, #tpu.memory_space<vmem>>
          %dma_start3A_1037 = arith.constant 0 : i32
          %dma_start3A_1038 = tpu.memref_slice %arg4[%add3A_1026, %dma_start3A_1037] : memref<416x100000xf32, #tpu.memory_space<hbm>> -> memref<1x100000xf32, #tpu.memory_space<hbm>>
          %dma_start3A_1039 = tpu.memref_squeeze %dma_start3A_1038 : memref<1x100000xf32, #tpu.memory_space<hbm>> -> memref<100000xf32, #tpu.memory_space<hbm>>
          %dma_start3A_1040 = arith.constant 0 : i32
          %dma_start3A_1041 = tpu.memref_slice %dma_start3A_1039[%dma_start3A_1040] : memref<100000xf32, #tpu.memory_space<hbm>> -> memref<100000xf32, #tpu.memory_space<hbm>>
          tpu.enqueue_indirect_dma source(%dma_start3A_1041 : memref<100000xf32, #tpu.memory_space<hbm>>) target(%dma_start3A_1033 : memref<128xf32, #tpu.memory_space<vmem>>) offsets(%dma_start3A_1036 : memref<128xi32, #tpu.memory_space<vmem>>) semaphore(%arg8 : memref<!tpu.dma_semaphore, #tpu.memory_space<semaphore_mem>>)
          %mul3A_1042 = arith.constant 16 : i32
          %mul3A_1043 = arith.muli %scan3A_984, %mul3A_1042 : i32
          %add3A_1044 = arith.constant 3 : i32
          %add3A_1045 = arith.addi %mul3A_1043, %add3A_1044 : i32
          %mul3A_1046 = arith.constant 16 : i32
          %mul3A_1047 = arith.muli %scan3A_984, %mul3A_1046 : i32
          %add3A_1048 = arith.constant 3 : i32
          %add3A_1049 = arith.addi %mul3A_1047, %add3A_1048 : i32
          %dma_start3A_1050 = arith.constant 0 : i32
          %dma_start3A_1051 = tpu.memref_slice %arg7[%rem3A_977, %add3A_1049, %dma_start3A_1050] : memref<2x416x128xf32, #tpu.memory_space<vmem>> -> memref<1x1x128xf32, #tpu.memory_space<vmem>>
          %dma_start3A_1052 = tpu.memref_squeeze %dma_start3A_1051 : memref<1x1x128xf32, #tpu.memory_space<vmem>> -> memref<128xf32, #tpu.memory_space<vmem>>
          %dma_start3A_1053 = arith.constant 0 : i32
          %dma_start3A_1054 = tpu.memref_slice %arg6[%scan3A_984, %add3A_973, %dma_start3A_1053] : memref<26x4x128xi32, #tpu.memory_space<vmem>> -> memref<1x1x128xi32, #tpu.memory_space<vmem>>
          %dma_start3A_1055 = tpu.memref_squeeze %dma_start3A_1054 : memref<1x1x128xi32, #tpu.memory_space<vmem>> -> memref<128xi32, #tpu.memory_space<vmem>>
          %dma_start3A_1056 = arith.constant 0 : i32
          %dma_start3A_1057 = tpu.memref_slice %arg4[%add3A_1045, %dma_start3A_1056] : memref<416x100000xf32, #tpu.memory_space<hbm>> -> memref<1x100000xf32, #tpu.memory_space<hbm>>
          %dma_start3A_1058 = tpu.memref_squeeze %dma_start3A_1057 : memref<1x100000xf32, #tpu.memory_space<hbm>> -> memref<100000xf32, #tpu.memory_space<hbm>>
          %dma_start3A_1059 = arith.constant 0 : i32
          %dma_start3A_1060 = tpu.memref_slice %dma_start3A_1058[%dma_start3A_1059] : memref<100000xf32, #tpu.memory_space<hbm>> -> memref<100000xf32, #tpu.memory_space<hbm>>
          tpu.enqueue_indirect_dma source(%dma_start3A_1060 : memref<100000xf32, #tpu.memory_space<hbm>>) target(%dma_start3A_1052 : memref<128xf32, #tpu.memory_space<vmem>>) offsets(%dma_start3A_1055 : memref<128xi32, #tpu.memory_space<vmem>>) semaphore(%arg8 : memref<!tpu.dma_semaphore, #tpu.memory_space<semaphore_mem>>)
          %mul3A_1061 = arith.constant 16 : i32
          %mul3A_1062 = arith.muli %scan3A_984, %mul3A_1061 : i32
          %add3A_1063 = arith.constant 4 : i32
          %add3A_1064 = arith.addi %mul3A_1062, %add3A_1063 : i32
          %mul3A_1065 = arith.constant 16 : i32
          %mul3A_1066 = arith.muli %scan3A_984, %mul3A_1065 : i32
          %add3A_1067 = arith.constant 4 : i32
          %add3A_1068 = arith.addi %mul3A_1066, %add3A_1067 : i32
          %dma_start3A_1069 = arith.constant 0 : i32
          %dma_start3A_1070 = tpu.memref_slice %arg7[%rem3A_977, %add3A_1068, %dma_start3A_1069] : memref<2x416x128xf32, #tpu.memory_space<vmem>> -> memref<1x1x128xf32, #tpu.memory_space<vmem>>
          %dma_start3A_1071 = tpu.memref_squeeze %dma_start3A_1070 : memref<1x1x128xf32, #tpu.memory_space<vmem>> -> memref<128xf32, #tpu.memory_space<vmem>>
          %dma_start3A_1072 = arith.constant 0 : i32
          %dma_start3A_1073 = tpu.memref_slice %arg6[%scan3A_984, %add3A_973, %dma_start3A_1072] : memref<26x4x128xi32, #tpu.memory_space<vmem>> -> memref<1x1x128xi32, #tpu.memory_space<vmem>>
          %dma_start3A_1074 = tpu.memref_squeeze %dma_start3A_1073 : memref<1x1x128xi32, #tpu.memory_space<vmem>> -> memref<128xi32, #tpu.memory_space<vmem>>
          %dma_start3A_1075 = arith.constant 0 : i32
          %dma_start3A_1076 = tpu.memref_slice %arg4[%add3A_1064, %dma_start3A_1075] : memref<416x100000xf32, #tpu.memory_space<hbm>> -> memref<1x100000xf32, #tpu.memory_space<hbm>>
          %dma_start3A_1077 = tpu.memref_squeeze %dma_start3A_1076 : memref<1x100000xf32, #tpu.memory_space<hbm>> -> memref<100000xf32, #tpu.memory_space<hbm>>
          %dma_start3A_1078 = arith.constant 0 : i32
          %dma_start3A_1079 = tpu.memref_slice %dma_start3A_1077[%dma_start3A_1078] : memref<100000xf32, #tpu.memory_space<hbm>> -> memref<100000xf32, #tpu.memory_space<hbm>>
          tpu.enqueue_indirect_dma source(%dma_start3A_1079 : memref<100000xf32, #tpu.memory_space<hbm>>) target(%dma_start3A_1071 : memref<128xf32, #tpu.memory_space<vmem>>) offsets(%dma_start3A_1074 : memref<128xi32, #tpu.memory_space<vmem>>) semaphore(%arg8 : memref<!tpu.dma_semaphore, #tpu.memory_space<semaphore_mem>>)
          %mul3A_1080 = arith.constant 16 : i32
          %mul3A_1081 = arith.muli %scan3A_984, %mul3A_1080 : i32
          %add3A_1082 = arith.constant 5 : i32
          %add3A_1083 = arith.addi %mul3A_1081, %add3A_1082 : i32
          %mul3A_1084 = arith.constant 16 : i32
          %mul3A_1085 = arith.muli %scan3A_984, %mul3A_1084 : i32
          %add3A_1086 = arith.constant 5 : i32
          %add3A_1087 = arith.addi %mul3A_1085, %add3A_1086 : i32
          %dma_start3A_1088 = arith.constant 0 : i32
          %dma_start3A_1089 = tpu.memref_slice %arg7[%rem3A_977, %add3A_1087, %dma_start3A_1088] : memref<2x416x128xf32, #tpu.memory_space<vmem>> -> memref<1x1x128xf32, #tpu.memory_space<vmem>>
          %dma_start3A_1090 = tpu.memref_squeeze %dma_start3A_1089 : memref<1x1x128xf32, #tpu.memory_space<vmem>> -> memref<128xf32, #tpu.memory_space<vmem>>
          %dma_start3A_1091 = arith.constant 0 : i32
          %dma_start3A_1092 = tpu.memref_slice %arg6[%scan3A_984, %add3A_973, %dma_start3A_1091] : memref<26x4x128xi32, #tpu.memory_space<vmem>> -> memref<1x1x128xi32, #tpu.memory_space<vmem>>
          %dma_start3A_1093 = tpu.memref_squeeze %dma_start3A_1092 : memref<1x1x128xi32, #tpu.memory_space<vmem>> -> memref<128xi32, #tpu.memory_space<vmem>>
          %dma_start3A_1094 = arith.constant 0 : i32
          %dma_start3A_1095 = tpu.memref_slice %arg4[%add3A_1083, %dma_start3A_1094] : memref<416x100000xf32, #tpu.memory_space<hbm>> -> memref<1x100000xf32, #tpu.memory_space<hbm>>
          %dma_start3A_1096 = tpu.memref_squeeze %dma_start3A_1095 : memref<1x100000xf32, #tpu.memory_space<hbm>> -> memref<100000xf32, #tpu.memory_space<hbm>>
          %dma_start3A_1097 = arith.constant 0 : i32
          %dma_start3A_1098 = tpu.memref_slice %dma_start3A_1096[%dma_start3A_1097] : memref<100000xf32, #tpu.memory_space<hbm>> -> memref<100000xf32, #tpu.memory_space<hbm>>
          tpu.enqueue_indirect_dma source(%dma_start3A_1098 : memref<100000xf32, #tpu.memory_space<hbm>>) target(%dma_start3A_1090 : memref<128xf32, #tpu.memory_space<vmem>>) offsets(%dma_start3A_1093 : memref<128xi32, #tpu.memory_space<vmem>>) semaphore(%arg8 : memref<!tpu.dma_semaphore, #tpu.memory_space<semaphore_mem>>)
          %mul3A_1099 = arith.constant 16 : i32
          %mul3A_1100 = arith.muli %scan3A_984, %mul3A_1099 : i32
          %add3A_1101 = arith.constant 6 : i32
          %add3A_1102 = arith.addi %mul3A_1100, %add3A_1101 : i32
          %mul3A_1103 = arith.constant 16 : i32
          %mul3A_1104 = arith.muli %scan3A_984, %mul3A_1103 : i32
          %add3A_1105 = arith.constant 6 : i32
          %add3A_1106 = arith.addi %mul3A_1104, %add3A_1105 : i32
          %dma_start3A_1107 = arith.constant 0 : i32
          %dma_start3A_1108 = tpu.memref_slice %arg7[%rem3A_977, %add3A_1106, %dma_start3A_1107] : memref<2x416x128xf32, #tpu.memory_space<vmem>> -> memref<1x1x128xf32, #tpu.memory_space<vmem>>
          %dma_start3A_1109 = tpu.memref_squeeze %dma_start3A_1108 : memref<1x1x128xf32, #tpu.memory_space<vmem>> -> memref<128xf32, #tpu.memory_space<vmem>>
          %dma_start3A_1110 = arith.constant 0 : i32
          %dma_start3A_1111 = tpu.memref_slice %arg6[%scan3A_984, %add3A_973, %dma_start3A_1110] : memref<26x4x128xi32, #tpu.memory_space<vmem>> -> memref<1x1x128xi32, #tpu.memory_space<vmem>>
          %dma_start3A_1112 = tpu.memref_squeeze %dma_start3A_1111 : memref<1x1x128xi32, #tpu.memory_space<vmem>> -> memref<128xi32, #tpu.memory_space<vmem>>
          %dma_start3A_1113 = arith.constant 0 : i32
          %dma_start3A_1114 = tpu.memref_slice %arg4[%add3A_1102, %dma_start3A_1113] : memref<416x100000xf32, #tpu.memory_space<hbm>> -> memref<1x100000xf32, #tpu.memory_space<hbm>>
          %dma_start3A_1115 = tpu.memref_squeeze %dma_start3A_1114 : memref<1x100000xf32, #tpu.memory_space<hbm>> -> memref<100000xf32, #tpu.memory_space<hbm>>
          %dma_start3A_1116 = arith.constant 0 : i32
          %dma_start3A_1117 = tpu.memref_slice %dma_start3A_1115[%dma_start3A_1116] : memref<100000xf32, #tpu.memory_space<hbm>> -> memref<100000xf32, #tpu.memory_space<hbm>>
          tpu.enqueue_indirect_dma source(%dma_start3A_1117 : memref<100000xf32, #tpu.memory_space<hbm>>) target(%dma_start3A_1109 : memref<128xf32, #tpu.memory_space<vmem>>) offsets(%dma_start3A_1112 : memref<128xi32, #tpu.memory_space<vmem>>) semaphore(%arg8 : memref<!tpu.dma_semaphore, #tpu.memory_space<semaphore_mem>>)
          %mul3A_1118 = arith.constant 16 : i32
          %mul3A_1119 = arith.muli %scan3A_984, %mul3A_1118 : i32
          %add3A_1120 = arith.constant 7 : i32
          %add3A_1121 = arith.addi %mul3A_1119, %add3A_1120 : i32
          %mul3A_1122 = arith.constant 16 : i32
          %mul3A_1123 = arith.muli %scan3A_984, %mul3A_1122 : i32
          %add3A_1124 = arith.constant 7 : i32
          %add3A_1125 = arith.addi %mul3A_1123, %add3A_1124 : i32
          %dma_start3A_1126 = arith.constant 0 : i32
          %dma_start3A_1127 = tpu.memref_slice %arg7[%rem3A_977, %add3A_1125, %dma_start3A_1126] : memref<2x416x128xf32, #tpu.memory_space<vmem>> -> memref<1x1x128xf32, #tpu.memory_space<vmem>>
          %dma_start3A_1128 = tpu.memref_squeeze %dma_start3A_1127 : memref<1x1x128xf32, #tpu.memory_space<vmem>> -> memref<128xf32, #tpu.memory_space<vmem>>
          %dma_start3A_1129 = arith.constant 0 : i32
          %dma_start3A_1130 = tpu.memref_slice %arg6[%scan3A_984, %add3A_973, %dma_start3A_1129] : memref<26x4x128xi32, #tpu.memory_space<vmem>> -> memref<1x1x128xi32, #tpu.memory_space<vmem>>
          %dma_start3A_1131 = tpu.memref_squeeze %dma_start3A_1130 : memref<1x1x128xi32, #tpu.memory_space<vmem>> -> memref<128xi32, #tpu.memory_space<vmem>>
          %dma_start3A_1132 = arith.constant 0 : i32
          %dma_start3A_1133 = tpu.memref_slice %arg4[%add3A_1121, %dma_start3A_1132] : memref<416x100000xf32, #tpu.memory_space<hbm>> -> memref<1x100000xf32, #tpu.memory_space<hbm>>
          %dma_start3A_1134 = tpu.memref_squeeze %dma_start3A_1133 : memref<1x100000xf32, #tpu.memory_space<hbm>> -> memref<100000xf32, #tpu.memory_space<hbm>>
          %dma_start3A_1135 = arith.constant 0 : i32
          %dma_start3A_1136 = tpu.memref_slice %dma_start3A_1134[%dma_start3A_1135] : memref<100000xf32, #tpu.memory_space<hbm>> -> memref<100000xf32, #tpu.memory_space<hbm>>
          tpu.enqueue_indirect_dma source(%dma_start3A_1136 : memref<100000xf32, #tpu.memory_space<hbm>>) target(%dma_start3A_1128 : memref<128xf32, #tpu.memory_space<vmem>>) offsets(%dma_start3A_1131 : memref<128xi32, #tpu.memory_space<vmem>>) semaphore(%arg8 : memref<!tpu.dma_semaphore, #tpu.memory_space<semaphore_mem>>)
          %mul3A_1137 = arith.constant 16 : i32
          %mul3A_1138 = arith.muli %scan3A_984, %mul3A_1137 : i32
          %add3A_1139 = arith.constant 8 : i32
          %add3A_1140 = arith.addi %mul3A_1138, %add3A_1139 : i32
          %mul3A_1141 = arith.constant 16 : i32
          %mul3A_1142 = arith.muli %scan3A_984, %mul3A_1141 : i32
          %add3A_1143 = arith.constant 8 : i32
          %add3A_1144 = arith.addi %mul3A_1142, %add3A_1143 : i32
          %dma_start3A_1145 = arith.constant 0 : i32
          %dma_start3A_1146 = tpu.memref_slice %arg7[%rem3A_977, %add3A_1144, %dma_start3A_1145] : memref<2x416x128xf32, #tpu.memory_space<vmem>> -> memref<1x1x128xf32, #tpu.memory_space<vmem>>
          %dma_start3A_1147 = tpu.memref_squeeze %dma_start3A_1146 : memref<1x1x128xf32, #tpu.memory_space<vmem>> -> memref<128xf32, #tpu.memory_space<vmem>>
          %dma_start3A_1148 = arith.constant 0 : i32
          %dma_start3A_1149 = tpu.memref_slice %arg6[%scan3A_984, %add3A_973, %dma_start3A_1148] : memref<26x4x128xi32, #tpu.memory_space<vmem>> -> memref<1x1x128xi32, #tpu.memory_space<vmem>>
          %dma_start3A_1150 = tpu.memref_squeeze %dma_start3A_1149 : memref<1x1x128xi32, #tpu.memory_space<vmem>> -> memref<128xi32, #tpu.memory_space<vmem>>
          %dma_start3A_1151 = arith.constant 0 : i32
          %dma_start3A_1152 = tpu.memref_slice %arg4[%add3A_1140, %dma_start3A_1151] : memref<416x100000xf32, #tpu.memory_space<hbm>> -> memref<1x100000xf32, #tpu.memory_space<hbm>>
          %dma_start3A_1153 = tpu.memref_squeeze %dma_start3A_1152 : memref<1x100000xf32, #tpu.memory_space<hbm>> -> memref<100000xf32, #tpu.memory_space<hbm>>
          %dma_start3A_1154 = arith.constant 0 : i32
          %dma_start3A_1155 = tpu.memref_slice %dma_start3A_1153[%dma_start3A_1154] : memref<100000xf32, #tpu.memory_space<hbm>> -> memref<100000xf32, #tpu.memory_space<hbm>>
          tpu.enqueue_indirect_dma source(%dma_start3A_1155 : memref<100000xf32, #tpu.memory_space<hbm>>) target(%dma_start3A_1147 : memref<128xf32, #tpu.memory_space<vmem>>) offsets(%dma_start3A_1150 : memref<128xi32, #tpu.memory_space<vmem>>) semaphore(%arg8 : memref<!tpu.dma_semaphore, #tpu.memory_space<semaphore_mem>>)
          %mul3A_1156 = arith.constant 16 : i32
          %mul3A_1157 = arith.muli %scan3A_984, %mul3A_1156 : i32
          %add3A_1158 = arith.constant 9 : i32
          %add3A_1159 = arith.addi %mul3A_1157, %add3A_1158 : i32
          %mul3A_1160 = arith.constant 16 : i32
          %mul3A_1161 = arith.muli %scan3A_984, %mul3A_1160 : i32
          %add3A_1162 = arith.constant 9 : i32
          %add3A_1163 = arith.addi %mul3A_1161, %add3A_1162 : i32
          %dma_start3A_1164 = arith.constant 0 : i32
          %dma_start3A_1165 = tpu.memref_slice %arg7[%rem3A_977, %add3A_1163, %dma_start3A_1164] : memref<2x416x128xf32, #tpu.memory_space<vmem>> -> memref<1x1x128xf32, #tpu.memory_space<vmem>>
          %dma_start3A_1166 = tpu.memref_squeeze %dma_start3A_1165 : memref<1x1x128xf32, #tpu.memory_space<vmem>> -> memref<128xf32, #tpu.memory_space<vmem>>
          %dma_start3A_1167 = arith.constant 0 : i32
          %dma_start3A_1168 = tpu.memref_slice %arg6[%scan3A_984, %add3A_973, %dma_start3A_1167] : memref<26x4x128xi32, #tpu.memory_space<vmem>> -> memref<1x1x128xi32, #tpu.memory_space<vmem>>
          %dma_start3A_1169 = tpu.memref_squeeze %dma_start3A_1168 : memref<1x1x128xi32, #tpu.memory_space<vmem>> -> memref<128xi32, #tpu.memory_space<vmem>>
          %dma_start3A_1170 = arith.constant 0 : i32
          %dma_start3A_1171 = tpu.memref_slice %arg4[%add3A_1159, %dma_start3A_1170] : memref<416x100000xf32, #tpu.memory_space<hbm>> -> memref<1x100000xf32, #tpu.memory_space<hbm>>
          %dma_start3A_1172 = tpu.memref_squeeze %dma_start3A_1171 : memref<1x100000xf32, #tpu.memory_space<hbm>> -> memref<100000xf32, #tpu.memory_space<hbm>>
          %dma_start3A_1173 = arith.constant 0 : i32
          %dma_start3A_1174 = tpu.memref_slice %dma_start3A_1172[%dma_start3A_1173] : memref<100000xf32, #tpu.memory_space<hbm>> -> memref<100000xf32, #tpu.memory_space<hbm>>
          tpu.enqueue_indirect_dma source(%dma_start3A_1174 : memref<100000xf32, #tpu.memory_space<hbm>>) target(%dma_start3A_1166 : memref<128xf32, #tpu.memory_space<vmem>>) offsets(%dma_start3A_1169 : memref<128xi32, #tpu.memory_space<vmem>>) semaphore(%arg8 : memref<!tpu.dma_semaphore, #tpu.memory_space<semaphore_mem>>)
          %mul3A_1175 = arith.constant 16 : i32
          %mul3A_1176 = arith.muli %scan3A_984, %mul3A_1175 : i32
          %add3A_1177 = arith.constant 10 : i32
          %add3A_1178 = arith.addi %mul3A_1176, %add3A_1177 : i32
          %mul3A_1179 = arith.constant 16 : i32
          %mul3A_1180 = arith.muli %scan3A_984, %mul3A_1179 : i32
          %add3A_1181 = arith.constant 10 : i32
          %add3A_1182 = arith.addi %mul3A_1180, %add3A_1181 : i32
          %dma_start3A_1183 = arith.constant 0 : i32
          %dma_start3A_1184 = tpu.memref_slice %arg7[%rem3A_977, %add3A_1182, %dma_start3A_1183] : memref<2x416x128xf32, #tpu.memory_space<vmem>> -> memref<1x1x128xf32, #tpu.memory_space<vmem>>
          %dma_start3A_1185 = tpu.memref_squeeze %dma_start3A_1184 : memref<1x1x128xf32, #tpu.memory_space<vmem>> -> memref<128xf32, #tpu.memory_space<vmem>>
          %dma_start3A_1186 = arith.constant 0 : i32
          %dma_start3A_1187 = tpu.memref_slice %arg6[%scan3A_984, %add3A_973, %dma_start3A_1186] : memref<26x4x128xi32, #tpu.memory_space<vmem>> -> memref<1x1x128xi32, #tpu.memory_space<vmem>>
          %dma_start3A_1188 = tpu.memref_squeeze %dma_start3A_1187 : memref<1x1x128xi32, #tpu.memory_space<vmem>> -> memref<128xi32, #tpu.memory_space<vmem>>
          %dma_start3A_1189 = arith.constant 0 : i32
          %dma_start3A_1190 = tpu.memref_slice %arg4[%add3A_1178, %dma_start3A_1189] : memref<416x100000xf32, #tpu.memory_space<hbm>> -> memref<1x100000xf32, #tpu.memory_space<hbm>>
          %dma_start3A_1191 = tpu.memref_squeeze %dma_start3A_1190 : memref<1x100000xf32, #tpu.memory_space<hbm>> -> memref<100000xf32, #tpu.memory_space<hbm>>
          %dma_start3A_1192 = arith.constant 0 : i32
          %dma_start3A_1193 = tpu.memref_slice %dma_start3A_1191[%dma_start3A_1192] : memref<100000xf32, #tpu.memory_space<hbm>> -> memref<100000xf32, #tpu.memory_space<hbm>>
          tpu.enqueue_indirect_dma source(%dma_start3A_1193 : memref<100000xf32, #tpu.memory_space<hbm>>) target(%dma_start3A_1185 : memref<128xf32, #tpu.memory_space<vmem>>) offsets(%dma_start3A_1188 : memref<128xi32, #tpu.memory_space<vmem>>) semaphore(%arg8 : memref<!tpu.dma_semaphore, #tpu.memory_space<semaphore_mem>>)
          %mul3A_1194 = arith.constant 16 : i32
          %mul3A_1195 = arith.muli %scan3A_984, %mul3A_1194 : i32
          %add3A_1196 = arith.constant 11 : i32
          %add3A_1197 = arith.addi %mul3A_1195, %add3A_1196 : i32
          %mul3A_1198 = arith.constant 16 : i32
          %mul3A_1199 = arith.muli %scan3A_984, %mul3A_1198 : i32
          %add3A_1200 = arith.constant 11 : i32
          %add3A_1201 = arith.addi %mul3A_1199, %add3A_1200 : i32
          %dma_start3A_1202 = arith.constant 0 : i32
          %dma_start3A_1203 = tpu.memref_slice %arg7[%rem3A_977, %add3A_1201, %dma_start3A_1202] : memref<2x416x128xf32, #tpu.memory_space<vmem>> -> memref<1x1x128xf32, #tpu.memory_space<vmem>>
          %dma_start3A_1204 = tpu.memref_squeeze %dma_start3A_1203 : memref<1x1x128xf32, #tpu.memory_space<vmem>> -> memref<128xf32, #tpu.memory_space<vmem>>
          %dma_start3A_1205 = arith.constant 0 : i32
          %dma_start3A_1206 = tpu.memref_slice %arg6[%scan3A_984, %add3A_973, %dma_start3A_1205] : memref<26x4x128xi32, #tpu.memory_space<vmem>> -> memref<1x1x128xi32, #tpu.memory_space<vmem>>
          %dma_start3A_1207 = tpu.memref_squeeze %dma_start3A_1206 : memref<1x1x128xi32, #tpu.memory_space<vmem>> -> memref<128xi32, #tpu.memory_space<vmem>>
          %dma_start3A_1208 = arith.constant 0 : i32
          %dma_start3A_1209 = tpu.memref_slice %arg4[%add3A_1197, %dma_start3A_1208] : memref<416x100000xf32, #tpu.memory_space<hbm>> -> memref<1x100000xf32, #tpu.memory_space<hbm>>
          %dma_start3A_1210 = tpu.memref_squeeze %dma_start3A_1209 : memref<1x100000xf32, #tpu.memory_space<hbm>> -> memref<100000xf32, #tpu.memory_space<hbm>>
          %dma_start3A_1211 = arith.constant 0 : i32
          %dma_start3A_1212 = tpu.memref_slice %dma_start3A_1210[%dma_start3A_1211] : memref<100000xf32, #tpu.memory_space<hbm>> -> memref<100000xf32, #tpu.memory_space<hbm>>
          tpu.enqueue_indirect_dma source(%dma_start3A_1212 : memref<100000xf32, #tpu.memory_space<hbm>>) target(%dma_start3A_1204 : memref<128xf32, #tpu.memory_space<vmem>>) offsets(%dma_start3A_1207 : memref<128xi32, #tpu.memory_space<vmem>>) semaphore(%arg8 : memref<!tpu.dma_semaphore, #tpu.memory_space<semaphore_mem>>)
          %mul3A_1213 = arith.constant 16 : i32
          %mul3A_1214 = arith.muli %scan3A_984, %mul3A_1213 : i32
          %add3A_1215 = arith.constant 12 : i32
          %add3A_1216 = arith.addi %mul3A_1214, %add3A_1215 : i32
          %mul3A_1217 = arith.constant 16 : i32
          %mul3A_1218 = arith.muli %scan3A_984, %mul3A_1217 : i32
          %add3A_1219 = arith.constant 12 : i32
          %add3A_1220 = arith.addi %mul3A_1218, %add3A_1219 : i32
          %dma_start3A_1221 = arith.constant 0 : i32
          %dma_start3A_1222 = tpu.memref_slice %arg7[%rem3A_977, %add3A_1220, %dma_start3A_1221] : memref<2x416x128xf32, #tpu.memory_space<vmem>> -> memref<1x1x128xf32, #tpu.memory_space<vmem>>
          %dma_start3A_1223 = tpu.memref_squeeze %dma_start3A_1222 : memref<1x1x128xf32, #tpu.memory_space<vmem>> -> memref<128xf32, #tpu.memory_space<vmem>>
          %dma_start3A_1224 = arith.constant 0 : i32
          %dma_start3A_1225 = tpu.memref_slice %arg6[%scan3A_984, %add3A_973, %dma_start3A_1224] : memref<26x4x128xi32, #tpu.memory_space<vmem>> -> memref<1x1x128xi32, #tpu.memory_space<vmem>>
          %dma_start3A_1226 = tpu.memref_squeeze %dma_start3A_1225 : memref<1x1x128xi32, #tpu.memory_space<vmem>> -> memref<128xi32, #tpu.memory_space<vmem>>
          %dma_start3A_1227 = arith.constant 0 : i32
          %dma_start3A_1228 = tpu.memref_slice %arg4[%add3A_1216, %dma_start3A_1227] : memref<416x100000xf32, #tpu.memory_space<hbm>> -> memref<1x100000xf32, #tpu.memory_space<hbm>>
          %dma_start3A_1229 = tpu.memref_squeeze %dma_start3A_1228 : memref<1x100000xf32, #tpu.memory_space<hbm>> -> memref<100000xf32, #tpu.memory_space<hbm>>
          %dma_start3A_1230 = arith.constant 0 : i32
          %dma_start3A_1231 = tpu.memref_slice %dma_start3A_1229[%dma_start3A_1230] : memref<100000xf32, #tpu.memory_space<hbm>> -> memref<100000xf32, #tpu.memory_space<hbm>>
          tpu.enqueue_indirect_dma source(%dma_start3A_1231 : memref<100000xf32, #tpu.memory_space<hbm>>) target(%dma_start3A_1223 : memref<128xf32, #tpu.memory_space<vmem>>) offsets(%dma_start3A_1226 : memref<128xi32, #tpu.memory_space<vmem>>) semaphore(%arg8 : memref<!tpu.dma_semaphore, #tpu.memory_space<semaphore_mem>>)
          %mul3A_1232 = arith.constant 16 : i32
          %mul3A_1233 = arith.muli %scan3A_984, %mul3A_1232 : i32
          %add3A_1234 = arith.constant 13 : i32
          %add3A_1235 = arith.addi %mul3A_1233, %add3A_1234 : i32
          %mul3A_1236 = arith.constant 16 : i32
          %mul3A_1237 = arith.muli %scan3A_984, %mul3A_1236 : i32
          %add3A_1238 = arith.constant 13 : i32
          %add3A_1239 = arith.addi %mul3A_1237, %add3A_1238 : i32
          %dma_start3A_1240 = arith.constant 0 : i32
          %dma_start3A_1241 = tpu.memref_slice %arg7[%rem3A_977, %add3A_1239, %dma_start3A_1240] : memref<2x416x128xf32, #tpu.memory_space<vmem>> -> memref<1x1x128xf32, #tpu.memory_space<vmem>>
          %dma_start3A_1242 = tpu.memref_squeeze %dma_start3A_1241 : memref<1x1x128xf32, #tpu.memory_space<vmem>> -> memref<128xf32, #tpu.memory_space<vmem>>
          %dma_start3A_1243 = arith.constant 0 : i32
          %dma_start3A_1244 = tpu.memref_slice %arg6[%scan3A_984, %add3A_973, %dma_start3A_1243] : memref<26x4x128xi32, #tpu.memory_space<vmem>> -> memref<1x1x128xi32, #tpu.memory_space<vmem>>
          %dma_start3A_1245 = tpu.memref_squeeze %dma_start3A_1244 : memref<1x1x128xi32, #tpu.memory_space<vmem>> -> memref<128xi32, #tpu.memory_space<vmem>>
          %dma_start3A_1246 = arith.constant 0 : i32
          %dma_start3A_1247 = tpu.memref_slice %arg4[%add3A_1235, %dma_start3A_1246] : memref<416x100000xf32, #tpu.memory_space<hbm>> -> memref<1x100000xf32, #tpu.memory_space<hbm>>
          %dma_start3A_1248 = tpu.memref_squeeze %dma_start3A_1247 : memref<1x100000xf32, #tpu.memory_space<hbm>> -> memref<100000xf32, #tpu.memory_space<hbm>>
          %dma_start3A_1249 = arith.constant 0 : i32
          %dma_start3A_1250 = tpu.memref_slice %dma_start3A_1248[%dma_start3A_1249] : memref<100000xf32, #tpu.memory_space<hbm>> -> memref<100000xf32, #tpu.memory_space<hbm>>
          tpu.enqueue_indirect_dma source(%dma_start3A_1250 : memref<100000xf32, #tpu.memory_space<hbm>>) target(%dma_start3A_1242 : memref<128xf32, #tpu.memory_space<vmem>>) offsets(%dma_start3A_1245 : memref<128xi32, #tpu.memory_space<vmem>>) semaphore(%arg8 : memref<!tpu.dma_semaphore, #tpu.memory_space<semaphore_mem>>)
          %mul3A_1251 = arith.constant 16 : i32
          %mul3A_1252 = arith.muli %scan3A_984, %mul3A_1251 : i32
          %add3A_1253 = arith.constant 14 : i32
          %add3A_1254 = arith.addi %mul3A_1252, %add3A_1253 : i32
          %mul3A_1255 = arith.constant 16 : i32
          %mul3A_1256 = arith.muli %scan3A_984, %mul3A_1255 : i32
          %add3A_1257 = arith.constant 14 : i32
          %add3A_1258 = arith.addi %mul3A_1256, %add3A_1257 : i32
          %dma_start3A_1259 = arith.constant 0 : i32
          %dma_start3A_1260 = tpu.memref_slice %arg7[%rem3A_977, %add3A_1258, %dma_start3A_1259] : memref<2x416x128xf32, #tpu.memory_space<vmem>> -> memref<1x1x128xf32, #tpu.memory_space<vmem>>
          %dma_start3A_1261 = tpu.memref_squeeze %dma_start3A_1260 : memref<1x1x128xf32, #tpu.memory_space<vmem>> -> memref<128xf32, #tpu.memory_space<vmem>>
          %dma_start3A_1262 = arith.constant 0 : i32
          %dma_start3A_1263 = tpu.memref_slice %arg6[%scan3A_984, %add3A_973, %dma_start3A_1262] : memref<26x4x128xi32, #tpu.memory_space<vmem>> -> memref<1x1x128xi32, #tpu.memory_space<vmem>>
          %dma_start3A_1264 = tpu.memref_squeeze %dma_start3A_1263 : memref<1x1x128xi32, #tpu.memory_space<vmem>> -> memref<128xi32, #tpu.memory_space<vmem>>
          %dma_start3A_1265 = arith.constant 0 : i32
          %dma_start3A_1266 = tpu.memref_slice %arg4[%add3A_1254, %dma_start3A_1265] : memref<416x100000xf32, #tpu.memory_space<hbm>> -> memref<1x100000xf32, #tpu.memory_space<hbm>>
          %dma_start3A_1267 = tpu.memref_squeeze %dma_start3A_1266 : memref<1x100000xf32, #tpu.memory_space<hbm>> -> memref<100000xf32, #tpu.memory_space<hbm>>
          %dma_start3A_1268 = arith.constant 0 : i32
          %dma_start3A_1269 = tpu.memref_slice %dma_start3A_1267[%dma_start3A_1268] : memref<100000xf32, #tpu.memory_space<hbm>> -> memref<100000xf32, #tpu.memory_space<hbm>>
          tpu.enqueue_indirect_dma source(%dma_start3A_1269 : memref<100000xf32, #tpu.memory_space<hbm>>) target(%dma_start3A_1261 : memref<128xf32, #tpu.memory_space<vmem>>) offsets(%dma_start3A_1264 : memref<128xi32, #tpu.memory_space<vmem>>) semaphore(%arg8 : memref<!tpu.dma_semaphore, #tpu.memory_space<semaphore_mem>>)
          %mul3A_1270 = arith.constant 16 : i32
          %mul3A_1271 = arith.muli %scan3A_984, %mul3A_1270 : i32
          %add3A_1272 = arith.constant 15 : i32
          %add3A_1273 = arith.addi %mul3A_1271, %add3A_1272 : i32
          %mul3A_1274 = arith.constant 16 : i32
          %mul3A_1275 = arith.muli %scan3A_984, %mul3A_1274 : i32
          %add3A_1276 = arith.constant 15 : i32
          %add3A_1277 = arith.addi %mul3A_1275, %add3A_1276 : i32
          %dma_start3A_1278 = arith.constant 0 : i32
          %dma_start3A_1279 = tpu.memref_slice %arg7[%rem3A_977, %add3A_1277, %dma_start3A_1278] : memref<2x416x128xf32, #tpu.memory_space<vmem>> -> memref<1x1x128xf32, #tpu.memory_space<vmem>>
          %dma_start3A_1280 = tpu.memref_squeeze %dma_start3A_1279 : memref<1x1x128xf32, #tpu.memory_space<vmem>> -> memref<128xf32, #tpu.memory_space<vmem>>
          %dma_start3A_1281 = arith.constant 0 : i32
          %dma_start3A_1282 = tpu.memref_slice %arg6[%scan3A_984, %add3A_973, %dma_start3A_1281] : memref<26x4x128xi32, #tpu.memory_space<vmem>> -> memref<1x1x128xi32, #tpu.memory_space<vmem>>
          %dma_start3A_1283 = tpu.memref_squeeze %dma_start3A_1282 : memref<1x1x128xi32, #tpu.memory_space<vmem>> -> memref<128xi32, #tpu.memory_space<vmem>>
          %dma_start3A_1284 = arith.constant 0 : i32
          %dma_start3A_1285 = tpu.memref_slice %arg4[%add3A_1273, %dma_start3A_1284] : memref<416x100000xf32, #tpu.memory_space<hbm>> -> memref<1x100000xf32, #tpu.memory_space<hbm>>
          %dma_start3A_1286 = tpu.memref_squeeze %dma_start3A_1285 : memref<1x100000xf32, #tpu.memory_space<hbm>> -> memref<100000xf32, #tpu.memory_space<hbm>>
          %dma_start3A_1287 = arith.constant 0 : i32
          %dma_start3A_1288 = tpu.memref_slice %dma_start3A_1286[%dma_start3A_1287] : memref<100000xf32, #tpu.memory_space<hbm>> -> memref<100000xf32, #tpu.memory_space<hbm>>
          tpu.enqueue_indirect_dma source(%dma_start3A_1288 : memref<100000xf32, #tpu.memory_space<hbm>>) target(%dma_start3A_1280 : memref<128xf32, #tpu.memory_space<vmem>>) offsets(%dma_start3A_1283 : memref<128xi32, #tpu.memory_space<vmem>>) semaphore(%arg8 : memref<!tpu.dma_semaphore, #tpu.memory_space<semaphore_mem>>)
        }
        %scan3A_983 = arith.constant 26 : i32
      } else {
      }
      %scan3A_960 = arith.constant 0 : i32
      %scan3A_961 = arith.constant 0 : i32
      %scan3A_962 = arith.constant 26 : i32
      %scan3A_963 = arith.addi %scan3A_961, %scan3A_962 : i32
      %scan3A_964 = arith.constant 1 : i32
      scf.for %scan3A_972 = %scan3A_961 to %scan3A_963 step %scan3A_964  : i32 {
        %mul3A_973 = arith.constant 16 : i32
        %mul3A_974 = arith.muli %scan3A_972, %mul3A_973 : i32
        %add3A_975 = arith.constant 0 : i32
        %add3A_976 = arith.addi %mul3A_974, %add3A_975 : i32
        %mul3A_977 = arith.constant 16 : i32
        %mul3A_978 = arith.muli %scan3A_972, %mul3A_977 : i32
        %add3A_979 = arith.constant 13 : i32
        %add3A_980 = arith.addi %add3A_979, %mul3A_978 : i32
        %add3A_981 = arith.constant 0 : i32
        %add3A_982 = arith.addi %add3A_980, %add3A_981 : i32
        %mul3A_983 = arith.constant 128 : i32
        %mul3A_984 = arith.muli %scan3A_948, %mul3A_983 : i32
        %add3A_985 = arith.addi %mul3A_2, %mul3A_984 : i32
        %dma_start3A_986 = arith.constant 0 : i32
        %dma_start3A_987 = tpu.memref_slice %arg7[%rem3A_949, %add3A_976, %dma_start3A_986] : memref<2x416x128xf32, #tpu.memory_space<vmem>> -> memref<1x1x128xf32, #tpu.memory_space<vmem>>
        %dma_start3A_988 = tpu.memref_squeeze %dma_start3A_987 : memref<1x1x128xf32, #tpu.memory_space<vmem>> -> memref<128xf32, #tpu.memory_space<vmem>>
        %dma_start3A_989 = tpu.memref_slice %arg5[%add3A_982, %add3A_985] : memref<429x16384xf32, #tpu.memory_space<hbm>> -> memref<1x128xf32, #tpu.memory_space<hbm>>
        %dma_start3A_990 = tpu.memref_squeeze %dma_start3A_989 : memref<1x128xf32, #tpu.memory_space<hbm>> -> memref<128xf32, #tpu.memory_space<hbm>>
        %dma_start3A_991 = tpu.memref_slice %arg5[%add3A_982, %add3A_985] : memref<429x16384xf32, #tpu.memory_space<hbm>> -> memref<1x128xf32, #tpu.memory_space<hbm>>
        %dma_start3A_992 = tpu.memref_squeeze %dma_start3A_991 : memref<1x128xf32, #tpu.memory_space<hbm>> -> memref<128xf32, #tpu.memory_space<hbm>>
        %dma_start3A_993 = arith.constant 0 : i32
        %dma_start3A_994 = tpu.memref_slice %arg7[%rem3A_949, %add3A_976, %dma_start3A_993] : memref<2x416x128xf32, #tpu.memory_space<vmem>> -> memref<1x1x128xf32, #tpu.memory_space<vmem>>
        %dma_start3A_995 = tpu.memref_squeeze %dma_start3A_994 : memref<1x1x128xf32, #tpu.memory_space<vmem>> -> memref<128xf32, #tpu.memory_space<vmem>>
        tpu.enqueue_dma source(%dma_start3A_995 : memref<128xf32, #tpu.memory_space<vmem>>) target(%dma_start3A_992 : memref<128xf32, #tpu.memory_space<hbm>>) target_semaphore(%arg9 : memref<!tpu.dma_semaphore, #tpu.memory_space<semaphore_mem>>)
        %mul3A_996 = arith.constant 16 : i32
        %mul3A_997 = arith.muli %scan3A_972, %mul3A_996 : i32
        %add3A_998 = arith.constant 1 : i32
        %add3A_999 = arith.addi %mul3A_997, %add3A_998 : i32
        %mul3A_1000 = arith.constant 16 : i32
        %mul3A_1001 = arith.muli %scan3A_972, %mul3A_1000 : i32
        %add3A_1002 = arith.constant 13 : i32
        %add3A_1003 = arith.addi %add3A_1002, %mul3A_1001 : i32
        %add3A_1004 = arith.constant 1 : i32
        %add3A_1005 = arith.addi %add3A_1003, %add3A_1004 : i32
        %mul3A_1006 = arith.constant 128 : i32
        %mul3A_1007 = arith.muli %scan3A_948, %mul3A_1006 : i32
        %add3A_1008 = arith.addi %mul3A_2, %mul3A_1007 : i32
        %dma_start3A_1009 = arith.constant 0 : i32
        %dma_start3A_1010 = tpu.memref_slice %arg7[%rem3A_949, %add3A_999, %dma_start3A_1009] : memref<2x416x128xf32, #tpu.memory_space<vmem>> -> memref<1x1x128xf32, #tpu.memory_space<vmem>>
        %dma_start3A_1011 = tpu.memref_squeeze %dma_start3A_1010 : memref<1x1x128xf32, #tpu.memory_space<vmem>> -> memref<128xf32, #tpu.memory_space<vmem>>
        %dma_start3A_1012 = tpu.memref_slice %arg5[%add3A_1005, %add3A_1008] : memref<429x16384xf32, #tpu.memory_space<hbm>> -> memref<1x128xf32, #tpu.memory_space<hbm>>
        %dma_start3A_1013 = tpu.memref_squeeze %dma_start3A_1012 : memref<1x128xf32, #tpu.memory_space<hbm>> -> memref<128xf32, #tpu.memory_space<hbm>>
        %dma_start3A_1014 = tpu.memref_slice %arg5[%add3A_1005, %add3A_1008] : memref<429x16384xf32, #tpu.memory_space<hbm>> -> memref<1x128xf32, #tpu.memory_space<hbm>>
        %dma_start3A_1015 = tpu.memref_squeeze %dma_start3A_1014 : memref<1x128xf32, #tpu.memory_space<hbm>> -> memref<128xf32, #tpu.memory_space<hbm>>
        %dma_start3A_1016 = arith.constant 0 : i32
        %dma_start3A_1017 = tpu.memref_slice %arg7[%rem3A_949, %add3A_999, %dma_start3A_1016] : memref<2x416x128xf32, #tpu.memory_space<vmem>> -> memref<1x1x128xf32, #tpu.memory_space<vmem>>
        %dma_start3A_1018 = tpu.memref_squeeze %dma_start3A_1017 : memref<1x1x128xf32, #tpu.memory_space<vmem>> -> memref<128xf32, #tpu.memory_space<vmem>>
        tpu.enqueue_dma source(%dma_start3A_1018 : memref<128xf32, #tpu.memory_space<vmem>>) target(%dma_start3A_1015 : memref<128xf32, #tpu.memory_space<hbm>>) target_semaphore(%arg9 : memref<!tpu.dma_semaphore, #tpu.memory_space<semaphore_mem>>)
        %mul3A_1019 = arith.constant 16 : i32
        %mul3A_1020 = arith.muli %scan3A_972, %mul3A_1019 : i32
        %add3A_1021 = arith.constant 2 : i32
        %add3A_1022 = arith.addi %mul3A_1020, %add3A_1021 : i32
        %mul3A_1023 = arith.constant 16 : i32
        %mul3A_1024 = arith.muli %scan3A_972, %mul3A_1023 : i32
        %add3A_1025 = arith.constant 13 : i32
        %add3A_1026 = arith.addi %add3A_1025, %mul3A_1024 : i32
        %add3A_1027 = arith.constant 2 : i32
        %add3A_1028 = arith.addi %add3A_1026, %add3A_1027 : i32
        %mul3A_1029 = arith.constant 128 : i32
        %mul3A_1030 = arith.muli %scan3A_948, %mul3A_1029 : i32
        %add3A_1031 = arith.addi %mul3A_2, %mul3A_1030 : i32
        %dma_start3A_1032 = arith.constant 0 : i32
        %dma_start3A_1033 = tpu.memref_slice %arg7[%rem3A_949, %add3A_1022, %dma_start3A_1032] : memref<2x416x128xf32, #tpu.memory_space<vmem>> -> memref<1x1x128xf32, #tpu.memory_space<vmem>>
        %dma_start3A_1034 = tpu.memref_squeeze %dma_start3A_1033 : memref<1x1x128xf32, #tpu.memory_space<vmem>> -> memref<128xf32, #tpu.memory_space<vmem>>
        %dma_start3A_1035 = tpu.memref_slice %arg5[%add3A_1028, %add3A_1031] : memref<429x16384xf32, #tpu.memory_space<hbm>> -> memref<1x128xf32, #tpu.memory_space<hbm>>
        %dma_start3A_1036 = tpu.memref_squeeze %dma_start3A_1035 : memref<1x128xf32, #tpu.memory_space<hbm>> -> memref<128xf32, #tpu.memory_space<hbm>>
        %dma_start3A_1037 = tpu.memref_slice %arg5[%add3A_1028, %add3A_1031] : memref<429x16384xf32, #tpu.memory_space<hbm>> -> memref<1x128xf32, #tpu.memory_space<hbm>>
        %dma_start3A_1038 = tpu.memref_squeeze %dma_start3A_1037 : memref<1x128xf32, #tpu.memory_space<hbm>> -> memref<128xf32, #tpu.memory_space<hbm>>
        %dma_start3A_1039 = arith.constant 0 : i32
        %dma_start3A_1040 = tpu.memref_slice %arg7[%rem3A_949, %add3A_1022, %dma_start3A_1039] : memref<2x416x128xf32, #tpu.memory_space<vmem>> -> memref<1x1x128xf32, #tpu.memory_space<vmem>>
        %dma_start3A_1041 = tpu.memref_squeeze %dma_start3A_1040 : memref<1x1x128xf32, #tpu.memory_space<vmem>> -> memref<128xf32, #tpu.memory_space<vmem>>
        tpu.enqueue_dma source(%dma_start3A_1041 : memref<128xf32, #tpu.memory_space<vmem>>) target(%dma_start3A_1038 : memref<128xf32, #tpu.memory_space<hbm>>) target_semaphore(%arg9 : memref<!tpu.dma_semaphore, #tpu.memory_space<semaphore_mem>>)
        %mul3A_1042 = arith.constant 16 : i32
        %mul3A_1043 = arith.muli %scan3A_972, %mul3A_1042 : i32
        %add3A_1044 = arith.constant 3 : i32
        %add3A_1045 = arith.addi %mul3A_1043, %add3A_1044 : i32
        %mul3A_1046 = arith.constant 16 : i32
        %mul3A_1047 = arith.muli %scan3A_972, %mul3A_1046 : i32
        %add3A_1048 = arith.constant 13 : i32
        %add3A_1049 = arith.addi %add3A_1048, %mul3A_1047 : i32
        %add3A_1050 = arith.constant 3 : i32
        %add3A_1051 = arith.addi %add3A_1049, %add3A_1050 : i32
        %mul3A_1052 = arith.constant 128 : i32
        %mul3A_1053 = arith.muli %scan3A_948, %mul3A_1052 : i32
        %add3A_1054 = arith.addi %mul3A_2, %mul3A_1053 : i32
        %dma_start3A_1055 = arith.constant 0 : i32
        %dma_start3A_1056 = tpu.memref_slice %arg7[%rem3A_949, %add3A_1045, %dma_start3A_1055] : memref<2x416x128xf32, #tpu.memory_space<vmem>> -> memref<1x1x128xf32, #tpu.memory_space<vmem>>
        %dma_start3A_1057 = tpu.memref_squeeze %dma_start3A_1056 : memref<1x1x128xf32, #tpu.memory_space<vmem>> -> memref<128xf32, #tpu.memory_space<vmem>>
        %dma_start3A_1058 = tpu.memref_slice %arg5[%add3A_1051, %add3A_1054] : memref<429x16384xf32, #tpu.memory_space<hbm>> -> memref<1x128xf32, #tpu.memory_space<hbm>>
        %dma_start3A_1059 = tpu.memref_squeeze %dma_start3A_1058 : memref<1x128xf32, #tpu.memory_space<hbm>> -> memref<128xf32, #tpu.memory_space<hbm>>
        %dma_start3A_1060 = tpu.memref_slice %arg5[%add3A_1051, %add3A_1054] : memref<429x16384xf32, #tpu.memory_space<hbm>> -> memref<1x128xf32, #tpu.memory_space<hbm>>
        %dma_start3A_1061 = tpu.memref_squeeze %dma_start3A_1060 : memref<1x128xf32, #tpu.memory_space<hbm>> -> memref<128xf32, #tpu.memory_space<hbm>>
        %dma_start3A_1062 = arith.constant 0 : i32
        %dma_start3A_1063 = tpu.memref_slice %arg7[%rem3A_949, %add3A_1045, %dma_start3A_1062] : memref<2x416x128xf32, #tpu.memory_space<vmem>> -> memref<1x1x128xf32, #tpu.memory_space<vmem>>
        %dma_start3A_1064 = tpu.memref_squeeze %dma_start3A_1063 : memref<1x1x128xf32, #tpu.memory_space<vmem>> -> memref<128xf32, #tpu.memory_space<vmem>>
        tpu.enqueue_dma source(%dma_start3A_1064 : memref<128xf32, #tpu.memory_space<vmem>>) target(%dma_start3A_1061 : memref<128xf32, #tpu.memory_space<hbm>>) target_semaphore(%arg9 : memref<!tpu.dma_semaphore, #tpu.memory_space<semaphore_mem>>)
        %mul3A_1065 = arith.constant 16 : i32
        %mul3A_1066 = arith.muli %scan3A_972, %mul3A_1065 : i32
        %add3A_1067 = arith.constant 4 : i32
        %add3A_1068 = arith.addi %mul3A_1066, %add3A_1067 : i32
        %mul3A_1069 = arith.constant 16 : i32
        %mul3A_1070 = arith.muli %scan3A_972, %mul3A_1069 : i32
        %add3A_1071 = arith.constant 13 : i32
        %add3A_1072 = arith.addi %add3A_1071, %mul3A_1070 : i32
        %add3A_1073 = arith.constant 4 : i32
        %add3A_1074 = arith.addi %add3A_1072, %add3A_1073 : i32
        %mul3A_1075 = arith.constant 128 : i32
        %mul3A_1076 = arith.muli %scan3A_948, %mul3A_1075 : i32
        %add3A_1077 = arith.addi %mul3A_2, %mul3A_1076 : i32
        %dma_start3A_1078 = arith.constant 0 : i32
        %dma_start3A_1079 = tpu.memref_slice %arg7[%rem3A_949, %add3A_1068, %dma_start3A_1078] : memref<2x416x128xf32, #tpu.memory_space<vmem>> -> memref<1x1x128xf32, #tpu.memory_space<vmem>>
        %dma_start3A_1080 = tpu.memref_squeeze %dma_start3A_1079 : memref<1x1x128xf32, #tpu.memory_space<vmem>> -> memref<128xf32, #tpu.memory_space<vmem>>
        %dma_start3A_1081 = tpu.memref_slice %arg5[%add3A_1074, %add3A_1077] : memref<429x16384xf32, #tpu.memory_space<hbm>> -> memref<1x128xf32, #tpu.memory_space<hbm>>
        %dma_start3A_1082 = tpu.memref_squeeze %dma_start3A_1081 : memref<1x128xf32, #tpu.memory_space<hbm>> -> memref<128xf32, #tpu.memory_space<hbm>>
        %dma_start3A_1083 = tpu.memref_slice %arg5[%add3A_1074, %add3A_1077] : memref<429x16384xf32, #tpu.memory_space<hbm>> -> memref<1x128xf32, #tpu.memory_space<hbm>>
        %dma_start3A_1084 = tpu.memref_squeeze %dma_start3A_1083 : memref<1x128xf32, #tpu.memory_space<hbm>> -> memref<128xf32, #tpu.memory_space<hbm>>
        %dma_start3A_1085 = arith.constant 0 : i32
        %dma_start3A_1086 = tpu.memref_slice %arg7[%rem3A_949, %add3A_1068, %dma_start3A_1085] : memref<2x416x128xf32, #tpu.memory_space<vmem>> -> memref<1x1x128xf32, #tpu.memory_space<vmem>>
        %dma_start3A_1087 = tpu.memref_squeeze %dma_start3A_1086 : memref<1x1x128xf32, #tpu.memory_space<vmem>> -> memref<128xf32, #tpu.memory_space<vmem>>
        tpu.enqueue_dma source(%dma_start3A_1087 : memref<128xf32, #tpu.memory_space<vmem>>) target(%dma_start3A_1084 : memref<128xf32, #tpu.memory_space<hbm>>) target_semaphore(%arg9 : memref<!tpu.dma_semaphore, #tpu.memory_space<semaphore_mem>>)
        %mul3A_1088 = arith.constant 16 : i32
        %mul3A_1089 = arith.muli %scan3A_972, %mul3A_1088 : i32
        %add3A_1090 = arith.constant 5 : i32
        %add3A_1091 = arith.addi %mul3A_1089, %add3A_1090 : i32
        %mul3A_1092 = arith.constant 16 : i32
        %mul3A_1093 = arith.muli %scan3A_972, %mul3A_1092 : i32
        %add3A_1094 = arith.constant 13 : i32
        %add3A_1095 = arith.addi %add3A_1094, %mul3A_1093 : i32
        %add3A_1096 = arith.constant 5 : i32
        %add3A_1097 = arith.addi %add3A_1095, %add3A_1096 : i32
        %mul3A_1098 = arith.constant 128 : i32
        %mul3A_1099 = arith.muli %scan3A_948, %mul3A_1098 : i32
        %add3A_1100 = arith.addi %mul3A_2, %mul3A_1099 : i32
        %dma_start3A_1101 = arith.constant 0 : i32
        %dma_start3A_1102 = tpu.memref_slice %arg7[%rem3A_949, %add3A_1091, %dma_start3A_1101] : memref<2x416x128xf32, #tpu.memory_space<vmem>> -> memref<1x1x128xf32, #tpu.memory_space<vmem>>
        %dma_start3A_1103 = tpu.memref_squeeze %dma_start3A_1102 : memref<1x1x128xf32, #tpu.memory_space<vmem>> -> memref<128xf32, #tpu.memory_space<vmem>>
        %dma_start3A_1104 = tpu.memref_slice %arg5[%add3A_1097, %add3A_1100] : memref<429x16384xf32, #tpu.memory_space<hbm>> -> memref<1x128xf32, #tpu.memory_space<hbm>>
        %dma_start3A_1105 = tpu.memref_squeeze %dma_start3A_1104 : memref<1x128xf32, #tpu.memory_space<hbm>> -> memref<128xf32, #tpu.memory_space<hbm>>
        %dma_start3A_1106 = tpu.memref_slice %arg5[%add3A_1097, %add3A_1100] : memref<429x16384xf32, #tpu.memory_space<hbm>> -> memref<1x128xf32, #tpu.memory_space<hbm>>
        %dma_start3A_1107 = tpu.memref_squeeze %dma_start3A_1106 : memref<1x128xf32, #tpu.memory_space<hbm>> -> memref<128xf32, #tpu.memory_space<hbm>>
        %dma_start3A_1108 = arith.constant 0 : i32
        %dma_start3A_1109 = tpu.memref_slice %arg7[%rem3A_949, %add3A_1091, %dma_start3A_1108] : memref<2x416x128xf32, #tpu.memory_space<vmem>> -> memref<1x1x128xf32, #tpu.memory_space<vmem>>
        %dma_start3A_1110 = tpu.memref_squeeze %dma_start3A_1109 : memref<1x1x128xf32, #tpu.memory_space<vmem>> -> memref<128xf32, #tpu.memory_space<vmem>>
        tpu.enqueue_dma source(%dma_start3A_1110 : memref<128xf32, #tpu.memory_space<vmem>>) target(%dma_start3A_1107 : memref<128xf32, #tpu.memory_space<hbm>>) target_semaphore(%arg9 : memref<!tpu.dma_semaphore, #tpu.memory_space<semaphore_mem>>)
        %mul3A_1111 = arith.constant 16 : i32
        %mul3A_1112 = arith.muli %scan3A_972, %mul3A_1111 : i32
        %add3A_1113 = arith.constant 6 : i32
        %add3A_1114 = arith.addi %mul3A_1112, %add3A_1113 : i32
        %mul3A_1115 = arith.constant 16 : i32
        %mul3A_1116 = arith.muli %scan3A_972, %mul3A_1115 : i32
        %add3A_1117 = arith.constant 13 : i32
        %add3A_1118 = arith.addi %add3A_1117, %mul3A_1116 : i32
        %add3A_1119 = arith.constant 6 : i32
        %add3A_1120 = arith.addi %add3A_1118, %add3A_1119 : i32
        %mul3A_1121 = arith.constant 128 : i32
        %mul3A_1122 = arith.muli %scan3A_948, %mul3A_1121 : i32
        %add3A_1123 = arith.addi %mul3A_2, %mul3A_1122 : i32
        %dma_start3A_1124 = arith.constant 0 : i32
        %dma_start3A_1125 = tpu.memref_slice %arg7[%rem3A_949, %add3A_1114, %dma_start3A_1124] : memref<2x416x128xf32, #tpu.memory_space<vmem>> -> memref<1x1x128xf32, #tpu.memory_space<vmem>>
        %dma_start3A_1126 = tpu.memref_squeeze %dma_start3A_1125 : memref<1x1x128xf32, #tpu.memory_space<vmem>> -> memref<128xf32, #tpu.memory_space<vmem>>
        %dma_start3A_1127 = tpu.memref_slice %arg5[%add3A_1120, %add3A_1123] : memref<429x16384xf32, #tpu.memory_space<hbm>> -> memref<1x128xf32, #tpu.memory_space<hbm>>
        %dma_start3A_1128 = tpu.memref_squeeze %dma_start3A_1127 : memref<1x128xf32, #tpu.memory_space<hbm>> -> memref<128xf32, #tpu.memory_space<hbm>>
        %dma_start3A_1129 = tpu.memref_slice %arg5[%add3A_1120, %add3A_1123] : memref<429x16384xf32, #tpu.memory_space<hbm>> -> memref<1x128xf32, #tpu.memory_space<hbm>>
        %dma_start3A_1130 = tpu.memref_squeeze %dma_start3A_1129 : memref<1x128xf32, #tpu.memory_space<hbm>> -> memref<128xf32, #tpu.memory_space<hbm>>
        %dma_start3A_1131 = arith.constant 0 : i32
        %dma_start3A_1132 = tpu.memref_slice %arg7[%rem3A_949, %add3A_1114, %dma_start3A_1131] : memref<2x416x128xf32, #tpu.memory_space<vmem>> -> memref<1x1x128xf32, #tpu.memory_space<vmem>>
        %dma_start3A_1133 = tpu.memref_squeeze %dma_start3A_1132 : memref<1x1x128xf32, #tpu.memory_space<vmem>> -> memref<128xf32, #tpu.memory_space<vmem>>
        tpu.enqueue_dma source(%dma_start3A_1133 : memref<128xf32, #tpu.memory_space<vmem>>) target(%dma_start3A_1130 : memref<128xf32, #tpu.memory_space<hbm>>) target_semaphore(%arg9 : memref<!tpu.dma_semaphore, #tpu.memory_space<semaphore_mem>>)
        %mul3A_1134 = arith.constant 16 : i32
        %mul3A_1135 = arith.muli %scan3A_972, %mul3A_1134 : i32
        %add3A_1136 = arith.constant 7 : i32
        %add3A_1137 = arith.addi %mul3A_1135, %add3A_1136 : i32
        %mul3A_1138 = arith.constant 16 : i32
        %mul3A_1139 = arith.muli %scan3A_972, %mul3A_1138 : i32
        %add3A_1140 = arith.constant 13 : i32
        %add3A_1141 = arith.addi %add3A_1140, %mul3A_1139 : i32
        %add3A_1142 = arith.constant 7 : i32
        %add3A_1143 = arith.addi %add3A_1141, %add3A_1142 : i32
        %mul3A_1144 = arith.constant 128 : i32
        %mul3A_1145 = arith.muli %scan3A_948, %mul3A_1144 : i32
        %add3A_1146 = arith.addi %mul3A_2, %mul3A_1145 : i32
        %dma_start3A_1147 = arith.constant 0 : i32
        %dma_start3A_1148 = tpu.memref_slice %arg7[%rem3A_949, %add3A_1137, %dma_start3A_1147] : memref<2x416x128xf32, #tpu.memory_space<vmem>> -> memref<1x1x128xf32, #tpu.memory_space<vmem>>
        %dma_start3A_1149 = tpu.memref_squeeze %dma_start3A_1148 : memref<1x1x128xf32, #tpu.memory_space<vmem>> -> memref<128xf32, #tpu.memory_space<vmem>>
        %dma_start3A_1150 = tpu.memref_slice %arg5[%add3A_1143, %add3A_1146] : memref<429x16384xf32, #tpu.memory_space<hbm>> -> memref<1x128xf32, #tpu.memory_space<hbm>>
        %dma_start3A_1151 = tpu.memref_squeeze %dma_start3A_1150 : memref<1x128xf32, #tpu.memory_space<hbm>> -> memref<128xf32, #tpu.memory_space<hbm>>
        %dma_start3A_1152 = tpu.memref_slice %arg5[%add3A_1143, %add3A_1146] : memref<429x16384xf32, #tpu.memory_space<hbm>> -> memref<1x128xf32, #tpu.memory_space<hbm>>
        %dma_start3A_1153 = tpu.memref_squeeze %dma_start3A_1152 : memref<1x128xf32, #tpu.memory_space<hbm>> -> memref<128xf32, #tpu.memory_space<hbm>>
        %dma_start3A_1154 = arith.constant 0 : i32
        %dma_start3A_1155 = tpu.memref_slice %arg7[%rem3A_949, %add3A_1137, %dma_start3A_1154] : memref<2x416x128xf32, #tpu.memory_space<vmem>> -> memref<1x1x128xf32, #tpu.memory_space<vmem>>
        %dma_start3A_1156 = tpu.memref_squeeze %dma_start3A_1155 : memref<1x1x128xf32, #tpu.memory_space<vmem>> -> memref<128xf32, #tpu.memory_space<vmem>>
        tpu.enqueue_dma source(%dma_start3A_1156 : memref<128xf32, #tpu.memory_space<vmem>>) target(%dma_start3A_1153 : memref<128xf32, #tpu.memory_space<hbm>>) target_semaphore(%arg9 : memref<!tpu.dma_semaphore, #tpu.memory_space<semaphore_mem>>)
        %mul3A_1157 = arith.constant 16 : i32
        %mul3A_1158 = arith.muli %scan3A_972, %mul3A_1157 : i32
        %add3A_1159 = arith.constant 8 : i32
        %add3A_1160 = arith.addi %mul3A_1158, %add3A_1159 : i32
        %mul3A_1161 = arith.constant 16 : i32
        %mul3A_1162 = arith.muli %scan3A_972, %mul3A_1161 : i32
        %add3A_1163 = arith.constant 13 : i32
        %add3A_1164 = arith.addi %add3A_1163, %mul3A_1162 : i32
        %add3A_1165 = arith.constant 8 : i32
        %add3A_1166 = arith.addi %add3A_1164, %add3A_1165 : i32
        %mul3A_1167 = arith.constant 128 : i32
        %mul3A_1168 = arith.muli %scan3A_948, %mul3A_1167 : i32
        %add3A_1169 = arith.addi %mul3A_2, %mul3A_1168 : i32
        %dma_start3A_1170 = arith.constant 0 : i32
        %dma_start3A_1171 = tpu.memref_slice %arg7[%rem3A_949, %add3A_1160, %dma_start3A_1170] : memref<2x416x128xf32, #tpu.memory_space<vmem>> -> memref<1x1x128xf32, #tpu.memory_space<vmem>>
        %dma_start3A_1172 = tpu.memref_squeeze %dma_start3A_1171 : memref<1x1x128xf32, #tpu.memory_space<vmem>> -> memref<128xf32, #tpu.memory_space<vmem>>
        %dma_start3A_1173 = tpu.memref_slice %arg5[%add3A_1166, %add3A_1169] : memref<429x16384xf32, #tpu.memory_space<hbm>> -> memref<1x128xf32, #tpu.memory_space<hbm>>
        %dma_start3A_1174 = tpu.memref_squeeze %dma_start3A_1173 : memref<1x128xf32, #tpu.memory_space<hbm>> -> memref<128xf32, #tpu.memory_space<hbm>>
        %dma_start3A_1175 = tpu.memref_slice %arg5[%add3A_1166, %add3A_1169] : memref<429x16384xf32, #tpu.memory_space<hbm>> -> memref<1x128xf32, #tpu.memory_space<hbm>>
        %dma_start3A_1176 = tpu.memref_squeeze %dma_start3A_1175 : memref<1x128xf32, #tpu.memory_space<hbm>> -> memref<128xf32, #tpu.memory_space<hbm>>
        %dma_start3A_1177 = arith.constant 0 : i32
        %dma_start3A_1178 = tpu.memref_slice %arg7[%rem3A_949, %add3A_1160, %dma_start3A_1177] : memref<2x416x128xf32, #tpu.memory_space<vmem>> -> memref<1x1x128xf32, #tpu.memory_space<vmem>>
        %dma_start3A_1179 = tpu.memref_squeeze %dma_start3A_1178 : memref<1x1x128xf32, #tpu.memory_space<vmem>> -> memref<128xf32, #tpu.memory_space<vmem>>
        tpu.enqueue_dma source(%dma_start3A_1179 : memref<128xf32, #tpu.memory_space<vmem>>) target(%dma_start3A_1176 : memref<128xf32, #tpu.memory_space<hbm>>) target_semaphore(%arg9 : memref<!tpu.dma_semaphore, #tpu.memory_space<semaphore_mem>>)
        %mul3A_1180 = arith.constant 16 : i32
        %mul3A_1181 = arith.muli %scan3A_972, %mul3A_1180 : i32
        %add3A_1182 = arith.constant 9 : i32
        %add3A_1183 = arith.addi %mul3A_1181, %add3A_1182 : i32
        %mul3A_1184 = arith.constant 16 : i32
        %mul3A_1185 = arith.muli %scan3A_972, %mul3A_1184 : i32
        %add3A_1186 = arith.constant 13 : i32
        %add3A_1187 = arith.addi %add3A_1186, %mul3A_1185 : i32
        %add3A_1188 = arith.constant 9 : i32
        %add3A_1189 = arith.addi %add3A_1187, %add3A_1188 : i32
        %mul3A_1190 = arith.constant 128 : i32
        %mul3A_1191 = arith.muli %scan3A_948, %mul3A_1190 : i32
        %add3A_1192 = arith.addi %mul3A_2, %mul3A_1191 : i32
        %dma_start3A_1193 = arith.constant 0 : i32
        %dma_start3A_1194 = tpu.memref_slice %arg7[%rem3A_949, %add3A_1183, %dma_start3A_1193] : memref<2x416x128xf32, #tpu.memory_space<vmem>> -> memref<1x1x128xf32, #tpu.memory_space<vmem>>
        %dma_start3A_1195 = tpu.memref_squeeze %dma_start3A_1194 : memref<1x1x128xf32, #tpu.memory_space<vmem>> -> memref<128xf32, #tpu.memory_space<vmem>>
        %dma_start3A_1196 = tpu.memref_slice %arg5[%add3A_1189, %add3A_1192] : memref<429x16384xf32, #tpu.memory_space<hbm>> -> memref<1x128xf32, #tpu.memory_space<hbm>>
        %dma_start3A_1197 = tpu.memref_squeeze %dma_start3A_1196 : memref<1x128xf32, #tpu.memory_space<hbm>> -> memref<128xf32, #tpu.memory_space<hbm>>
        %dma_start3A_1198 = tpu.memref_slice %arg5[%add3A_1189, %add3A_1192] : memref<429x16384xf32, #tpu.memory_space<hbm>> -> memref<1x128xf32, #tpu.memory_space<hbm>>
        %dma_start3A_1199 = tpu.memref_squeeze %dma_start3A_1198 : memref<1x128xf32, #tpu.memory_space<hbm>> -> memref<128xf32, #tpu.memory_space<hbm>>
        %dma_start3A_1200 = arith.constant 0 : i32
        %dma_start3A_1201 = tpu.memref_slice %arg7[%rem3A_949, %add3A_1183, %dma_start3A_1200] : memref<2x416x128xf32, #tpu.memory_space<vmem>> -> memref<1x1x128xf32, #tpu.memory_space<vmem>>
        %dma_start3A_1202 = tpu.memref_squeeze %dma_start3A_1201 : memref<1x1x128xf32, #tpu.memory_space<vmem>> -> memref<128xf32, #tpu.memory_space<vmem>>
        tpu.enqueue_dma source(%dma_start3A_1202 : memref<128xf32, #tpu.memory_space<vmem>>) target(%dma_start3A_1199 : memref<128xf32, #tpu.memory_space<hbm>>) target_semaphore(%arg9 : memref<!tpu.dma_semaphore, #tpu.memory_space<semaphore_mem>>)
        %mul3A_1203 = arith.constant 16 : i32
        %mul3A_1204 = arith.muli %scan3A_972, %mul3A_1203 : i32
        %add3A_1205 = arith.constant 10 : i32
        %add3A_1206 = arith.addi %mul3A_1204, %add3A_1205 : i32
        %mul3A_1207 = arith.constant 16 : i32
        %mul3A_1208 = arith.muli %scan3A_972, %mul3A_1207 : i32
        %add3A_1209 = arith.constant 13 : i32
        %add3A_1210 = arith.addi %add3A_1209, %mul3A_1208 : i32
        %add3A_1211 = arith.constant 10 : i32
        %add3A_1212 = arith.addi %add3A_1210, %add3A_1211 : i32
        %mul3A_1213 = arith.constant 128 : i32
        %mul3A_1214 = arith.muli %scan3A_948, %mul3A_1213 : i32
        %add3A_1215 = arith.addi %mul3A_2, %mul3A_1214 : i32
        %dma_start3A_1216 = arith.constant 0 : i32
        %dma_start3A_1217 = tpu.memref_slice %arg7[%rem3A_949, %add3A_1206, %dma_start3A_1216] : memref<2x416x128xf32, #tpu.memory_space<vmem>> -> memref<1x1x128xf32, #tpu.memory_space<vmem>>
        %dma_start3A_1218 = tpu.memref_squeeze %dma_start3A_1217 : memref<1x1x128xf32, #tpu.memory_space<vmem>> -> memref<128xf32, #tpu.memory_space<vmem>>
        %dma_start3A_1219 = tpu.memref_slice %arg5[%add3A_1212, %add3A_1215] : memref<429x16384xf32, #tpu.memory_space<hbm>> -> memref<1x128xf32, #tpu.memory_space<hbm>>
        %dma_start3A_1220 = tpu.memref_squeeze %dma_start3A_1219 : memref<1x128xf32, #tpu.memory_space<hbm>> -> memref<128xf32, #tpu.memory_space<hbm>>
        %dma_start3A_1221 = tpu.memref_slice %arg5[%add3A_1212, %add3A_1215] : memref<429x16384xf32, #tpu.memory_space<hbm>> -> memref<1x128xf32, #tpu.memory_space<hbm>>
        %dma_start3A_1222 = tpu.memref_squeeze %dma_start3A_1221 : memref<1x128xf32, #tpu.memory_space<hbm>> -> memref<128xf32, #tpu.memory_space<hbm>>
        %dma_start3A_1223 = arith.constant 0 : i32
        %dma_start3A_1224 = tpu.memref_slice %arg7[%rem3A_949, %add3A_1206, %dma_start3A_1223] : memref<2x416x128xf32, #tpu.memory_space<vmem>> -> memref<1x1x128xf32, #tpu.memory_space<vmem>>
        %dma_start3A_1225 = tpu.memref_squeeze %dma_start3A_1224 : memref<1x1x128xf32, #tpu.memory_space<vmem>> -> memref<128xf32, #tpu.memory_space<vmem>>
        tpu.enqueue_dma source(%dma_start3A_1225 : memref<128xf32, #tpu.memory_space<vmem>>) target(%dma_start3A_1222 : memref<128xf32, #tpu.memory_space<hbm>>) target_semaphore(%arg9 : memref<!tpu.dma_semaphore, #tpu.memory_space<semaphore_mem>>)
        %mul3A_1226 = arith.constant 16 : i32
        %mul3A_1227 = arith.muli %scan3A_972, %mul3A_1226 : i32
        %add3A_1228 = arith.constant 11 : i32
        %add3A_1229 = arith.addi %mul3A_1227, %add3A_1228 : i32
        %mul3A_1230 = arith.constant 16 : i32
        %mul3A_1231 = arith.muli %scan3A_972, %mul3A_1230 : i32
        %add3A_1232 = arith.constant 13 : i32
        %add3A_1233 = arith.addi %add3A_1232, %mul3A_1231 : i32
        %add3A_1234 = arith.constant 11 : i32
        %add3A_1235 = arith.addi %add3A_1233, %add3A_1234 : i32
        %mul3A_1236 = arith.constant 128 : i32
        %mul3A_1237 = arith.muli %scan3A_948, %mul3A_1236 : i32
        %add3A_1238 = arith.addi %mul3A_2, %mul3A_1237 : i32
        %dma_start3A_1239 = arith.constant 0 : i32
        %dma_start3A_1240 = tpu.memref_slice %arg7[%rem3A_949, %add3A_1229, %dma_start3A_1239] : memref<2x416x128xf32, #tpu.memory_space<vmem>> -> memref<1x1x128xf32, #tpu.memory_space<vmem>>
        %dma_start3A_1241 = tpu.memref_squeeze %dma_start3A_1240 : memref<1x1x128xf32, #tpu.memory_space<vmem>> -> memref<128xf32, #tpu.memory_space<vmem>>
        %dma_start3A_1242 = tpu.memref_slice %arg5[%add3A_1235, %add3A_1238] : memref<429x16384xf32, #tpu.memory_space<hbm>> -> memref<1x128xf32, #tpu.memory_space<hbm>>
        %dma_start3A_1243 = tpu.memref_squeeze %dma_start3A_1242 : memref<1x128xf32, #tpu.memory_space<hbm>> -> memref<128xf32, #tpu.memory_space<hbm>>
        %dma_start3A_1244 = tpu.memref_slice %arg5[%add3A_1235, %add3A_1238] : memref<429x16384xf32, #tpu.memory_space<hbm>> -> memref<1x128xf32, #tpu.memory_space<hbm>>
        %dma_start3A_1245 = tpu.memref_squeeze %dma_start3A_1244 : memref<1x128xf32, #tpu.memory_space<hbm>> -> memref<128xf32, #tpu.memory_space<hbm>>
        %dma_start3A_1246 = arith.constant 0 : i32
        %dma_start3A_1247 = tpu.memref_slice %arg7[%rem3A_949, %add3A_1229, %dma_start3A_1246] : memref<2x416x128xf32, #tpu.memory_space<vmem>> -> memref<1x1x128xf32, #tpu.memory_space<vmem>>
        %dma_start3A_1248 = tpu.memref_squeeze %dma_start3A_1247 : memref<1x1x128xf32, #tpu.memory_space<vmem>> -> memref<128xf32, #tpu.memory_space<vmem>>
        tpu.enqueue_dma source(%dma_start3A_1248 : memref<128xf32, #tpu.memory_space<vmem>>) target(%dma_start3A_1245 : memref<128xf32, #tpu.memory_space<hbm>>) target_semaphore(%arg9 : memref<!tpu.dma_semaphore, #tpu.memory_space<semaphore_mem>>)
        %mul3A_1249 = arith.constant 16 : i32
        %mul3A_1250 = arith.muli %scan3A_972, %mul3A_1249 : i32
        %add3A_1251 = arith.constant 12 : i32
        %add3A_1252 = arith.addi %mul3A_1250, %add3A_1251 : i32
        %mul3A_1253 = arith.constant 16 : i32
        %mul3A_1254 = arith.muli %scan3A_972, %mul3A_1253 : i32
        %add3A_1255 = arith.constant 13 : i32
        %add3A_1256 = arith.addi %add3A_1255, %mul3A_1254 : i32
        %add3A_1257 = arith.constant 12 : i32
        %add3A_1258 = arith.addi %add3A_1256, %add3A_1257 : i32
        %mul3A_1259 = arith.constant 128 : i32
        %mul3A_1260 = arith.muli %scan3A_948, %mul3A_1259 : i32
        %add3A_1261 = arith.addi %mul3A_2, %mul3A_1260 : i32
        %dma_start3A_1262 = arith.constant 0 : i32
        %dma_start3A_1263 = tpu.memref_slice %arg7[%rem3A_949, %add3A_1252, %dma_start3A_1262] : memref<2x416x128xf32, #tpu.memory_space<vmem>> -> memref<1x1x128xf32, #tpu.memory_space<vmem>>
        %dma_start3A_1264 = tpu.memref_squeeze %dma_start3A_1263 : memref<1x1x128xf32, #tpu.memory_space<vmem>> -> memref<128xf32, #tpu.memory_space<vmem>>
        %dma_start3A_1265 = tpu.memref_slice %arg5[%add3A_1258, %add3A_1261] : memref<429x16384xf32, #tpu.memory_space<hbm>> -> memref<1x128xf32, #tpu.memory_space<hbm>>
        %dma_start3A_1266 = tpu.memref_squeeze %dma_start3A_1265 : memref<1x128xf32, #tpu.memory_space<hbm>> -> memref<128xf32, #tpu.memory_space<hbm>>
        %dma_start3A_1267 = tpu.memref_slice %arg5[%add3A_1258, %add3A_1261] : memref<429x16384xf32, #tpu.memory_space<hbm>> -> memref<1x128xf32, #tpu.memory_space<hbm>>
        %dma_start3A_1268 = tpu.memref_squeeze %dma_start3A_1267 : memref<1x128xf32, #tpu.memory_space<hbm>> -> memref<128xf32, #tpu.memory_space<hbm>>
        %dma_start3A_1269 = arith.constant 0 : i32
        %dma_start3A_1270 = tpu.memref_slice %arg7[%rem3A_949, %add3A_1252, %dma_start3A_1269] : memref<2x416x128xf32, #tpu.memory_space<vmem>> -> memref<1x1x128xf32, #tpu.memory_space<vmem>>
        %dma_start3A_1271 = tpu.memref_squeeze %dma_start3A_1270 : memref<1x1x128xf32, #tpu.memory_space<vmem>> -> memref<128xf32, #tpu.memory_space<vmem>>
        tpu.enqueue_dma source(%dma_start3A_1271 : memref<128xf32, #tpu.memory_space<vmem>>) target(%dma_start3A_1268 : memref<128xf32, #tpu.memory_space<hbm>>) target_semaphore(%arg9 : memref<!tpu.dma_semaphore, #tpu.memory_space<semaphore_mem>>)
        %mul3A_1272 = arith.constant 16 : i32
        %mul3A_1273 = arith.muli %scan3A_972, %mul3A_1272 : i32
        %add3A_1274 = arith.constant 13 : i32
        %add3A_1275 = arith.addi %mul3A_1273, %add3A_1274 : i32
        %mul3A_1276 = arith.constant 16 : i32
        %mul3A_1277 = arith.muli %scan3A_972, %mul3A_1276 : i32
        %add3A_1278 = arith.constant 13 : i32
        %add3A_1279 = arith.addi %add3A_1278, %mul3A_1277 : i32
        %add3A_1280 = arith.constant 13 : i32
        %add3A_1281 = arith.addi %add3A_1279, %add3A_1280 : i32
        %mul3A_1282 = arith.constant 128 : i32
        %mul3A_1283 = arith.muli %scan3A_948, %mul3A_1282 : i32
        %add3A_1284 = arith.addi %mul3A_2, %mul3A_1283 : i32
        %dma_start3A_1285 = arith.constant 0 : i32
        %dma_start3A_1286 = tpu.memref_slice %arg7[%rem3A_949, %add3A_1275, %dma_start3A_1285] : memref<2x416x128xf32, #tpu.memory_space<vmem>> -> memref<1x1x128xf32, #tpu.memory_space<vmem>>
        %dma_start3A_1287 = tpu.memref_squeeze %dma_start3A_1286 : memref<1x1x128xf32, #tpu.memory_space<vmem>> -> memref<128xf32, #tpu.memory_space<vmem>>
        %dma_start3A_1288 = tpu.memref_slice %arg5[%add3A_1281, %add3A_1284] : memref<429x16384xf32, #tpu.memory_space<hbm>> -> memref<1x128xf32, #tpu.memory_space<hbm>>
        %dma_start3A_1289 = tpu.memref_squeeze %dma_start3A_1288 : memref<1x128xf32, #tpu.memory_space<hbm>> -> memref<128xf32, #tpu.memory_space<hbm>>
        %dma_start3A_1290 = tpu.memref_slice %arg5[%add3A_1281, %add3A_1284] : memref<429x16384xf32, #tpu.memory_space<hbm>> -> memref<1x128xf32, #tpu.memory_space<hbm>>
        %dma_start3A_1291 = tpu.memref_squeeze %dma_start3A_1290 : memref<1x128xf32, #tpu.memory_space<hbm>> -> memref<128xf32, #tpu.memory_space<hbm>>
        %dma_start3A_1292 = arith.constant 0 : i32
        %dma_start3A_1293 = tpu.memref_slice %arg7[%rem3A_949, %add3A_1275, %dma_start3A_1292] : memref<2x416x128xf32, #tpu.memory_space<vmem>> -> memref<1x1x128xf32, #tpu.memory_space<vmem>>
        %dma_start3A_1294 = tpu.memref_squeeze %dma_start3A_1293 : memref<1x1x128xf32, #tpu.memory_space<vmem>> -> memref<128xf32, #tpu.memory_space<vmem>>
        tpu.enqueue_dma source(%dma_start3A_1294 : memref<128xf32, #tpu.memory_space<vmem>>) target(%dma_start3A_1291 : memref<128xf32, #tpu.memory_space<hbm>>) target_semaphore(%arg9 : memref<!tpu.dma_semaphore, #tpu.memory_space<semaphore_mem>>)
        %mul3A_1295 = arith.constant 16 : i32
        %mul3A_1296 = arith.muli %scan3A_972, %mul3A_1295 : i32
        %add3A_1297 = arith.constant 14 : i32
        %add3A_1298 = arith.addi %mul3A_1296, %add3A_1297 : i32
        %mul3A_1299 = arith.constant 16 : i32
        %mul3A_1300 = arith.muli %scan3A_972, %mul3A_1299 : i32
        %add3A_1301 = arith.constant 13 : i32
        %add3A_1302 = arith.addi %add3A_1301, %mul3A_1300 : i32
        %add3A_1303 = arith.constant 14 : i32
        %add3A_1304 = arith.addi %add3A_1302, %add3A_1303 : i32
        %mul3A_1305 = arith.constant 128 : i32
        %mul3A_1306 = arith.muli %scan3A_948, %mul3A_1305 : i32
        %add3A_1307 = arith.addi %mul3A_2, %mul3A_1306 : i32
        %dma_start3A_1308 = arith.constant 0 : i32
        %dma_start3A_1309 = tpu.memref_slice %arg7[%rem3A_949, %add3A_1298, %dma_start3A_1308] : memref<2x416x128xf32, #tpu.memory_space<vmem>> -> memref<1x1x128xf32, #tpu.memory_space<vmem>>
        %dma_start3A_1310 = tpu.memref_squeeze %dma_start3A_1309 : memref<1x1x128xf32, #tpu.memory_space<vmem>> -> memref<128xf32, #tpu.memory_space<vmem>>
        %dma_start3A_1311 = tpu.memref_slice %arg5[%add3A_1304, %add3A_1307] : memref<429x16384xf32, #tpu.memory_space<hbm>> -> memref<1x128xf32, #tpu.memory_space<hbm>>
        %dma_start3A_1312 = tpu.memref_squeeze %dma_start3A_1311 : memref<1x128xf32, #tpu.memory_space<hbm>> -> memref<128xf32, #tpu.memory_space<hbm>>
        %dma_start3A_1313 = tpu.memref_slice %arg5[%add3A_1304, %add3A_1307] : memref<429x16384xf32, #tpu.memory_space<hbm>> -> memref<1x128xf32, #tpu.memory_space<hbm>>
        %dma_start3A_1314 = tpu.memref_squeeze %dma_start3A_1313 : memref<1x128xf32, #tpu.memory_space<hbm>> -> memref<128xf32, #tpu.memory_space<hbm>>
        %dma_start3A_1315 = arith.constant 0 : i32
        %dma_start3A_1316 = tpu.memref_slice %arg7[%rem3A_949, %add3A_1298, %dma_start3A_1315] : memref<2x416x128xf32, #tpu.memory_space<vmem>> -> memref<1x1x128xf32, #tpu.memory_space<vmem>>
        %dma_start3A_1317 = tpu.memref_squeeze %dma_start3A_1316 : memref<1x1x128xf32, #tpu.memory_space<vmem>> -> memref<128xf32, #tpu.memory_space<vmem>>
        tpu.enqueue_dma source(%dma_start3A_1317 : memref<128xf32, #tpu.memory_space<vmem>>) target(%dma_start3A_1314 : memref<128xf32, #tpu.memory_space<hbm>>) target_semaphore(%arg9 : memref<!tpu.dma_semaphore, #tpu.memory_space<semaphore_mem>>)
        %mul3A_1318 = arith.constant 16 : i32
        %mul3A_1319 = arith.muli %scan3A_972, %mul3A_1318 : i32
        %add3A_1320 = arith.constant 15 : i32
        %add3A_1321 = arith.addi %mul3A_1319, %add3A_1320 : i32
        %mul3A_1322 = arith.constant 16 : i32
        %mul3A_1323 = arith.muli %scan3A_972, %mul3A_1322 : i32
        %add3A_1324 = arith.constant 13 : i32
        %add3A_1325 = arith.addi %add3A_1324, %mul3A_1323 : i32
        %add3A_1326 = arith.constant 15 : i32
        %add3A_1327 = arith.addi %add3A_1325, %add3A_1326 : i32
        %mul3A_1328 = arith.constant 128 : i32
        %mul3A_1329 = arith.muli %scan3A_948, %mul3A_1328 : i32
        %add3A_1330 = arith.addi %mul3A_2, %mul3A_1329 : i32
        %dma_start3A_1331 = arith.constant 0 : i32
        %dma_start3A_1332 = tpu.memref_slice %arg7[%rem3A_949, %add3A_1321, %dma_start3A_1331] : memref<2x416x128xf32, #tpu.memory_space<vmem>> -> memref<1x1x128xf32, #tpu.memory_space<vmem>>
        %dma_start3A_1333 = tpu.memref_squeeze %dma_start3A_1332 : memref<1x1x128xf32, #tpu.memory_space<vmem>> -> memref<128xf32, #tpu.memory_space<vmem>>
        %dma_start3A_1334 = tpu.memref_slice %arg5[%add3A_1327, %add3A_1330] : memref<429x16384xf32, #tpu.memory_space<hbm>> -> memref<1x128xf32, #tpu.memory_space<hbm>>
        %dma_start3A_1335 = tpu.memref_squeeze %dma_start3A_1334 : memref<1x128xf32, #tpu.memory_space<hbm>> -> memref<128xf32, #tpu.memory_space<hbm>>
        %dma_start3A_1336 = tpu.memref_slice %arg5[%add3A_1327, %add3A_1330] : memref<429x16384xf32, #tpu.memory_space<hbm>> -> memref<1x128xf32, #tpu.memory_space<hbm>>
        %dma_start3A_1337 = tpu.memref_squeeze %dma_start3A_1336 : memref<1x128xf32, #tpu.memory_space<hbm>> -> memref<128xf32, #tpu.memory_space<hbm>>
        %dma_start3A_1338 = arith.constant 0 : i32
        %dma_start3A_1339 = tpu.memref_slice %arg7[%rem3A_949, %add3A_1321, %dma_start3A_1338] : memref<2x416x128xf32, #tpu.memory_space<vmem>> -> memref<1x1x128xf32, #tpu.memory_space<vmem>>
        %dma_start3A_1340 = tpu.memref_squeeze %dma_start3A_1339 : memref<1x1x128xf32, #tpu.memory_space<vmem>> -> memref<128xf32, #tpu.memory_space<vmem>>
        tpu.enqueue_dma source(%dma_start3A_1340 : memref<128xf32, #tpu.memory_space<vmem>>) target(%dma_start3A_1337 : memref<128xf32, #tpu.memory_space<hbm>>) target_semaphore(%arg9 : memref<!tpu.dma_semaphore, #tpu.memory_space<semaphore_mem>>)
      }
      %scan3A_965 = arith.constant 26 : i32
      %scan3A_966 = arith.constant 0 : i32
      %scan3A_967 = arith.constant 0 : i32
      %scan3A_968 = arith.constant 26 : i32
      %scan3A_969 = arith.addi %scan3A_967, %scan3A_968 : i32
      %scan3A_970 = arith.constant 1 : i32
      scf.for %scan3A_972 = %scan3A_967 to %scan3A_969 step %scan3A_970  : i32 {
        %mul3A_973 = arith.constant 16 : i32
        %mul3A_974 = arith.muli %scan3A_972, %mul3A_973 : i32
        %add3A_975 = arith.constant 0 : i32
        %add3A_976 = arith.addi %mul3A_974, %add3A_975 : i32
        %mul3A_977 = arith.constant 16 : i32
        %mul3A_978 = arith.muli %scan3A_972, %mul3A_977 : i32
        %add3A_979 = arith.constant 13 : i32
        %add3A_980 = arith.addi %add3A_979, %mul3A_978 : i32
        %add3A_981 = arith.constant 0 : i32
        %add3A_982 = arith.addi %add3A_980, %add3A_981 : i32
        %mul3A_983 = arith.constant 128 : i32
        %mul3A_984 = arith.muli %scan3A_948, %mul3A_983 : i32
        %add3A_985 = arith.addi %mul3A_2, %mul3A_984 : i32
        %dma_wait3A_986 = arith.constant 0 : i32
        %dma_wait3A_987 = tpu.memref_slice %arg7[%rem3A_949, %add3A_976, %dma_wait3A_986] : memref<2x416x128xf32, #tpu.memory_space<vmem>> -> memref<1x1x128xf32, #tpu.memory_space<vmem>>
        %dma_wait3A_988 = tpu.memref_squeeze %dma_wait3A_987 : memref<1x1x128xf32, #tpu.memory_space<vmem>> -> memref<128xf32, #tpu.memory_space<vmem>>
        %dma_wait3A_989 = tpu.memref_slice %arg5[%add3A_982, %add3A_985] : memref<429x16384xf32, #tpu.memory_space<hbm>> -> memref<1x128xf32, #tpu.memory_space<hbm>>
        %dma_wait3A_990 = tpu.memref_squeeze %dma_wait3A_989 : memref<1x128xf32, #tpu.memory_space<hbm>> -> memref<128xf32, #tpu.memory_space<hbm>>
        %dma_wait3A_991 = tpu.memref_slice %arg5[%add3A_982, %add3A_985] : memref<429x16384xf32, #tpu.memory_space<hbm>> -> memref<1x128xf32, #tpu.memory_space<hbm>>
        %dma_wait3A_992 = tpu.memref_squeeze %dma_wait3A_991 : memref<1x128xf32, #tpu.memory_space<hbm>> -> memref<128xf32, #tpu.memory_space<hbm>>
        %dma_wait3A_993 = arith.constant 0 : i32
        %dma_wait3A_994 = tpu.memref_slice %arg7[%rem3A_949, %add3A_976, %dma_wait3A_993] : memref<2x416x128xf32, #tpu.memory_space<vmem>> -> memref<1x1x128xf32, #tpu.memory_space<vmem>>
        %dma_wait3A_995 = tpu.memref_squeeze %dma_wait3A_994 : memref<1x1x128xf32, #tpu.memory_space<vmem>> -> memref<128xf32, #tpu.memory_space<vmem>>
        tpu.wait_dma2 semaphore(%arg9 : memref<!tpu.dma_semaphore, #tpu.memory_space<semaphore_mem>>) src(%dma_wait3A_995 : memref<128xf32, #tpu.memory_space<vmem>>) dst(%dma_wait3A_992 : memref<128xf32, #tpu.memory_space<hbm>>)
        %mul3A_996 = arith.constant 16 : i32
        %mul3A_997 = arith.muli %scan3A_972, %mul3A_996 : i32
        %add3A_998 = arith.constant 1 : i32
        %add3A_999 = arith.addi %mul3A_997, %add3A_998 : i32
        %mul3A_1000 = arith.constant 16 : i32
        %mul3A_1001 = arith.muli %scan3A_972, %mul3A_1000 : i32
        %add3A_1002 = arith.constant 13 : i32
        %add3A_1003 = arith.addi %add3A_1002, %mul3A_1001 : i32
        %add3A_1004 = arith.constant 1 : i32
        %add3A_1005 = arith.addi %add3A_1003, %add3A_1004 : i32
        %mul3A_1006 = arith.constant 128 : i32
        %mul3A_1007 = arith.muli %scan3A_948, %mul3A_1006 : i32
        %add3A_1008 = arith.addi %mul3A_2, %mul3A_1007 : i32
        %dma_wait3A_1009 = arith.constant 0 : i32
        %dma_wait3A_1010 = tpu.memref_slice %arg7[%rem3A_949, %add3A_999, %dma_wait3A_1009] : memref<2x416x128xf32, #tpu.memory_space<vmem>> -> memref<1x1x128xf32, #tpu.memory_space<vmem>>
        %dma_wait3A_1011 = tpu.memref_squeeze %dma_wait3A_1010 : memref<1x1x128xf32, #tpu.memory_space<vmem>> -> memref<128xf32, #tpu.memory_space<vmem>>
        %dma_wait3A_1012 = tpu.memref_slice %arg5[%add3A_1005, %add3A_1008] : memref<429x16384xf32, #tpu.memory_space<hbm>> -> memref<1x128xf32, #tpu.memory_space<hbm>>
        %dma_wait3A_1013 = tpu.memref_squeeze %dma_wait3A_1012 : memref<1x128xf32, #tpu.memory_space<hbm>> -> memref<128xf32, #tpu.memory_space<hbm>>
        %dma_wait3A_1014 = tpu.memref_slice %arg5[%add3A_1005, %add3A_1008] : memref<429x16384xf32, #tpu.memory_space<hbm>> -> memref<1x128xf32, #tpu.memory_space<hbm>>
        %dma_wait3A_1015 = tpu.memref_squeeze %dma_wait3A_1014 : memref<1x128xf32, #tpu.memory_space<hbm>> -> memref<128xf32, #tpu.memory_space<hbm>>
        %dma_wait3A_1016 = arith.constant 0 : i32
        %dma_wait3A_1017 = tpu.memref_slice %arg7[%rem3A_949, %add3A_999, %dma_wait3A_1016] : memref<2x416x128xf32, #tpu.memory_space<vmem>> -> memref<1x1x128xf32, #tpu.memory_space<vmem>>
        %dma_wait3A_1018 = tpu.memref_squeeze %dma_wait3A_1017 : memref<1x1x128xf32, #tpu.memory_space<vmem>> -> memref<128xf32, #tpu.memory_space<vmem>>
        tpu.wait_dma2 semaphore(%arg9 : memref<!tpu.dma_semaphore, #tpu.memory_space<semaphore_mem>>) src(%dma_wait3A_1018 : memref<128xf32, #tpu.memory_space<vmem>>) dst(%dma_wait3A_1015 : memref<128xf32, #tpu.memory_space<hbm>>)
        %mul3A_1019 = arith.constant 16 : i32
        %mul3A_1020 = arith.muli %scan3A_972, %mul3A_1019 : i32
        %add3A_1021 = arith.constant 2 : i32
        %add3A_1022 = arith.addi %mul3A_1020, %add3A_1021 : i32
        %mul3A_1023 = arith.constant 16 : i32
        %mul3A_1024 = arith.muli %scan3A_972, %mul3A_1023 : i32
        %add3A_1025 = arith.constant 13 : i32
        %add3A_1026 = arith.addi %add3A_1025, %mul3A_1024 : i32
        %add3A_1027 = arith.constant 2 : i32
        %add3A_1028 = arith.addi %add3A_1026, %add3A_1027 : i32
        %mul3A_1029 = arith.constant 128 : i32
        %mul3A_1030 = arith.muli %scan3A_948, %mul3A_1029 : i32
        %add3A_1031 = arith.addi %mul3A_2, %mul3A_1030 : i32
        %dma_wait3A_1032 = arith.constant 0 : i32
        %dma_wait3A_1033 = tpu.memref_slice %arg7[%rem3A_949, %add3A_1022, %dma_wait3A_1032] : memref<2x416x128xf32, #tpu.memory_space<vmem>> -> memref<1x1x128xf32, #tpu.memory_space<vmem>>
        %dma_wait3A_1034 = tpu.memref_squeeze %dma_wait3A_1033 : memref<1x1x128xf32, #tpu.memory_space<vmem>> -> memref<128xf32, #tpu.memory_space<vmem>>
        %dma_wait3A_1035 = tpu.memref_slice %arg5[%add3A_1028, %add3A_1031] : memref<429x16384xf32, #tpu.memory_space<hbm>> -> memref<1x128xf32, #tpu.memory_space<hbm>>
        %dma_wait3A_1036 = tpu.memref_squeeze %dma_wait3A_1035 : memref<1x128xf32, #tpu.memory_space<hbm>> -> memref<128xf32, #tpu.memory_space<hbm>>
        %dma_wait3A_1037 = tpu.memref_slice %arg5[%add3A_1028, %add3A_1031] : memref<429x16384xf32, #tpu.memory_space<hbm>> -> memref<1x128xf32, #tpu.memory_space<hbm>>
        %dma_wait3A_1038 = tpu.memref_squeeze %dma_wait3A_1037 : memref<1x128xf32, #tpu.memory_space<hbm>> -> memref<128xf32, #tpu.memory_space<hbm>>
        %dma_wait3A_1039 = arith.constant 0 : i32
        %dma_wait3A_1040 = tpu.memref_slice %arg7[%rem3A_949, %add3A_1022, %dma_wait3A_1039] : memref<2x416x128xf32, #tpu.memory_space<vmem>> -> memref<1x1x128xf32, #tpu.memory_space<vmem>>
        %dma_wait3A_1041 = tpu.memref_squeeze %dma_wait3A_1040 : memref<1x1x128xf32, #tpu.memory_space<vmem>> -> memref<128xf32, #tpu.memory_space<vmem>>
        tpu.wait_dma2 semaphore(%arg9 : memref<!tpu.dma_semaphore, #tpu.memory_space<semaphore_mem>>) src(%dma_wait3A_1041 : memref<128xf32, #tpu.memory_space<vmem>>) dst(%dma_wait3A_1038 : memref<128xf32, #tpu.memory_space<hbm>>)
        %mul3A_1042 = arith.constant 16 : i32
        %mul3A_1043 = arith.muli %scan3A_972, %mul3A_1042 : i32
        %add3A_1044 = arith.constant 3 : i32
        %add3A_1045 = arith.addi %mul3A_1043, %add3A_1044 : i32
        %mul3A_1046 = arith.constant 16 : i32
        %mul3A_1047 = arith.muli %scan3A_972, %mul3A_1046 : i32
        %add3A_1048 = arith.constant 13 : i32
        %add3A_1049 = arith.addi %add3A_1048, %mul3A_1047 : i32
        %add3A_1050 = arith.constant 3 : i32
        %add3A_1051 = arith.addi %add3A_1049, %add3A_1050 : i32
        %mul3A_1052 = arith.constant 128 : i32
        %mul3A_1053 = arith.muli %scan3A_948, %mul3A_1052 : i32
        %add3A_1054 = arith.addi %mul3A_2, %mul3A_1053 : i32
        %dma_wait3A_1055 = arith.constant 0 : i32
        %dma_wait3A_1056 = tpu.memref_slice %arg7[%rem3A_949, %add3A_1045, %dma_wait3A_1055] : memref<2x416x128xf32, #tpu.memory_space<vmem>> -> memref<1x1x128xf32, #tpu.memory_space<vmem>>
        %dma_wait3A_1057 = tpu.memref_squeeze %dma_wait3A_1056 : memref<1x1x128xf32, #tpu.memory_space<vmem>> -> memref<128xf32, #tpu.memory_space<vmem>>
        %dma_wait3A_1058 = tpu.memref_slice %arg5[%add3A_1051, %add3A_1054] : memref<429x16384xf32, #tpu.memory_space<hbm>> -> memref<1x128xf32, #tpu.memory_space<hbm>>
        %dma_wait3A_1059 = tpu.memref_squeeze %dma_wait3A_1058 : memref<1x128xf32, #tpu.memory_space<hbm>> -> memref<128xf32, #tpu.memory_space<hbm>>
        %dma_wait3A_1060 = tpu.memref_slice %arg5[%add3A_1051, %add3A_1054] : memref<429x16384xf32, #tpu.memory_space<hbm>> -> memref<1x128xf32, #tpu.memory_space<hbm>>
        %dma_wait3A_1061 = tpu.memref_squeeze %dma_wait3A_1060 : memref<1x128xf32, #tpu.memory_space<hbm>> -> memref<128xf32, #tpu.memory_space<hbm>>
        %dma_wait3A_1062 = arith.constant 0 : i32
        %dma_wait3A_1063 = tpu.memref_slice %arg7[%rem3A_949, %add3A_1045, %dma_wait3A_1062] : memref<2x416x128xf32, #tpu.memory_space<vmem>> -> memref<1x1x128xf32, #tpu.memory_space<vmem>>
        %dma_wait3A_1064 = tpu.memref_squeeze %dma_wait3A_1063 : memref<1x1x128xf32, #tpu.memory_space<vmem>> -> memref<128xf32, #tpu.memory_space<vmem>>
        tpu.wait_dma2 semaphore(%arg9 : memref<!tpu.dma_semaphore, #tpu.memory_space<semaphore_mem>>) src(%dma_wait3A_1064 : memref<128xf32, #tpu.memory_space<vmem>>) dst(%dma_wait3A_1061 : memref<128xf32, #tpu.memory_space<hbm>>)
        %mul3A_1065 = arith.constant 16 : i32
        %mul3A_1066 = arith.muli %scan3A_972, %mul3A_1065 : i32
        %add3A_1067 = arith.constant 4 : i32
        %add3A_1068 = arith.addi %mul3A_1066, %add3A_1067 : i32
        %mul3A_1069 = arith.constant 16 : i32
        %mul3A_1070 = arith.muli %scan3A_972, %mul3A_1069 : i32
        %add3A_1071 = arith.constant 13 : i32
        %add3A_1072 = arith.addi %add3A_1071, %mul3A_1070 : i32
        %add3A_1073 = arith.constant 4 : i32
        %add3A_1074 = arith.addi %add3A_1072, %add3A_1073 : i32
        %mul3A_1075 = arith.constant 128 : i32
        %mul3A_1076 = arith.muli %scan3A_948, %mul3A_1075 : i32
        %add3A_1077 = arith.addi %mul3A_2, %mul3A_1076 : i32
        %dma_wait3A_1078 = arith.constant 0 : i32
        %dma_wait3A_1079 = tpu.memref_slice %arg7[%rem3A_949, %add3A_1068, %dma_wait3A_1078] : memref<2x416x128xf32, #tpu.memory_space<vmem>> -> memref<1x1x128xf32, #tpu.memory_space<vmem>>
        %dma_wait3A_1080 = tpu.memref_squeeze %dma_wait3A_1079 : memref<1x1x128xf32, #tpu.memory_space<vmem>> -> memref<128xf32, #tpu.memory_space<vmem>>
        %dma_wait3A_1081 = tpu.memref_slice %arg5[%add3A_1074, %add3A_1077] : memref<429x16384xf32, #tpu.memory_space<hbm>> -> memref<1x128xf32, #tpu.memory_space<hbm>>
        %dma_wait3A_1082 = tpu.memref_squeeze %dma_wait3A_1081 : memref<1x128xf32, #tpu.memory_space<hbm>> -> memref<128xf32, #tpu.memory_space<hbm>>
        %dma_wait3A_1083 = tpu.memref_slice %arg5[%add3A_1074, %add3A_1077] : memref<429x16384xf32, #tpu.memory_space<hbm>> -> memref<1x128xf32, #tpu.memory_space<hbm>>
        %dma_wait3A_1084 = tpu.memref_squeeze %dma_wait3A_1083 : memref<1x128xf32, #tpu.memory_space<hbm>> -> memref<128xf32, #tpu.memory_space<hbm>>
        %dma_wait3A_1085 = arith.constant 0 : i32
        %dma_wait3A_1086 = tpu.memref_slice %arg7[%rem3A_949, %add3A_1068, %dma_wait3A_1085] : memref<2x416x128xf32, #tpu.memory_space<vmem>> -> memref<1x1x128xf32, #tpu.memory_space<vmem>>
        %dma_wait3A_1087 = tpu.memref_squeeze %dma_wait3A_1086 : memref<1x1x128xf32, #tpu.memory_space<vmem>> -> memref<128xf32, #tpu.memory_space<vmem>>
        tpu.wait_dma2 semaphore(%arg9 : memref<!tpu.dma_semaphore, #tpu.memory_space<semaphore_mem>>) src(%dma_wait3A_1087 : memref<128xf32, #tpu.memory_space<vmem>>) dst(%dma_wait3A_1084 : memref<128xf32, #tpu.memory_space<hbm>>)
        %mul3A_1088 = arith.constant 16 : i32
        %mul3A_1089 = arith.muli %scan3A_972, %mul3A_1088 : i32
        %add3A_1090 = arith.constant 5 : i32
        %add3A_1091 = arith.addi %mul3A_1089, %add3A_1090 : i32
        %mul3A_1092 = arith.constant 16 : i32
        %mul3A_1093 = arith.muli %scan3A_972, %mul3A_1092 : i32
        %add3A_1094 = arith.constant 13 : i32
        %add3A_1095 = arith.addi %add3A_1094, %mul3A_1093 : i32
        %add3A_1096 = arith.constant 5 : i32
        %add3A_1097 = arith.addi %add3A_1095, %add3A_1096 : i32
        %mul3A_1098 = arith.constant 128 : i32
        %mul3A_1099 = arith.muli %scan3A_948, %mul3A_1098 : i32
        %add3A_1100 = arith.addi %mul3A_2, %mul3A_1099 : i32
        %dma_wait3A_1101 = arith.constant 0 : i32
        %dma_wait3A_1102 = tpu.memref_slice %arg7[%rem3A_949, %add3A_1091, %dma_wait3A_1101] : memref<2x416x128xf32, #tpu.memory_space<vmem>> -> memref<1x1x128xf32, #tpu.memory_space<vmem>>
        %dma_wait3A_1103 = tpu.memref_squeeze %dma_wait3A_1102 : memref<1x1x128xf32, #tpu.memory_space<vmem>> -> memref<128xf32, #tpu.memory_space<vmem>>
        %dma_wait3A_1104 = tpu.memref_slice %arg5[%add3A_1097, %add3A_1100] : memref<429x16384xf32, #tpu.memory_space<hbm>> -> memref<1x128xf32, #tpu.memory_space<hbm>>
        %dma_wait3A_1105 = tpu.memref_squeeze %dma_wait3A_1104 : memref<1x128xf32, #tpu.memory_space<hbm>> -> memref<128xf32, #tpu.memory_space<hbm>>
        %dma_wait3A_1106 = tpu.memref_slice %arg5[%add3A_1097, %add3A_1100] : memref<429x16384xf32, #tpu.memory_space<hbm>> -> memref<1x128xf32, #tpu.memory_space<hbm>>
        %dma_wait3A_1107 = tpu.memref_squeeze %dma_wait3A_1106 : memref<1x128xf32, #tpu.memory_space<hbm>> -> memref<128xf32, #tpu.memory_space<hbm>>
        %dma_wait3A_1108 = arith.constant 0 : i32
        %dma_wait3A_1109 = tpu.memref_slice %arg7[%rem3A_949, %add3A_1091, %dma_wait3A_1108] : memref<2x416x128xf32, #tpu.memory_space<vmem>> -> memref<1x1x128xf32, #tpu.memory_space<vmem>>
        %dma_wait3A_1110 = tpu.memref_squeeze %dma_wait3A_1109 : memref<1x1x128xf32, #tpu.memory_space<vmem>> -> memref<128xf32, #tpu.memory_space<vmem>>
        tpu.wait_dma2 semaphore(%arg9 : memref<!tpu.dma_semaphore, #tpu.memory_space<semaphore_mem>>) src(%dma_wait3A_1110 : memref<128xf32, #tpu.memory_space<vmem>>) dst(%dma_wait3A_1107 : memref<128xf32, #tpu.memory_space<hbm>>)
        %mul3A_1111 = arith.constant 16 : i32
        %mul3A_1112 = arith.muli %scan3A_972, %mul3A_1111 : i32
        %add3A_1113 = arith.constant 6 : i32
        %add3A_1114 = arith.addi %mul3A_1112, %add3A_1113 : i32
        %mul3A_1115 = arith.constant 16 : i32
        %mul3A_1116 = arith.muli %scan3A_972, %mul3A_1115 : i32
        %add3A_1117 = arith.constant 13 : i32
        %add3A_1118 = arith.addi %add3A_1117, %mul3A_1116 : i32
        %add3A_1119 = arith.constant 6 : i32
        %add3A_1120 = arith.addi %add3A_1118, %add3A_1119 : i32
        %mul3A_1121 = arith.constant 128 : i32
        %mul3A_1122 = arith.muli %scan3A_948, %mul3A_1121 : i32
        %add3A_1123 = arith.addi %mul3A_2, %mul3A_1122 : i32
        %dma_wait3A_1124 = arith.constant 0 : i32
        %dma_wait3A_1125 = tpu.memref_slice %arg7[%rem3A_949, %add3A_1114, %dma_wait3A_1124] : memref<2x416x128xf32, #tpu.memory_space<vmem>> -> memref<1x1x128xf32, #tpu.memory_space<vmem>>
        %dma_wait3A_1126 = tpu.memref_squeeze %dma_wait3A_1125 : memref<1x1x128xf32, #tpu.memory_space<vmem>> -> memref<128xf32, #tpu.memory_space<vmem>>
        %dma_wait3A_1127 = tpu.memref_slice %arg5[%add3A_1120, %add3A_1123] : memref<429x16384xf32, #tpu.memory_space<hbm>> -> memref<1x128xf32, #tpu.memory_space<hbm>>
        %dma_wait3A_1128 = tpu.memref_squeeze %dma_wait3A_1127 : memref<1x128xf32, #tpu.memory_space<hbm>> -> memref<128xf32, #tpu.memory_space<hbm>>
        %dma_wait3A_1129 = tpu.memref_slice %arg5[%add3A_1120, %add3A_1123] : memref<429x16384xf32, #tpu.memory_space<hbm>> -> memref<1x128xf32, #tpu.memory_space<hbm>>
        %dma_wait3A_1130 = tpu.memref_squeeze %dma_wait3A_1129 : memref<1x128xf32, #tpu.memory_space<hbm>> -> memref<128xf32, #tpu.memory_space<hbm>>
        %dma_wait3A_1131 = arith.constant 0 : i32
        %dma_wait3A_1132 = tpu.memref_slice %arg7[%rem3A_949, %add3A_1114, %dma_wait3A_1131] : memref<2x416x128xf32, #tpu.memory_space<vmem>> -> memref<1x1x128xf32, #tpu.memory_space<vmem>>
        %dma_wait3A_1133 = tpu.memref_squeeze %dma_wait3A_1132 : memref<1x1x128xf32, #tpu.memory_space<vmem>> -> memref<128xf32, #tpu.memory_space<vmem>>
        tpu.wait_dma2 semaphore(%arg9 : memref<!tpu.dma_semaphore, #tpu.memory_space<semaphore_mem>>) src(%dma_wait3A_1133 : memref<128xf32, #tpu.memory_space<vmem>>) dst(%dma_wait3A_1130 : memref<128xf32, #tpu.memory_space<hbm>>)
        %mul3A_1134 = arith.constant 16 : i32
        %mul3A_1135 = arith.muli %scan3A_972, %mul3A_1134 : i32
        %add3A_1136 = arith.constant 7 : i32
        %add3A_1137 = arith.addi %mul3A_1135, %add3A_1136 : i32
        %mul3A_1138 = arith.constant 16 : i32
        %mul3A_1139 = arith.muli %scan3A_972, %mul3A_1138 : i32
        %add3A_1140 = arith.constant 13 : i32
        %add3A_1141 = arith.addi %add3A_1140, %mul3A_1139 : i32
        %add3A_1142 = arith.constant 7 : i32
        %add3A_1143 = arith.addi %add3A_1141, %add3A_1142 : i32
        %mul3A_1144 = arith.constant 128 : i32
        %mul3A_1145 = arith.muli %scan3A_948, %mul3A_1144 : i32
        %add3A_1146 = arith.addi %mul3A_2, %mul3A_1145 : i32
        %dma_wait3A_1147 = arith.constant 0 : i32
        %dma_wait3A_1148 = tpu.memref_slice %arg7[%rem3A_949, %add3A_1137, %dma_wait3A_1147] : memref<2x416x128xf32, #tpu.memory_space<vmem>> -> memref<1x1x128xf32, #tpu.memory_space<vmem>>
        %dma_wait3A_1149 = tpu.memref_squeeze %dma_wait3A_1148 : memref<1x1x128xf32, #tpu.memory_space<vmem>> -> memref<128xf32, #tpu.memory_space<vmem>>
        %dma_wait3A_1150 = tpu.memref_slice %arg5[%add3A_1143, %add3A_1146] : memref<429x16384xf32, #tpu.memory_space<hbm>> -> memref<1x128xf32, #tpu.memory_space<hbm>>
        %dma_wait3A_1151 = tpu.memref_squeeze %dma_wait3A_1150 : memref<1x128xf32, #tpu.memory_space<hbm>> -> memref<128xf32, #tpu.memory_space<hbm>>
        %dma_wait3A_1152 = tpu.memref_slice %arg5[%add3A_1143, %add3A_1146] : memref<429x16384xf32, #tpu.memory_space<hbm>> -> memref<1x128xf32, #tpu.memory_space<hbm>>
        %dma_wait3A_1153 = tpu.memref_squeeze %dma_wait3A_1152 : memref<1x128xf32, #tpu.memory_space<hbm>> -> memref<128xf32, #tpu.memory_space<hbm>>
        %dma_wait3A_1154 = arith.constant 0 : i32
        %dma_wait3A_1155 = tpu.memref_slice %arg7[%rem3A_949, %add3A_1137, %dma_wait3A_1154] : memref<2x416x128xf32, #tpu.memory_space<vmem>> -> memref<1x1x128xf32, #tpu.memory_space<vmem>>
        %dma_wait3A_1156 = tpu.memref_squeeze %dma_wait3A_1155 : memref<1x1x128xf32, #tpu.memory_space<vmem>> -> memref<128xf32, #tpu.memory_space<vmem>>
        tpu.wait_dma2 semaphore(%arg9 : memref<!tpu.dma_semaphore, #tpu.memory_space<semaphore_mem>>) src(%dma_wait3A_1156 : memref<128xf32, #tpu.memory_space<vmem>>) dst(%dma_wait3A_1153 : memref<128xf32, #tpu.memory_space<hbm>>)
        %mul3A_1157 = arith.constant 16 : i32
        %mul3A_1158 = arith.muli %scan3A_972, %mul3A_1157 : i32
        %add3A_1159 = arith.constant 8 : i32
        %add3A_1160 = arith.addi %mul3A_1158, %add3A_1159 : i32
        %mul3A_1161 = arith.constant 16 : i32
        %mul3A_1162 = arith.muli %scan3A_972, %mul3A_1161 : i32
        %add3A_1163 = arith.constant 13 : i32
        %add3A_1164 = arith.addi %add3A_1163, %mul3A_1162 : i32
        %add3A_1165 = arith.constant 8 : i32
        %add3A_1166 = arith.addi %add3A_1164, %add3A_1165 : i32
        %mul3A_1167 = arith.constant 128 : i32
        %mul3A_1168 = arith.muli %scan3A_948, %mul3A_1167 : i32
        %add3A_1169 = arith.addi %mul3A_2, %mul3A_1168 : i32
        %dma_wait3A_1170 = arith.constant 0 : i32
        %dma_wait3A_1171 = tpu.memref_slice %arg7[%rem3A_949, %add3A_1160, %dma_wait3A_1170] : memref<2x416x128xf32, #tpu.memory_space<vmem>> -> memref<1x1x128xf32, #tpu.memory_space<vmem>>
        %dma_wait3A_1172 = tpu.memref_squeeze %dma_wait3A_1171 : memref<1x1x128xf32, #tpu.memory_space<vmem>> -> memref<128xf32, #tpu.memory_space<vmem>>
        %dma_wait3A_1173 = tpu.memref_slice %arg5[%add3A_1166, %add3A_1169] : memref<429x16384xf32, #tpu.memory_space<hbm>> -> memref<1x128xf32, #tpu.memory_space<hbm>>
        %dma_wait3A_1174 = tpu.memref_squeeze %dma_wait3A_1173 : memref<1x128xf32, #tpu.memory_space<hbm>> -> memref<128xf32, #tpu.memory_space<hbm>>
        %dma_wait3A_1175 = tpu.memref_slice %arg5[%add3A_1166, %add3A_1169] : memref<429x16384xf32, #tpu.memory_space<hbm>> -> memref<1x128xf32, #tpu.memory_space<hbm>>
        %dma_wait3A_1176 = tpu.memref_squeeze %dma_wait3A_1175 : memref<1x128xf32, #tpu.memory_space<hbm>> -> memref<128xf32, #tpu.memory_space<hbm>>
        %dma_wait3A_1177 = arith.constant 0 : i32
        %dma_wait3A_1178 = tpu.memref_slice %arg7[%rem3A_949, %add3A_1160, %dma_wait3A_1177] : memref<2x416x128xf32, #tpu.memory_space<vmem>> -> memref<1x1x128xf32, #tpu.memory_space<vmem>>
        %dma_wait3A_1179 = tpu.memref_squeeze %dma_wait3A_1178 : memref<1x1x128xf32, #tpu.memory_space<vmem>> -> memref<128xf32, #tpu.memory_space<vmem>>
        tpu.wait_dma2 semaphore(%arg9 : memref<!tpu.dma_semaphore, #tpu.memory_space<semaphore_mem>>) src(%dma_wait3A_1179 : memref<128xf32, #tpu.memory_space<vmem>>) dst(%dma_wait3A_1176 : memref<128xf32, #tpu.memory_space<hbm>>)
        %mul3A_1180 = arith.constant 16 : i32
        %mul3A_1181 = arith.muli %scan3A_972, %mul3A_1180 : i32
        %add3A_1182 = arith.constant 9 : i32
        %add3A_1183 = arith.addi %mul3A_1181, %add3A_1182 : i32
        %mul3A_1184 = arith.constant 16 : i32
        %mul3A_1185 = arith.muli %scan3A_972, %mul3A_1184 : i32
        %add3A_1186 = arith.constant 13 : i32
        %add3A_1187 = arith.addi %add3A_1186, %mul3A_1185 : i32
        %add3A_1188 = arith.constant 9 : i32
        %add3A_1189 = arith.addi %add3A_1187, %add3A_1188 : i32
        %mul3A_1190 = arith.constant 128 : i32
        %mul3A_1191 = arith.muli %scan3A_948, %mul3A_1190 : i32
        %add3A_1192 = arith.addi %mul3A_2, %mul3A_1191 : i32
        %dma_wait3A_1193 = arith.constant 0 : i32
        %dma_wait3A_1194 = tpu.memref_slice %arg7[%rem3A_949, %add3A_1183, %dma_wait3A_1193] : memref<2x416x128xf32, #tpu.memory_space<vmem>> -> memref<1x1x128xf32, #tpu.memory_space<vmem>>
        %dma_wait3A_1195 = tpu.memref_squeeze %dma_wait3A_1194 : memref<1x1x128xf32, #tpu.memory_space<vmem>> -> memref<128xf32, #tpu.memory_space<vmem>>
        %dma_wait3A_1196 = tpu.memref_slice %arg5[%add3A_1189, %add3A_1192] : memref<429x16384xf32, #tpu.memory_space<hbm>> -> memref<1x128xf32, #tpu.memory_space<hbm>>
        %dma_wait3A_1197 = tpu.memref_squeeze %dma_wait3A_1196 : memref<1x128xf32, #tpu.memory_space<hbm>> -> memref<128xf32, #tpu.memory_space<hbm>>
        %dma_wait3A_1198 = tpu.memref_slice %arg5[%add3A_1189, %add3A_1192] : memref<429x16384xf32, #tpu.memory_space<hbm>> -> memref<1x128xf32, #tpu.memory_space<hbm>>
        %dma_wait3A_1199 = tpu.memref_squeeze %dma_wait3A_1198 : memref<1x128xf32, #tpu.memory_space<hbm>> -> memref<128xf32, #tpu.memory_space<hbm>>
        %dma_wait3A_1200 = arith.constant 0 : i32
        %dma_wait3A_1201 = tpu.memref_slice %arg7[%rem3A_949, %add3A_1183, %dma_wait3A_1200] : memref<2x416x128xf32, #tpu.memory_space<vmem>> -> memref<1x1x128xf32, #tpu.memory_space<vmem>>
        %dma_wait3A_1202 = tpu.memref_squeeze %dma_wait3A_1201 : memref<1x1x128xf32, #tpu.memory_space<vmem>> -> memref<128xf32, #tpu.memory_space<vmem>>
        tpu.wait_dma2 semaphore(%arg9 : memref<!tpu.dma_semaphore, #tpu.memory_space<semaphore_mem>>) src(%dma_wait3A_1202 : memref<128xf32, #tpu.memory_space<vmem>>) dst(%dma_wait3A_1199 : memref<128xf32, #tpu.memory_space<hbm>>)
        %mul3A_1203 = arith.constant 16 : i32
        %mul3A_1204 = arith.muli %scan3A_972, %mul3A_1203 : i32
        %add3A_1205 = arith.constant 10 : i32
        %add3A_1206 = arith.addi %mul3A_1204, %add3A_1205 : i32
        %mul3A_1207 = arith.constant 16 : i32
        %mul3A_1208 = arith.muli %scan3A_972, %mul3A_1207 : i32
        %add3A_1209 = arith.constant 13 : i32
        %add3A_1210 = arith.addi %add3A_1209, %mul3A_1208 : i32
        %add3A_1211 = arith.constant 10 : i32
        %add3A_1212 = arith.addi %add3A_1210, %add3A_1211 : i32
        %mul3A_1213 = arith.constant 128 : i32
        %mul3A_1214 = arith.muli %scan3A_948, %mul3A_1213 : i32
        %add3A_1215 = arith.addi %mul3A_2, %mul3A_1214 : i32
        %dma_wait3A_1216 = arith.constant 0 : i32
        %dma_wait3A_1217 = tpu.memref_slice %arg7[%rem3A_949, %add3A_1206, %dma_wait3A_1216] : memref<2x416x128xf32, #tpu.memory_space<vmem>> -> memref<1x1x128xf32, #tpu.memory_space<vmem>>
        %dma_wait3A_1218 = tpu.memref_squeeze %dma_wait3A_1217 : memref<1x1x128xf32, #tpu.memory_space<vmem>> -> memref<128xf32, #tpu.memory_space<vmem>>
        %dma_wait3A_1219 = tpu.memref_slice %arg5[%add3A_1212, %add3A_1215] : memref<429x16384xf32, #tpu.memory_space<hbm>> -> memref<1x128xf32, #tpu.memory_space<hbm>>
        %dma_wait3A_1220 = tpu.memref_squeeze %dma_wait3A_1219 : memref<1x128xf32, #tpu.memory_space<hbm>> -> memref<128xf32, #tpu.memory_space<hbm>>
        %dma_wait3A_1221 = tpu.memref_slice %arg5[%add3A_1212, %add3A_1215] : memref<429x16384xf32, #tpu.memory_space<hbm>> -> memref<1x128xf32, #tpu.memory_space<hbm>>
        %dma_wait3A_1222 = tpu.memref_squeeze %dma_wait3A_1221 : memref<1x128xf32, #tpu.memory_space<hbm>> -> memref<128xf32, #tpu.memory_space<hbm>>
        %dma_wait3A_1223 = arith.constant 0 : i32
        %dma_wait3A_1224 = tpu.memref_slice %arg7[%rem3A_949, %add3A_1206, %dma_wait3A_1223] : memref<2x416x128xf32, #tpu.memory_space<vmem>> -> memref<1x1x128xf32, #tpu.memory_space<vmem>>
        %dma_wait3A_1225 = tpu.memref_squeeze %dma_wait3A_1224 : memref<1x1x128xf32, #tpu.memory_space<vmem>> -> memref<128xf32, #tpu.memory_space<vmem>>
        tpu.wait_dma2 semaphore(%arg9 : memref<!tpu.dma_semaphore, #tpu.memory_space<semaphore_mem>>) src(%dma_wait3A_1225 : memref<128xf32, #tpu.memory_space<vmem>>) dst(%dma_wait3A_1222 : memref<128xf32, #tpu.memory_space<hbm>>)
        %mul3A_1226 = arith.constant 16 : i32
        %mul3A_1227 = arith.muli %scan3A_972, %mul3A_1226 : i32
        %add3A_1228 = arith.constant 11 : i32
        %add3A_1229 = arith.addi %mul3A_1227, %add3A_1228 : i32
        %mul3A_1230 = arith.constant 16 : i32
        %mul3A_1231 = arith.muli %scan3A_972, %mul3A_1230 : i32
        %add3A_1232 = arith.constant 13 : i32
        %add3A_1233 = arith.addi %add3A_1232, %mul3A_1231 : i32
        %add3A_1234 = arith.constant 11 : i32
        %add3A_1235 = arith.addi %add3A_1233, %add3A_1234 : i32
        %mul3A_1236 = arith.constant 128 : i32
        %mul3A_1237 = arith.muli %scan3A_948, %mul3A_1236 : i32
        %add3A_1238 = arith.addi %mul3A_2, %mul3A_1237 : i32
        %dma_wait3A_1239 = arith.constant 0 : i32
        %dma_wait3A_1240 = tpu.memref_slice %arg7[%rem3A_949, %add3A_1229, %dma_wait3A_1239] : memref<2x416x128xf32, #tpu.memory_space<vmem>> -> memref<1x1x128xf32, #tpu.memory_space<vmem>>
        %dma_wait3A_1241 = tpu.memref_squeeze %dma_wait3A_1240 : memref<1x1x128xf32, #tpu.memory_space<vmem>> -> memref<128xf32, #tpu.memory_space<vmem>>
        %dma_wait3A_1242 = tpu.memref_slice %arg5[%add3A_1235, %add3A_1238] : memref<429x16384xf32, #tpu.memory_space<hbm>> -> memref<1x128xf32, #tpu.memory_space<hbm>>
        %dma_wait3A_1243 = tpu.memref_squeeze %dma_wait3A_1242 : memref<1x128xf32, #tpu.memory_space<hbm>> -> memref<128xf32, #tpu.memory_space<hbm>>
        %dma_wait3A_1244 = tpu.memref_slice %arg5[%add3A_1235, %add3A_1238] : memref<429x16384xf32, #tpu.memory_space<hbm>> -> memref<1x128xf32, #tpu.memory_space<hbm>>
        %dma_wait3A_1245 = tpu.memref_squeeze %dma_wait3A_1244 : memref<1x128xf32, #tpu.memory_space<hbm>> -> memref<128xf32, #tpu.memory_space<hbm>>
        %dma_wait3A_1246 = arith.constant 0 : i32
        %dma_wait3A_1247 = tpu.memref_slice %arg7[%rem3A_949, %add3A_1229, %dma_wait3A_1246] : memref<2x416x128xf32, #tpu.memory_space<vmem>> -> memref<1x1x128xf32, #tpu.memory_space<vmem>>
        %dma_wait3A_1248 = tpu.memref_squeeze %dma_wait3A_1247 : memref<1x1x128xf32, #tpu.memory_space<vmem>> -> memref<128xf32, #tpu.memory_space<vmem>>
        tpu.wait_dma2 semaphore(%arg9 : memref<!tpu.dma_semaphore, #tpu.memory_space<semaphore_mem>>) src(%dma_wait3A_1248 : memref<128xf32, #tpu.memory_space<vmem>>) dst(%dma_wait3A_1245 : memref<128xf32, #tpu.memory_space<hbm>>)
        %mul3A_1249 = arith.constant 16 : i32
        %mul3A_1250 = arith.muli %scan3A_972, %mul3A_1249 : i32
        %add3A_1251 = arith.constant 12 : i32
        %add3A_1252 = arith.addi %mul3A_1250, %add3A_1251 : i32
        %mul3A_1253 = arith.constant 16 : i32
        %mul3A_1254 = arith.muli %scan3A_972, %mul3A_1253 : i32
        %add3A_1255 = arith.constant 13 : i32
        %add3A_1256 = arith.addi %add3A_1255, %mul3A_1254 : i32
        %add3A_1257 = arith.constant 12 : i32
        %add3A_1258 = arith.addi %add3A_1256, %add3A_1257 : i32
        %mul3A_1259 = arith.constant 128 : i32
        %mul3A_1260 = arith.muli %scan3A_948, %mul3A_1259 : i32
        %add3A_1261 = arith.addi %mul3A_2, %mul3A_1260 : i32
        %dma_wait3A_1262 = arith.constant 0 : i32
        %dma_wait3A_1263 = tpu.memref_slice %arg7[%rem3A_949, %add3A_1252, %dma_wait3A_1262] : memref<2x416x128xf32, #tpu.memory_space<vmem>> -> memref<1x1x128xf32, #tpu.memory_space<vmem>>
        %dma_wait3A_1264 = tpu.memref_squeeze %dma_wait3A_1263 : memref<1x1x128xf32, #tpu.memory_space<vmem>> -> memref<128xf32, #tpu.memory_space<vmem>>
        %dma_wait3A_1265 = tpu.memref_slice %arg5[%add3A_1258, %add3A_1261] : memref<429x16384xf32, #tpu.memory_space<hbm>> -> memref<1x128xf32, #tpu.memory_space<hbm>>
        %dma_wait3A_1266 = tpu.memref_squeeze %dma_wait3A_1265 : memref<1x128xf32, #tpu.memory_space<hbm>> -> memref<128xf32, #tpu.memory_space<hbm>>
        %dma_wait3A_1267 = tpu.memref_slice %arg5[%add3A_1258, %add3A_1261] : memref<429x16384xf32, #tpu.memory_space<hbm>> -> memref<1x128xf32, #tpu.memory_space<hbm>>
        %dma_wait3A_1268 = tpu.memref_squeeze %dma_wait3A_1267 : memref<1x128xf32, #tpu.memory_space<hbm>> -> memref<128xf32, #tpu.memory_space<hbm>>
        %dma_wait3A_1269 = arith.constant 0 : i32
        %dma_wait3A_1270 = tpu.memref_slice %arg7[%rem3A_949, %add3A_1252, %dma_wait3A_1269] : memref<2x416x128xf32, #tpu.memory_space<vmem>> -> memref<1x1x128xf32, #tpu.memory_space<vmem>>
        %dma_wait3A_1271 = tpu.memref_squeeze %dma_wait3A_1270 : memref<1x1x128xf32, #tpu.memory_space<vmem>> -> memref<128xf32, #tpu.memory_space<vmem>>
        tpu.wait_dma2 semaphore(%arg9 : memref<!tpu.dma_semaphore, #tpu.memory_space<semaphore_mem>>) src(%dma_wait3A_1271 : memref<128xf32, #tpu.memory_space<vmem>>) dst(%dma_wait3A_1268 : memref<128xf32, #tpu.memory_space<hbm>>)
        %mul3A_1272 = arith.constant 16 : i32
        %mul3A_1273 = arith.muli %scan3A_972, %mul3A_1272 : i32
        %add3A_1274 = arith.constant 13 : i32
        %add3A_1275 = arith.addi %mul3A_1273, %add3A_1274 : i32
        %mul3A_1276 = arith.constant 16 : i32
        %mul3A_1277 = arith.muli %scan3A_972, %mul3A_1276 : i32
        %add3A_1278 = arith.constant 13 : i32
        %add3A_1279 = arith.addi %add3A_1278, %mul3A_1277 : i32
        %add3A_1280 = arith.constant 13 : i32
        %add3A_1281 = arith.addi %add3A_1279, %add3A_1280 : i32
        %mul3A_1282 = arith.constant 128 : i32
        %mul3A_1283 = arith.muli %scan3A_948, %mul3A_1282 : i32
        %add3A_1284 = arith.addi %mul3A_2, %mul3A_1283 : i32
        %dma_wait3A_1285 = arith.constant 0 : i32
        %dma_wait3A_1286 = tpu.memref_slice %arg7[%rem3A_949, %add3A_1275, %dma_wait3A_1285] : memref<2x416x128xf32, #tpu.memory_space<vmem>> -> memref<1x1x128xf32, #tpu.memory_space<vmem>>
        %dma_wait3A_1287 = tpu.memref_squeeze %dma_wait3A_1286 : memref<1x1x128xf32, #tpu.memory_space<vmem>> -> memref<128xf32, #tpu.memory_space<vmem>>
        %dma_wait3A_1288 = tpu.memref_slice %arg5[%add3A_1281, %add3A_1284] : memref<429x16384xf32, #tpu.memory_space<hbm>> -> memref<1x128xf32, #tpu.memory_space<hbm>>
        %dma_wait3A_1289 = tpu.memref_squeeze %dma_wait3A_1288 : memref<1x128xf32, #tpu.memory_space<hbm>> -> memref<128xf32, #tpu.memory_space<hbm>>
        %dma_wait3A_1290 = tpu.memref_slice %arg5[%add3A_1281, %add3A_1284] : memref<429x16384xf32, #tpu.memory_space<hbm>> -> memref<1x128xf32, #tpu.memory_space<hbm>>
        %dma_wait3A_1291 = tpu.memref_squeeze %dma_wait3A_1290 : memref<1x128xf32, #tpu.memory_space<hbm>> -> memref<128xf32, #tpu.memory_space<hbm>>
        %dma_wait3A_1292 = arith.constant 0 : i32
        %dma_wait3A_1293 = tpu.memref_slice %arg7[%rem3A_949, %add3A_1275, %dma_wait3A_1292] : memref<2x416x128xf32, #tpu.memory_space<vmem>> -> memref<1x1x128xf32, #tpu.memory_space<vmem>>
        %dma_wait3A_1294 = tpu.memref_squeeze %dma_wait3A_1293 : memref<1x1x128xf32, #tpu.memory_space<vmem>> -> memref<128xf32, #tpu.memory_space<vmem>>
        tpu.wait_dma2 semaphore(%arg9 : memref<!tpu.dma_semaphore, #tpu.memory_space<semaphore_mem>>) src(%dma_wait3A_1294 : memref<128xf32, #tpu.memory_space<vmem>>) dst(%dma_wait3A_1291 : memref<128xf32, #tpu.memory_space<hbm>>)
        %mul3A_1295 = arith.constant 16 : i32
        %mul3A_1296 = arith.muli %scan3A_972, %mul3A_1295 : i32
        %add3A_1297 = arith.constant 14 : i32
        %add3A_1298 = arith.addi %mul3A_1296, %add3A_1297 : i32
        %mul3A_1299 = arith.constant 16 : i32
        %mul3A_1300 = arith.muli %scan3A_972, %mul3A_1299 : i32
        %add3A_1301 = arith.constant 13 : i32
        %add3A_1302 = arith.addi %add3A_1301, %mul3A_1300 : i32
        %add3A_1303 = arith.constant 14 : i32
        %add3A_1304 = arith.addi %add3A_1302, %add3A_1303 : i32
        %mul3A_1305 = arith.constant 128 : i32
        %mul3A_1306 = arith.muli %scan3A_948, %mul3A_1305 : i32
        %add3A_1307 = arith.addi %mul3A_2, %mul3A_1306 : i32
        %dma_wait3A_1308 = arith.constant 0 : i32
        %dma_wait3A_1309 = tpu.memref_slice %arg7[%rem3A_949, %add3A_1298, %dma_wait3A_1308] : memref<2x416x128xf32, #tpu.memory_space<vmem>> -> memref<1x1x128xf32, #tpu.memory_space<vmem>>
        %dma_wait3A_1310 = tpu.memref_squeeze %dma_wait3A_1309 : memref<1x1x128xf32, #tpu.memory_space<vmem>> -> memref<128xf32, #tpu.memory_space<vmem>>
        %dma_wait3A_1311 = tpu.memref_slice %arg5[%add3A_1304, %add3A_1307] : memref<429x16384xf32, #tpu.memory_space<hbm>> -> memref<1x128xf32, #tpu.memory_space<hbm>>
        %dma_wait3A_1312 = tpu.memref_squeeze %dma_wait3A_1311 : memref<1x128xf32, #tpu.memory_space<hbm>> -> memref<128xf32, #tpu.memory_space<hbm>>
        %dma_wait3A_1313 = tpu.memref_slice %arg5[%add3A_1304, %add3A_1307] : memref<429x16384xf32, #tpu.memory_space<hbm>> -> memref<1x128xf32, #tpu.memory_space<hbm>>
        %dma_wait3A_1314 = tpu.memref_squeeze %dma_wait3A_1313 : memref<1x128xf32, #tpu.memory_space<hbm>> -> memref<128xf32, #tpu.memory_space<hbm>>
        %dma_wait3A_1315 = arith.constant 0 : i32
        %dma_wait3A_1316 = tpu.memref_slice %arg7[%rem3A_949, %add3A_1298, %dma_wait3A_1315] : memref<2x416x128xf32, #tpu.memory_space<vmem>> -> memref<1x1x128xf32, #tpu.memory_space<vmem>>
        %dma_wait3A_1317 = tpu.memref_squeeze %dma_wait3A_1316 : memref<1x1x128xf32, #tpu.memory_space<vmem>> -> memref<128xf32, #tpu.memory_space<vmem>>
        tpu.wait_dma2 semaphore(%arg9 : memref<!tpu.dma_semaphore, #tpu.memory_space<semaphore_mem>>) src(%dma_wait3A_1317 : memref<128xf32, #tpu.memory_space<vmem>>) dst(%dma_wait3A_1314 : memref<128xf32, #tpu.memory_space<hbm>>)
        %mul3A_1318 = arith.constant 16 : i32
        %mul3A_1319 = arith.muli %scan3A_972, %mul3A_1318 : i32
        %add3A_1320 = arith.constant 15 : i32
        %add3A_1321 = arith.addi %mul3A_1319, %add3A_1320 : i32
        %mul3A_1322 = arith.constant 16 : i32
        %mul3A_1323 = arith.muli %scan3A_972, %mul3A_1322 : i32
        %add3A_1324 = arith.constant 13 : i32
        %add3A_1325 = arith.addi %add3A_1324, %mul3A_1323 : i32
        %add3A_1326 = arith.constant 15 : i32
        %add3A_1327 = arith.addi %add3A_1325, %add3A_1326 : i32
        %mul3A_1328 = arith.constant 128 : i32
        %mul3A_1329 = arith.muli %scan3A_948, %mul3A_1328 : i32
        %add3A_1330 = arith.addi %mul3A_2, %mul3A_1329 : i32
        %dma_wait3A_1331 = arith.constant 0 : i32
        %dma_wait3A_1332 = tpu.memref_slice %arg7[%rem3A_949, %add3A_1321, %dma_wait3A_1331] : memref<2x416x128xf32, #tpu.memory_space<vmem>> -> memref<1x1x128xf32, #tpu.memory_space<vmem>>
        %dma_wait3A_1333 = tpu.memref_squeeze %dma_wait3A_1332 : memref<1x1x128xf32, #tpu.memory_space<vmem>> -> memref<128xf32, #tpu.memory_space<vmem>>
        %dma_wait3A_1334 = tpu.memref_slice %arg5[%add3A_1327, %add3A_1330] : memref<429x16384xf32, #tpu.memory_space<hbm>> -> memref<1x128xf32, #tpu.memory_space<hbm>>
        %dma_wait3A_1335 = tpu.memref_squeeze %dma_wait3A_1334 : memref<1x128xf32, #tpu.memory_space<hbm>> -> memref<128xf32, #tpu.memory_space<hbm>>
        %dma_wait3A_1336 = tpu.memref_slice %arg5[%add3A_1327, %add3A_1330] : memref<429x16384xf32, #tpu.memory_space<hbm>> -> memref<1x128xf32, #tpu.memory_space<hbm>>
        %dma_wait3A_1337 = tpu.memref_squeeze %dma_wait3A_1336 : memref<1x128xf32, #tpu.memory_space<hbm>> -> memref<128xf32, #tpu.memory_space<hbm>>
        %dma_wait3A_1338 = arith.constant 0 : i32
        %dma_wait3A_1339 = tpu.memref_slice %arg7[%rem3A_949, %add3A_1321, %dma_wait3A_1338] : memref<2x416x128xf32, #tpu.memory_space<vmem>> -> memref<1x1x128xf32, #tpu.memory_space<vmem>>
        %dma_wait3A_1340 = tpu.memref_squeeze %dma_wait3A_1339 : memref<1x1x128xf32, #tpu.memory_space<vmem>> -> memref<128xf32, #tpu.memory_space<vmem>>
        tpu.wait_dma2 semaphore(%arg9 : memref<!tpu.dma_semaphore, #tpu.memory_space<semaphore_mem>>) src(%dma_wait3A_1340 : memref<128xf32, #tpu.memory_space<vmem>>) dst(%dma_wait3A_1337 : memref<128xf32, #tpu.memory_space<hbm>>)
      }
      %scan3A_971 = arith.constant 26 : i32
    }
    %scan3A_869 = arith.constant 4 : i32
    %dma_wait3A_870 = arith.constant 0 : i32
    %dma_wait3A_871 = arith.constant 0 : i32
    %dma_wait3A_872 = tpu.memref_slice %arg5[%dma_wait3A_871, %mul3A_2] : memref<429x16384xf32, #tpu.memory_space<hbm>> -> memref<1x512xf32, #tpu.memory_space<hbm>>
    %dma_wait3A_873 = tpu.memref_squeeze %dma_wait3A_872 : memref<1x512xf32, #tpu.memory_space<hbm>> -> memref<512xf32, #tpu.memory_space<hbm>>
    %dma_wait3A_874 = tpu.memref_slice %arg3[%dma_wait3A_870, %mul3A_2] : memref<13x16384xf32, #tpu.memory_space<hbm>> -> memref<1x512xf32, #tpu.memory_space<hbm>>
    %dma_wait3A_875 = tpu.memref_squeeze %dma_wait3A_874 : memref<1x512xf32, #tpu.memory_space<hbm>> -> memref<512xf32, #tpu.memory_space<hbm>>
    tpu.wait_dma2 semaphore(%arg10 : memref<!tpu.dma_semaphore, #tpu.memory_space<semaphore_mem>>) src(%dma_wait3A_875 : memref<512xf32, #tpu.memory_space<hbm>>) dst(%dma_wait3A_873 : memref<512xf32, #tpu.memory_space<hbm>>)
    %dma_wait3A_876 = arith.constant 1 : i32
    %dma_wait3A_877 = arith.constant 1 : i32
    %dma_wait3A_878 = tpu.memref_slice %arg5[%dma_wait3A_877, %mul3A_2] : memref<429x16384xf32, #tpu.memory_space<hbm>> -> memref<1x512xf32, #tpu.memory_space<hbm>>
    %dma_wait3A_879 = tpu.memref_squeeze %dma_wait3A_878 : memref<1x512xf32, #tpu.memory_space<hbm>> -> memref<512xf32, #tpu.memory_space<hbm>>
    %dma_wait3A_880 = tpu.memref_slice %arg3[%dma_wait3A_876, %mul3A_2] : memref<13x16384xf32, #tpu.memory_space<hbm>> -> memref<1x512xf32, #tpu.memory_space<hbm>>
    %dma_wait3A_881 = tpu.memref_squeeze %dma_wait3A_880 : memref<1x512xf32, #tpu.memory_space<hbm>> -> memref<512xf32, #tpu.memory_space<hbm>>
    tpu.wait_dma2 semaphore(%arg10 : memref<!tpu.dma_semaphore, #tpu.memory_space<semaphore_mem>>) src(%dma_wait3A_881 : memref<512xf32, #tpu.memory_space<hbm>>) dst(%dma_wait3A_879 : memref<512xf32, #tpu.memory_space<hbm>>)
    %dma_wait3A_882 = arith.constant 2 : i32
    %dma_wait3A_883 = arith.constant 2 : i32
    %dma_wait3A_884 = tpu.memref_slice %arg5[%dma_wait3A_883, %mul3A_2] : memref<429x16384xf32, #tpu.memory_space<hbm>> -> memref<1x512xf32, #tpu.memory_space<hbm>>
    %dma_wait3A_885 = tpu.memref_squeeze %dma_wait3A_884 : memref<1x512xf32, #tpu.memory_space<hbm>> -> memref<512xf32, #tpu.memory_space<hbm>>
    %dma_wait3A_886 = tpu.memref_slice %arg3[%dma_wait3A_882, %mul3A_2] : memref<13x16384xf32, #tpu.memory_space<hbm>> -> memref<1x512xf32, #tpu.memory_space<hbm>>
    %dma_wait3A_887 = tpu.memref_squeeze %dma_wait3A_886 : memref<1x512xf32, #tpu.memory_space<hbm>> -> memref<512xf32, #tpu.memory_space<hbm>>
    tpu.wait_dma2 semaphore(%arg10 : memref<!tpu.dma_semaphore, #tpu.memory_space<semaphore_mem>>) src(%dma_wait3A_887 : memref<512xf32, #tpu.memory_space<hbm>>) dst(%dma_wait3A_885 : memref<512xf32, #tpu.memory_space<hbm>>)
    %dma_wait3A_888 = arith.constant 3 : i32
    %dma_wait3A_889 = arith.constant 3 : i32
    %dma_wait3A_890 = tpu.memref_slice %arg5[%dma_wait3A_889, %mul3A_2] : memref<429x16384xf32, #tpu.memory_space<hbm>> -> memref<1x512xf32, #tpu.memory_space<hbm>>
    %dma_wait3A_891 = tpu.memref_squeeze %dma_wait3A_890 : memref<1x512xf32, #tpu.memory_space<hbm>> -> memref<512xf32, #tpu.memory_space<hbm>>
    %dma_wait3A_892 = tpu.memref_slice %arg3[%dma_wait3A_888, %mul3A_2] : memref<13x16384xf32, #tpu.memory_space<hbm>> -> memref<1x512xf32, #tpu.memory_space<hbm>>
    %dma_wait3A_893 = tpu.memref_squeeze %dma_wait3A_892 : memref<1x512xf32, #tpu.memory_space<hbm>> -> memref<512xf32, #tpu.memory_space<hbm>>
    tpu.wait_dma2 semaphore(%arg10 : memref<!tpu.dma_semaphore, #tpu.memory_space<semaphore_mem>>) src(%dma_wait3A_893 : memref<512xf32, #tpu.memory_space<hbm>>) dst(%dma_wait3A_891 : memref<512xf32, #tpu.memory_space<hbm>>)
    %dma_wait3A_894 = arith.constant 4 : i32
    %dma_wait3A_895 = arith.constant 4 : i32
    %dma_wait3A_896 = tpu.memref_slice %arg5[%dma_wait3A_895, %mul3A_2] : memref<429x16384xf32, #tpu.memory_space<hbm>> -> memref<1x512xf32, #tpu.memory_space<hbm>>
    %dma_wait3A_897 = tpu.memref_squeeze %dma_wait3A_896 : memref<1x512xf32, #tpu.memory_space<hbm>> -> memref<512xf32, #tpu.memory_space<hbm>>
    %dma_wait3A_898 = tpu.memref_slice %arg3[%dma_wait3A_894, %mul3A_2] : memref<13x16384xf32, #tpu.memory_space<hbm>> -> memref<1x512xf32, #tpu.memory_space<hbm>>
    %dma_wait3A_899 = tpu.memref_squeeze %dma_wait3A_898 : memref<1x512xf32, #tpu.memory_space<hbm>> -> memref<512xf32, #tpu.memory_space<hbm>>
    tpu.wait_dma2 semaphore(%arg10 : memref<!tpu.dma_semaphore, #tpu.memory_space<semaphore_mem>>) src(%dma_wait3A_899 : memref<512xf32, #tpu.memory_space<hbm>>) dst(%dma_wait3A_897 : memref<512xf32, #tpu.memory_space<hbm>>)
    %dma_wait3A_900 = arith.constant 5 : i32
    %dma_wait3A_901 = arith.constant 5 : i32
    %dma_wait3A_902 = tpu.memref_slice %arg5[%dma_wait3A_901, %mul3A_2] : memref<429x16384xf32, #tpu.memory_space<hbm>> -> memref<1x512xf32, #tpu.memory_space<hbm>>
    %dma_wait3A_903 = tpu.memref_squeeze %dma_wait3A_902 : memref<1x512xf32, #tpu.memory_space<hbm>> -> memref<512xf32, #tpu.memory_space<hbm>>
    %dma_wait3A_904 = tpu.memref_slice %arg3[%dma_wait3A_900, %mul3A_2] : memref<13x16384xf32, #tpu.memory_space<hbm>> -> memref<1x512xf32, #tpu.memory_space<hbm>>
    %dma_wait3A_905 = tpu.memref_squeeze %dma_wait3A_904 : memref<1x512xf32, #tpu.memory_space<hbm>> -> memref<512xf32, #tpu.memory_space<hbm>>
    tpu.wait_dma2 semaphore(%arg10 : memref<!tpu.dma_semaphore, #tpu.memory_space<semaphore_mem>>) src(%dma_wait3A_905 : memref<512xf32, #tpu.memory_space<hbm>>) dst(%dma_wait3A_903 : memref<512xf32, #tpu.memory_space<hbm>>)
    %dma_wait3A_906 = arith.constant 6 : i32
    %dma_wait3A_907 = arith.constant 6 : i32
    %dma_wait3A_908 = tpu.memref_slice %arg5[%dma_wait3A_907, %mul3A_2] : memref<429x16384xf32, #tpu.memory_space<hbm>> -> memref<1x512xf32, #tpu.memory_space<hbm>>
    %dma_wait3A_909 = tpu.memref_squeeze %dma_wait3A_908 : memref<1x512xf32, #tpu.memory_space<hbm>> -> memref<512xf32, #tpu.memory_space<hbm>>
    %dma_wait3A_910 = tpu.memref_slice %arg3[%dma_wait3A_906, %mul3A_2] : memref<13x16384xf32, #tpu.memory_space<hbm>> -> memref<1x512xf32, #tpu.memory_space<hbm>>
    %dma_wait3A_911 = tpu.memref_squeeze %dma_wait3A_910 : memref<1x512xf32, #tpu.memory_space<hbm>> -> memref<512xf32, #tpu.memory_space<hbm>>
    tpu.wait_dma2 semaphore(%arg10 : memref<!tpu.dma_semaphore, #tpu.memory_space<semaphore_mem>>) src(%dma_wait3A_911 : memref<512xf32, #tpu.memory_space<hbm>>) dst(%dma_wait3A_909 : memref<512xf32, #tpu.memory_space<hbm>>)
    %dma_wait3A_912 = arith.constant 7 : i32
    %dma_wait3A_913 = arith.constant 7 : i32
    %dma_wait3A_914 = tpu.memref_slice %arg5[%dma_wait3A_913, %mul3A_2] : memref<429x16384xf32, #tpu.memory_space<hbm>> -> memref<1x512xf32, #tpu.memory_space<hbm>>
    %dma_wait3A_915 = tpu.memref_squeeze %dma_wait3A_914 : memref<1x512xf32, #tpu.memory_space<hbm>> -> memref<512xf32, #tpu.memory_space<hbm>>
    %dma_wait3A_916 = tpu.memref_slice %arg3[%dma_wait3A_912, %mul3A_2] : memref<13x16384xf32, #tpu.memory_space<hbm>> -> memref<1x512xf32, #tpu.memory_space<hbm>>
    %dma_wait3A_917 = tpu.memref_squeeze %dma_wait3A_916 : memref<1x512xf32, #tpu.memory_space<hbm>> -> memref<512xf32, #tpu.memory_space<hbm>>
    tpu.wait_dma2 semaphore(%arg10 : memref<!tpu.dma_semaphore, #tpu.memory_space<semaphore_mem>>) src(%dma_wait3A_917 : memref<512xf32, #tpu.memory_space<hbm>>) dst(%dma_wait3A_915 : memref<512xf32, #tpu.memory_space<hbm>>)
    %dma_wait3A_918 = arith.constant 8 : i32
    %dma_wait3A_919 = arith.constant 8 : i32
    %dma_wait3A_920 = tpu.memref_slice %arg5[%dma_wait3A_919, %mul3A_2] : memref<429x16384xf32, #tpu.memory_space<hbm>> -> memref<1x512xf32, #tpu.memory_space<hbm>>
    %dma_wait3A_921 = tpu.memref_squeeze %dma_wait3A_920 : memref<1x512xf32, #tpu.memory_space<hbm>> -> memref<512xf32, #tpu.memory_space<hbm>>
    %dma_wait3A_922 = tpu.memref_slice %arg3[%dma_wait3A_918, %mul3A_2] : memref<13x16384xf32, #tpu.memory_space<hbm>> -> memref<1x512xf32, #tpu.memory_space<hbm>>
    %dma_wait3A_923 = tpu.memref_squeeze %dma_wait3A_922 : memref<1x512xf32, #tpu.memory_space<hbm>> -> memref<512xf32, #tpu.memory_space<hbm>>
    tpu.wait_dma2 semaphore(%arg10 : memref<!tpu.dma_semaphore, #tpu.memory_space<semaphore_mem>>) src(%dma_wait3A_923 : memref<512xf32, #tpu.memory_space<hbm>>) dst(%dma_wait3A_921 : memref<512xf32, #tpu.memory_space<hbm>>)
    %dma_wait3A_924 = arith.constant 9 : i32
    %dma_wait3A_925 = arith.constant 9 : i32
    %dma_wait3A_926 = tpu.memref_slice %arg5[%dma_wait3A_925, %mul3A_2] : memref<429x16384xf32, #tpu.memory_space<hbm>> -> memref<1x512xf32, #tpu.memory_space<hbm>>
    %dma_wait3A_927 = tpu.memref_squeeze %dma_wait3A_926 : memref<1x512xf32, #tpu.memory_space<hbm>> -> memref<512xf32, #tpu.memory_space<hbm>>
    %dma_wait3A_928 = tpu.memref_slice %arg3[%dma_wait3A_924, %mul3A_2] : memref<13x16384xf32, #tpu.memory_space<hbm>> -> memref<1x512xf32, #tpu.memory_space<hbm>>
    %dma_wait3A_929 = tpu.memref_squeeze %dma_wait3A_928 : memref<1x512xf32, #tpu.memory_space<hbm>> -> memref<512xf32, #tpu.memory_space<hbm>>
    tpu.wait_dma2 semaphore(%arg10 : memref<!tpu.dma_semaphore, #tpu.memory_space<semaphore_mem>>) src(%dma_wait3A_929 : memref<512xf32, #tpu.memory_space<hbm>>) dst(%dma_wait3A_927 : memref<512xf32, #tpu.memory_space<hbm>>)
    %dma_wait3A_930 = arith.constant 10 : i32
    %dma_wait3A_931 = arith.constant 10 : i32
    %dma_wait3A_932 = tpu.memref_slice %arg5[%dma_wait3A_931, %mul3A_2] : memref<429x16384xf32, #tpu.memory_space<hbm>> -> memref<1x512xf32, #tpu.memory_space<hbm>>
    %dma_wait3A_933 = tpu.memref_squeeze %dma_wait3A_932 : memref<1x512xf32, #tpu.memory_space<hbm>> -> memref<512xf32, #tpu.memory_space<hbm>>
    %dma_wait3A_934 = tpu.memref_slice %arg3[%dma_wait3A_930, %mul3A_2] : memref<13x16384xf32, #tpu.memory_space<hbm>> -> memref<1x512xf32, #tpu.memory_space<hbm>>
    %dma_wait3A_935 = tpu.memref_squeeze %dma_wait3A_934 : memref<1x512xf32, #tpu.memory_space<hbm>> -> memref<512xf32, #tpu.memory_space<hbm>>
    tpu.wait_dma2 semaphore(%arg10 : memref<!tpu.dma_semaphore, #tpu.memory_space<semaphore_mem>>) src(%dma_wait3A_935 : memref<512xf32, #tpu.memory_space<hbm>>) dst(%dma_wait3A_933 : memref<512xf32, #tpu.memory_space<hbm>>)
    %dma_wait3A_936 = arith.constant 11 : i32
    %dma_wait3A_937 = arith.constant 11 : i32
    %dma_wait3A_938 = tpu.memref_slice %arg5[%dma_wait3A_937, %mul3A_2] : memref<429x16384xf32, #tpu.memory_space<hbm>> -> memref<1x512xf32, #tpu.memory_space<hbm>>
    %dma_wait3A_939 = tpu.memref_squeeze %dma_wait3A_938 : memref<1x512xf32, #tpu.memory_space<hbm>> -> memref<512xf32, #tpu.memory_space<hbm>>
    %dma_wait3A_940 = tpu.memref_slice %arg3[%dma_wait3A_936, %mul3A_2] : memref<13x16384xf32, #tpu.memory_space<hbm>> -> memref<1x512xf32, #tpu.memory_space<hbm>>
    %dma_wait3A_941 = tpu.memref_squeeze %dma_wait3A_940 : memref<1x512xf32, #tpu.memory_space<hbm>> -> memref<512xf32, #tpu.memory_space<hbm>>
    tpu.wait_dma2 semaphore(%arg10 : memref<!tpu.dma_semaphore, #tpu.memory_space<semaphore_mem>>) src(%dma_wait3A_941 : memref<512xf32, #tpu.memory_space<hbm>>) dst(%dma_wait3A_939 : memref<512xf32, #tpu.memory_space<hbm>>)
    %dma_wait3A_942 = arith.constant 12 : i32
    %dma_wait3A_943 = arith.constant 12 : i32
    %dma_wait3A_944 = tpu.memref_slice %arg5[%dma_wait3A_943, %mul3A_2] : memref<429x16384xf32, #tpu.memory_space<hbm>> -> memref<1x512xf32, #tpu.memory_space<hbm>>
    %dma_wait3A_945 = tpu.memref_squeeze %dma_wait3A_944 : memref<1x512xf32, #tpu.memory_space<hbm>> -> memref<512xf32, #tpu.memory_space<hbm>>
    %dma_wait3A_946 = tpu.memref_slice %arg3[%dma_wait3A_942, %mul3A_2] : memref<13x16384xf32, #tpu.memory_space<hbm>> -> memref<1x512xf32, #tpu.memory_space<hbm>>
    %dma_wait3A_947 = tpu.memref_squeeze %dma_wait3A_946 : memref<1x512xf32, #tpu.memory_space<hbm>> -> memref<512xf32, #tpu.memory_space<hbm>>
    tpu.wait_dma2 semaphore(%arg10 : memref<!tpu.dma_semaphore, #tpu.memory_space<semaphore_mem>>) src(%dma_wait3A_947 : memref<512xf32, #tpu.memory_space<hbm>>) dst(%dma_wait3A_945 : memref<512xf32, #tpu.memory_space<hbm>>)
    return
  }
}

</mosaic_0001>

<sc_bundles>
// kernel: kernel.3.cloned.1.call-start
scs
__scs_entry_jumppad:
0x0: {  	(pc) =	sbr.rel $0x88, $3  }
0x1: {  	(tag) =	ssettag $0x0;
	lr =	simm.s32 $0x1  }
0x2: {  	[smem:$0x3F9E] =	sst lr;
	_ =	strace $0xD0000000  }
0x3: {  	_ = 	snop  }
0x4: {  	_ = 	snop  }
0x5: {  	_ = 	snop  }
0x6: {  	_ = 	snop  }
0x7: {  	_ = 	snop  }
__scs_overlays_trampoline_lowered:
0x8: {  	[smem:$0x3FAD] =	sst s0  }
0x9: {  	[smem:$0x3FAE] =	sst s1  }
0xa: {  	[smem:$0x3FAF] =	sst s2  }
0xb: {  	[smem:$0x3FB0] =	sst s3  }
0xc: {  	[smem:$0x3FB1] =	sst s4  }
0xd: {  	[smem:$0x3FB2] =	sst s5  }
0xe: {  	[smem:$0x3FB3] =	sst s6  }
0xf: {  	[smem:$0x3FB4] =	sst s7  }
0x10: {  	[smem:$0x3FB5] =	sst s8  }
0x11: {  	[smem:$0x3FB6] =	sst s9;
	s0 =	simm.s32 @!p0 $0x0  }
0x12: {  	s1 =	sld [smem:$0x3F9C];
	s0 =	simm.s32 @p0 $0x1  }
0x13: {  	[smem:$0x3FB7] =	sst s0;
	s0 =	simm.s32 @!p1 $0x0  }
0x14: {  	s2 =	sld [smem:$0x3F9B];
	s0 =	simm.s32 @p1 $0x1  }
0x15: {  	[smem:$0x3FB8] =	sst s0;
	s0 =	simm.s32 @!p2 $0x0  }
0x16: {  	s3 =	sld [smem:$0x3FDB];
	s0 =	simm.s32 @p2 $0x1  }
0x17: {  	s4 =	simm.s32 $0x1BF5;
	[smem:$0x3FBA] =	sst s0  }
0x18: {  	s0 =	sld [smem:$0x3F9D];
	_ =	swait.ge [sflag:s4], $0x0  }
0x19: {  	s7 =	sld [smem:$0x3F9E]  }
0x1a: {  	s8 =	sadd.s32 $0xFFFFE003, lr  }
0x1b: {  	s9 =	sadd.s32 $0xFFFFFEF7, lr;
	s5 =	simm.s32 $0xFFFFFFFF;
	p2 =	slt.u32 s8, $0xFFFFF086  }
0x1c: {  	p1 =	slt.u32 s9, $0xF7A;
	s5 =	simm.s32 @!p2 $0x0  }
0x1d: {  	s5 =	simm.s32 @p1 $0x1;
	p0 =	seq.s32 s7, s2  }
0x1e: {  	s7 =	smul.u32 @!p0 $0xF7A, s2;
	p2 =	seq.s32 @!p0 s5, $0x0  }
0x1f: {  	s9 =	smul.u32 $0xF7A, s1;
	s8 =	simm.s32 @!p0 $0x1BF5;
	p2 =	por !p2, p0  }
0x20: {  	[sflag:s8] =	ssyncset.s32 @!p0 $0xFFFFF086;
	s6 =	sadd.s32 @!p0 s3, s7;
	s7 =	simm.s32 @!p0 $0x108  }
0x21: {  	s3 =	sadd.s32 s3, s9;
	s6 =	sadd.s32 @!p0 $0x88, s6;
	s7 =	simm.s32 @p2 $0x1082  }
0x22: {  	[simem:s7], [sflag:s8] =	dma.local @!p0 [hbm:s6], $0xF7A  }
0x23: {  	s9 =	sor.u32 $0xD0000000, s2;
	s6 =	simm.s32 $0x108;
	_ =	swait.ge @!p0 [sflag:s8], $0x0  }
0x24: {  	s3 =	sadd.s32 $0x88, s3;
	s6 =	simm.s32 @!p1 $0x1082;
	[sflag:s4] =	ssyncset.s32 $0xFFFFF086  }
0x25: {  	[simem:s6], [sflag:s4] =	dma.local [hbm:s3], $0xF7A  }
0x26: {  	[smem:$0x3F9E] =	sst s1;
	(tag) =	ssettag s2;
	_ =	strace s9  }
0x27: {  	s1 =	sld [smem:$0x3FAE]  }
0x28: {  	s2 =	sld [smem:$0x3FAF]  }
0x29: {  	s4 =	sld [smem:$0x3FB1]  }
0x2a: {  	p0 =	seq.s32 s5, $0x0;
	s5 =	sld [smem:$0x3FB2]  }
0x2b: {  	s6 =	sld [smem:$0x3FB3]  }
0x2c: {  	s7 =	sld [smem:$0x3FB4]  }
0x2d: {  	s3 =	simm.s32 $0x108;
	s8 =	sld [smem:$0x3FB5]  }
0x2e: {  	s3 =	simm.s32 @!p0 $0x1082;
	s9 =	sld [smem:$0x3FB6]  }
0x2f: {  	lr =	sadd.s32 s0, s3;
	s0 =	sld [smem:$0x3FAD]  }
0x30: {  	s3 =	sld [smem:$0x3FB0]  }
0x31: {  	[smem:$0x3FB9] =	sst s10  }
0x32: {  	s10 =	sld [smem:$0x3FB7];
	_ =	sdelay $0x3  }
0x33: {  	p0 =	seq.s32 s10, $0x1;
	s10 =	sld [smem:$0x3FB9];
	_ =	sdelay $0x3  }
0x34: {  	[smem:$0x3FB9] =	sst s10  }
0x35: {  	s10 =	sld [smem:$0x3FB8];
	_ =	sdelay $0x3  }
0x36: {  	p1 =	seq.s32 s10, $0x1;
	s10 =	sld [smem:$0x3FB9];
	_ =	sdelay $0x3  }
0x37: {  	[smem:$0x3FB9] =	sst s10  }
0x38: {  	s10 =	sld [smem:$0x3FBA]  }
0x39: {  	_ = 	snop;
	(pc) =	sbr.ind lr, $3  }
0x3a: {  	_ = 	snop  }
0x3b: {  	_ = 	snop  }
0x3c: {  	p2 =	seq.s32 s10, $0x1;
	s10 =	sld [smem:$0x3FB9]  }
0x3d: {  	_ =	shalt  }
0x3e: {  	_ =	shalt  }
0x3f: {  	_ =	shalt  }
0x40: {  	_ =	shalt  }
0x41: {  	_ =	shalt  }
0x42: {  	_ =	shalt  }
0x43: {  	_ =	shalt  }
0x44: {  	_ =	shalt  }
0x45: {  	_ =	shalt  }
0x46: {  	_ =	shalt  }
0x47: {  	_ =	shalt  }
0x48: {  	_ =	shalt  }
0x49: {  	_ =	shalt  }
0x4a: {  	_ =	shalt  }
0x4b: {  	_ =	shalt  }
0x4c: {  	_ =	shalt  }
0x4d: {  	_ =	shalt  }
0x4e: {  	_ =	shalt  }
0x4f: {  	_ =	shalt  }
0x50: {  	_ =	shalt  }
0x51: {  	_ =	shalt  }
0x52: {  	_ =	shalt  }
0x53: {  	_ =	shalt  }
0x54: {  	_ =	shalt  }
0x55: {  	_ =	shalt  }
0x56: {  	_ =	shalt  }
0x57: {  	_ =	shalt  }
0x58: {  	_ =	shalt  }
0x59: {  	_ =	shalt  }
0x5a: {  	_ =	shalt  }
0x5b: {  	_ =	shalt  }
0x5c: {  	_ =	shalt  }
0x5d: {  	_ =	shalt  }
0x5e: {  	_ =	shalt  }
0x5f: {  	_ =	shalt  }
0x60: {  	_ =	shalt  }
0x61: {  	_ =	shalt  }
0x62: {  	_ =	shalt  }
0x63: {  	_ =	shalt  }
0x64: {  	_ =	shalt  }
0x65: {  	_ =	shalt  }
0x66: {  	_ =	shalt  }
0x67: {  	_ =	shalt  }
0x68: {  	_ =	shalt  }
0x69: {  	_ =	shalt  }
0x6a: {  	_ =	shalt  }
0x6b: {  	_ =	shalt  }
0x6c: {  	_ =	shalt  }
0x6d: {  	_ =	shalt  }
0x6e: {  	_ =	shalt  }
0x6f: {  	_ =	shalt  }
0x70: {  	_ =	shalt  }
0x71: {  	_ =	shalt  }
0x72: {  	_ =	shalt  }
0x73: {  	_ =	shalt  }
0x74: {  	_ =	shalt  }
0x75: {  	_ =	shalt  }
0x76: {  	_ =	shalt  }
0x77: {  	_ =	shalt  }
0x78: {  	_ =	shalt  }
0x79: {  	_ =	shalt  }
0x7a: {  	_ =	shalt  }
0x7b: {  	_ =	shalt  }
0x7c: {  	_ =	shalt  }
0x7d: {  	_ =	shalt  }
0x7e: {  	_ =	shalt  }
0x7f: {  	_ =	shalt  }
0x80: {  	_ =	shalt  }
0x81: {  	_ =	shalt  }
0x82: {  	_ =	shalt  }
0x83: {  	_ =	shalt  }
0x84: {  	_ =	shalt  }
0x85: {  	_ =	shalt  }
0x86: {  	_ =	shalt  }
0x87: {  	_ =	shalt  }
.Lfunc_end0:
.L_simem_size_0:
called_computation_lowered:
.L_overlay_start_0:
0x88: {  	s2 =	sld [smem:$0x3FD9]  }
0x89: {  	s3 =	sld [smem:$0x3FFE];
	_ =	sdelay $0x1  }
0x8a: {  	s1 =	srdreg.scid  }
0x8b: {  	s0 =	sand.u32 $0x1, s1  }
0x8c: {  	s17 =	sshll.u32 s0, $0xA;
	s2 =	sadd.s32 s3, s2  }
0x8d: {  	s2 =	sadd.s32 s2, s17  }
0x8e: {  	[smem:$0x3FC5] =	sst s2  }
0x8f: {  	_ = 	snop  }
0x90: {  	s2 =	sld [smem:$0x3FD0];
	(tm) =	ssettm $0x1  }
0x91: {  	s18 =	sld [smem:$0x3FFB];
	_ =	sdelay $0x3  }
0x92: {  	_ =	strace s18  }
0x93: {  	s3 =	sld [smem:$0x3FFC];
	_ =	sdelay $0x3  }
0x94: {  	_ =	strace s3  }
0x95: {  	s3 =	sld [smem:$0x3FFD];
	_ =	sdelay $0x3  }
0x96: {  	_ =	strace s3  }
0x97: {  	_ =	strace $0x8FFFFFFF  }
0x98: {  	s19 =	sld [smem:$0x3FDB];
	_ =	sdelay $0x1  }
0x99: {  	s4 =	simm.s32 $_scs_section_size  }
0x9a: {  	s5 =	simm.s32 $_size__tile_overlayer_lowered;
	s6 =	simm.s32 $_tile_overlayer_lowered  }
0x9b: {  	s22 =	simm.s32 $0x1BFF;
	s21 =	sshll.u32 s6, $0x1;
	s3 =	sadd.s32 s4, s19  }
0x9c: {  	s7 =	simm.s32 $0x0;
	s20 =	sshll.u32 s5, $0x1;
	s5 =	sadd.s32 s21, s3  }
0x9d: {  	[timem:s7], [sflag:s22] =	dma.local [hbm:s5], s20  }
0x9e: {  	_ =	swait.ge [sflag:s22], s20  }
0x9f: {  	s4 =	ssub.s32 $0x0, s20;
	[sflag:s22] =	ssyncset.done $0x0  }
0xa0: {  	[sflag:s22] =	ssyncadd.s32 s4;
	_ =	sdelay $0x1  }
0xa1: {  	s23 =	simm.s32 $0x1B8B  }
0xa2: {  	_ =	swait.ge [sflag:s23], $0x1  }
0xa3: {  	[sflag:s23] =	ssyncset.done $0x0  }
0xa4: {  	s25 =	simm.s32 $0x1B8E;
	s24 =	sld [smem:$0x3FFE];
	[sflag:s23] =	ssyncadd.s32 $0xFFFFFFFF  }
0xa5: {  	s26 =	simm.s32 $execute0_lowered;
	[smem:$0x3FD2] =	sst s25  }
0xa6: {  	s5 =	sshll.u32 s26, $0x1;
	_ =	strace $0x80000046;
	[dreg:$0x1] =	wrdreg $0xFFFFFFFF  }
0xa7: {  	s28 =	simm.s32 $_size_execute0_lowered;
	s3 =	sadd.s32 s3, s5;
	[dreg:$0x0] =	wrdreg $0x0  }
0xa8: {  	s5 =	sshll.u32 s28, $0x1;
	[dreg:$0x2] =	wrdreg s3  }
0xa9: {  	[dreg:$0x3] =	wrdreg s5  }
0xaa: {  	[dreg:$0x4] =	wrdreg $0xC0  }
0xab: {  	_ =	task [dreg:s7], $0x5FFFF  }
0xac: {  	[dreg:$0x1] =	wrdreg $0xFFFFFFFF  }
0xad: {  	[dreg:$0x0] =	wrdreg $0x60  }
0xae: {  	[dreg:$0x2] =	wrdreg s2  }
0xaf: {  	[dreg:$0x3] =	wrdreg s24  }
0xb0: {  	[dreg:$0x4] =	wrdreg $0x9  }
0xb1: {  	_ =	task.clear_ibuf [dreg:s7], $0x5FFFF;
	_ =	strace $0x90000046  }
0xb2: {  	s29 =	simm.s32 $0x9;
	_ =	strace $0x80000048  }
0xb3: {  	_ =	swait.ge [sflag:s29], $0x1  }
0xb4: {  	[sflag:s29] =	ssyncadd.s32 $0xFFFFFFFF  }
0xb5: {  	_ =	strace $0x90000048  }
0xb6: {  	_ =	sfence  }
0xb7: {  	s30 =	sld [smem:$0x0];
	_ =	sdelay $0x2  }
0xb8: {  	s31 =	sshll.u32 s1, $0xD;
	s1 =	sshrl.u32 s1, $0x2  }
0xb9: {  	s3 =	sand.u32 $0x4000, s31;
	s1 =	sadd.s32 s1, s30  }
0xba: {  	s0 =	sor.u32 s3, s0;
	s1 =	sshll.u32 s1, $0x11  }
0xbb: {  	s0 =	sor.u32 s1, s0  }
0xbc: {  	s0 =	sadd.s32 $0x8F2B, s0  }
0xbd: {  	[sflag:s0] =	ssyncadd.remote.s32 $0x1  }
0xbe: {  	_ =	sfence.sel $0xFFFF  }
0xbf: {  	[dreg:$0x0] =	wrdreg $0xFFFFFFFF;
	(pc) =	sbr.abs _section_cstart, $3  }
0xc0: {  	[dreg:$0x1] =	wrdreg $0xFFFFFFFF  }
0xc1: {  	_ =	task.clear_ibuf [dreg:s7], $0x2FFFF;
	_ =	strace $0x9FFFFFFF  }
0xc2: {  	(tm) =	ssettm $0x7FFFFFFF  }
0xc3: {  	_ =	shalt  }
tec
execute0_lowered:
.L_overlay_start_1:
0x0: {  	(tag) =	ssettag $0x1  }
0x1: {  	s1 =	srdreg.scid;
	s0 =	rddreg [dreg:$0x1]  }
0x2: {  	s19 =	stileid.u32;
	s3 =	sand.u32 $0x1, s1;
	s1 =	simm.s32 $0x0  }
0x3: {  	s2 =	sshll.u32 s19, $0x7;
	s25 =	sadd.s32 $0x400, s0;
	s4 =	sshll.u32 s3, $0x6  }
0x4: {  	s14 =	sshll.u32 s19, $0xA;
	[smem:$0x7FF] =	sst s1;
	s6 =	sor.u32 s4, s2  }
0x5: {  	s5 =	ssub.s32 $0x2, s3;
	s7 =	sor.u32 $0x800, s6;
	s28 =	sadd.s32 s25, s6  }
0x6: {  	s30 =	sor.u32 $0x1000, s6;
	[dreg:$0x4] =	wrdreg s28;
	s29 =	sadd.s32 s25, s7  }
0x7: {  	s8 =	sor.u32 $0x1800, s6;
	s10 =	sadd.s32 s25, s30;
	[dreg:$0x5] =	wrdreg s29  }
0x8: {  	s9 =	sor.u32 $0x2000, s6;
	s15 =	sadd.s32 s25, s8;
	[dreg:$0x6] =	wrdreg s10  }
0x9: {  	s11 =	sor.u32 $0x3000, s6;
	s16 =	sadd.s32 s25, s9;
	[dreg:$0x7] =	wrdreg s15  }
0xa: {  	s12 =	sor.u32 $0x3800, s6;
	s17 =	sadd.s32 s25, s11;
	[dreg:$0x8] =	wrdreg s16  }
0xb: {  	s3 =	sshll.u32 s3, $0x9;
	s18 =	sadd.s32 s25, s12;
	[dreg:$0xa] =	wrdreg s17  }
0xc: {  	s3 =	sor.u32 s3, s14;
	s14 =	sor.u32 $0x5000, s6;
	[dreg:$0xb] =	wrdreg s18  }
0xd: {  	s10 =	sor.u32 $0x2800, s6;
	s17 =	sadd.s32 s25, s14;
	s18 =	rddreg [dreg:$0x0]  }
0xe: {  	s16 =	sor.u32 $0x5800, s6;
	s13 =	sadd.s32 s25, s10;
	[dreg:$0xe] =	wrdreg s17  }
0xf: {  	s21 =	sadd.s32 s25, s16;
	[dreg:$0x9] =	wrdreg s13  }
0x10: {  	s26 =	sshrl.u32 s5, $0x1;
	s23 =	sadd.s32 s18, s7;
	[dreg:$0xf] =	wrdreg s21  }
0x11: {  	s2 =	ssub.s32 s5, s26;
	s5 =	sadd.s32 s18, s30;
	[dreg:$0x14] =	wrdreg s23  }
0x12: {  	s26 =	sadd.s32 s18, s8;
	[dreg:$0x16] =	wrdreg s5  }
0x13: {  	s17 =	sor.u32 $0x6000, s6;
	s29 =	sadd.s32 s18, s9;
	[dreg:$0x18] =	wrdreg s26  }
0x14: {  	s13 =	sor.u32 $0x4000, s6;
	s4 =	sadd.s32 s25, s17;
	[dreg:$0x1a] =	wrdreg s29  }
0x15: {  	s15 =	sadd.s32 s25, s13;
	[dreg:$0x10] =	wrdreg s4;
	s4 =	sadd.s32 $0x4FC600, s0  }
0x16: {  	[dreg:$0xc] =	wrdreg s15;
	s22 =	sadd.s32 s4, s7  }
0x17: {  	s24 =	sadd.s32 s4, s30;
	[dreg:$0x13] =	wrdreg s22  }
0x18: {  	s28 =	sadd.s32 s4, s9;
	[dreg:$0x15] =	wrdreg s24  }
0x19: {  	s30 =	sadd.s32 s4, s10;
	[dreg:$0x19] =	wrdreg s28  }
0x1a: {  	s7 =	sadd.s32 s4, s11;
	[dreg:$0x1b] =	wrdreg s30  }
0x1b: {  	s9 =	sadd.s32 s4, s12;
	[dreg:$0x1d] =	wrdreg s7  }
0x1c: {  	s21 =	sadd.s32 s4, s14;
	[dreg:$0x1f] =	wrdreg s9  }
0x1d: {  	s23 =	sadd.s32 s4, s16;
	[smem:$0x7D8] =	sst s21  }
0x1e: {  	s15 =	sor.u32 $0x4800, s6;
	s26 =	sadd.s32 s4, s17;
	[smem:$0x7DA] =	sst s23  }
0x1f: {  	s20 =	sadd.s32 s25, s15;
	[smem:$0x7DD] =	sst s26  }
0x20: {  	s29 =	sor.u32 $0x6C000, s3;
	s25 =	sadd.s32 s4, s8;
	[dreg:$0xd] =	wrdreg s20  }
0x21: {  	s8 =	sadd.s32 s18, s11;
	s11 =	sadd.s32 s4, s13;
	[dreg:$0x17] =	wrdreg s25  }
0x22: {  	s22 =	sadd.s32 s18, s14;
	s24 =	sadd.s32 s18, s16;
	[dreg:$0x1e] =	wrdreg s8  }
0x23: {  	s28 =	sor.u32 $0x70000, s3;
	s30 =	sor.u32 $0x68000, s3;
	[smem:$0x7D4] =	sst s11  }
0x24: {  	s21 =	sor.u32 $0x50000, s3;
	s26 =	sor.u32 $0x48000, s3;
	[smem:$0x7D9] =	sst s22  }
0x25: {  	s20 =	sadd.s32 s4, s6;
	[smem:$0x7DB] =	sst s24;
	s25 =	sadd.s32 s18, s17  }
0x26: {  	s5 =	sshrl.u32 s28, $0x3;
	s8 =	sshrl.u32 s29, $0x3;
	s9 =	sshrl.u32 s30, $0x3  }
0x27: {  	s11 =	sor.u32 $0x64000, s3;
	s17 =	sor.u32 $0x58000, s3;
	[dreg:$0x11] =	wrdreg s20  }
0x28: {  	s20 =	sadd.s32 s18, s6;
	s6 =	sadd.s32 s18, s10;
	[smem:$0x7DC] =	sst s25  }
0x29: {  	s23 =	sshrl.u32 s21, $0x3;
	s10 =	sadd.s32 s18, s12;
	[dreg:$0x1c] =	wrdreg s6  }
0x2a: {  	s28 =	sor.u32 $0x44000, s3;
	s12 =	sadd.s32 s18, s13;
	[smem:$0x7D3] =	sst s10  }
0x2b: {  	s29 =	sshrl.u32 s26, $0x3;
	s13 =	sadd.s32 s4, s15;
	[smem:$0x7D5] =	sst s12  }
0x2c: {  	s15 =	sadd.s32 s18, s15;
	s5 =	sadd.s32 s5, s4;
	[smem:$0x7D6] =	sst s13  }
0x2d: {  	s18 =	sor.u32 $0x54000, s3;
	s24 =	sadd.s32 s23, s4;
	[smem:$0x7D7] =	sst s15  }
0x2e: {  	s25 =	sor.u32 $0x4C000, s3;
	s30 =	sshrl.u32 s28, $0x3;
	[smem:$0x7DE] =	sst s5  }
0x2f: {  	s5 =	sadd.s32 s8, s4;
	s10 =	sadd.s32 s9, s4;
	s12 =	sor.u32 $0x60000, s3  }
0x30: {  	s13 =	sor.u32 $0x5C000, s3;
	s22 =	sshrl.u32 s18, $0x3;
	[smem:$0x7E6] =	sst s24  }
0x31: {  	s7 =	sadd.s32 s30, s4;
	s8 =	sor.u32 $0x40000, s3;
	[smem:$0x7DF] =	sst s5  }
0x32: {  	s9 =	sor.u32 $0x3C000, s3;
	[smem:$0x7E0] =	sst s10;
	s5 =	sshrl.u32 s11, $0x3  }
0x33: {  	s14 =	sshrl.u32 s12, $0x3;
	[smem:$0x7E9] =	sst s7;
	s5 =	sadd.s32 s5, s4  }
0x34: {  	s15 =	sshrl.u32 s13, $0x3;
	[smem:$0x7E1] =	sst s5;
	s5 =	sadd.s32 s14, s4  }
0x35: {  	s16 =	sadd.s32 s15, s4;
	[smem:$0x7E2] =	sst s5;
	s5 =	sshrl.u32 s17, $0x3  }
0x36: {  	s10 =	sor.u32 $0x38000, s3;
	[smem:$0x7E3] =	sst s16;
	s5 =	sadd.s32 s5, s4  }
0x37: {  	s12 =	sshrl.u32 s10, $0x3;
	[smem:$0x7E4] =	sst s5;
	s5 =	sadd.s32 s22, s4  }
0x38: {  	s13 =	sadd.s32 s12, s4;
	[smem:$0x7E5] =	sst s5;
	s5 =	sshrl.u32 s25, $0x3  }
0x39: {  	s3 =	sor.u32 $0x34000, s3;
	[smem:$0x7EC] =	sst s13;
	s5 =	sadd.s32 s5, s4  }
0x3a: {  	s3 =	sshrl.u32 s3, $0x3;
	[smem:$0x7E7] =	sst s5;
	s5 =	sadd.s32 s29, s4  }
0x3b: {  	s3 =	sadd.s32 s3, s4;
	[smem:$0x7E8] =	sst s5;
	s5 =	sshrl.u32 s8, $0x3  }
0x3c: {  	s11 =	sshrl.u32 s9, $0x3;
	[smem:$0x7ED] =	sst s3;
	s5 =	sadd.s32 s5, s4  }
0x3d: {  	s14 =	sshll.u32 s19, $0x6;
	[smem:$0x7EA] =	sst s5;
	s5 =	sadd.s32 s11, s4  }
0x3e: {  	s15 =	sor.u32 $0x1C03, s14;
	[smem:$0x7EB] =	sst s5  }
0x3f: {  	s2 =	smax.u32 s2, $0x1;
	_ =	strace $0x80000047;
	[smem:$0x7EE] =	sst s15  }
0x40: {  	s16 =	sadd.s32 $0x6800, s20;
	[smem:$0x7EF] =	sst s2  }
0x41: {  	s17 =	sadd.s32 $0x7000, s20;
	[smem:$0x7F0] =	sst s16  }
0x42: {  	s18 =	sadd.s32 $0x7800, s20;
	[smem:$0x7F1] =	sst s17  }
0x43: {  	s19 =	sadd.s32 $0x8000, s20;
	[smem:$0x7F2] =	sst s18  }
0x44: {  	s21 =	sadd.s32 $0x8800, s20;
	[smem:$0x7F3] =	sst s19  }
0x45: {  	s22 =	sadd.s32 $0x9000, s20;
	[smem:$0x7F4] =	sst s21  }
0x46: {  	s23 =	sadd.s32 $0x9800, s20;
	[smem:$0x7F5] =	sst s22  }
0x47: {  	s24 =	sadd.s32 $0xA000, s20;
	[smem:$0x7F6] =	sst s23  }
0x48: {  	s25 =	sadd.s32 $0xA800, s20;
	[smem:$0x7F7] =	sst s24  }
0x49: {  	s26 =	sadd.s32 $0xB000, s20;
	[smem:$0x7F8] =	sst s25  }
0x4a: {  	s28 =	sadd.s32 $0xB800, s20;
	[smem:$0x7F9] =	sst s26  }
0x4b: {  	s29 =	sadd.s32 $0xC000, s20;
	[smem:$0x7FA] =	sst s28  }
0x4c: {  	[smem:$0x7FB] =	sst s29  }
0x4d: {  	s31 =	sadd.s32 $0x3486C, s0;
	s30 =	sadd.s32 $0xC800, s20;
	[dreg:$0x12] =	wrdreg s20  }
0x4e: {  	s14 =	simm.s32 $0x2;
	s13 =	simm.s32 $0x0;
	[smem:$0x7FC] =	sst s30  }
0x4f: {  	s15 =	simm.s32 $0x1;
	s18 =	simm.s32 $0x80;
	[smem:$0x7FD] =	sst s31  }
.LBB2_1:
0x50: {  	s3 =	sld [smem:$0x7EE]  }
0x51: {  	s0 =	rddreg [dreg:$0x4]  }
0x52: {  	s2 =	rddreg [dreg:$0x11]  }
0x53: {  	[hbm:s2], [sflag:s3] =	dma.local [hbm:s0], $0x40  }
0x54: {  	s0 =	rddreg [dreg:$0x5]  }
0x55: {  	s2 =	rddreg [dreg:$0x13]  }
0x56: {  	[hbm:s2], [sflag:s3] =	dma.local [hbm:s0], $0x40  }
0x57: {  	s0 =	rddreg [dreg:$0x6]  }
0x58: {  	s2 =	rddreg [dreg:$0x15]  }
0x59: {  	[hbm:s2], [sflag:s3] =	dma.local [hbm:s0], $0x40  }
0x5a: {  	s0 =	rddreg [dreg:$0x7]  }
0x5b: {  	s2 =	rddreg [dreg:$0x17]  }
0x5c: {  	[hbm:s2], [sflag:s3] =	dma.local [hbm:s0], $0x40  }
0x5d: {  	s0 =	rddreg [dreg:$0x8]  }
0x5e: {  	s2 =	rddreg [dreg:$0x19]  }
0x5f: {  	[hbm:s2], [sflag:s3] =	dma.local [hbm:s0], $0x40  }
0x60: {  	s0 =	rddreg [dreg:$0x9]  }
0x61: {  	s2 =	rddreg [dreg:$0x1b]  }
0x62: {  	[hbm:s2], [sflag:s3] =	dma.local [hbm:s0], $0x40  }
0x63: {  	s0 =	rddreg [dreg:$0xa]  }
0x64: {  	s2 =	rddreg [dreg:$0x1d]  }
0x65: {  	[hbm:s2], [sflag:s3] =	dma.local [hbm:s0], $0x40  }
0x66: {  	s0 =	rddreg [dreg:$0xb]  }
0x67: {  	s2 =	rddreg [dreg:$0x1f]  }
0x68: {  	[hbm:s2], [sflag:s3] =	dma.local [hbm:s0], $0x40  }
0x69: {  	s2 =	sld [smem:$0x7D4];
	_ =	sdelay $0x1  }
0x6a: {  	s0 =	rddreg [dreg:$0xc]  }
0x6b: {  	[hbm:s2], [sflag:s3] =	dma.local [hbm:s0], $0x40  }
0x6c: {  	s2 =	sld [smem:$0x7D6];
	_ =	sdelay $0x1  }
0x6d: {  	s0 =	rddreg [dreg:$0xd]  }
0x6e: {  	[hbm:s2], [sflag:s3] =	dma.local [hbm:s0], $0x40  }
0x6f: {  	s2 =	sld [smem:$0x7D8];
	_ =	sdelay $0x1  }
0x70: {  	s0 =	rddreg [dreg:$0xe]  }
0x71: {  	[hbm:s2], [sflag:s3] =	dma.local [hbm:s0], $0x40  }
0x72: {  	s2 =	sld [smem:$0x7DA];
	_ =	sdelay $0x1  }
0x73: {  	s0 =	rddreg [dreg:$0xf]  }
0x74: {  	[hbm:s2], [sflag:s3] =	dma.local [hbm:s0], $0x40  }
0x75: {  	s2 =	sld [smem:$0x7DD];
	_ =	sdelay $0x1  }
0x76: {  	s0 =	rddreg [dreg:$0x10]  }
0x77: {  	[hbm:s2], [sflag:s3] =	dma.local [hbm:s0], $0x40  }
0x78: {  	s0 =	rddreg [dreg:$0x12]  }
0x79: {  	s29 =	rddreg [dreg:$0x14]  }
0x7a: {  	[tilespmem:s1], [sflag:$0x2] =	stream.linear.gather [hbm4b:s0+s1], $0x200, $0x38;
	[tilespmem:$0x1D400] =	vst v63  }
0x7b: {  	s30 =	simm.s32 $0x200;
	s2 =	rddreg [dreg:$0x16]  }
0x7c: {  	[tilespmem:s30], [sflag:$0x2] =	stream.linear.gather [hbm4b:s29+s1], $0x200, $0x38;
	[tilespmem:$0x1D400] =	vst v63  }
0x7d: {  	s3 =	simm.s32 $0x400;
	s4 =	rddreg [dreg:$0x18]  }
0x7e: {  	[tilespmem:s3], [sflag:$0x2] =	stream.linear.gather [hbm4b:s2+s1], $0x200, $0x38;
	[tilespmem:$0x1D400] =	vst v63  }
0x7f: {  	s5 =	simm.s32 $0x600;
	s6 =	rddreg [dreg:$0x1a]  }
0x80: {  	[tilespmem:s5], [sflag:$0x2] =	stream.linear.gather [hbm4b:s4+s1], $0x200, $0x38;
	[tilespmem:$0x1D400] =	vst v63  }
0x81: {  	s7 =	simm.s32 $0x800;
	s8 =	rddreg [dreg:$0x1c]  }
0x82: {  	[tilespmem:s7], [sflag:$0x2] =	stream.linear.gather [hbm4b:s6+s1], $0x200, $0x38;
	[tilespmem:$0x1D400] =	vst v63  }
0x83: {  	s9 =	simm.s32 $0xA00;
	s10 =	rddreg [dreg:$0x1e]  }
0x84: {  	[tilespmem:s9], [sflag:$0x2] =	stream.linear.gather [hbm4b:s8+s1], $0x200, $0x38;
	[tilespmem:$0x1D400] =	vst v63  }
0x85: {  	s11 =	simm.s32 $0xC00;
	s12 =	sld [smem:$0x7D3]  }
0x86: {  	[tilespmem:s11], [sflag:$0x2] =	stream.linear.gather [hbm4b:s10+s1], $0x200, $0x38;
	[tilespmem:$0x1D400] =	vst v63  }
0x87: {  	s16 =	simm.s32 $0xE00;
	s17 =	sld [smem:$0x7D5]  }
0x88: {  	[tilespmem:s16], [sflag:$0x2] =	stream.linear.gather [hbm4b:s12+s1], $0x200, $0x38;
	[tilespmem:$0x1D400] =	vst v63  }
0x89: {  	s19 =	simm.s32 $0x1000;
	s20 =	sld [smem:$0x7D7]  }
0x8a: {  	[tilespmem:s19], [sflag:$0x2] =	stream.linear.gather [hbm4b:s17+s1], $0x200, $0x38;
	[tilespmem:$0x1D400] =	vst v63  }
0x8b: {  	s21 =	simm.s32 $0x1200;
	s22 =	sld [smem:$0x7D9]  }
0x8c: {  	[tilespmem:s21], [sflag:$0x2] =	stream.linear.gather [hbm4b:s20+s1], $0x200, $0x38;
	[tilespmem:$0x1D400] =	vst v63  }
0x8d: {  	s23 =	simm.s32 $0x1400;
	s24 =	sld [smem:$0x7DB]  }
0x8e: {  	[tilespmem:s23], [sflag:$0x2] =	stream.linear.gather [hbm4b:s22+s1], $0x200, $0x38;
	[tilespmem:$0x1D400] =	vst v63  }
0x8f: {  	s25 =	simm.s32 $0x1600;
	s26 =	sld [smem:$0x7DC]  }
0x90: {  	[tilespmem:s25], [sflag:$0x2] =	stream.linear.gather [hbm4b:s24+s1], $0x200, $0x38;
	[tilespmem:$0x1D400] =	vst v63  }
0x91: {  	s28 =	simm.s32 $0x1800;
	s29 =	sld [smem:$0x7F0]  }
0x92: {  	[tilespmem:s28], [sflag:$0x2] =	stream.linear.gather [hbm4b:s26+s1], $0x200, $0x38;
	[tilespmem:$0x1D400] =	vst v63  }
0x93: {  	s30 =	simm.s32 $0x1A00;
	s2 =	sld [smem:$0x7F1]  }
0x94: {  	[tilespmem:s30], [sflag:$0x2] =	stream.linear.gather [hbm4b:s29+s1], $0x200, $0x38;
	[tilespmem:$0x1D400] =	vst v63  }
0x95: {  	s3 =	simm.s32 $0x1C00;
	s4 =	sld [smem:$0x7F2]  }
0x96: {  	[tilespmem:s3], [sflag:$0x2] =	stream.linear.gather [hbm4b:s2+s1], $0x200, $0x38;
	[tilespmem:$0x1D400] =	vst v63  }
0x97: {  	s5 =	simm.s32 $0x1E00;
	s6 =	sld [smem:$0x7F3]  }
0x98: {  	[tilespmem:s5], [sflag:$0x2] =	stream.linear.gather [hbm4b:s4+s1], $0x200, $0x38;
	[tilespmem:$0x1D400] =	vst v63  }
0x99: {  	s7 =	simm.s32 $0x2000;
	s8 =	sld [smem:$0x7F4]  }
0x9a: {  	[tilespmem:s7], [sflag:$0x2] =	stream.linear.gather [hbm4b:s6+s1], $0x200, $0x38;
	[tilespmem:$0x1D400] =	vst v63  }
0x9b: {  	s9 =	simm.s32 $0x2200;
	s10 =	sld [smem:$0x7F5]  }
0x9c: {  	[tilespmem:s9], [sflag:$0x2] =	stream.linear.gather [hbm4b:s8+s1], $0x200, $0x38;
	[tilespmem:$0x1D400] =	vst v63  }
0x9d: {  	s11 =	simm.s32 $0x2400;
	s12 =	sld [smem:$0x7F6]  }
0x9e: {  	[tilespmem:s11], [sflag:$0x2] =	stream.linear.gather [hbm4b:s10+s1], $0x200, $0x38;
	[tilespmem:$0x1D400] =	vst v63  }
0x9f: {  	s16 =	simm.s32 $0x2600;
	s17 =	sld [smem:$0x7F7]  }
0xa0: {  	[tilespmem:s16], [sflag:$0x2] =	stream.linear.gather [hbm4b:s12+s1], $0x200, $0x38;
	[tilespmem:$0x1D400] =	vst v63  }
0xa1: {  	s19 =	simm.s32 $0x2800;
	s20 =	sld [smem:$0x7F8]  }
0xa2: {  	[tilespmem:s19], [sflag:$0x2] =	stream.linear.gather [hbm4b:s17+s1], $0x200, $0x38;
	[tilespmem:$0x1D400] =	vst v63  }
0xa3: {  	s21 =	simm.s32 $0x2A00;
	s22 =	sld [smem:$0x7F9]  }
0xa4: {  	[tilespmem:s21], [sflag:$0x2] =	stream.linear.gather [hbm4b:s20+s1], $0x200, $0x38;
	[tilespmem:$0x1D400] =	vst v63  }
0xa5: {  	s23 =	simm.s32 $0x2C00;
	s24 =	sld [smem:$0x7FA]  }
0xa6: {  	[tilespmem:s23], [sflag:$0x2] =	stream.linear.gather [hbm4b:s22+s1], $0x200, $0x38;
	[tilespmem:$0x1D400] =	vst v63  }
0xa7: {  	s25 =	simm.s32 $0x2E00;
	s26 =	sld [smem:$0x7FB]  }
0xa8: {  	[tilespmem:s25], [sflag:$0x2] =	stream.linear.gather [hbm4b:s24+s1], $0x200, $0x38;
	[tilespmem:$0x1D400] =	vst v63  }
0xa9: {  	s28 =	simm.s32 $0x3000;
	s29 =	sld [smem:$0x7FC]  }
0xaa: {  	[tilespmem:s28], [sflag:$0x2] =	stream.linear.gather [hbm4b:s26+s1], $0x200, $0x38;
	[tilespmem:$0x1D400] =	vst v63  }
0xab: {  	s30 =	simm.s32 $0x3200  }
0xac: {  	[tilespmem:s30], [sflag:$0x2] =	stream.linear.gather [hbm4b:s29+s1], $0x200, $0x38;
	[tilespmem:$0x1D400] =	vst v63  }
0xad: {  	_ =	swait.ge [sflag:s14], $0x200  }
0xae: {  	[sflag:s14] =	ssyncset.done $0x0  }
0xaf: {  	[sflag:s14] =	ssyncadd.s32 $0xFFFFFE00  }
0xb0: {  	_ =	swait.ge [sflag:s14], $0x200  }
0xb1: {  	[sflag:s14] =	ssyncset.done $0x0  }
0xb2: {  	[sflag:s14] =	ssyncadd.s32 $0xFFFFFE00  }
0xb3: {  	_ =	swait.ge [sflag:s14], $0x200  }
0xb4: {  	[sflag:s14] =	ssyncset.done $0x0  }
0xb5: {  	[sflag:s14] =	ssyncadd.s32 $0xFFFFFE00  }
0xb6: {  	_ =	swait.ge [sflag:s14], $0x200  }
0xb7: {  	[sflag:s14] =	ssyncset.done $0x0  }
0xb8: {  	[sflag:s14] =	ssyncadd.s32 $0xFFFFFE00  }
0xb9: {  	_ =	swait.ge [sflag:s14], $0x200  }
0xba: {  	[sflag:s14] =	ssyncset.done $0x0  }
0xbb: {  	[sflag:s14] =	ssyncadd.s32 $0xFFFFFE00  }
0xbc: {  	_ =	swait.ge [sflag:s14], $0x200  }
0xbd: {  	[sflag:s14] =	ssyncset.done $0x0  }
0xbe: {  	[sflag:s14] =	ssyncadd.s32 $0xFFFFFE00  }
0xbf: {  	_ =	swait.ge [sflag:s14], $0x200  }
0xc0: {  	[sflag:s14] =	ssyncset.done $0x0  }
0xc1: {  	[sflag:s14] =	ssyncadd.s32 $0xFFFFFE00  }
0xc2: {  	_ =	swait.ge [sflag:s14], $0x200  }
0xc3: {  	[sflag:s14] =	ssyncset.done $0x0  }
0xc4: {  	[sflag:s14] =	ssyncadd.s32 $0xFFFFFE00  }
0xc5: {  	_ =	swait.ge [sflag:s14], $0x200  }
0xc6: {  	[sflag:s14] =	ssyncset.done $0x0  }
0xc7: {  	[sflag:s14] =	ssyncadd.s32 $0xFFFFFE00  }
0xc8: {  	_ =	swait.ge [sflag:s14], $0x200  }
0xc9: {  	[sflag:s14] =	ssyncset.done $0x0  }
0xca: {  	[sflag:s14] =	ssyncadd.s32 $0xFFFFFE00  }
0xcb: {  	_ =	swait.ge [sflag:s14], $0x200  }
0xcc: {  	[sflag:s14] =	ssyncset.done $0x0  }
0xcd: {  	[sflag:s14] =	ssyncadd.s32 $0xFFFFFE00  }
0xce: {  	_ =	swait.ge [sflag:s14], $0x200  }
0xcf: {  	[sflag:s14] =	ssyncset.done $0x0  }
0xd0: {  	[sflag:s14] =	ssyncadd.s32 $0xFFFFFE00  }
0xd1: {  	_ =	swait.ge [sflag:s14], $0x200  }
0xd2: {  	[sflag:s14] =	ssyncset.done $0x0  }
0xd3: {  	[sflag:s14] =	ssyncadd.s32 $0xFFFFFE00  }
0xd4: {  	_ =	swait.ge [sflag:s14], $0x200  }
0xd5: {  	[sflag:s14] =	ssyncset.done $0x0  }
0xd6: {  	[sflag:s14] =	ssyncadd.s32 $0xFFFFFE00  }
0xd7: {  	_ =	swait.ge [sflag:s14], $0x200  }
0xd8: {  	[sflag:s14] =	ssyncset.done $0x0  }
0xd9: {  	[sflag:s14] =	ssyncadd.s32 $0xFFFFFE00  }
0xda: {  	_ =	swait.ge [sflag:s14], $0x200  }
0xdb: {  	[sflag:s14] =	ssyncset.done $0x0  }
0xdc: {  	[sflag:s14] =	ssyncadd.s32 $0xFFFFFE00  }
0xdd: {  	_ =	swait.ge [sflag:s14], $0x200  }
0xde: {  	[sflag:s14] =	ssyncset.done $0x0  }
0xdf: {  	[sflag:s14] =	ssyncadd.s32 $0xFFFFFE00  }
0xe0: {  	_ =	swait.ge [sflag:s14], $0x200  }
0xe1: {  	[sflag:s14] =	ssyncset.done $0x0  }
0xe2: {  	[sflag:s14] =	ssyncadd.s32 $0xFFFFFE00  }
0xe3: {  	_ =	swait.ge [sflag:s14], $0x200  }
0xe4: {  	[sflag:s14] =	ssyncset.done $0x0  }
0xe5: {  	[sflag:s14] =	ssyncadd.s32 $0xFFFFFE00  }
0xe6: {  	_ =	swait.ge [sflag:s14], $0x200  }
0xe7: {  	[sflag:s14] =	ssyncset.done $0x0  }
0xe8: {  	[sflag:s14] =	ssyncadd.s32 $0xFFFFFE00  }
0xe9: {  	_ =	swait.ge [sflag:s14], $0x200  }
0xea: {  	[sflag:s14] =	ssyncset.done $0x0  }
0xeb: {  	[sflag:s14] =	ssyncadd.s32 $0xFFFFFE00  }
0xec: {  	_ =	swait.ge [sflag:s14], $0x200  }
0xed: {  	[sflag:s14] =	ssyncset.done $0x0  }
0xee: {  	[sflag:s14] =	ssyncadd.s32 $0xFFFFFE00  }
0xef: {  	_ =	swait.ge [sflag:s14], $0x200  }
0xf0: {  	[sflag:s14] =	ssyncset.done $0x0  }
0xf1: {  	[sflag:s14] =	ssyncadd.s32 $0xFFFFFE00  }
0xf2: {  	_ =	swait.ge [sflag:s14], $0x200  }
0xf3: {  	[sflag:s14] =	ssyncset.done $0x0  }
0xf4: {  	[sflag:s14] =	ssyncadd.s32 $0xFFFFFE00  }
0xf5: {  	p1 =	por $0x0, $0x0;
	_ =	swait.ge [sflag:s14], $0x200  }
.Ltmp0:
0xf6: {  	[sflag:s14] =	ssyncset.done $0x0;
	(pc) =	sbr.rel @p1 .LBB2_2-.Ltmp0, $4  }
0xf7: {  	[sflag:s14] =	ssyncadd.s32 $0xFFFFFE00  }
0xf8: {  	_ =	swait.ge [sflag:s14], $0x200  }
0xf9: {  	p0 =	por $0x0, $0x0;
	s0 =	simm.s32 $0x0;
	[sflag:s14] =	ssyncset.done $0x0  }
0xfa: {  	s11 =	sadd.s32 $0xFFFD2394, s31;
	[smem:$0x7D2] =	sst s13;
	[sflag:s14] =	ssyncadd.s32 $0xFFFFFE00  }
0xfb: {  	s0 =	simm.s32 $0x3400  }
0xfc: {  	[tilespmem:s0], [sflag:$0x1] =	stream.indirect.gather [hbm4b:s11+s18], $0x1, s1, s18, $0xb8;
	[tilespmem:$0x1D400] =	vst v63  }
0xfd: {  	s30 =	simm.s32 $0x3480;
	s2 =	sadd.s32 $0xFFFD5468, s31  }
0xfe: {  	[tilespmem:s30], [sflag:$0x1] =	stream.indirect.gather [hbm4b:s2+s18], $0x1, s1, s18, $0xb8;
	[tilespmem:$0x1D400] =	vst v63  }
0xff: {  	s3 =	simm.s32 $0x3500;
	s4 =	sadd.s32 $0xFFFD853C, s31  }
0x100: {  	[tilespmem:s3], [sflag:$0x1] =	stream.indirect.gather [hbm4b:s4+s18], $0x1, s1, s18, $0xb8;
	[tilespmem:$0x1D400] =	vst v63  }
0x101: {  	s5 =	simm.s32 $0x3580;
	s6 =	sadd.s32 $0xFFFDB610, s31  }
0x102: {  	[tilespmem:s5], [sflag:$0x1] =	stream.indirect.gather [hbm4b:s6+s18], $0x1, s1, s18, $0xb8;
	[tilespmem:$0x1D400] =	vst v63  }
0x103: {  	s7 =	simm.s32 $0x3600;
	s8 =	sadd.s32 $0xFFFDE6E4, s31  }
0x104: {  	[tilespmem:s7], [sflag:$0x1] =	stream.indirect.gather [hbm4b:s8+s18], $0x1, s1, s18, $0xb8;
	[tilespmem:$0x1D400] =	vst v63  }
0x105: {  	s9 =	simm.s32 $0x3680;
	s10 =	sadd.s32 $0xFFFE17B8, s31;
	s12 =	sadd.s32 $0xFFFE488C, s31  }
0x106: {  	[tilespmem:s9], [sflag:$0x1] =	stream.indirect.gather [hbm4b:s10+s18], $0x1, s1, s18, $0xb8;
	[tilespmem:$0x1D400] =	vst v63  }
0x107: {  	s13 =	simm.s32 $0x3780;
	s16 =	sadd.s32 $0xFFFE7960, s31;
	s11 =	simm.s32 $0x3700  }
0x108: {  	[tilespmem:s11], [sflag:$0x1] =	stream.indirect.gather [hbm4b:s12+s18], $0x1, s1, s18, $0xb8;
	[tilespmem:$0x1D400] =	vst v63  }
0x109: {  	s17 =	simm.s32 $0x3800;
	s19 =	sadd.s32 $0xFFFEAA34, s31;
	s20 =	simm.s32 $0x3880  }
0x10a: {  	[tilespmem:s13], [sflag:$0x1] =	stream.indirect.gather [hbm4b:s16+s18], $0x1, s1, s18, $0xb8;
	[tilespmem:$0x1D400] =	vst v63  }
0x10b: {  	s21 =	sadd.s32 $0xFFFEDB08, s31;
	s22 =	simm.s32 $0x3900;
	s23 =	sadd.s32 $0xFFFF0BDC, s31  }
0x10c: {  	[tilespmem:s17], [sflag:$0x1] =	stream.indirect.gather [hbm4b:s19+s18], $0x1, s1, s18, $0xb8;
	[tilespmem:$0x1D400] =	vst v63  }
0x10d: {  	s24 =	simm.s32 $0x3980;
	s25 =	simm.s32 $0x3A00;
	s26 =	sadd.s32 $0xFFFF6D84, s31  }
0x10e: {  	[tilespmem:s20], [sflag:$0x1] =	stream.indirect.gather [hbm4b:s21+s18], $0x1, s1, s18, $0xb8;
	[tilespmem:$0x1D400] =	vst v63  }
0x10f: {  	p1 =	por $0x0, $0x0;
	s28 =	simm.s32 $0x3A80;
	s29 =	sadd.s32 $0xFFFF9E58, s31  }
0x110: {  	[tilespmem:s22], [sflag:$0x1] =	stream.indirect.gather [hbm4b:s23+s18], $0x1, s1, s18, $0xb8;
	[tilespmem:$0x1D400] =	vst v63  }
0x111: {  	p0 =	por $0x1, $0x1;
	s0 =	simm.s32 $0x800;
	s3 =	sadd.s32 $0xFFFF3CB0, s31  }
0x112: {  	[tilespmem:s24], [sflag:$0x1] =	stream.indirect.gather [hbm4b:s3+s18], $0x1, s1, s18, $0xb8;
	[tilespmem:$0x1D400] =	vst v63  }
0x113: {  	s30 =	simm.s32 $0x3B00;
	s2 =	sadd.s32 $0x30D40, s31;
	s4 =	simm.s32 $0x3B80  }
0x114: {  	[tilespmem:s25], [sflag:$0x1] =	stream.indirect.gather [hbm4b:s26+s18], $0x1, s1, s18, $0xb8;
	[tilespmem:$0x1D400] =	vst v63  }
.Ltmp1:
0x115: {  	s5 =	sadd.s32 $0xFFFFCF2C, s31;
	s7 =	simm.s32 $0x80;
	(pc) =	sbr.rel @p1 .LBB2_4-.Ltmp1, $4  }
0x116: {  	[tilespmem:s28], [sflag:$0x1] =	stream.indirect.gather [hbm4b:s29+s18], $0x1, s1, s18, $0xb8;
	[tilespmem:$0x1D400] =	vst v63  }
0x117: {  	s10 =	simm.s32 $0x4000;
	s9 =	simm.s32 $0x0;
	s11 =	sadd.s32 $0xFFFD2394, s2  }
0x118: {  	[tilespmem:s30], [sflag:$0x1] =	stream.indirect.gather [hbm4b:s5+s18], $0x1, s1, s18, $0xb8;
	[tilespmem:$0x1D400] =	vst v63  }
0x119: {  	s19 =	simm.s32 $0x80;
	s3 =	simm.s32 $0x200;
	s5 =	smov.u32 s31  }
.LBB2_5:
0x11a: {  	[tilespmem:s4], [sflag:$0x1] =	stream.indirect.gather [hbm4b:s5+s7], $0x1, s9, s7, $0xb8;
	[tilespmem:$0x1D400] =	vst v63  }
0x11b: {  	s6 =	smov.u32 s0;
	s0 =	smov.u32 s10;
	s5 =	smov.u32 s2  }
0x11c: {  	s0 =	sadd.s32 $0x3400, s6;
	s12 =	sadd.s32 $0x3780, s6;
	s4 =	sadd.s32 $0x3B80, s6  }
0x11d: {  	[tilespmem:s0], [sflag:$0x1] =	stream.indirect.gather [hbm4b:s11+s19], $0x1, s3, s19, $0xb8;
	[tilespmem:$0x1D400] =	vst v63  }
0x11e: {  	s8 =	sadd.s32 $0xFFFD5468, s2;
	s7 =	sadd.s32 $0x3480, s6;
	s0 =	sshra.s32 s10, $0x2  }
0x11f: {  	[tilespmem:s7], [sflag:$0x1] =	stream.indirect.gather [hbm4b:s8+s19], $0x1, s3, s19, $0xb8;
	[tilespmem:$0x1D400] =	vst v63  }
0x120: {  	s9 =	sadd.s32 $0xFFFD853C, s2;
	s8 =	sadd.s32 $0x2000, s10;
	s7 =	sadd.s32 $0x3500, s6  }
0x121: {  	[tilespmem:s7], [sflag:$0x1] =	stream.indirect.gather [hbm4b:s9+s19], $0x1, s3, s19, $0xb8;
	[tilespmem:$0x1D400] =	vst v63  }
0x122: {  	p1 =	seq.s32 s10, $0x32000;
	s7 =	sadd.s32 $0x3580, s6;
	s9 =	sadd.s32 $0xFFFDB610, s2  }
0x123: {  	[tilespmem:s7], [sflag:$0x1] =	stream.indirect.gather [hbm4b:s9+s19], $0x1, s3, s19, $0xb8;
	[tilespmem:$0x1D400] =	vst v63  }
0x124: {  	s10 =	sadd.s32 $0xFFFDE6E4, s2;
	s9 =	sadd.s32 $0x3600, s6;
	s7 =	smov.u32 s19  }
0x125: {  	[tilespmem:s9], [sflag:$0x1] =	stream.indirect.gather [hbm4b:s10+s7], $0x1, s3, s7, $0xb8;
	[tilespmem:$0x1D400] =	vst v63  }
0x126: {  	s11 =	sadd.s32 $0xFFFE17B8, s2;
	s10 =	sadd.s32 $0x3680, s6;
	s9 =	smov.u32 s3  }
0x127: {  	[tilespmem:s10], [sflag:$0x1] =	stream.indirect.gather [hbm4b:s11+s7], $0x1, s3, s7, $0xb8;
	[tilespmem:$0x1D400] =	vst v63  }
0x128: {  	s10 =	sadd.s32 $0x3700, s6;
	s11 =	sadd.s32 $0xFFFE488C, s2  }
0x129: {  	[tilespmem:s10], [sflag:$0x1] =	stream.indirect.gather [hbm4b:s11+s7], $0x1, s3, s7, $0xb8;
	[tilespmem:$0x1D400] =	vst v63  }
0x12a: {  	s10 =	sadd.s32 $0xFFFE7960, s2  }
0x12b: {  	[tilespmem:s12], [sflag:$0x1] =	stream.indirect.gather [hbm4b:s10+s7], $0x1, s3, s7, $0xb8;
	[tilespmem:$0x1D400] =	vst v63  }
0x12c: {  	s11 =	sadd.s32 $0xFFFEAA34, s2;
	s10 =	sadd.s32 $0x3800, s6  }
0x12d: {  	[tilespmem:s10], [sflag:$0x1] =	stream.indirect.gather [hbm4b:s11+s7], $0x1, s3, s7, $0xb8;
	[tilespmem:$0x1D400] =	vst v63  }
0x12e: {  	s10 =	sadd.s32 $0x3880, s6;
	s11 =	sadd.s32 $0xFFFEDB08, s2  }
0x12f: {  	[tilespmem:s10], [sflag:$0x1] =	stream.indirect.gather [hbm4b:s11+s7], $0x1, s3, s7, $0xb8;
	[tilespmem:$0x1D400] =	vst v63  }
0x130: {  	s10 =	sadd.s32 $0x3900, s6;
	s11 =	sadd.s32 $0xFFFF0BDC, s2  }
0x131: {  	[tilespmem:s10], [sflag:$0x1] =	stream.indirect.gather [hbm4b:s11+s7], $0x1, s3, s7, $0xb8;
	[tilespmem:$0x1D400] =	vst v63  }
0x132: {  	s10 =	sadd.s32 $0x3980, s6;
	s11 =	sadd.s32 $0xFFFF3CB0, s2  }
0x133: {  	[tilespmem:s10], [sflag:$0x1] =	stream.indirect.gather [hbm4b:s11+s7], $0x1, s3, s7, $0xb8;
	[tilespmem:$0x1D400] =	vst v63  }
0x134: {  	s10 =	sadd.s32 $0x3A00, s6;
	s11 =	sadd.s32 $0xFFFF6D84, s2  }
0x135: {  	[tilespmem:s10], [sflag:$0x1] =	stream.indirect.gather [hbm4b:s11+s7], $0x1, s3, s7, $0xb8;
	[tilespmem:$0x1D400] =	vst v63  }
.Ltmp2:
0x136: {  	s10 =	sadd.s32 $0x3A80, s6;
	s11 =	sadd.s32 $0xFFFF9E58, s2;
	(pc) =	sbr.rel @!p1 .LBB2_5-.Ltmp2, $4  }
0x137: {  	[tilespmem:s10], [sflag:$0x1] =	stream.indirect.gather [hbm4b:s11+s7], $0x1, s3, s7, $0xb8;
	[tilespmem:$0x1D400] =	vst v63  }
0x138: {  	s6 =	sadd.s32 $0x3B00, s6;
	s2 =	sadd.s32 $0x30D40, s2;
	s10 =	sadd.s32 $0xFFFFCF2C, s5  }
0x139: {  	[tilespmem:s6], [sflag:$0x1] =	stream.indirect.gather [hbm4b:s10+s7], $0x1, s3, s7, $0xb8;
	[tilespmem:$0x1D400] =	vst v63  }
0x13a: {  	s11 =	sadd.s32 $0xFFFD2394, s2;
	s3 =	sadd.s32 $0x200, s3;
	s10 =	smov.u32 s8  }
.LBB2_6:
0x13b: {  	[tilespmem:s4], [sflag:$0x1] =	stream.indirect.gather @p0 [hbm4b:s5+s7], $0x1, s9, s7, $0xb8;
	[tilespmem:$0x1D400] =	vst v63  }
0x13c: {  	s13 =	sadd.s32 $0x3400, s0  }
0x13d: {  	s16 =	sadd.s32 $0x3480, s0;
	s17 =	sadd.s32 $0xFFFD5468, s2;
	s20 =	sadd.s32 $0x3500, s0  }
0x13e: {  	[tilespmem:s13], [sflag:$0x1] =	stream.indirect.gather [hbm4b:s11+s19], $0x1, s3, s19, $0xb8;
	[tilespmem:$0x1D400] =	vst v63  }
0x13f: {  	s21 =	sadd.s32 $0xFFFD853C, s2;
	s22 =	sadd.s32 $0x3580, s0;
	s23 =	sadd.s32 $0xFFFDB610, s2  }
0x140: {  	[tilespmem:s16], [sflag:$0x1] =	stream.indirect.gather [hbm4b:s17+s19], $0x1, s3, s19, $0xb8;
	[tilespmem:$0x1D400] =	vst v63  }
0x141: {  	s24 =	sadd.s32 $0x3600, s0;
	s25 =	sadd.s32 $0xFFFDE6E4, s2;
	s26 =	sadd.s32 $0x3680, s0  }
0x142: {  	[tilespmem:s20], [sflag:$0x1] =	stream.indirect.gather [hbm4b:s21+s19], $0x1, s3, s19, $0xb8;
	[tilespmem:$0x1D400] =	vst v63  }
0x143: {  	s29 =	sadd.s32 $0xFFFE17B8, s2;
	s5 =	sadd.s32 $0x3700, s0;
	s6 =	sadd.s32 $0xFFFE488C, s2  }
0x144: {  	[tilespmem:s22], [sflag:$0x1] =	stream.indirect.gather [hbm4b:s23+s19], $0x1, s3, s19, $0xb8;
	[tilespmem:$0x1D400] =	vst v63  }
0x145: {  	s7 =	sadd.s32 $0x3780, s0;
	s8 =	sadd.s32 $0xFFFE7960, s2;
	s28 =	sld [smem:$0x7ED]  }
0x146: {  	[tilespmem:s24], [sflag:$0x1] =	stream.indirect.gather [hbm4b:s25+s19], $0x1, s3, s19, $0xb8;
	[tilespmem:$0x1D400] =	vst v63  }
0x147: {  	s9 =	sadd.s32 $0x3800, s0;
	s10 =	sadd.s32 $0xFFFEAA34, s2;
	s30 =	sld [smem:$0x7E9]  }
0x148: {  	[tilespmem:s26], [sflag:$0x1] =	stream.indirect.gather [hbm4b:s29+s19], $0x1, s3, s19, $0xb8;
	[tilespmem:$0x1D400] =	vst v63  }
0x149: {  	s4 =	sld [smem:$0x7E3];
	s11 =	sadd.s32 $0x3880, s0;
	s13 =	sadd.s32 $0x3900, s0  }
0x14a: {  	[tilespmem:s5], [sflag:$0x1] =	stream.indirect.gather [hbm4b:s6+s19], $0x1, s3, s19, $0xb8;
	[tilespmem:$0x1D400] =	vst v63  }
0x14b: {  	s17 =	sadd.s32 $0x3980, s0;
	s21 =	sadd.s32 $0x3A00, s0;
	s23 =	sadd.s32 $0x3A80, s0  }
0x14c: {  	[tilespmem:s7], [sflag:$0x1] =	stream.indirect.gather [hbm4b:s8+s19], $0x1, s3, s19, $0xb8;
	[tilespmem:$0x1D400] =	vst v63  }
0x14d: {  	s25 =	sadd.s32 $0x3B00, s0;
	s29 =	sadd.s32 $0x3B80, s0;
	s0 =	sld [smem:$0x7E8]  }
0x14e: {  	[tilespmem:s9], [sflag:$0x1] =	stream.indirect.gather [hbm4b:s10+s19], $0x1, s3, s19, $0xb8;
	[tilespmem:$0x1D400] =	vst v63  }
0x14f: {  	s12 =	sadd.s32 $0xFFFEDB08, s2;
	s5 =	sld [smem:$0x7E2]  }
0x150: {  	[tilespmem:s11], [sflag:$0x1] =	stream.indirect.gather [hbm4b:s12+s19], $0x1, s3, s19, $0xb8;
	[tilespmem:$0x1D400] =	vst v63  }
0x151: {  	s16 =	sadd.s32 $0xFFFF0BDC, s2;
	s6 =	sld [smem:$0x7E1]  }
0x152: {  	[tilespmem:s13], [sflag:$0x1] =	stream.indirect.gather [hbm4b:s16+s19], $0x1, s3, s19, $0xb8;
	[tilespmem:$0x1D400] =	vst v63  }
0x153: {  	s20 =	sadd.s32 $0xFFFF3CB0, s2;
	s7 =	sld [smem:$0x7E0]  }
0x154: {  	[tilespmem:s17], [sflag:$0x1] =	stream.indirect.gather [hbm4b:s20+s19], $0x1, s3, s19, $0xb8;
	[tilespmem:$0x1D400] =	vst v63  }
0x155: {  	s22 =	sadd.s32 $0xFFFF6D84, s2;
	s8 =	sld [smem:$0x7DE]  }
0x156: {  	[tilespmem:s21], [sflag:$0x1] =	stream.indirect.gather [hbm4b:s22+s19], $0x1, s3, s19, $0xb8;
	[tilespmem:$0x1D400] =	vst v63  }
0x157: {  	s22 =	sld [smem:$0x7E5]  }
0x158: {  	s24 =	sadd.s32 $0xFFFF9E58, s2;
	s21 =	sld [smem:$0x7DF]  }
0x159: {  	[tilespmem:s23], [sflag:$0x1] =	stream.indirect.gather [hbm4b:s24+s19], $0x1, s3, s19, $0xb8;
	[tilespmem:$0x1D400] =	vst v63  }
0x15a: {  	s24 =	sld [smem:$0x7EA]  }
0x15b: {  	s26 =	sadd.s32 $0xFFFFCF2C, s2;
	s23 =	sld [smem:$0x7E7]  }
0x15c: {  	[tilespmem:s25], [sflag:$0x1] =	stream.indirect.gather [hbm4b:s26+s19], $0x1, s3, s19, $0xb8;
	[tilespmem:$0x1D400] =	vst v63  }
0x15d: {  	s26 =	sld [smem:$0x7EC]  }
0x15e: {  	s25 =	sld [smem:$0x7EB]  }
0x15f: {  	[tilespmem:s29], [sflag:$0x1] =	stream.indirect.gather [hbm4b:s2+s19], $0x1, s3, s19, $0xb8;
	[tilespmem:$0x1D400] =	vst v63  }
0x160: {  	s2 =	sld [smem:$0x7E6]  }
0x161: {  	s16 =	simm.s32 $0x0;
	s3 =	sld [smem:$0x7E4]  }
.LBB2_8:
0x162: {  	_ =	swait.ge [sflag:s15], $0x80  }
0x163: {  	[sflag:s15] =	ssyncset.done $0x0  }
0x164: {  	[sflag:s15] =	ssyncadd.s32 $0xFFFFFF80  }
0x165: {  	_ =	swait.ge [sflag:s15], $0x80  }
0x166: {  	[sflag:s15] =	ssyncset.done $0x0  }
0x167: {  	[sflag:s15] =	ssyncadd.s32 $0xFFFFFF80  }
0x168: {  	_ =	swait.ge [sflag:s15], $0x80  }
0x169: {  	[sflag:s15] =	ssyncset.done $0x0  }
0x16a: {  	[sflag:s15] =	ssyncadd.s32 $0xFFFFFF80  }
0x16b: {  	_ =	swait.ge [sflag:s15], $0x80  }
0x16c: {  	[sflag:s15] =	ssyncset.done $0x0  }
0x16d: {  	[sflag:s15] =	ssyncadd.s32 $0xFFFFFF80  }
0x16e: {  	_ =	swait.ge [sflag:s15], $0x80  }
0x16f: {  	[sflag:s15] =	ssyncset.done $0x0  }
0x170: {  	[sflag:s15] =	ssyncadd.s32 $0xFFFFFF80  }
0x171: {  	_ =	swait.ge [sflag:s15], $0x80  }
0x172: {  	[sflag:s15] =	ssyncset.done $0x0  }
0x173: {  	[sflag:s15] =	ssyncadd.s32 $0xFFFFFF80  }
0x174: {  	_ =	swait.ge [sflag:s15], $0x80  }
0x175: {  	[sflag:s15] =	ssyncset.done $0x0  }
0x176: {  	[sflag:s15] =	ssyncadd.s32 $0xFFFFFF80  }
0x177: {  	_ =	swait.ge [sflag:s15], $0x80  }
0x178: {  	[sflag:s15] =	ssyncset.done $0x0  }
0x179: {  	[sflag:s15] =	ssyncadd.s32 $0xFFFFFF80  }
0x17a: {  	_ =	swait.ge [sflag:s15], $0x80  }
0x17b: {  	[sflag:s15] =	ssyncset.done $0x0  }
0x17c: {  	[sflag:s15] =	ssyncadd.s32 $0xFFFFFF80  }
0x17d: {  	_ =	swait.ge [sflag:s15], $0x80  }
0x17e: {  	[sflag:s15] =	ssyncset.done $0x0  }
0x17f: {  	[sflag:s15] =	ssyncadd.s32 $0xFFFFFF80  }
0x180: {  	_ =	swait.ge [sflag:s15], $0x80  }
0x181: {  	[sflag:s15] =	ssyncset.done $0x0  }
0x182: {  	[sflag:s15] =	ssyncadd.s32 $0xFFFFFF80  }
0x183: {  	_ =	swait.ge [sflag:s15], $0x80  }
0x184: {  	[sflag:s15] =	ssyncset.done $0x0  }
0x185: {  	[sflag:s15] =	ssyncadd.s32 $0xFFFFFF80  }
0x186: {  	_ =	swait.ge [sflag:s15], $0x80  }
0x187: {  	[sflag:s15] =	ssyncset.done $0x0  }
0x188: {  	[sflag:s15] =	ssyncadd.s32 $0xFFFFFF80  }
0x189: {  	_ =	swait.ge [sflag:s15], $0x80  }
0x18a: {  	[sflag:s15] =	ssyncset.done $0x0  }
0x18b: {  	[sflag:s15] =	ssyncadd.s32 $0xFFFFFF80  }
0x18c: {  	_ =	swait.ge [sflag:s15], $0x80  }
0x18d: {  	[sflag:s15] =	ssyncset.done $0x0  }
0x18e: {  	[sflag:s15] =	ssyncadd.s32 $0xFFFFFF80  }
0x18f: {  	_ =	swait.ge [sflag:s15], $0x80  }
0x190: {  	s9 =	smov.u32 s16;
	s10 =	simm.s32 $0x19;
	[sflag:s15] =	ssyncset.done $0x0  }
.LBB2_9:
0x191: {  	p0 =	sne.s32 s10, $0x1;
	s10 =	sadd.s32 $0xFFFFFFFF, s10;
	[sflag:s15] =	ssyncadd.s32 $0xFFFFFF80  }
0x192: {  	_ =	swait.ge [sflag:s15], $0x80  }
0x193: {  	[sflag:s15] =	ssyncset.done $0x0  }
0x194: {  	[sflag:s15] =	ssyncadd.s32 $0xFFFFFF80  }
0x195: {  	_ =	swait.ge [sflag:s15], $0x80  }
0x196: {  	[sflag:s15] =	ssyncset.done $0x0  }
0x197: {  	[sflag:s15] =	ssyncadd.s32 $0xFFFFFF80  }
0x198: {  	_ =	swait.ge [sflag:s15], $0x80  }
0x199: {  	[sflag:s15] =	ssyncset.done $0x0  }
0x19a: {  	[sflag:s15] =	ssyncadd.s32 $0xFFFFFF80  }
0x19b: {  	_ =	swait.ge [sflag:s15], $0x80  }
0x19c: {  	[sflag:s15] =	ssyncset.done $0x0  }
0x19d: {  	[sflag:s15] =	ssyncadd.s32 $0xFFFFFF80  }
0x19e: {  	_ =	swait.ge [sflag:s15], $0x80  }
0x19f: {  	[sflag:s15] =	ssyncset.done $0x0  }
0x1a0: {  	[sflag:s15] =	ssyncadd.s32 $0xFFFFFF80  }
0x1a1: {  	_ =	swait.ge [sflag:s15], $0x80  }
0x1a2: {  	[sflag:s15] =	ssyncset.done $0x0  }
0x1a3: {  	[sflag:s15] =	ssyncadd.s32 $0xFFFFFF80  }
0x1a4: {  	_ =	swait.ge [sflag:s15], $0x80  }
0x1a5: {  	[sflag:s15] =	ssyncset.done $0x0  }
0x1a6: {  	[sflag:s15] =	ssyncadd.s32 $0xFFFFFF80  }
0x1a7: {  	_ =	swait.ge [sflag:s15], $0x80  }
0x1a8: {  	[sflag:s15] =	ssyncset.done $0x0  }
0x1a9: {  	[sflag:s15] =	ssyncadd.s32 $0xFFFFFF80  }
0x1aa: {  	_ =	swait.ge [sflag:s15], $0x80  }
0x1ab: {  	[sflag:s15] =	ssyncset.done $0x0  }
0x1ac: {  	[sflag:s15] =	ssyncadd.s32 $0xFFFFFF80  }
0x1ad: {  	_ =	swait.ge [sflag:s15], $0x80  }
0x1ae: {  	[sflag:s15] =	ssyncset.done $0x0  }
0x1af: {  	[sflag:s15] =	ssyncadd.s32 $0xFFFFFF80  }
0x1b0: {  	_ =	swait.ge [sflag:s15], $0x80  }
0x1b1: {  	[sflag:s15] =	ssyncset.done $0x0  }
0x1b2: {  	[sflag:s15] =	ssyncadd.s32 $0xFFFFFF80  }
0x1b3: {  	_ =	swait.ge [sflag:s15], $0x80  }
0x1b4: {  	[sflag:s15] =	ssyncset.done $0x0  }
0x1b5: {  	[sflag:s15] =	ssyncadd.s32 $0xFFFFFF80  }
0x1b6: {  	_ =	swait.ge [sflag:s15], $0x80  }
0x1b7: {  	[sflag:s15] =	ssyncset.done $0x0  }
0x1b8: {  	[sflag:s15] =	ssyncadd.s32 $0xFFFFFF80  }
0x1b9: {  	_ =	swait.ge [sflag:s15], $0x80  }
0x1ba: {  	[sflag:s15] =	ssyncset.done $0x0  }
0x1bb: {  	[sflag:s15] =	ssyncadd.s32 $0xFFFFFF80  }
.Ltmp3:
0x1bc: {  	_ =	swait.ge [sflag:s15], $0x80;
	(pc) =	sbr.rel @p0 .LBB2_9-.Ltmp3, $4  }
0x1bd: {  	[sflag:s15] =	ssyncset.done $0x0  }
0x1be: {  	[sflag:s15] =	ssyncadd.s32 $0xFFFFFF80  }
0x1bf: {  	_ =	swait.ge [sflag:s15], $0x80  }
0x1c0: {  	[sflag:s15] =	ssyncset.done $0x0  }
0x1c1: {  	p0 =	seq.s32 s9, $0x3  }
.Ltmp4:
0x1c2: {  	_ = 	snop;
	(pc) =	sbr.rel @p0 .LBB2_14-.Ltmp4, $2  }
0x1c3: {  	_ =	sdelay $0x2  }
0x1c4: {  	[sflag:s15] =	ssyncadd.s32 $0xFFFFFF80;
	s16 =	sadd.s32 $0x1, s9  }
0x1c5: {  	s10 =	sand.u32 $0x1, s16  }
0x1c6: {  	p0 =	seq.s32 s10, $0x1;
	s10 =	simm.s32 $0x10400  }
0x1c7: {  	s10 =	simm.s32 @!p0 $0x3400  }
0x1c8: {  	[dreg:$0x3] =	wrdreg s10  }
0x1c9: {  	s10 =	rddreg [dreg:$0x3]  }
0x1ca: {  	s11 =	sadd.s32 $0xFFFD2394, s31;
	s10 =	sadd.s32 $0x0, s10  }
0x1cb: {  	[tilespmem:s10], [sflag:$0x1] =	stream.indirect.gather [hbm4b:s11+s18], $0x1, s19, s18, $0xb8;
	[tilespmem:$0x1D400] =	vst v63  }
0x1cc: {  	s12 =	sadd.s32 $0xFFFD5468, s31;
	s13 =	sadd.s32 $0x80, s10  }
0x1cd: {  	[tilespmem:s13], [sflag:$0x1] =	stream.indirect.gather [hbm4b:s12+s18], $0x1, s19, s18, $0xb8;
	[tilespmem:$0x1D400] =	vst v63  }
0x1ce: {  	[smem:$0x7D1] =	sst s16;
	s17 =	sadd.s32 $0xFFFD853C, s31;
	s16 =	sadd.s32 $0x100, s10  }
0x1cf: {  	[tilespmem:s16], [sflag:$0x1] =	stream.indirect.gather [hbm4b:s17+s18], $0x1, s19, s18, $0xb8;
	[tilespmem:$0x1D400] =	vst v63  }
0x1d0: {  	[smem:$0x7D0] =	sst s9;
	s9 =	sadd.s32 $0xFFFDB610, s31;
	s20 =	sadd.s32 $0x180, s10  }
0x1d1: {  	[tilespmem:s20], [sflag:$0x1] =	stream.indirect.gather [hbm4b:s9+s18], $0x1, s19, s18, $0xb8;
	[tilespmem:$0x1D400] =	vst v63  }
0x1d2: {  	s12 =	sadd.s32 $0x200, s10;
	s13 =	sadd.s32 $0xFFFDE6E4, s31  }
0x1d3: {  	[tilespmem:s12], [sflag:$0x1] =	stream.indirect.gather [hbm4b:s13+s18], $0x1, s19, s18, $0xb8;
	[tilespmem:$0x1D400] =	vst v63  }
0x1d4: {  	s16 =	sadd.s32 $0x280, s10;
	s17 =	sadd.s32 $0xFFFE17B8, s31  }
0x1d5: {  	[tilespmem:s16], [sflag:$0x1] =	stream.indirect.gather [hbm4b:s17+s18], $0x1, s19, s18, $0xb8;
	[tilespmem:$0x1D400] =	vst v63  }
0x1d6: {  	s20 =	sadd.s32 $0x300, s10;
	s9 =	sadd.s32 $0xFFFE488C, s31  }
0x1d7: {  	[tilespmem:s20], [sflag:$0x1] =	stream.indirect.gather [hbm4b:s9+s18], $0x1, s19, s18, $0xb8;
	[tilespmem:$0x1D400] =	vst v63  }
0x1d8: {  	s12 =	sadd.s32 $0x380, s10;
	s13 =	sadd.s32 $0xFFFE7960, s31  }
0x1d9: {  	[tilespmem:s12], [sflag:$0x1] =	stream.indirect.gather [hbm4b:s13+s18], $0x1, s19, s18, $0xb8;
	[tilespmem:$0x1D400] =	vst v63  }
0x1da: {  	s16 =	sadd.s32 $0x400, s10;
	s17 =	sadd.s32 $0xFFFEAA34, s31  }
0x1db: {  	[tilespmem:s16], [sflag:$0x1] =	stream.indirect.gather [hbm4b:s17+s18], $0x1, s19, s18, $0xb8;
	[tilespmem:$0x1D400] =	vst v63  }
0x1dc: {  	s20 =	sadd.s32 $0x480, s10;
	s9 =	sadd.s32 $0xFFFEDB08, s31  }
0x1dd: {  	[tilespmem:s20], [sflag:$0x1] =	stream.indirect.gather [hbm4b:s9+s18], $0x1, s19, s18, $0xb8;
	[tilespmem:$0x1D400] =	vst v63  }
0x1de: {  	s12 =	sadd.s32 $0x500, s10;
	s13 =	sadd.s32 $0xFFFF0BDC, s31  }
0x1df: {  	[tilespmem:s12], [sflag:$0x1] =	stream.indirect.gather [hbm4b:s13+s18], $0x1, s19, s18, $0xb8;
	[tilespmem:$0x1D400] =	vst v63  }
0x1e0: {  	s29 =	sadd.s32 $0x780, s10;
	s16 =	sadd.s32 $0x580, s10;
	s17 =	sadd.s32 $0xFFFF3CB0, s31  }
0x1e1: {  	[tilespmem:s16], [sflag:$0x1] =	stream.indirect.gather [hbm4b:s17+s18], $0x1, s19, s18, $0xb8;
	[tilespmem:$0x1D400] =	vst v63  }
0x1e2: {  	s11 =	sadd.s32 $0x200, s19;
	s20 =	sadd.s32 $0x600, s10;
	s9 =	sadd.s32 $0xFFFF6D84, s31  }
0x1e3: {  	[tilespmem:s20], [sflag:$0x1] =	stream.indirect.gather [hbm4b:s9+s18], $0x1, s19, s18, $0xb8;
	[tilespmem:$0x1D400] =	vst v63  }
0x1e4: {  	s13 =	sadd.s32 $0x680, s10;
	s12 =	sadd.s32 $0x30D40, s31;
	s16 =	sadd.s32 $0xFFFF9E58, s31  }
0x1e5: {  	[tilespmem:s13], [sflag:$0x1] =	stream.indirect.gather [hbm4b:s16+s18], $0x1, s19, s18, $0xb8;
	[tilespmem:$0x1D400] =	vst v63  }
0x1e6: {  	s17 =	sadd.s32 $0x700, s10;
	s20 =	sadd.s32 $0xFFFFCF2C, s31;
	s13 =	simm.s32 $0x800  }
0x1e7: {  	[tilespmem:s17], [sflag:$0x1] =	stream.indirect.gather [hbm4b:s20+s18], $0x1, s19, s18, $0xb8;
	[tilespmem:$0x1D400] =	vst v63  }
0x1e8: {  	s16 =	rddreg [dreg:$0x3];
	s17 =	simm.s32 $0x4000;
	s20 =	smov.u32 s19  }
.LBB2_12:
0x1e9: {  	[tilespmem:s29], [sflag:$0x1] =	stream.indirect.gather [hbm4b:s31+s18], $0x1, s20, s18, $0xb8;
	[tilespmem:$0x1D400] =	vst v63  }
0x1ea: {  	s10 =	smov.u32 s17  }
0x1eb: {  	s29 =	sadd.s32 s13, s16;
	s13 =	sshra.s32 s17, $0x2;
	s10 =	sadd.s32 $0xFFFD2394, s12  }
0x1ec: {  	[tilespmem:s29], [sflag:$0x1] =	stream.indirect.gather [hbm4b:s10+s18], $0x1, s11, s18, $0xb8;
	[tilespmem:$0x1D400] =	vst v63  }
0x1ed: {  	s9 =	sadd.s32 $0xFFFD5468, s12;
	p0 =	sne.s32 s17, $0x32000;
	s16 =	sadd.s32 $0x80, s29  }
0x1ee: {  	[tilespmem:s16], [sflag:$0x1] =	stream.indirect.gather [hbm4b:s9+s18], $0x1, s11, s18, $0xb8;
	[tilespmem:$0x1D400] =	vst v63  }
0x1ef: {  	s10 =	sadd.s32 $0x2000, s17;
	s17 =	sadd.s32 $0xFFFD853C, s12;
	s16 =	sadd.s32 $0x100, s29  }
0x1f0: {  	[tilespmem:s16], [sflag:$0x1] =	stream.indirect.gather [hbm4b:s17+s18], $0x1, s11, s18, $0xb8;
	[tilespmem:$0x1D400] =	vst v63  }
0x1f1: {  	s16 =	sadd.s32 $0x180, s29;
	s17 =	sadd.s32 $0xFFFDB610, s12  }
0x1f2: {  	[tilespmem:s16], [sflag:$0x1] =	stream.indirect.gather [hbm4b:s17+s18], $0x1, s11, s18, $0xb8;
	[tilespmem:$0x1D400] =	vst v63  }
0x1f3: {  	s16 =	sadd.s32 $0x200, s29;
	s17 =	sadd.s32 $0xFFFDE6E4, s12  }
0x1f4: {  	[tilespmem:s16], [sflag:$0x1] =	stream.indirect.gather [hbm4b:s17+s18], $0x1, s11, s18, $0xb8;
	[tilespmem:$0x1D400] =	vst v63  }
0x1f5: {  	s16 =	sadd.s32 $0x280, s29;
	s17 =	sadd.s32 $0xFFFE17B8, s12  }
0x1f6: {  	[tilespmem:s16], [sflag:$0x1] =	stream.indirect.gather [hbm4b:s17+s18], $0x1, s11, s18, $0xb8;
	[tilespmem:$0x1D400] =	vst v63  }
0x1f7: {  	s16 =	sadd.s32 $0x300, s29;
	s17 =	sadd.s32 $0xFFFE488C, s12  }
0x1f8: {  	[tilespmem:s16], [sflag:$0x1] =	stream.indirect.gather [hbm4b:s17+s18], $0x1, s11, s18, $0xb8;
	[tilespmem:$0x1D400] =	vst v63  }
0x1f9: {  	s16 =	sadd.s32 $0x380, s29;
	s17 =	sadd.s32 $0xFFFE7960, s12  }
0x1fa: {  	[tilespmem:s16], [sflag:$0x1] =	stream.indirect.gather [hbm4b:s17+s18], $0x1, s11, s18, $0xb8;
	[tilespmem:$0x1D400] =	vst v63  }
0x1fb: {  	s16 =	sadd.s32 $0x400, s29;
	s17 =	sadd.s32 $0xFFFEAA34, s12  }
0x1fc: {  	[tilespmem:s16], [sflag:$0x1] =	stream.indirect.gather [hbm4b:s17+s18], $0x1, s11, s18, $0xb8;
	[tilespmem:$0x1D400] =	vst v63  }
0x1fd: {  	s16 =	sadd.s32 $0x480, s29;
	s17 =	sadd.s32 $0xFFFEDB08, s12  }
0x1fe: {  	[tilespmem:s16], [sflag:$0x1] =	stream.indirect.gather [hbm4b:s17+s18], $0x1, s11, s18, $0xb8;
	[tilespmem:$0x1D400] =	vst v63  }
0x1ff: {  	s20 =	smov.u32 s11;
	s16 =	sadd.s32 $0x500, s29;
	s17 =	sadd.s32 $0xFFFF0BDC, s12  }
0x200: {  	[tilespmem:s16], [sflag:$0x1] =	stream.indirect.gather [hbm4b:s17+s18], $0x1, s11, s18, $0xb8;
	[tilespmem:$0x1D400] =	vst v63  }
0x201: {  	s31 =	smov.u32 s12;
	s16 =	sadd.s32 $0x580, s29;
	s17 =	sadd.s32 $0xFFFF3CB0, s12  }
0x202: {  	[tilespmem:s16], [sflag:$0x1] =	stream.indirect.gather [hbm4b:s17+s18], $0x1, s11, s18, $0xb8;
	[tilespmem:$0x1D400] =	vst v63  }
0x203: {  	s9 =	sadd.s32 $0x700, s29;
	s16 =	sadd.s32 $0x600, s29;
	s17 =	sadd.s32 $0xFFFF6D84, s12  }
0x204: {  	[tilespmem:s16], [sflag:$0x1] =	stream.indirect.gather [hbm4b:s17+s18], $0x1, s11, s18, $0xb8;
	[tilespmem:$0x1D400] =	vst v63  }
.Ltmp5:
0x205: {  	s16 =	sadd.s32 $0x680, s29;
	s17 =	sadd.s32 $0xFFFF9E58, s12;
	(pc) =	sbr.rel @p0 .LBB2_12-.Ltmp5, $4  }
0x206: {  	[tilespmem:s16], [sflag:$0x1] =	stream.indirect.gather [hbm4b:s17+s18], $0x1, s11, s18, $0xb8;
	[tilespmem:$0x1D400] =	vst v63  }
0x207: {  	s29 =	sadd.s32 $0x780, s29;
	s16 =	rddreg [dreg:$0x3];
	s17 =	sadd.s32 $0xFFFFCF2C, s12  }
0x208: {  	[tilespmem:s9], [sflag:$0x1] =	stream.indirect.gather [hbm4b:s17+s18], $0x1, s11, s18, $0xb8;
	[tilespmem:$0x1D400] =	vst v63  }
0x209: {  	s12 =	sadd.s32 $0x30D40, s12;
	s11 =	sadd.s32 $0x200, s11;
	s17 =	smov.u32 s10  }
0x20a: {  	[tilespmem:s29], [sflag:$0x1] =	stream.indirect.gather [hbm4b:s31+s18], $0x1, s20, s18, $0xb8;
	[tilespmem:$0x1D400] =	vst v63  }
0x20b: {  	s9 =	sadd.s32 s13, s16;
	s10 =	sadd.s32 $0xFFFD2394, s12  }
0x20c: {  	[tilespmem:s9], [sflag:$0x1] =	stream.indirect.gather [hbm4b:s10+s18], $0x1, s11, s18, $0xb8;
	[tilespmem:$0x1D400] =	vst v63  }
0x20d: {  	s17 =	sadd.s32 $0xFFFD5468, s12;
	s16 =	sadd.s32 $0x80, s9  }
0x20e: {  	[tilespmem:s16], [sflag:$0x1] =	stream.indirect.gather [hbm4b:s17+s18], $0x1, s11, s18, $0xb8;
	[tilespmem:$0x1D400] =	vst v63  }
0x20f: {  	s29 =	sadd.s32 $0xFFFD853C, s12;
	s20 =	sadd.s32 $0x100, s9  }
0x210: {  	[tilespmem:s20], [sflag:$0x1] =	stream.indirect.gather [hbm4b:s29+s18], $0x1, s11, s18, $0xb8;
	[tilespmem:$0x1D400] =	vst v63  }
0x211: {  	s16 =	sadd.s32 $0x180, s9;
	s17 =	sadd.s32 $0xFFFDB610, s12  }
0x212: {  	[tilespmem:s16], [sflag:$0x1] =	stream.indirect.gather [hbm4b:s17+s18], $0x1, s11, s18, $0xb8;
	[tilespmem:$0x1D400] =	vst v63  }
0x213: {  	s20 =	sadd.s32 $0x200, s9;
	s29 =	sadd.s32 $0xFFFDE6E4, s12  }
0x214: {  	[tilespmem:s20], [sflag:$0x1] =	stream.indirect.gather [hbm4b:s29+s18], $0x1, s11, s18, $0xb8;
	[tilespmem:$0x1D400] =	vst v63  }
0x215: {  	s16 =	sadd.s32 $0x280, s9;
	s17 =	sadd.s32 $0xFFFE17B8, s12  }
0x216: {  	[tilespmem:s16], [sflag:$0x1] =	stream.indirect.gather [hbm4b:s17+s18], $0x1, s11, s18, $0xb8;
	[tilespmem:$0x1D400] =	vst v63  }
0x217: {  	s20 =	sadd.s32 $0x300, s9;
	s29 =	sadd.s32 $0xFFFE488C, s12  }
0x218: {  	[tilespmem:s20], [sflag:$0x1] =	stream.indirect.gather [hbm4b:s29+s18], $0x1, s11, s18, $0xb8;
	[tilespmem:$0x1D400] =	vst v63  }
0x219: {  	s16 =	sadd.s32 $0x380, s9;
	s17 =	sadd.s32 $0xFFFE7960, s12  }
0x21a: {  	[tilespmem:s16], [sflag:$0x1] =	stream.indirect.gather [hbm4b:s17+s18], $0x1, s11, s18, $0xb8;
	[tilespmem:$0x1D400] =	vst v63  }
0x21b: {  	s20 =	sadd.s32 $0x400, s9;
	s29 =	sadd.s32 $0xFFFEAA34, s12  }
0x21c: {  	[tilespmem:s20], [sflag:$0x1] =	stream.indirect.gather [hbm4b:s29+s18], $0x1, s11, s18, $0xb8;
	[tilespmem:$0x1D400] =	vst v63  }
0x21d: {  	s16 =	sadd.s32 $0x480, s9;
	s17 =	sadd.s32 $0xFFFEDB08, s12  }
0x21e: {  	[tilespmem:s16], [sflag:$0x1] =	stream.indirect.gather [hbm4b:s17+s18], $0x1, s11, s18, $0xb8;
	[tilespmem:$0x1D400] =	vst v63  }
0x21f: {  	s20 =	sadd.s32 $0x500, s9;
	s29 =	sadd.s32 $0xFFFF0BDC, s12  }
0x220: {  	[tilespmem:s20], [sflag:$0x1] =	stream.indirect.gather [hbm4b:s29+s18], $0x1, s11, s18, $0xb8;
	[tilespmem:$0x1D400] =	vst v63  }
0x221: {  	s16 =	sadd.s32 $0x580, s9;
	s17 =	sadd.s32 $0xFFFF3CB0, s12  }
0x222: {  	[tilespmem:s16], [sflag:$0x1] =	stream.indirect.gather [hbm4b:s17+s18], $0x1, s11, s18, $0xb8;
	[tilespmem:$0x1D400] =	vst v63  }
0x223: {  	s20 =	sadd.s32 $0x600, s9;
	s29 =	sadd.s32 $0xFFFF6D84, s12  }
0x224: {  	[tilespmem:s20], [sflag:$0x1] =	stream.indirect.gather [hbm4b:s29+s18], $0x1, s11, s18, $0xb8;
	[tilespmem:$0x1D400] =	vst v63  }
0x225: {  	s16 =	sadd.s32 $0x680, s9;
	s17 =	sadd.s32 $0xFFFF9E58, s12  }
0x226: {  	[tilespmem:s16], [sflag:$0x1] =	stream.indirect.gather [hbm4b:s17+s18], $0x1, s11, s18, $0xb8;
	[tilespmem:$0x1D400] =	vst v63  }
0x227: {  	s31 =	sld [smem:$0x7FD];
	s20 =	sadd.s32 $0x700, s9;
	s29 =	sadd.s32 $0xFFFFCF2C, s12  }
0x228: {  	[tilespmem:s20], [sflag:$0x1] =	stream.indirect.gather [hbm4b:s29+s18], $0x1, s11, s18, $0xb8;
	[tilespmem:$0x1D400] =	vst v63  }
0x229: {  	s9 =	sadd.s32 $0x780, s9;
	s16 =	sld [smem:$0x7D1]  }
0x22a: {  	[tilespmem:s9], [sflag:$0x1] =	stream.indirect.gather [hbm4b:s12+s18], $0x1, s11, s18, $0xb8;
	[tilespmem:$0x1D400] =	vst v63  }
0x22b: {  	s9 =	sld [smem:$0x7D0]  }
.LBB2_14:
0x22c: {  	_ =	sdelay $0x1  }
0x22d: {  	s9 =	sand.u32 $0x1, s9  }
0x22e: {  	s11 =	simm.s32 $0x10800;
	p0 =	seq.s32 s9, $0x1  }
0x22f: {  	s11 =	simm.s32 @!p0 $0x3800  }
0x230: {  	s12 =	sadd.s32 $0x0, s28;
	s10 =	sadd.s32 $0xFFFFFC00, s11  }
0x231: {  	[hbm4b:s12+s1] =	stream.linear.scatter [tilespmem:s10], [sflag:$0x2], $0x80, $0x38;
	[tilespmem:$0x1D400] =	vst v63  }
0x232: {  	s13 =	sadd.s32 $0x0, s26;
	s17 =	sadd.s32 $0xFFFFFC80, s11  }
0x233: {  	[hbm4b:s13+s1] =	stream.linear.scatter [tilespmem:s17], [sflag:$0x2], $0x80, $0x38;
	[tilespmem:$0x1D400] =	vst v63  }
0x234: {  	s20 =	sadd.s32 $0x0, s25;
	s29 =	sadd.s32 $0xFFFFFD00, s11  }
0x235: {  	[hbm4b:s20+s1] =	stream.linear.scatter [tilespmem:s29], [sflag:$0x2], $0x80, $0x38;
	[tilespmem:$0x1D400] =	vst v63  }
0x236: {  	s10 =	sadd.s32 $0x0, s24;
	s12 =	sadd.s32 $0xFFFFFD80, s11  }
0x237: {  	[hbm4b:s10+s1] =	stream.linear.scatter [tilespmem:s12], [sflag:$0x2], $0x80, $0x38;
	[tilespmem:$0x1D400] =	vst v63  }
0x238: {  	s13 =	sadd.s32 $0x0, s30;
	s17 =	sadd.s32 $0xFFFFFE00, s11  }
0x239: {  	[hbm4b:s13+s1] =	stream.linear.scatter [tilespmem:s17], [sflag:$0x2], $0x80, $0x38;
	[tilespmem:$0x1D400] =	vst v63  }
0x23a: {  	s20 =	sadd.s32 $0x0, s0;
	s29 =	sadd.s32 $0xFFFFFE80, s11  }
0x23b: {  	[hbm4b:s20+s1] =	stream.linear.scatter [tilespmem:s29], [sflag:$0x2], $0x80, $0x38;
	[tilespmem:$0x1D400] =	vst v63  }
0x23c: {  	s12 =	sadd.s32 $0x0, s23;
	s13 =	sadd.s32 $0xFFFFFF00, s11  }
0x23d: {  	[hbm4b:s12+s1] =	stream.linear.scatter [tilespmem:s13], [sflag:$0x2], $0x80, $0x38;
	[tilespmem:$0x1D400] =	vst v63  }
0x23e: {  	s17 =	sadd.s32 $0x0, s2;
	s20 =	sadd.s32 $0xFFFFFF80, s11  }
0x23f: {  	[hbm4b:s17+s1] =	stream.linear.scatter [tilespmem:s20], [sflag:$0x2], $0x80, $0x38;
	[tilespmem:$0x1D400] =	vst v63  }
0x240: {  	s29 =	sadd.s32 $0x0, s22  }
0x241: {  	[hbm4b:s29+s1] =	stream.linear.scatter [tilespmem:s11], [sflag:$0x2], $0x80, $0x38;
	[tilespmem:$0x1D400] =	vst v63  }
0x242: {  	s10 =	sadd.s32 $0x0, s3;
	s12 =	sadd.s32 $0x80, s11  }
0x243: {  	[hbm4b:s10+s1] =	stream.linear.scatter [tilespmem:s12], [sflag:$0x2], $0x80, $0x38;
	[tilespmem:$0x1D400] =	vst v63  }
0x244: {  	s13 =	sadd.s32 $0x0, s4;
	s17 =	sadd.s32 $0x100, s11  }
0x245: {  	[hbm4b:s13+s1] =	stream.linear.scatter [tilespmem:s17], [sflag:$0x2], $0x80, $0x38;
	[tilespmem:$0x1D400] =	vst v63  }
0x246: {  	s9 =	simm.s32 $0x8000;
	s20 =	sadd.s32 $0x0, s5;
	s29 =	sadd.s32 $0x180, s11  }
0x247: {  	[hbm4b:s20+s1] =	stream.linear.scatter [tilespmem:s29], [sflag:$0x2], $0x80, $0x38;
	[tilespmem:$0x1D400] =	vst v63  }
0x248: {  	s10 =	sadd.s32 $0x0, s6;
	s12 =	sadd.s32 $0x200, s11;
	s13 =	sadd.s32 $0x0, s7  }
0x249: {  	[hbm4b:s10+s1] =	stream.linear.scatter [tilespmem:s12], [sflag:$0x2], $0x80, $0x38;
	[tilespmem:$0x1D400] =	vst v63  }
0x24a: {  	s17 =	sadd.s32 $0x280, s11;
	s20 =	sadd.s32 $0x0, s21;
	s29 =	sadd.s32 $0x300, s11  }
0x24b: {  	[hbm4b:s13+s1] =	stream.linear.scatter [tilespmem:s17], [sflag:$0x2], $0x80, $0x38;
	[tilespmem:$0x1D400] =	vst v63  }
0x24c: {  	s10 =	sadd.s32 $0x0, s8;
	s12 =	sadd.s32 $0x380, s11;
	s11 =	sadd.s32 $0x800, s11  }
0x24d: {  	[hbm4b:s20+s1] =	stream.linear.scatter [tilespmem:s29], [sflag:$0x2], $0x80, $0x38;
	[tilespmem:$0x1D400] =	vst v63  }
.LBB2_15:
0x24e: {  	[hbm4b:s10+s1] =	stream.linear.scatter [tilespmem:s12], [sflag:$0x2], $0x80, $0x38;
	[tilespmem:$0x1D400] =	vst v63  }
0x24f: {  	s12 =	smov.u32 s9  }
0x250: {  	s10 =	sadd.s32 s9, s28;
	s13 =	sadd.s32 $0xFFFFFC00, s11;
	p0 =	sne.s32 s9, $0xC8000  }
0x251: {  	[hbm4b:s10+s1] =	stream.linear.scatter [tilespmem:s13], [sflag:$0x2], $0x80, $0x38;
	[tilespmem:$0x1D400] =	vst v63  }
0x252: {  	s9 =	sadd.s32 $0x8000, s9;
	s10 =	sadd.s32 s12, s26;
	s13 =	sadd.s32 $0xFFFFFC80, s11  }
0x253: {  	[hbm4b:s10+s1] =	stream.linear.scatter [tilespmem:s13], [sflag:$0x2], $0x80, $0x38;
	[tilespmem:$0x1D400] =	vst v63  }
0x254: {  	s10 =	sadd.s32 s12, s25;
	s13 =	sadd.s32 $0xFFFFFD00, s11  }
0x255: {  	[hbm4b:s10+s1] =	stream.linear.scatter [tilespmem:s13], [sflag:$0x2], $0x80, $0x38;
	[tilespmem:$0x1D400] =	vst v63  }
0x256: {  	s10 =	sadd.s32 s12, s24;
	s13 =	sadd.s32 $0xFFFFFD80, s11  }
0x257: {  	[hbm4b:s10+s1] =	stream.linear.scatter [tilespmem:s13], [sflag:$0x2], $0x80, $0x38;
	[tilespmem:$0x1D400] =	vst v63  }
0x258: {  	s10 =	sadd.s32 s12, s30;
	s13 =	sadd.s32 $0xFFFFFE00, s11  }
0x259: {  	[hbm4b:s10+s1] =	stream.linear.scatter [tilespmem:s13], [sflag:$0x2], $0x80, $0x38;
	[tilespmem:$0x1D400] =	vst v63  }
0x25a: {  	s10 =	sadd.s32 s12, s0;
	s13 =	sadd.s32 $0xFFFFFE80, s11  }
0x25b: {  	[hbm4b:s10+s1] =	stream.linear.scatter [tilespmem:s13], [sflag:$0x2], $0x80, $0x38;
	[tilespmem:$0x1D400] =	vst v63  }
0x25c: {  	s10 =	sadd.s32 s12, s23;
	s13 =	sadd.s32 $0xFFFFFF00, s11  }
0x25d: {  	[hbm4b:s10+s1] =	stream.linear.scatter [tilespmem:s13], [sflag:$0x2], $0x80, $0x38;
	[tilespmem:$0x1D400] =	vst v63  }
0x25e: {  	s10 =	sadd.s32 s12, s2;
	s13 =	sadd.s32 $0xFFFFFF80, s11  }
0x25f: {  	[hbm4b:s10+s1] =	stream.linear.scatter [tilespmem:s13], [sflag:$0x2], $0x80, $0x38;
	[tilespmem:$0x1D400] =	vst v63  }
0x260: {  	s10 =	sadd.s32 s12, s22  }
0x261: {  	[hbm4b:s10+s1] =	stream.linear.scatter [tilespmem:s11], [sflag:$0x2], $0x80, $0x38;
	[tilespmem:$0x1D400] =	vst v63  }
0x262: {  	s13 =	sadd.s32 $0x80, s11;
	s10 =	sadd.s32 s12, s3  }
0x263: {  	[hbm4b:s10+s1] =	stream.linear.scatter [tilespmem:s13], [sflag:$0x2], $0x80, $0x38;
	[tilespmem:$0x1D400] =	vst v63  }
0x264: {  	s10 =	sadd.s32 s12, s4;
	s13 =	sadd.s32 $0x100, s11  }
0x265: {  	[hbm4b:s10+s1] =	stream.linear.scatter [tilespmem:s13], [sflag:$0x2], $0x80, $0x38;
	[tilespmem:$0x1D400] =	vst v63  }
0x266: {  	s10 =	sadd.s32 s12, s5;
	s13 =	sadd.s32 $0x180, s11  }
0x267: {  	[hbm4b:s10+s1] =	stream.linear.scatter [tilespmem:s13], [sflag:$0x2], $0x80, $0x38;
	[tilespmem:$0x1D400] =	vst v63  }
0x268: {  	s10 =	sadd.s32 s12, s6;
	s13 =	sadd.s32 $0x200, s11  }
0x269: {  	[hbm4b:s10+s1] =	stream.linear.scatter [tilespmem:s13], [sflag:$0x2], $0x80, $0x38;
	[tilespmem:$0x1D400] =	vst v63  }
.Ltmp6:
0x26a: {  	s10 =	sadd.s32 s12, s7;
	s13 =	sadd.s32 $0x280, s11;
	(pc) =	sbr.rel @p0 .LBB2_15-.Ltmp6, $4  }
0x26b: {  	[hbm4b:s10+s1] =	stream.linear.scatter [tilespmem:s13], [sflag:$0x2], $0x80, $0x38;
	[tilespmem:$0x1D400] =	vst v63  }
0x26c: {  	s10 =	sadd.s32 s12, s21;
	s13 =	sadd.s32 $0x300, s11  }
0x26d: {  	[hbm4b:s10+s1] =	stream.linear.scatter [tilespmem:s13], [sflag:$0x2], $0x80, $0x38;
	[tilespmem:$0x1D400] =	vst v63  }
0x26e: {  	s10 =	sadd.s32 s12, s8;
	s12 =	sadd.s32 $0x380, s11;
	s11 =	sadd.s32 $0x800, s11  }
0x26f: {  	[hbm4b:s10+s1] =	stream.linear.scatter [tilespmem:s12], [sflag:$0x2], $0x80, $0x38;
	[tilespmem:$0x1D400] =	vst v63  }
0x270: {  	_ =	swait.ge [sflag:s14], $0x80  }
0x271: {  	[sflag:s14] =	ssyncset.done $0x0  }
0x272: {  	[sflag:s14] =	ssyncadd.s32 $0xFFFFFF80  }
0x273: {  	_ =	swait.ge [sflag:s14], $0x80  }
0x274: {  	[sflag:s14] =	ssyncset.done $0x0  }
0x275: {  	[sflag:s14] =	ssyncadd.s32 $0xFFFFFF80  }
0x276: {  	_ =	swait.ge [sflag:s14], $0x80  }
0x277: {  	[sflag:s14] =	ssyncset.done $0x0  }
0x278: {  	[sflag:s14] =	ssyncadd.s32 $0xFFFFFF80  }
0x279: {  	_ =	swait.ge [sflag:s14], $0x80  }
0x27a: {  	[sflag:s14] =	ssyncset.done $0x0  }
0x27b: {  	[sflag:s14] =	ssyncadd.s32 $0xFFFFFF80  }
0x27c: {  	_ =	swait.ge [sflag:s14], $0x80  }
0x27d: {  	[sflag:s14] =	ssyncset.done $0x0  }
0x27e: {  	[sflag:s14] =	ssyncadd.s32 $0xFFFFFF80  }
0x27f: {  	_ =	swait.ge [sflag:s14], $0x80  }
0x280: {  	[sflag:s14] =	ssyncset.done $0x0  }
0x281: {  	[sflag:s14] =	ssyncadd.s32 $0xFFFFFF80  }
0x282: {  	_ =	swait.ge [sflag:s14], $0x80  }
0x283: {  	[sflag:s14] =	ssyncset.done $0x0  }
0x284: {  	[sflag:s14] =	ssyncadd.s32 $0xFFFFFF80  }
0x285: {  	_ =	swait.ge [sflag:s14], $0x80  }
0x286: {  	[sflag:s14] =	ssyncset.done $0x0  }
0x287: {  	[sflag:s14] =	ssyncadd.s32 $0xFFFFFF80  }
0x288: {  	_ =	swait.ge [sflag:s14], $0x80  }
0x289: {  	[sflag:s14] =	ssyncset.done $0x0  }
0x28a: {  	[sflag:s14] =	ssyncadd.s32 $0xFFFFFF80  }
0x28b: {  	_ =	swait.ge [sflag:s14], $0x80  }
0x28c: {  	[sflag:s14] =	ssyncset.done $0x0  }
0x28d: {  	[sflag:s14] =	ssyncadd.s32 $0xFFFFFF80  }
0x28e: {  	_ =	swait.ge [sflag:s14], $0x80  }
0x28f: {  	[sflag:s14] =	ssyncset.done $0x0  }
0x290: {  	[sflag:s14] =	ssyncadd.s32 $0xFFFFFF80  }
0x291: {  	_ =	swait.ge [sflag:s14], $0x80  }
0x292: {  	[sflag:s14] =	ssyncset.done $0x0  }
0x293: {  	[sflag:s14] =	ssyncadd.s32 $0xFFFFFF80  }
0x294: {  	_ =	swait.ge [sflag:s14], $0x80  }
0x295: {  	[sflag:s14] =	ssyncset.done $0x0  }
0x296: {  	[sflag:s14] =	ssyncadd.s32 $0xFFFFFF80  }
0x297: {  	_ =	swait.ge [sflag:s14], $0x80  }
0x298: {  	[sflag:s14] =	ssyncset.done $0x0  }
0x299: {  	[sflag:s14] =	ssyncadd.s32 $0xFFFFFF80  }
0x29a: {  	_ =	swait.ge [sflag:s14], $0x80  }
0x29b: {  	[sflag:s14] =	ssyncset.done $0x0  }
0x29c: {  	[sflag:s14] =	ssyncadd.s32 $0xFFFFFF80  }
0x29d: {  	_ =	swait.ge [sflag:s14], $0x80  }
0x29e: {  	s9 =	simm.s32 $0x19;
	[sflag:s14] =	ssyncset.done $0x0  }
.LBB2_17:
0x29f: {  	p0 =	seq.s32 s9, $0x1;
	s9 =	sadd.s32 $0xFFFFFFFF, s9;
	[sflag:s14] =	ssyncadd.s32 $0xFFFFFF80  }
0x2a0: {  	_ =	swait.ge [sflag:s14], $0x80  }
0x2a1: {  	[sflag:s14] =	ssyncset.done $0x0  }
0x2a2: {  	[sflag:s14] =	ssyncadd.s32 $0xFFFFFF80  }
0x2a3: {  	_ =	swait.ge [sflag:s14], $0x80  }
0x2a4: {  	[sflag:s14] =	ssyncset.done $0x0  }
0x2a5: {  	[sflag:s14] =	ssyncadd.s32 $0xFFFFFF80  }
0x2a6: {  	_ =	swait.ge [sflag:s14], $0x80  }
0x2a7: {  	[sflag:s14] =	ssyncset.done $0x0  }
0x2a8: {  	[sflag:s14] =	ssyncadd.s32 $0xFFFFFF80  }
0x2a9: {  	_ =	swait.ge [sflag:s14], $0x80  }
0x2aa: {  	[sflag:s14] =	ssyncset.done $0x0  }
0x2ab: {  	[sflag:s14] =	ssyncadd.s32 $0xFFFFFF80  }
0x2ac: {  	_ =	swait.ge [sflag:s14], $0x80  }
0x2ad: {  	[sflag:s14] =	ssyncset.done $0x0  }
0x2ae: {  	[sflag:s14] =	ssyncadd.s32 $0xFFFFFF80  }
0x2af: {  	_ =	swait.ge [sflag:s14], $0x80  }
0x2b0: {  	[sflag:s14] =	ssyncset.done $0x0  }
0x2b1: {  	[sflag:s14] =	ssyncadd.s32 $0xFFFFFF80  }
0x2b2: {  	_ =	swait.ge [sflag:s14], $0x80  }
0x2b3: {  	[sflag:s14] =	ssyncset.done $0x0  }
0x2b4: {  	[sflag:s14] =	ssyncadd.s32 $0xFFFFFF80  }
0x2b5: {  	_ =	swait.ge [sflag:s14], $0x80  }
0x2b6: {  	[sflag:s14] =	ssyncset.done $0x0  }
0x2b7: {  	[sflag:s14] =	ssyncadd.s32 $0xFFFFFF80  }
0x2b8: {  	_ =	swait.ge [sflag:s14], $0x80  }
0x2b9: {  	[sflag:s14] =	ssyncset.done $0x0  }
0x2ba: {  	[sflag:s14] =	ssyncadd.s32 $0xFFFFFF80  }
0x2bb: {  	_ =	swait.ge [sflag:s14], $0x80  }
0x2bc: {  	[sflag:s14] =	ssyncset.done $0x0  }
0x2bd: {  	[sflag:s14] =	ssyncadd.s32 $0xFFFFFF80  }
0x2be: {  	_ =	swait.ge [sflag:s14], $0x80  }
0x2bf: {  	[sflag:s14] =	ssyncset.done $0x0  }
0x2c0: {  	[sflag:s14] =	ssyncadd.s32 $0xFFFFFF80  }
0x2c1: {  	_ =	swait.ge [sflag:s14], $0x80  }
0x2c2: {  	[sflag:s14] =	ssyncset.done $0x0  }
0x2c3: {  	[sflag:s14] =	ssyncadd.s32 $0xFFFFFF80  }
0x2c4: {  	_ =	swait.ge [sflag:s14], $0x80  }
0x2c5: {  	[sflag:s14] =	ssyncset.done $0x0  }
0x2c6: {  	[sflag:s14] =	ssyncadd.s32 $0xFFFFFF80  }
0x2c7: {  	_ =	swait.ge [sflag:s14], $0x80  }
0x2c8: {  	[sflag:s14] =	ssyncset.done $0x0  }
0x2c9: {  	[sflag:s14] =	ssyncadd.s32 $0xFFFFFF80  }
.Ltmp7:
0x2ca: {  	_ =	swait.ge [sflag:s14], $0x80;
	(pc) =	sbr.rel @!p0 .LBB2_17-.Ltmp7, $4  }
0x2cb: {  	[sflag:s14] =	ssyncset.done $0x0  }
0x2cc: {  	[sflag:s14] =	ssyncadd.s32 $0xFFFFFF80  }
0x2cd: {  	_ =	swait.ge [sflag:s14], $0x80  }
0x2ce: {  	[sflag:s14] =	ssyncset.done $0x0  }
0x2cf: {  	[sflag:s14] =	ssyncadd.s32 $0xFFFFFF80  }
0x2d0: {  	s19 =	sadd.s32 $0x80, s19  }
0x2d1: {  	s8 =	sadd.s32 $0x10, s8;
	s21 =	sadd.s32 $0x10, s21;
	p0 =	seq.s32 s16, $0x4  }
.Ltmp8:
0x2d2: {  	s7 =	sadd.s32 $0x10, s7;
	s6 =	sadd.s32 $0x10, s6;
	(pc) =	sbr.rel @!p0 .LBB2_8-.Ltmp8, $4  }
0x2d3: {  	s5 =	sadd.s32 $0x10, s5;
	s4 =	sadd.s32 $0x10, s4;
	s3 =	sadd.s32 $0x10, s3  }
0x2d4: {  	s22 =	sadd.s32 $0x10, s22;
	s2 =	sadd.s32 $0x10, s2;
	s23 =	sadd.s32 $0x10, s23  }
0x2d5: {  	s0 =	sadd.s32 $0x10, s0;
	s30 =	sadd.s32 $0x10, s30;
	s24 =	sadd.s32 $0x10, s24  }
0x2d6: {  	s25 =	sadd.s32 $0x10, s25;
	s26 =	sadd.s32 $0x10, s26;
	s28 =	sadd.s32 $0x10, s28  }
0x2d7: {  	s2 =	simm.s32 $0x3  }
0x2d8: {  	_ =	swait.ge [sflag:s2], $0x40  }
0x2d9: {  	[sflag:s2] =	ssyncset.done $0x0  }
0x2da: {  	[sflag:s2] =	ssyncadd.s32 $0xFFFFFFC0  }
0x2db: {  	_ =	swait.ge [sflag:s2], $0x40  }
0x2dc: {  	[sflag:s2] =	ssyncset.done $0x0  }
0x2dd: {  	[sflag:s2] =	ssyncadd.s32 $0xFFFFFFC0  }
0x2de: {  	_ =	swait.ge [sflag:s2], $0x40  }
0x2df: {  	[sflag:s2] =	ssyncset.done $0x0  }
0x2e0: {  	[sflag:s2] =	ssyncadd.s32 $0xFFFFFFC0  }
0x2e1: {  	_ =	swait.ge [sflag:s2], $0x40  }
0x2e2: {  	[sflag:s2] =	ssyncset.done $0x0  }
0x2e3: {  	[sflag:s2] =	ssyncadd.s32 $0xFFFFFFC0  }
0x2e4: {  	_ =	swait.ge [sflag:s2], $0x40  }
0x2e5: {  	[sflag:s2] =	ssyncset.done $0x0  }
0x2e6: {  	[sflag:s2] =	ssyncadd.s32 $0xFFFFFFC0  }
0x2e7: {  	_ =	swait.ge [sflag:s2], $0x40  }
0x2e8: {  	[sflag:s2] =	ssyncset.done $0x0  }
0x2e9: {  	[sflag:s2] =	ssyncadd.s32 $0xFFFFFFC0  }
0x2ea: {  	_ =	swait.ge [sflag:s2], $0x40  }
0x2eb: {  	[sflag:s2] =	ssyncset.done $0x0  }
0x2ec: {  	[sflag:s2] =	ssyncadd.s32 $0xFFFFFFC0  }
0x2ed: {  	_ =	swait.ge [sflag:s2], $0x40  }
0x2ee: {  	[sflag:s2] =	ssyncset.done $0x0  }
0x2ef: {  	[sflag:s2] =	ssyncadd.s32 $0xFFFFFFC0  }
0x2f0: {  	_ =	swait.ge [sflag:s2], $0x40  }
0x2f1: {  	[sflag:s2] =	ssyncset.done $0x0  }
0x2f2: {  	[sflag:s2] =	ssyncadd.s32 $0xFFFFFFC0  }
0x2f3: {  	_ =	swait.ge [sflag:s2], $0x40  }
0x2f4: {  	[sflag:s2] =	ssyncset.done $0x0  }
0x2f5: {  	[sflag:s2] =	ssyncadd.s32 $0xFFFFFFC0  }
0x2f6: {  	_ =	swait.ge [sflag:s2], $0x40  }
0x2f7: {  	[sflag:s2] =	ssyncset.done $0x0  }
0x2f8: {  	[sflag:s2] =	ssyncadd.s32 $0xFFFFFFC0  }
0x2f9: {  	_ =	swait.ge [sflag:s2], $0x40  }
0x2fa: {  	[sflag:s2] =	ssyncset.done $0x0  }
0x2fb: {  	[sflag:s2] =	ssyncadd.s32 $0xFFFFFFC0  }
0x2fc: {  	_ =	swait.ge [sflag:s2], $0x40  }
0x2fd: {  	s13 =	sld [smem:$0x7D2]  }
0x2fe: {  	s0 =	sld [smem:$0x7EF];
	_ =	sdelay $0x1  }
0x2ff: {  	s13 =	sadd.s32 $0x1, s13  }
0x300: {  	p0 =	sne.s32 s13, s0  }
.Ltmp9:
0x301: {  	_ = 	snop;
	(pc) =	sbr.rel @p0 .LBB2_1-.Ltmp9, $4  }
.Ltmp10:
0x302: {  	_ = 	snop;
	(pc) =	sbr.rel @!p0 .LBB2_20-.Ltmp10, $4  }
0x303: {  	_ = 	snop  }
0x304: {  	[sflag:s2] =	ssyncset.done $0x0  }
0x305: {  	[sflag:s2] =	ssyncadd.s32 $0xFFFFFFC0  }
0x306: {  	_ = 	snop  }
.LBB2_2:
.Ltmp11:
0x307: {  	(pc) =	sbr.rel .LBB2_6-.Ltmp11, $2  }
0x308: {  	_ =	sdelay $0x2  }
0x309: {  	s2 =	smov.u32 s31;
	s3 =	simm.s32 $0x0;
	s19 =	simm.s32 $0x80  }
.LBB2_4:
.Ltmp12:
0x30a: {  	(pc) =	sbr.rel .LBB2_6-.Ltmp12, $2  }
0x30b: {  	_ =	sdelay $0x2  }
0x30c: {  	s5 =	smov.u32 s31;
	s9 =	simm.s32 $0x0;
	s7 =	simm.s32 $0x80  }
.LBB2_20:
0x30d: {  	_ =	sfence.sel $0x180000  }
0x30e: {  	[bflag:$0x0] =	sbarrier.arrive $0xFFFF  }
0x30f: {  	_ =	strace $0x90000047  }
0x310: {  	s0 =	stileid.u32;
	[bflag:$0x2] =	sbarrier.arrive $0xFFFF  }
0x311: {  	p0 =	sne.s32 s0, $0x0;
	s0 =	rddreg [dreg:$0x2]  }
0x312: {  	s0 =	sadd.s32 @!p0 $0x100000, s0  }
0x313: {  	[sflag:s0] =	ssyncadd.tile.s32 @!p0 $0x1;
	_ =	shalt  }
.Lfunc_end2:
_tile_overlayer_lowered:
.L_overlay_start_2:
0x314: {  	(tag) =	ssettag $0x2  }
0x315: {  	s0 =	rddreg [dreg:$0x0];
	s2 =	stileid.u32  }
0x316: {  	s1 =	rddreg [dreg:$0x1];
	p0 =	sne.s32 s2, $0x0  }
0x317: {  	s3 =	rddreg [dreg:$0x2];
	[bflag:$0x3] =	sbarrier.arrive $0xFFFF;
	s2 =	simm.s32 @!p0 $0x1C04  }
0x318: {  	[timem:s3], [sflag:s2] =	dma.local @!p0 [hbm:s0], s1  }
0x319: {  	s0 =	simm.s32 @!p0 $0x4  }
0x31a: {  	_ =	swait.ge @!p0 [sflag:s0], s1  }
0x31b: {  	s1 =	ssub.s32 @!p0 $0x0, s1;
	[sflag:s0] =	ssyncset.done @!p0 $0x0  }
0x31c: {  	[sflag:s0] =	ssyncadd.s32 @!p0 s1  }
0x31d: {  	[bflag:$0x3] =	sbarrier.arrive $0xFFFF  }
0x31e: {  	_ =	shalt  }

</sc_bundles>
